<compile_context>
chip_gen: v7x
topology: tpu7x:2x2x1
jax: 0.10.2.dev20260603
libtpu: 0.0.44.dev20260713+nightly
codegen_flags: <defaults>
</compile_context>

<pallas_src>
import functools

import jax
import jax.numpy as jnp
from jax import lax
from jax.experimental import pallas as pl
from jax.experimental.pallas import tpu as pltpu
from jax.experimental.pallas import tpu_sc as plsc

_CHUNK = 128


def _make_sc_neighbor_sum(n_nodes, half_d, chunks_per_tile,
                          acc_rows, num_cores, num_subcores):
    zr = acc_rows // num_subcores
    w_tiles = 10
    wr = n_nodes // w_tiles
    cpt = chunks_per_tile

    mesh = plsc.VectorSubcoreMesh(core_axis_name="c", subcore_axis_name="s")
    nb = 8

    @functools.partial(
        pl.kernel,
        out_type=jax.ShapeDtypeStruct((2 * n_nodes, half_d), jnp.float32),
        mesh=mesh,
        scratch_types=[
            pltpu.VMEM((nb, _CHUNK), jnp.int32),
            pltpu.VMEM((nb, _CHUNK), jnp.int32),
            pltpu.VMEM((2, _CHUNK, half_d), jnp.float32),
            pltpu.VMEM_SHARED((acc_rows, half_d), jnp.float32),
            pltpu.SemaphoreType.DMA,
        ],
    )
    def sc_kernel(h_hbm, col_hbm, row_hbm, zero_hbm, out_hbm,
                  colv, rowv, gbuf, acc, sem):
        c = lax.axis_index("c")
        s = lax.axis_index("s")

        off = c * n_nodes

        pltpu.sync_copy(zero_hbm.at[pl.ds(s * zr, zr)], acc.at[pl.ds(s * zr, zr)])
        plsc.subcore_barrier()

        def block(b, carry):
            base = s * cpt + b * nb
            pltpu.sync_copy(col_hbm.at[pl.ds(base, nb)], colv)
            pltpu.sync_copy(row_hbm.at[pl.ds(base, nb)], rowv)

            def adj(r, cy):
                for k in range(_CHUNK // 16):
                    sl = pl.ds(k * 16, 16)
                    colv[r, sl] = colv[r, sl] + off
                return cy

            lax.fori_loop(0, nb, adj, 0)

            pltpu.async_copy(h_hbm.at[colv.at[0]], gbuf.at[0], sem)
            for j in range(nb):
                pltpu.make_async_copy(h_hbm.at[colv.at[j]],
                                      gbuf.at[j % 2], sem).wait()
                if j + 1 < nb:
                    pltpu.async_copy(h_hbm.at[colv.at[j + 1]],
                                     gbuf.at[(j + 1) % 2], sem)
                pltpu.sync_copy(gbuf.at[j % 2], acc.at[rowv.at[j]], add=True)
            return carry

        lax.fori_loop(0, cpt // nb, block, 0)
        plsc.subcore_barrier()

        @pl.when(s < w_tiles)
        def _():
            pltpu.sync_copy(acc.at[pl.ds(s * wr, wr)],
                            out_hbm.at[pl.ds(c * n_nodes + s * wr, wr)])

    return sc_kernel


_MAXT = 256


def _build_edge_layout(edge_index, n, n_edges, num_subcores, cpt):
    row = edge_index[0]
    col = edge_index[1]
    perm = jnp.argsort(row)
    srow = row[perm]
    scol = col[perm]
    deg = jnp.zeros((n,), jnp.int32).at[row].add(1)
    start = jnp.cumsum(deg) - deg
    raw = (jnp.arange(num_subcores) * n_edges) // num_subcores
    cnode = srow[raw].at[0].set(0)
    node_tile = (jnp.searchsorted(cnode, jnp.arange(n), side="right") - 1
                 ).astype(jnp.int32)
    k = jnp.arange(n_edges, dtype=jnp.int32)
    t_k = jnp.minimum(k - start[srow], _MAXT - 1)
    tile_k = node_tile[srow]
    key = tile_k * _MAXT + t_k
    counts = jnp.zeros((num_subcores * _MAXT,), jnp.int32).at[key].add(1)
    rc = -(-counts.reshape(num_subcores, _MAXT) // _CHUNK)
    roff = jnp.cumsum(rc, axis=1) - rc
    order = jnp.argsort(key)
    skey = key[order]
    rank = jnp.arange(n_edges, dtype=jnp.int32) - jnp.searchsorted(
        skey, skey, side="left").astype(jnp.int32)
    chunk = roff.reshape(-1)[skey] + rank // _CHUNK
    slot = (skey // _MAXT) * (cpt * _CHUNK) + chunk * _CHUNK + rank % _CHUNK
    total = num_subcores * cpt * _CHUNK
    slot = jnp.where(chunk < cpt, slot, total)
    rows = jnp.full((total,), n, jnp.int32).at[slot].set(srow[order])
    cols = jnp.zeros((total,), jnp.int32).at[slot].set(scol[order])
    return rows.reshape(-1, _CHUNK), cols.reshape(-1, _CHUNK)


def _make_tc_layer(n_nodes, d_in, hid, fp_dim, ng, row_block):
    grid = (n_nodes // row_block,)
    half = d_in // 2
    dn = (((1,), (1,)), ((), ()))
    hp = lax.Precision.HIGHEST

    def tc_body(h_ref, n_ref, ws_ref, wn_ref, b_ref, wfp_ref, batch_ref,
                fpin_ref, hout_ref, fpout_ref):
        i = pl.program_id(0)
        h_full = jnp.concatenate([h_ref[0], h_ref[1]], axis=1)
        n_full = jnp.concatenate([n_ref[0], n_ref[1]], axis=1)
        z = (lax.dot_general(h_full, ws_ref[...], dn,
                             preferred_element_type=jnp.float32)
             + lax.dot_general(n_full, wn_ref[...], dn,
                               preferred_element_type=jnp.float32)
             + b_ref[...])
        hn = jnp.tanh(z)
        hout_ref[0] = hn[:, :half]
        hout_ref[1] = hn[:, half:]
        s = lax.dot_general(hn, wfp_ref[...], dn,
                            preferred_element_type=jnp.float32)
        m = jnp.max(s, axis=1, keepdims=True)
        e = jnp.exp(s - m)
        contrib = e / jnp.sum(e, axis=1, keepdims=True)
        bids = batch_ref[0, 0, :]
        onehot = (bids[None, :] ==
                  lax.broadcasted_iota(jnp.int32, (ng, row_block), 0)
                  ).astype(jnp.float32)
        part = lax.dot_general(onehot, contrib, (((1,), (0,)), ((), ())),
                               precision=hp,
                               preferred_element_type=jnp.float32)

        @pl.when(i == 0)
        def _():
            fpout_ref[...] = fpin_ref[...]

        fpout_ref[...] += part

    return pl.pallas_call(
        tc_body,
        grid=grid,
        in_specs=[
            pl.BlockSpec((2, row_block, half), lambda i: (0, i, 0)),
            pl.BlockSpec((2, row_block, half), lambda i: (0, i, 0)),
            pl.BlockSpec((hid, d_in), lambda i: (0, 0)),
            pl.BlockSpec((hid, d_in), lambda i: (0, 0)),
            pl.BlockSpec((1, hid), lambda i: (0, 0)),
            pl.BlockSpec((fp_dim, hid), lambda i: (0, 0)),
            pl.BlockSpec((1, 1, row_block), lambda i: (i, 0, 0)),
            pl.BlockSpec((ng, fp_dim), lambda i: (0, 0)),
        ],
        out_specs=[
            pl.BlockSpec((2, row_block, half), lambda i: (0, i, 0)),
            pl.BlockSpec((ng, fp_dim), lambda i: (0, 0)),
        ],
        out_shape=[
            jax.ShapeDtypeStruct((2, n_nodes, half), jnp.float32),
            jax.ShapeDtypeStruct((ng, fp_dim), jnp.float32),
        ],
        compiler_params=pltpu.CompilerParams(
            dimension_semantics=("arbitrary",)),
    )


def kernel(x, edge_index, batch, W_self, b_self, W_neigh, b_neigh, W_fp):
    n, d_in = x.shape
    n_edges = edge_index.shape[1]
    layers, hid, _ = W_self.shape
    fp_dim = W_fp.shape[1]
    ng = 64
    half = d_in // 2

    info = plsc.get_sparse_core_info()
    num_cores, num_subcores = info.num_cores, info.num_subcores

    cpt = 8 * (-(-((-(-n_edges // (num_subcores * _CHUNK))) + 64) // 8))
    acc_rows = 8 * num_subcores * (-(-(n + 1) // (8 * num_subcores)))
    row2d, col2d = _build_edge_layout(edge_index, n, n_edges, num_subcores, cpt)
    zeros_init = jnp.zeros((acc_rows, half), jnp.float32)

    sc_neighbor_sum = _make_sc_neighbor_sum(
        n, half, cpt, acc_rows, num_cores, num_subcores)
    tc_layer = _make_tc_layer(n, d_in, hid, fp_dim, ng, row_block=2000)

    h2 = jnp.concatenate([x[:, :half], x[:, half:]], axis=0)
    batch3 = batch.reshape(n // 2000, 1, 2000)
    fp = jnp.zeros((ng, fp_dim), jnp.float32)

    for l in range(layers):
        neigh = sc_neighbor_sum(h2, col2d, row2d, zeros_init)
        bias = (b_self[l] + b_neigh[l]).reshape(1, hid)
        h3, fp = tc_layer(h2.reshape(2, n, half), neigh.reshape(2, n, half),
                          W_self[l], W_neigh[l], bias, W_fp[l], batch3, fp)
        h2 = h3.reshape(2 * n, half)

    return fp

# --- scband reference (transcript-rebuilt; emitter-appended) ---
"""Pipeline reference for scband-neural-graph-fingerprint-36524401885651 (READ-ONLY COPY).

The authoritative reference and input builder live on the scoring server;
editing this copy changes nothing except your own understanding.
"""

import jax, jax.numpy as jnp
import numpy as np

N_NODES = 10000
N_EDGES = 160000
D_IN = 256
HID = 256
FP = 128
L = 3
NG = 64
WEIGHT_SCALE = 5.0


def setup_inputs(seed: int = 0) -> dict:
    key = jax.random.key(seed)
    ks = jax.random.split(key, 8)
    x = jax.random.normal(ks[0], (N_NODES, D_IN), dtype=jnp.float32)
    edge_index = jax.random.randint(ks[1], (2, N_EDGES), 0, N_NODES, dtype=jnp.int32)
    batch = jnp.sort(jax.random.randint(ks[2], (N_NODES,), 0, NG, dtype=jnp.int32))
    W_self = jax.random.normal(ks[3], (L, HID, D_IN), dtype=jnp.float32) * WEIGHT_SCALE
    b_self = jnp.zeros((L, HID), dtype=jnp.float32)
    W_neigh = jax.random.normal(ks[4], (L, HID, D_IN), dtype=jnp.float32) * WEIGHT_SCALE
    b_neigh = jnp.zeros((L, HID), dtype=jnp.float32)
    W_fp = jax.random.normal(ks[5], (L, FP, HID), dtype=jnp.float32) * WEIGHT_SCALE
    return {"x": x, "edge_index": edge_index, "batch": batch,
            "W_self": W_self, "b_self": b_self,
            "W_neigh": W_neigh, "b_neigh": b_neigh, "W_fp": W_fp}


def reference(x, edge_index, batch, W_self, b_self, W_neigh, b_neigh, W_fp):
    row = edge_index[0]
    col = edge_index[1]
    n = x.shape[0]
    fingerprint = jnp.zeros((NG, FP), dtype=x.dtype)
    h = x
    for layer in range(L):
        # default_sum: scatter-add of neighbor features onto destination nodes
        neigh_sum = jax.ops.segment_sum(h[col], row, num_segments=n)
        h = h @ W_self[layer].T + b_self[layer] + neigh_sum @ W_neigh[layer].T + b_neigh[layer]
        h = jnp.tanh(h)
        contrib = jax.nn.softmax(h @ W_fp[layer].T, axis=1)
        # global_add_pool over graph ids
        fingerprint = fingerprint + jax.ops.segment_sum(contrib, batch, num_segments=NG)
    return fingerprint

if __name__ == "__main__":
    import jax
    _d = setup_inputs()
    print(jax.jit(kernel)(*tuple(_d.values())))

</pallas_src>

<mosaic_0001>
#map = affine_map<(d0, d1) -> (0, 0)>
module attributes {stable_mosaic.version = 14 : i64} {
  func.func @sc_kernel(%arg0: i32, %arg1: i32, %arg2: memref<20000x128xf32, #tpu.memory_space<hbm>>, %arg3: memref<2304x128xi32, #tpu.memory_space<hbm>>, %arg4: memref<2304x128xi32, #tpu.memory_space<hbm>>, %arg5: memref<10112x128xf32, #tpu.memory_space<hbm>>, %arg6: memref<20000x128xf32, #tpu.memory_space<hbm>>, %arg7: memref<8x128xi32, #tpu.memory_space<vmem>>, %arg8: memref<8x128xi32, #tpu.memory_space<vmem>>, %arg9: memref<2x128x128xf32, #tpu.memory_space<vmem>>, %arg10: memref<10112x128xf32, #tpu.memory_space<vmem_shared>>, %arg11: memref<!tpu.dma_semaphore, #tpu.memory_space<semaphore_mem>>) attributes {dimension_semantics = [#tpu.dimension_semantics<core_parallel>, #tpu.dimension_semantics<subcore_parallel>], iteration_bounds = array<i64: 2, 16>, scalar_prefetch = 0 : i64, scratch_operands = 5 : i64, tpu.core_type = #tpu.core_type<sc_vector_subcore>, window_params = [{transform_indices = #map}, {transform_indices = #map}, {transform_indices = #map}, {transform_indices = #map}, {transform_indices = #map}]} {
    %mul3A = arith.constant 10000 : i32
    %mul3A_0 = arith.muli %arg0, %mul3A : i32
    %mul3A_1 = arith.constant 632 : i32
    %mul3A_2 = arith.muli %arg1, %mul3A_1 : i32
    %mul3A_3 = arith.constant 632 : i32
    %mul3A_4 = arith.muli %arg1, %mul3A_3 : i32
    "tpu.region"() ({
      %run_scoped3A = tpu.sem_alloc : memref<!tpu.dma_semaphore, #tpu.memory_space<semaphore_mem>>
      %dma_start3A = arith.constant 0 : i32
      %dma_start3A_13 = tpu.memref_slice %arg10[%mul3A_4, %dma_start3A] : memref<10112x128xf32, #tpu.memory_space<vmem_shared>> -> memref<632x128xf32, #tpu.memory_space<vmem_shared>>
      %dma_start3A_14 = arith.constant 0 : i32
      %dma_start3A_15 = tpu.memref_slice %arg5[%mul3A_2, %dma_start3A_14] : memref<10112x128xf32, #tpu.memory_space<hbm>> -> memref<632x128xf32, #tpu.memory_space<hbm>>
      tpu.enqueue_dma source(%dma_start3A_15 : memref<632x128xf32, #tpu.memory_space<hbm>>) target(%dma_start3A_13 : memref<632x128xf32, #tpu.memory_space<vmem_shared>>) target_semaphore(%run_scoped3A : memref<!tpu.dma_semaphore, #tpu.memory_space<semaphore_mem>>)
      %dma_wait3A = arith.constant 0 : i32
      %dma_wait3A_16 = tpu.memref_slice %arg10[%mul3A_4, %dma_wait3A] : memref<10112x128xf32, #tpu.memory_space<vmem_shared>> -> memref<632x128xf32, #tpu.memory_space<vmem_shared>>
      %dma_wait3A_17 = arith.constant 0 : i32
      %dma_wait3A_18 = tpu.memref_slice %arg5[%mul3A_2, %dma_wait3A_17] : memref<10112x128xf32, #tpu.memory_space<hbm>> -> memref<632x128xf32, #tpu.memory_space<hbm>>
      tpu.wait_dma2 semaphore(%run_scoped3A : memref<!tpu.dma_semaphore, #tpu.memory_space<semaphore_mem>>) src(%dma_wait3A_18 : memref<632x128xf32, #tpu.memory_space<hbm>>) dst(%dma_wait3A_16 : memref<632x128xf32, #tpu.memory_space<vmem_shared>>)
      tpu.yield
    }) : () -> ()
    %barrier3A = arith.constant 0 : index
    tpu.barrier barrier_id(%barrier3A)
    %scan3A = arith.constant 0 : i32
    %scan3A_5 = arith.constant 0 : i32
    %scan3A_6 = arith.constant 18 : i32
    %scan3A_7 = arith.addi %scan3A_5, %scan3A_6 : i32
    %scan3A_8 = arith.constant 1 : i32
    scf.for %scan3A_13 = %scan3A_5 to %scan3A_7 step %scan3A_8  : i32 {
      %mul3A_14 = arith.constant 144 : i32
      %mul3A_15 = arith.muli %arg1, %mul3A_14 : i32
      %mul3A_16 = arith.constant 8 : i32
      %mul3A_17 = arith.muli %scan3A_13, %mul3A_16 : i32
      %add3A = arith.addi %mul3A_15, %mul3A_17 : i32
      "tpu.region"() ({
        %run_scoped3A_229 = tpu.sem_alloc : memref<!tpu.dma_semaphore, #tpu.memory_space<semaphore_mem>>
        %dma_start3A_230 = arith.constant 0 : i32
        %dma_start3A_231 = tpu.memref_slice %arg3[%add3A, %dma_start3A_230] : memref<2304x128xi32, #tpu.memory_space<hbm>> -> memref<8x128xi32, #tpu.memory_space<hbm>>
        %dma_start3A_232 = arith.constant 0 : i32
        %dma_start3A_233 = tpu.memref_slice %arg3[%add3A, %dma_start3A_232] : memref<2304x128xi32, #tpu.memory_space<hbm>> -> memref<8x128xi32, #tpu.memory_space<hbm>>
        tpu.enqueue_dma source(%dma_start3A_233 : memref<8x128xi32, #tpu.memory_space<hbm>>) target(%arg7 : memref<8x128xi32, #tpu.memory_space<vmem>>) target_semaphore(%run_scoped3A_229 : memref<!tpu.dma_semaphore, #tpu.memory_space<semaphore_mem>>)
        %dma_wait3A_234 = arith.constant 0 : i32
        %dma_wait3A_235 = tpu.memref_slice %arg3[%add3A, %dma_wait3A_234] : memref<2304x128xi32, #tpu.memory_space<hbm>> -> memref<8x128xi32, #tpu.memory_space<hbm>>
        %dma_wait3A_236 = arith.constant 0 : i32
        %dma_wait3A_237 = tpu.memref_slice %arg3[%add3A, %dma_wait3A_236] : memref<2304x128xi32, #tpu.memory_space<hbm>> -> memref<8x128xi32, #tpu.memory_space<hbm>>
        tpu.wait_dma2 semaphore(%run_scoped3A_229 : memref<!tpu.dma_semaphore, #tpu.memory_space<semaphore_mem>>) src(%dma_wait3A_237 : memref<8x128xi32, #tpu.memory_space<hbm>>) dst(%arg7 : memref<8x128xi32, #tpu.memory_space<vmem>>)
        tpu.yield
      }) : () -> ()
      "tpu.region"() ({
        %run_scoped3A_229 = tpu.sem_alloc : memref<!tpu.dma_semaphore, #tpu.memory_space<semaphore_mem>>
        %dma_start3A_230 = arith.constant 0 : i32
        %dma_start3A_231 = tpu.memref_slice %arg4[%add3A, %dma_start3A_230] : memref<2304x128xi32, #tpu.memory_space<hbm>> -> memref<8x128xi32, #tpu.memory_space<hbm>>
        %dma_start3A_232 = arith.constant 0 : i32
        %dma_start3A_233 = tpu.memref_slice %arg4[%add3A, %dma_start3A_232] : memref<2304x128xi32, #tpu.memory_space<hbm>> -> memref<8x128xi32, #tpu.memory_space<hbm>>
        tpu.enqueue_dma source(%dma_start3A_233 : memref<8x128xi32, #tpu.memory_space<hbm>>) target(%arg8 : memref<8x128xi32, #tpu.memory_space<vmem>>) target_semaphore(%run_scoped3A_229 : memref<!tpu.dma_semaphore, #tpu.memory_space<semaphore_mem>>)
        %dma_wait3A_234 = arith.constant 0 : i32
        %dma_wait3A_235 = tpu.memref_slice %arg4[%add3A, %dma_wait3A_234] : memref<2304x128xi32, #tpu.memory_space<hbm>> -> memref<8x128xi32, #tpu.memory_space<hbm>>
        %dma_wait3A_236 = arith.constant 0 : i32
        %dma_wait3A_237 = tpu.memref_slice %arg4[%add3A, %dma_wait3A_236] : memref<2304x128xi32, #tpu.memory_space<hbm>> -> memref<8x128xi32, #tpu.memory_space<hbm>>
        tpu.wait_dma2 semaphore(%run_scoped3A_229 : memref<!tpu.dma_semaphore, #tpu.memory_space<semaphore_mem>>) src(%dma_wait3A_237 : memref<8x128xi32, #tpu.memory_space<hbm>>) dst(%arg8 : memref<8x128xi32, #tpu.memory_space<vmem>>)
        tpu.yield
      }) : () -> ()
      %scan3A_18 = arith.constant 0 : i32
      %scan3A_19 = arith.constant 0 : i32
      %scan3A_20 = arith.constant 8 : i32
      %scan3A_21 = arith.addi %scan3A_19, %scan3A_20 : i32
      %scan3A_22 = arith.constant 1 : i32
      scf.for %scan3A_229 = %scan3A_19 to %scan3A_21 step %scan3A_22  : i32 {
        %get3A = arith.index_cast %scan3A_229 : i32 to index
        %get3A_230 = arith.constant 0 : index
        %get3A_231 = tpu.vector_load %arg7[%get3A, %get3A_230] {strides = array<i32>} : memref<8x128xi32, #tpu.memory_space<vmem>>, vector<1x16xi32>,
        %get3A_232 = vector.shape_cast %get3A_231 : vector<1x16xi32> to vector<16xi32>
        %add3A_233 = vector.broadcast %mul3A_0 : i32 to vector<16xi32>
        %add3A_234 = arith.addi %get3A_232, %add3A_233 : vector<16xi32>
        %swap3A = arith.index_cast %scan3A_229 : i32 to index
        %swap3A_235 = arith.constant 0 : index
        %swap3A_236 = tpu.vector_load %arg7[%swap3A, %swap3A_235] {strides = array<i32>} : memref<8x128xi32, #tpu.memory_space<vmem>>, vector<1x16xi32>,
        %swap3A_237 = vector.shape_cast %swap3A_236 : vector<1x16xi32> to vector<16xi32>
        %swap3A_238 = vector.shape_cast %add3A_234 : vector<16xi32> to vector<1x16xi32>
        tpu.vector_store %arg7[%swap3A, %swap3A_235], %swap3A_238 {strides = array<i32>} : memref<8x128xi32, #tpu.memory_space<vmem>>, vector<1x16xi32>,
        %get3A_239 = arith.index_cast %scan3A_229 : i32 to index
        %get3A_240 = arith.constant 16 : index
        %get3A_241 = tpu.vector_load %arg7[%get3A_239, %get3A_240] {strides = array<i32>} : memref<8x128xi32, #tpu.memory_space<vmem>>, vector<1x16xi32>,
        %get3A_242 = vector.shape_cast %get3A_241 : vector<1x16xi32> to vector<16xi32>
        %add3A_243 = vector.broadcast %mul3A_0 : i32 to vector<16xi32>
        %add3A_244 = arith.addi %get3A_242, %add3A_243 : vector<16xi32>
        %swap3A_245 = arith.index_cast %scan3A_229 : i32 to index
        %swap3A_246 = arith.constant 16 : index
        %swap3A_247 = tpu.vector_load %arg7[%swap3A_245, %swap3A_246] {strides = array<i32>} : memref<8x128xi32, #tpu.memory_space<vmem>>, vector<1x16xi32>,
        %swap3A_248 = vector.shape_cast %swap3A_247 : vector<1x16xi32> to vector<16xi32>
        %swap3A_249 = vector.shape_cast %add3A_244 : vector<16xi32> to vector<1x16xi32>
        tpu.vector_store %arg7[%swap3A_245, %swap3A_246], %swap3A_249 {strides = array<i32>} : memref<8x128xi32, #tpu.memory_space<vmem>>, vector<1x16xi32>,
        %get3A_250 = arith.index_cast %scan3A_229 : i32 to index
        %get3A_251 = arith.constant 32 : index
        %get3A_252 = tpu.vector_load %arg7[%get3A_250, %get3A_251] {strides = array<i32>} : memref<8x128xi32, #tpu.memory_space<vmem>>, vector<1x16xi32>,
        %get3A_253 = vector.shape_cast %get3A_252 : vector<1x16xi32> to vector<16xi32>
        %add3A_254 = vector.broadcast %mul3A_0 : i32 to vector<16xi32>
        %add3A_255 = arith.addi %get3A_253, %add3A_254 : vector<16xi32>
        %swap3A_256 = arith.index_cast %scan3A_229 : i32 to index
        %swap3A_257 = arith.constant 32 : index
        %swap3A_258 = tpu.vector_load %arg7[%swap3A_256, %swap3A_257] {strides = array<i32>} : memref<8x128xi32, #tpu.memory_space<vmem>>, vector<1x16xi32>,
        %swap3A_259 = vector.shape_cast %swap3A_258 : vector<1x16xi32> to vector<16xi32>
        %swap3A_260 = vector.shape_cast %add3A_255 : vector<16xi32> to vector<1x16xi32>
        tpu.vector_store %arg7[%swap3A_256, %swap3A_257], %swap3A_260 {strides = array<i32>} : memref<8x128xi32, #tpu.memory_space<vmem>>, vector<1x16xi32>,
        %get3A_261 = arith.index_cast %scan3A_229 : i32 to index
        %get3A_262 = arith.constant 48 : index
        %get3A_263 = tpu.vector_load %arg7[%get3A_261, %get3A_262] {strides = array<i32>} : memref<8x128xi32, #tpu.memory_space<vmem>>, vector<1x16xi32>,
        %get3A_264 = vector.shape_cast %get3A_263 : vector<1x16xi32> to vector<16xi32>
        %add3A_265 = vector.broadcast %mul3A_0 : i32 to vector<16xi32>
        %add3A_266 = arith.addi %get3A_264, %add3A_265 : vector<16xi32>
        %swap3A_267 = arith.index_cast %scan3A_229 : i32 to index
        %swap3A_268 = arith.constant 48 : index
        %swap3A_269 = tpu.vector_load %arg7[%swap3A_267, %swap3A_268] {strides = array<i32>} : memref<8x128xi32, #tpu.memory_space<vmem>>, vector<1x16xi32>,
        %swap3A_270 = vector.shape_cast %swap3A_269 : vector<1x16xi32> to vector<16xi32>
        %swap3A_271 = vector.shape_cast %add3A_266 : vector<16xi32> to vector<1x16xi32>
        tpu.vector_store %arg7[%swap3A_267, %swap3A_268], %swap3A_271 {strides = array<i32>} : memref<8x128xi32, #tpu.memory_space<vmem>>, vector<1x16xi32>,
        %get3A_272 = arith.index_cast %scan3A_229 : i32 to index
        %get3A_273 = arith.constant 64 : index
        %get3A_274 = tpu.vector_load %arg7[%get3A_272, %get3A_273] {strides = array<i32>} : memref<8x128xi32, #tpu.memory_space<vmem>>, vector<1x16xi32>,
        %get3A_275 = vector.shape_cast %get3A_274 : vector<1x16xi32> to vector<16xi32>
        %add3A_276 = vector.broadcast %mul3A_0 : i32 to vector<16xi32>
        %add3A_277 = arith.addi %get3A_275, %add3A_276 : vector<16xi32>
        %swap3A_278 = arith.index_cast %scan3A_229 : i32 to index
        %swap3A_279 = arith.constant 64 : index
        %swap3A_280 = tpu.vector_load %arg7[%swap3A_278, %swap3A_279] {strides = array<i32>} : memref<8x128xi32, #tpu.memory_space<vmem>>, vector<1x16xi32>,
        %swap3A_281 = vector.shape_cast %swap3A_280 : vector<1x16xi32> to vector<16xi32>
        %swap3A_282 = vector.shape_cast %add3A_277 : vector<16xi32> to vector<1x16xi32>
        tpu.vector_store %arg7[%swap3A_278, %swap3A_279], %swap3A_282 {strides = array<i32>} : memref<8x128xi32, #tpu.memory_space<vmem>>, vector<1x16xi32>,
        %get3A_283 = arith.index_cast %scan3A_229 : i32 to index
        %get3A_284 = arith.constant 80 : index
        %get3A_285 = tpu.vector_load %arg7[%get3A_283, %get3A_284] {strides = array<i32>} : memref<8x128xi32, #tpu.memory_space<vmem>>, vector<1x16xi32>,
        %get3A_286 = vector.shape_cast %get3A_285 : vector<1x16xi32> to vector<16xi32>
        %add3A_287 = vector.broadcast %mul3A_0 : i32 to vector<16xi32>
        %add3A_288 = arith.addi %get3A_286, %add3A_287 : vector<16xi32>
        %swap3A_289 = arith.index_cast %scan3A_229 : i32 to index
        %swap3A_290 = arith.constant 80 : index
        %swap3A_291 = tpu.vector_load %arg7[%swap3A_289, %swap3A_290] {strides = array<i32>} : memref<8x128xi32, #tpu.memory_space<vmem>>, vector<1x16xi32>,
        %swap3A_292 = vector.shape_cast %swap3A_291 : vector<1x16xi32> to vector<16xi32>
        %swap3A_293 = vector.shape_cast %add3A_288 : vector<16xi32> to vector<1x16xi32>
        tpu.vector_store %arg7[%swap3A_289, %swap3A_290], %swap3A_293 {strides = array<i32>} : memref<8x128xi32, #tpu.memory_space<vmem>>, vector<1x16xi32>,
        %get3A_294 = arith.index_cast %scan3A_229 : i32 to index
        %get3A_295 = arith.constant 96 : index
        %get3A_296 = tpu.vector_load %arg7[%get3A_294, %get3A_295] {strides = array<i32>} : memref<8x128xi32, #tpu.memory_space<vmem>>, vector<1x16xi32>,
        %get3A_297 = vector.shape_cast %get3A_296 : vector<1x16xi32> to vector<16xi32>
        %add3A_298 = vector.broadcast %mul3A_0 : i32 to vector<16xi32>
        %add3A_299 = arith.addi %get3A_297, %add3A_298 : vector<16xi32>
        %swap3A_300 = arith.index_cast %scan3A_229 : i32 to index
        %swap3A_301 = arith.constant 96 : index
        %swap3A_302 = tpu.vector_load %arg7[%swap3A_300, %swap3A_301] {strides = array<i32>} : memref<8x128xi32, #tpu.memory_space<vmem>>, vector<1x16xi32>,
        %swap3A_303 = vector.shape_cast %swap3A_302 : vector<1x16xi32> to vector<16xi32>
        %swap3A_304 = vector.shape_cast %add3A_299 : vector<16xi32> to vector<1x16xi32>
        tpu.vector_store %arg7[%swap3A_300, %swap3A_301], %swap3A_304 {strides = array<i32>} : memref<8x128xi32, #tpu.memory_space<vmem>>, vector<1x16xi32>,
        %get3A_305 = arith.index_cast %scan3A_229 : i32 to index
        %get3A_306 = arith.constant 112 : index
        %get3A_307 = tpu.vector_load %arg7[%get3A_305, %get3A_306] {strides = array<i32>} : memref<8x128xi32, #tpu.memory_space<vmem>>, vector<1x16xi32>,
        %get3A_308 = vector.shape_cast %get3A_307 : vector<1x16xi32> to vector<16xi32>
        %add3A_309 = vector.broadcast %mul3A_0 : i32 to vector<16xi32>
        %add3A_310 = arith.addi %get3A_308, %add3A_309 : vector<16xi32>
        %swap3A_311 = arith.index_cast %scan3A_229 : i32 to index
        %swap3A_312 = arith.constant 112 : index
        %swap3A_313 = tpu.vector_load %arg7[%swap3A_311, %swap3A_312] {strides = array<i32>} : memref<8x128xi32, #tpu.memory_space<vmem>>, vector<1x16xi32>,
        %swap3A_314 = vector.shape_cast %swap3A_313 : vector<1x16xi32> to vector<16xi32>
        %swap3A_315 = vector.shape_cast %add3A_310 : vector<16xi32> to vector<1x16xi32>
        tpu.vector_store %arg7[%swap3A_311, %swap3A_312], %swap3A_315 {strides = array<i32>} : memref<8x128xi32, #tpu.memory_space<vmem>>, vector<1x16xi32>,
      }
      %scan3A_23 = arith.constant 8 : i32
      %dma_start3A = arith.constant 0 : i32
      %dma_start3A_24 = arith.constant 0 : i32
      %dma_start3A_25 = arith.constant 0 : i32
      %dma_start3A_26 = arith.constant 0 : i32
      %dma_start3A_27 = tpu.memref_slice %arg9[%dma_start3A_24, %dma_start3A_25, %dma_start3A_26] : memref<2x128x128xf32, #tpu.memory_space<vmem>> -> memref<1x128x128xf32, #tpu.memory_space<vmem>>
      %dma_start3A_28 = tpu.memref_squeeze %dma_start3A_27 : memref<1x128x128xf32, #tpu.memory_space<vmem>> -> memref<128x128xf32, #tpu.memory_space<vmem>>
      %dma_start3A_29 = arith.constant 0 : i32
      %dma_start3A_30 = tpu.memref_slice %arg7[%dma_start3A, %dma_start3A_29] : memref<8x128xi32, #tpu.memory_space<vmem>> -> memref<1x128xi32, #tpu.memory_space<vmem>>
      %dma_start3A_31 = tpu.memref_squeeze %dma_start3A_30 : memref<1x128xi32, #tpu.memory_space<vmem>> -> memref<128xi32, #tpu.memory_space<vmem>>
      %dma_start3A_32 = arith.constant 0 : i32
      %dma_start3A_33 = arith.constant 0 : i32
      %dma_start3A_34 = tpu.memref_slice %arg2[%dma_start3A_32, %dma_start3A_33] : memref<20000x128xf32, #tpu.memory_space<hbm>> -> memref<20000x128xf32, #tpu.memory_space<hbm>>
      tpu.enqueue_indirect_dma source(%dma_start3A_34 : memref<20000x128xf32, #tpu.memory_space<hbm>>) target(%dma_start3A_28 : memref<128x128xf32, #tpu.memory_space<vmem>>) offsets(%dma_start3A_31 : memref<128xi32, #tpu.memory_space<vmem>>) semaphore(%arg11 : memref<!tpu.dma_semaphore, #tpu.memory_space<semaphore_mem>>)
      %dma_wait3A = arith.constant 0 : i32
      %dma_wait3A_35 = arith.constant 0 : i32
      %dma_wait3A_36 = arith.constant 0 : i32
      %dma_wait3A_37 = arith.constant 0 : i32
      %dma_wait3A_38 = tpu.memref_slice %arg9[%dma_wait3A_35, %dma_wait3A_36, %dma_wait3A_37] : memref<2x128x128xf32, #tpu.memory_space<vmem>> -> memref<1x128x128xf32, #tpu.memory_space<vmem>>
      %dma_wait3A_39 = tpu.memref_squeeze %dma_wait3A_38 : memref<1x128x128xf32, #tpu.memory_space<vmem>> -> memref<128x128xf32, #tpu.memory_space<vmem>>
      %dma_wait3A_40 = arith.constant 0 : i32
      %dma_wait3A_41 = tpu.memref_slice %arg7[%dma_wait3A, %dma_wait3A_40] : memref<8x128xi32, #tpu.memory_space<vmem>> -> memref<1x128xi32, #tpu.memory_space<vmem>>
      %dma_wait3A_42 = tpu.memref_squeeze %dma_wait3A_41 : memref<1x128xi32, #tpu.memory_space<vmem>> -> memref<128xi32, #tpu.memory_space<vmem>>
      %dma_wait3A_43 = arith.constant 0 : i32
      %dma_wait3A_44 = arith.constant 0 : i32
      %dma_wait3A_45 = tpu.memref_slice %arg2[%dma_wait3A_43, %dma_wait3A_44] : memref<20000x128xf32, #tpu.memory_space<hbm>> -> memref<20000x128xf32, #tpu.memory_space<hbm>>
      tpu.wait_indirect_dma semaphore(%arg11 : memref<!tpu.dma_semaphore, #tpu.memory_space<semaphore_mem>>) src(%dma_wait3A_45 : memref<20000x128xf32, #tpu.memory_space<hbm>>) dst(%dma_wait3A_39 : memref<128x128xf32, #tpu.memory_space<vmem>>)
      %dma_start3A_46 = arith.constant 1 : i32
      %dma_start3A_47 = arith.constant 1 : i32
      %dma_start3A_48 = arith.constant 0 : i32
      %dma_start3A_49 = arith.constant 0 : i32
      %dma_start3A_50 = tpu.memref_slice %arg9[%dma_start3A_47, %dma_start3A_48, %dma_start3A_49] : memref<2x128x128xf32, #tpu.memory_space<vmem>> -> memref<1x128x128xf32, #tpu.memory_space<vmem>>
      %dma_start3A_51 = tpu.memref_squeeze %dma_start3A_50 : memref<1x128x128xf32, #tpu.memory_space<vmem>> -> memref<128x128xf32, #tpu.memory_space<vmem>>
      %dma_start3A_52 = arith.constant 0 : i32
      %dma_start3A_53 = tpu.memref_slice %arg7[%dma_start3A_46, %dma_start3A_52] : memref<8x128xi32, #tpu.memory_space<vmem>> -> memref<1x128xi32, #tpu.memory_space<vmem>>
      %dma_start3A_54 = tpu.memref_squeeze %dma_start3A_53 : memref<1x128xi32, #tpu.memory_space<vmem>> -> memref<128xi32, #tpu.memory_space<vmem>>
      %dma_start3A_55 = arith.constant 0 : i32
      %dma_start3A_56 = arith.constant 0 : i32
      %dma_start3A_57 = tpu.memref_slice %arg2[%dma_start3A_55, %dma_start3A_56] : memref<20000x128xf32, #tpu.memory_space<hbm>> -> memref<20000x128xf32, #tpu.memory_space<hbm>>
      tpu.enqueue_indirect_dma source(%dma_start3A_57 : memref<20000x128xf32, #tpu.memory_space<hbm>>) target(%dma_start3A_51 : memref<128x128xf32, #tpu.memory_space<vmem>>) offsets(%dma_start3A_54 : memref<128xi32, #tpu.memory_space<vmem>>) semaphore(%arg11 : memref<!tpu.dma_semaphore, #tpu.memory_space<semaphore_mem>>)
      %run_scoped3A = arith.constant 0 : i32
      %run_scoped3A_58 = arith.constant 0 : i32
      "tpu.region"() ({
        %run_scoped3A_229 = tpu.sem_alloc : memref<!tpu.dma_semaphore, #tpu.memory_space<semaphore_mem>>
        %dma_start3A_230 = arith.constant 0 : i32
        %dma_start3A_231 = arith.constant 0 : i32
        %dma_start3A_232 = tpu.memref_slice %arg9[%run_scoped3A, %dma_start3A_230, %dma_start3A_231] : memref<2x128x128xf32, #tpu.memory_space<vmem>> -> memref<1x128x128xf32, #tpu.memory_space<vmem>>
        %dma_start3A_233 = tpu.memref_squeeze %dma_start3A_232 : memref<1x128x128xf32, #tpu.memory_space<vmem>> -> memref<128x128xf32, #tpu.memory_space<vmem>>
        %dma_start3A_234 = arith.constant 0 : i32
        %dma_start3A_235 = tpu.memref_slice %arg8[%run_scoped3A_58, %dma_start3A_234] : memref<8x128xi32, #tpu.memory_space<vmem>> -> memref<1x128xi32, #tpu.memory_space<vmem>>
        %dma_start3A_236 = tpu.memref_squeeze %dma_start3A_235 : memref<1x128xi32, #tpu.memory_space<vmem>> -> memref<128xi32, #tpu.memory_space<vmem>>
        %dma_start3A_237 = arith.constant 0 : i32
        %dma_start3A_238 = arith.constant 0 : i32
        %dma_start3A_239 = tpu.memref_slice %arg10[%dma_start3A_237, %dma_start3A_238] : memref<10112x128xf32, #tpu.memory_space<vmem_shared>> -> memref<10112x128xf32, #tpu.memory_space<vmem_shared>>
        tpu.enqueue_indirect_dma source(%dma_start3A_233 : memref<128x128xf32, #tpu.memory_space<vmem>>) target(%dma_start3A_239 : memref<10112x128xf32, #tpu.memory_space<vmem_shared>>) offsets(%dma_start3A_236 : memref<128xi32, #tpu.memory_space<vmem>>) semaphore(%run_scoped3A_229 : memref<!tpu.dma_semaphore, #tpu.memory_space<semaphore_mem>>) {add = true}
        %dma_wait3A_240 = arith.constant 0 : i32
        %dma_wait3A_241 = arith.constant 0 : i32
        %dma_wait3A_242 = tpu.memref_slice %arg9[%run_scoped3A, %dma_wait3A_240, %dma_wait3A_241] : memref<2x128x128xf32, #tpu.memory_space<vmem>> -> memref<1x128x128xf32, #tpu.memory_space<vmem>>
        %dma_wait3A_243 = tpu.memref_squeeze %dma_wait3A_242 : memref<1x128x128xf32, #tpu.memory_space<vmem>> -> memref<128x128xf32, #tpu.memory_space<vmem>>
        %dma_wait3A_244 = arith.constant 0 : i32
        %dma_wait3A_245 = tpu.memref_slice %arg8[%run_scoped3A_58, %dma_wait3A_244] : memref<8x128xi32, #tpu.memory_space<vmem>> -> memref<1x128xi32, #tpu.memory_space<vmem>>
        %dma_wait3A_246 = tpu.memref_squeeze %dma_wait3A_245 : memref<1x128xi32, #tpu.memory_space<vmem>> -> memref<128xi32, #tpu.memory_space<vmem>>
        %dma_wait3A_247 = arith.constant 0 : i32
        %dma_wait3A_248 = arith.constant 0 : i32
        %dma_wait3A_249 = tpu.memref_slice %arg10[%dma_wait3A_247, %dma_wait3A_248] : memref<10112x128xf32, #tpu.memory_space<vmem_shared>> -> memref<10112x128xf32, #tpu.memory_space<vmem_shared>>
        tpu.wait_indirect_dma semaphore(%run_scoped3A_229 : memref<!tpu.dma_semaphore, #tpu.memory_space<semaphore_mem>>) src(%dma_wait3A_243 : memref<128x128xf32, #tpu.memory_space<vmem>>) dst(%dma_wait3A_249 : memref<10112x128xf32, #tpu.memory_space<vmem_shared>>)
        tpu.yield
      }) : () -> ()
      %dma_wait3A_59 = arith.constant 1 : i32
      %dma_wait3A_60 = arith.constant 1 : i32
      %dma_wait3A_61 = arith.constant 0 : i32
      %dma_wait3A_62 = arith.constant 0 : i32
      %dma_wait3A_63 = tpu.memref_slice %arg9[%dma_wait3A_60, %dma_wait3A_61, %dma_wait3A_62] : memref<2x128x128xf32, #tpu.memory_space<vmem>> -> memref<1x128x128xf32, #tpu.memory_space<vmem>>
      %dma_wait3A_64 = tpu.memref_squeeze %dma_wait3A_63 : memref<1x128x128xf32, #tpu.memory_space<vmem>> -> memref<128x128xf32, #tpu.memory_space<vmem>>
      %dma_wait3A_65 = arith.constant 0 : i32
      %dma_wait3A_66 = tpu.memref_slice %arg7[%dma_wait3A_59, %dma_wait3A_65] : memref<8x128xi32, #tpu.memory_space<vmem>> -> memref<1x128xi32, #tpu.memory_space<vmem>>
      %dma_wait3A_67 = tpu.memref_squeeze %dma_wait3A_66 : memref<1x128xi32, #tpu.memory_space<vmem>> -> memref<128xi32, #tpu.memory_space<vmem>>
      %dma_wait3A_68 = arith.constant 0 : i32
      %dma_wait3A_69 = arith.constant 0 : i32
      %dma_wait3A_70 = tpu.memref_slice %arg2[%dma_wait3A_68, %dma_wait3A_69] : memref<20000x128xf32, #tpu.memory_space<hbm>> -> memref<20000x128xf32, #tpu.memory_space<hbm>>
      tpu.wait_indirect_dma semaphore(%arg11 : memref<!tpu.dma_semaphore, #tpu.memory_space<semaphore_mem>>) src(%dma_wait3A_70 : memref<20000x128xf32, #tpu.memory_space<hbm>>) dst(%dma_wait3A_64 : memref<128x128xf32, #tpu.memory_space<vmem>>)
      %dma_start3A_71 = arith.constant 2 : i32
      %dma_start3A_72 = arith.constant 0 : i32
      %dma_start3A_73 = arith.constant 0 : i32
      %dma_start3A_74 = arith.constant 0 : i32
      %dma_start3A_75 = tpu.memref_slice %arg9[%dma_start3A_72, %dma_start3A_73, %dma_start3A_74] : memref<2x128x128xf32, #tpu.memory_space<vmem>> -> memref<1x128x128xf32, #tpu.memory_space<vmem>>
      %dma_start3A_76 = tpu.memref_squeeze %dma_start3A_75 : memref<1x128x128xf32, #tpu.memory_space<vmem>> -> memref<128x128xf32, #tpu.memory_space<vmem>>
      %dma_start3A_77 = arith.constant 0 : i32
      %dma_start3A_78 = tpu.memref_slice %arg7[%dma_start3A_71, %dma_start3A_77] : memref<8x128xi32, #tpu.memory_space<vmem>> -> memref<1x128xi32, #tpu.memory_space<vmem>>
      %dma_start3A_79 = tpu.memref_squeeze %dma_start3A_78 : memref<1x128xi32, #tpu.memory_space<vmem>> -> memref<128xi32, #tpu.memory_space<vmem>>
      %dma_start3A_80 = arith.constant 0 : i32
      %dma_start3A_81 = arith.constant 0 : i32
      %dma_start3A_82 = tpu.memref_slice %arg2[%dma_start3A_80, %dma_start3A_81] : memref<20000x128xf32, #tpu.memory_space<hbm>> -> memref<20000x128xf32, #tpu.memory_space<hbm>>
      tpu.enqueue_indirect_dma source(%dma_start3A_82 : memref<20000x128xf32, #tpu.memory_space<hbm>>) target(%dma_start3A_76 : memref<128x128xf32, #tpu.memory_space<vmem>>) offsets(%dma_start3A_79 : memref<128xi32, #tpu.memory_space<vmem>>) semaphore(%arg11 : memref<!tpu.dma_semaphore, #tpu.memory_space<semaphore_mem>>)
      %run_scoped3A_83 = arith.constant 1 : i32
      %run_scoped3A_84 = arith.constant 1 : i32
      "tpu.region"() ({
        %run_scoped3A_229 = tpu.sem_alloc : memref<!tpu.dma_semaphore, #tpu.memory_space<semaphore_mem>>
        %dma_start3A_230 = arith.constant 0 : i32
        %dma_start3A_231 = arith.constant 0 : i32
        %dma_start3A_232 = tpu.memref_slice %arg9[%run_scoped3A_83, %dma_start3A_230, %dma_start3A_231] : memref<2x128x128xf32, #tpu.memory_space<vmem>> -> memref<1x128x128xf32, #tpu.memory_space<vmem>>
        %dma_start3A_233 = tpu.memref_squeeze %dma_start3A_232 : memref<1x128x128xf32, #tpu.memory_space<vmem>> -> memref<128x128xf32, #tpu.memory_space<vmem>>
        %dma_start3A_234 = arith.constant 0 : i32
        %dma_start3A_235 = tpu.memref_slice %arg8[%run_scoped3A_84, %dma_start3A_234] : memref<8x128xi32, #tpu.memory_space<vmem>> -> memref<1x128xi32, #tpu.memory_space<vmem>>
        %dma_start3A_236 = tpu.memref_squeeze %dma_start3A_235 : memref<1x128xi32, #tpu.memory_space<vmem>> -> memref<128xi32, #tpu.memory_space<vmem>>
        %dma_start3A_237 = arith.constant 0 : i32
        %dma_start3A_238 = arith.constant 0 : i32
        %dma_start3A_239 = tpu.memref_slice %arg10[%dma_start3A_237, %dma_start3A_238] : memref<10112x128xf32, #tpu.memory_space<vmem_shared>> -> memref<10112x128xf32, #tpu.memory_space<vmem_shared>>
        tpu.enqueue_indirect_dma source(%dma_start3A_233 : memref<128x128xf32, #tpu.memory_space<vmem>>) target(%dma_start3A_239 : memref<10112x128xf32, #tpu.memory_space<vmem_shared>>) offsets(%dma_start3A_236 : memref<128xi32, #tpu.memory_space<vmem>>) semaphore(%run_scoped3A_229 : memref<!tpu.dma_semaphore, #tpu.memory_space<semaphore_mem>>) {add = true}
        %dma_wait3A_240 = arith.constant 0 : i32
        %dma_wait3A_241 = arith.constant 0 : i32
        %dma_wait3A_242 = tpu.memref_slice %arg9[%run_scoped3A_83, %dma_wait3A_240, %dma_wait3A_241] : memref<2x128x128xf32, #tpu.memory_space<vmem>> -> memref<1x128x128xf32, #tpu.memory_space<vmem>>
        %dma_wait3A_243 = tpu.memref_squeeze %dma_wait3A_242 : memref<1x128x128xf32, #tpu.memory_space<vmem>> -> memref<128x128xf32, #tpu.memory_space<vmem>>
        %dma_wait3A_244 = arith.constant 0 : i32
        %dma_wait3A_245 = tpu.memref_slice %arg8[%run_scoped3A_84, %dma_wait3A_244] : memref<8x128xi32, #tpu.memory_space<vmem>> -> memref<1x128xi32, #tpu.memory_space<vmem>>
        %dma_wait3A_246 = tpu.memref_squeeze %dma_wait3A_245 : memref<1x128xi32, #tpu.memory_space<vmem>> -> memref<128xi32, #tpu.memory_space<vmem>>
        %dma_wait3A_247 = arith.constant 0 : i32
        %dma_wait3A_248 = arith.constant 0 : i32
        %dma_wait3A_249 = tpu.memref_slice %arg10[%dma_wait3A_247, %dma_wait3A_248] : memref<10112x128xf32, #tpu.memory_space<vmem_shared>> -> memref<10112x128xf32, #tpu.memory_space<vmem_shared>>
        tpu.wait_indirect_dma semaphore(%run_scoped3A_229 : memref<!tpu.dma_semaphore, #tpu.memory_space<semaphore_mem>>) src(%dma_wait3A_243 : memref<128x128xf32, #tpu.memory_space<vmem>>) dst(%dma_wait3A_249 : memref<10112x128xf32, #tpu.memory_space<vmem_shared>>)
        tpu.yield
      }) : () -> ()
      %dma_wait3A_85 = arith.constant 2 : i32
      %dma_wait3A_86 = arith.constant 0 : i32
      %dma_wait3A_87 = arith.constant 0 : i32
      %dma_wait3A_88 = arith.constant 0 : i32
      %dma_wait3A_89 = tpu.memref_slice %arg9[%dma_wait3A_86, %dma_wait3A_87, %dma_wait3A_88] : memref<2x128x128xf32, #tpu.memory_space<vmem>> -> memref<1x128x128xf32, #tpu.memory_space<vmem>>
      %dma_wait3A_90 = tpu.memref_squeeze %dma_wait3A_89 : memref<1x128x128xf32, #tpu.memory_space<vmem>> -> memref<128x128xf32, #tpu.memory_space<vmem>>
      %dma_wait3A_91 = arith.constant 0 : i32
      %dma_wait3A_92 = tpu.memref_slice %arg7[%dma_wait3A_85, %dma_wait3A_91] : memref<8x128xi32, #tpu.memory_space<vmem>> -> memref<1x128xi32, #tpu.memory_space<vmem>>
      %dma_wait3A_93 = tpu.memref_squeeze %dma_wait3A_92 : memref<1x128xi32, #tpu.memory_space<vmem>> -> memref<128xi32, #tpu.memory_space<vmem>>
      %dma_wait3A_94 = arith.constant 0 : i32
      %dma_wait3A_95 = arith.constant 0 : i32
      %dma_wait3A_96 = tpu.memref_slice %arg2[%dma_wait3A_94, %dma_wait3A_95] : memref<20000x128xf32, #tpu.memory_space<hbm>> -> memref<20000x128xf32, #tpu.memory_space<hbm>>
      tpu.wait_indirect_dma semaphore(%arg11 : memref<!tpu.dma_semaphore, #tpu.memory_space<semaphore_mem>>) src(%dma_wait3A_96 : memref<20000x128xf32, #tpu.memory_space<hbm>>) dst(%dma_wait3A_90 : memref<128x128xf32, #tpu.memory_space<vmem>>)
      %dma_start3A_97 = arith.constant 3 : i32
      %dma_start3A_98 = arith.constant 1 : i32
      %dma_start3A_99 = arith.constant 0 : i32
      %dma_start3A_100 = arith.constant 0 : i32
      %dma_start3A_101 = tpu.memref_slice %arg9[%dma_start3A_98, %dma_start3A_99, %dma_start3A_100] : memref<2x128x128xf32, #tpu.memory_space<vmem>> -> memref<1x128x128xf32, #tpu.memory_space<vmem>>
      %dma_start3A_102 = tpu.memref_squeeze %dma_start3A_101 : memref<1x128x128xf32, #tpu.memory_space<vmem>> -> memref<128x128xf32, #tpu.memory_space<vmem>>
      %dma_start3A_103 = arith.constant 0 : i32
      %dma_start3A_104 = tpu.memref_slice %arg7[%dma_start3A_97, %dma_start3A_103] : memref<8x128xi32, #tpu.memory_space<vmem>> -> memref<1x128xi32, #tpu.memory_space<vmem>>
      %dma_start3A_105 = tpu.memref_squeeze %dma_start3A_104 : memref<1x128xi32, #tpu.memory_space<vmem>> -> memref<128xi32, #tpu.memory_space<vmem>>
      %dma_start3A_106 = arith.constant 0 : i32
      %dma_start3A_107 = arith.constant 0 : i32
      %dma_start3A_108 = tpu.memref_slice %arg2[%dma_start3A_106, %dma_start3A_107] : memref<20000x128xf32, #tpu.memory_space<hbm>> -> memref<20000x128xf32, #tpu.memory_space<hbm>>
      tpu.enqueue_indirect_dma source(%dma_start3A_108 : memref<20000x128xf32, #tpu.memory_space<hbm>>) target(%dma_start3A_102 : memref<128x128xf32, #tpu.memory_space<vmem>>) offsets(%dma_start3A_105 : memref<128xi32, #tpu.memory_space<vmem>>) semaphore(%arg11 : memref<!tpu.dma_semaphore, #tpu.memory_space<semaphore_mem>>)
      %run_scoped3A_109 = arith.constant 0 : i32
      %run_scoped3A_110 = arith.constant 2 : i32
      "tpu.region"() ({
        %run_scoped3A_229 = tpu.sem_alloc : memref<!tpu.dma_semaphore, #tpu.memory_space<semaphore_mem>>
        %dma_start3A_230 = arith.constant 0 : i32
        %dma_start3A_231 = arith.constant 0 : i32
        %dma_start3A_232 = tpu.memref_slice %arg9[%run_scoped3A_109, %dma_start3A_230, %dma_start3A_231] : memref<2x128x128xf32, #tpu.memory_space<vmem>> -> memref<1x128x128xf32, #tpu.memory_space<vmem>>
        %dma_start3A_233 = tpu.memref_squeeze %dma_start3A_232 : memref<1x128x128xf32, #tpu.memory_space<vmem>> -> memref<128x128xf32, #tpu.memory_space<vmem>>
        %dma_start3A_234 = arith.constant 0 : i32
        %dma_start3A_235 = tpu.memref_slice %arg8[%run_scoped3A_110, %dma_start3A_234] : memref<8x128xi32, #tpu.memory_space<vmem>> -> memref<1x128xi32, #tpu.memory_space<vmem>>
        %dma_start3A_236 = tpu.memref_squeeze %dma_start3A_235 : memref<1x128xi32, #tpu.memory_space<vmem>> -> memref<128xi32, #tpu.memory_space<vmem>>
        %dma_start3A_237 = arith.constant 0 : i32
        %dma_start3A_238 = arith.constant 0 : i32
        %dma_start3A_239 = tpu.memref_slice %arg10[%dma_start3A_237, %dma_start3A_238] : memref<10112x128xf32, #tpu.memory_space<vmem_shared>> -> memref<10112x128xf32, #tpu.memory_space<vmem_shared>>
        tpu.enqueue_indirect_dma source(%dma_start3A_233 : memref<128x128xf32, #tpu.memory_space<vmem>>) target(%dma_start3A_239 : memref<10112x128xf32, #tpu.memory_space<vmem_shared>>) offsets(%dma_start3A_236 : memref<128xi32, #tpu.memory_space<vmem>>) semaphore(%run_scoped3A_229 : memref<!tpu.dma_semaphore, #tpu.memory_space<semaphore_mem>>) {add = true}
        %dma_wait3A_240 = arith.constant 0 : i32
        %dma_wait3A_241 = arith.constant 0 : i32
        %dma_wait3A_242 = tpu.memref_slice %arg9[%run_scoped3A_109, %dma_wait3A_240, %dma_wait3A_241] : memref<2x128x128xf32, #tpu.memory_space<vmem>> -> memref<1x128x128xf32, #tpu.memory_space<vmem>>
        %dma_wait3A_243 = tpu.memref_squeeze %dma_wait3A_242 : memref<1x128x128xf32, #tpu.memory_space<vmem>> -> memref<128x128xf32, #tpu.memory_space<vmem>>
        %dma_wait3A_244 = arith.constant 0 : i32
        %dma_wait3A_245 = tpu.memref_slice %arg8[%run_scoped3A_110, %dma_wait3A_244] : memref<8x128xi32, #tpu.memory_space<vmem>> -> memref<1x128xi32, #tpu.memory_space<vmem>>
        %dma_wait3A_246 = tpu.memref_squeeze %dma_wait3A_245 : memref<1x128xi32, #tpu.memory_space<vmem>> -> memref<128xi32, #tpu.memory_space<vmem>>
        %dma_wait3A_247 = arith.constant 0 : i32
        %dma_wait3A_248 = arith.constant 0 : i32
        %dma_wait3A_249 = tpu.memref_slice %arg10[%dma_wait3A_247, %dma_wait3A_248] : memref<10112x128xf32, #tpu.memory_space<vmem_shared>> -> memref<10112x128xf32, #tpu.memory_space<vmem_shared>>
        tpu.wait_indirect_dma semaphore(%run_scoped3A_229 : memref<!tpu.dma_semaphore, #tpu.memory_space<semaphore_mem>>) src(%dma_wait3A_243 : memref<128x128xf32, #tpu.memory_space<vmem>>) dst(%dma_wait3A_249 : memref<10112x128xf32, #tpu.memory_space<vmem_shared>>)
        tpu.yield
      }) : () -> ()
      %dma_wait3A_111 = arith.constant 3 : i32
      %dma_wait3A_112 = arith.constant 1 : i32
      %dma_wait3A_113 = arith.constant 0 : i32
      %dma_wait3A_114 = arith.constant 0 : i32
      %dma_wait3A_115 = tpu.memref_slice %arg9[%dma_wait3A_112, %dma_wait3A_113, %dma_wait3A_114] : memref<2x128x128xf32, #tpu.memory_space<vmem>> -> memref<1x128x128xf32, #tpu.memory_space<vmem>>
      %dma_wait3A_116 = tpu.memref_squeeze %dma_wait3A_115 : memref<1x128x128xf32, #tpu.memory_space<vmem>> -> memref<128x128xf32, #tpu.memory_space<vmem>>
      %dma_wait3A_117 = arith.constant 0 : i32
      %dma_wait3A_118 = tpu.memref_slice %arg7[%dma_wait3A_111, %dma_wait3A_117] : memref<8x128xi32, #tpu.memory_space<vmem>> -> memref<1x128xi32, #tpu.memory_space<vmem>>
      %dma_wait3A_119 = tpu.memref_squeeze %dma_wait3A_118 : memref<1x128xi32, #tpu.memory_space<vmem>> -> memref<128xi32, #tpu.memory_space<vmem>>
      %dma_wait3A_120 = arith.constant 0 : i32
      %dma_wait3A_121 = arith.constant 0 : i32
      %dma_wait3A_122 = tpu.memref_slice %arg2[%dma_wait3A_120, %dma_wait3A_121] : memref<20000x128xf32, #tpu.memory_space<hbm>> -> memref<20000x128xf32, #tpu.memory_space<hbm>>
      tpu.wait_indirect_dma semaphore(%arg11 : memref<!tpu.dma_semaphore, #tpu.memory_space<semaphore_mem>>) src(%dma_wait3A_122 : memref<20000x128xf32, #tpu.memory_space<hbm>>) dst(%dma_wait3A_116 : memref<128x128xf32, #tpu.memory_space<vmem>>)
      %dma_start3A_123 = arith.constant 4 : i32
      %dma_start3A_124 = arith.constant 0 : i32
      %dma_start3A_125 = arith.constant 0 : i32
      %dma_start3A_126 = arith.constant 0 : i32
      %dma_start3A_127 = tpu.memref_slice %arg9[%dma_start3A_124, %dma_start3A_125, %dma_start3A_126] : memref<2x128x128xf32, #tpu.memory_space<vmem>> -> memref<1x128x128xf32, #tpu.memory_space<vmem>>
      %dma_start3A_128 = tpu.memref_squeeze %dma_start3A_127 : memref<1x128x128xf32, #tpu.memory_space<vmem>> -> memref<128x128xf32, #tpu.memory_space<vmem>>
      %dma_start3A_129 = arith.constant 0 : i32
      %dma_start3A_130 = tpu.memref_slice %arg7[%dma_start3A_123, %dma_start3A_129] : memref<8x128xi32, #tpu.memory_space<vmem>> -> memref<1x128xi32, #tpu.memory_space<vmem>>
      %dma_start3A_131 = tpu.memref_squeeze %dma_start3A_130 : memref<1x128xi32, #tpu.memory_space<vmem>> -> memref<128xi32, #tpu.memory_space<vmem>>
      %dma_start3A_132 = arith.constant 0 : i32
      %dma_start3A_133 = arith.constant 0 : i32
      %dma_start3A_134 = tpu.memref_slice %arg2[%dma_start3A_132, %dma_start3A_133] : memref<20000x128xf32, #tpu.memory_space<hbm>> -> memref<20000x128xf32, #tpu.memory_space<hbm>>
      tpu.enqueue_indirect_dma source(%dma_start3A_134 : memref<20000x128xf32, #tpu.memory_space<hbm>>) target(%dma_start3A_128 : memref<128x128xf32, #tpu.memory_space<vmem>>) offsets(%dma_start3A_131 : memref<128xi32, #tpu.memory_space<vmem>>) semaphore(%arg11 : memref<!tpu.dma_semaphore, #tpu.memory_space<semaphore_mem>>)
      %run_scoped3A_135 = arith.constant 1 : i32
      %run_scoped3A_136 = arith.constant 3 : i32
      "tpu.region"() ({
        %run_scoped3A_229 = tpu.sem_alloc : memref<!tpu.dma_semaphore, #tpu.memory_space<semaphore_mem>>
        %dma_start3A_230 = arith.constant 0 : i32
        %dma_start3A_231 = arith.constant 0 : i32
        %dma_start3A_232 = tpu.memref_slice %arg9[%run_scoped3A_135, %dma_start3A_230, %dma_start3A_231] : memref<2x128x128xf32, #tpu.memory_space<vmem>> -> memref<1x128x128xf32, #tpu.memory_space<vmem>>
        %dma_start3A_233 = tpu.memref_squeeze %dma_start3A_232 : memref<1x128x128xf32, #tpu.memory_space<vmem>> -> memref<128x128xf32, #tpu.memory_space<vmem>>
        %dma_start3A_234 = arith.constant 0 : i32
        %dma_start3A_235 = tpu.memref_slice %arg8[%run_scoped3A_136, %dma_start3A_234] : memref<8x128xi32, #tpu.memory_space<vmem>> -> memref<1x128xi32, #tpu.memory_space<vmem>>
        %dma_start3A_236 = tpu.memref_squeeze %dma_start3A_235 : memref<1x128xi32, #tpu.memory_space<vmem>> -> memref<128xi32, #tpu.memory_space<vmem>>
        %dma_start3A_237 = arith.constant 0 : i32
        %dma_start3A_238 = arith.constant 0 : i32
        %dma_start3A_239 = tpu.memref_slice %arg10[%dma_start3A_237, %dma_start3A_238] : memref<10112x128xf32, #tpu.memory_space<vmem_shared>> -> memref<10112x128xf32, #tpu.memory_space<vmem_shared>>
        tpu.enqueue_indirect_dma source(%dma_start3A_233 : memref<128x128xf32, #tpu.memory_space<vmem>>) target(%dma_start3A_239 : memref<10112x128xf32, #tpu.memory_space<vmem_shared>>) offsets(%dma_start3A_236 : memref<128xi32, #tpu.memory_space<vmem>>) semaphore(%run_scoped3A_229 : memref<!tpu.dma_semaphore, #tpu.memory_space<semaphore_mem>>) {add = true}
        %dma_wait3A_240 = arith.constant 0 : i32
        %dma_wait3A_241 = arith.constant 0 : i32
        %dma_wait3A_242 = tpu.memref_slice %arg9[%run_scoped3A_135, %dma_wait3A_240, %dma_wait3A_241] : memref<2x128x128xf32, #tpu.memory_space<vmem>> -> memref<1x128x128xf32, #tpu.memory_space<vmem>>
        %dma_wait3A_243 = tpu.memref_squeeze %dma_wait3A_242 : memref<1x128x128xf32, #tpu.memory_space<vmem>> -> memref<128x128xf32, #tpu.memory_space<vmem>>
        %dma_wait3A_244 = arith.constant 0 : i32
        %dma_wait3A_245 = tpu.memref_slice %arg8[%run_scoped3A_136, %dma_wait3A_244] : memref<8x128xi32, #tpu.memory_space<vmem>> -> memref<1x128xi32, #tpu.memory_space<vmem>>
        %dma_wait3A_246 = tpu.memref_squeeze %dma_wait3A_245 : memref<1x128xi32, #tpu.memory_space<vmem>> -> memref<128xi32, #tpu.memory_space<vmem>>
        %dma_wait3A_247 = arith.constant 0 : i32
        %dma_wait3A_248 = arith.constant 0 : i32
        %dma_wait3A_249 = tpu.memref_slice %arg10[%dma_wait3A_247, %dma_wait3A_248] : memref<10112x128xf32, #tpu.memory_space<vmem_shared>> -> memref<10112x128xf32, #tpu.memory_space<vmem_shared>>
        tpu.wait_indirect_dma semaphore(%run_scoped3A_229 : memref<!tpu.dma_semaphore, #tpu.memory_space<semaphore_mem>>) src(%dma_wait3A_243 : memref<128x128xf32, #tpu.memory_space<vmem>>) dst(%dma_wait3A_249 : memref<10112x128xf32, #tpu.memory_space<vmem_shared>>)
        tpu.yield
      }) : () -> ()
      %dma_wait3A_137 = arith.constant 4 : i32
      %dma_wait3A_138 = arith.constant 0 : i32
      %dma_wait3A_139 = arith.constant 0 : i32
      %dma_wait3A_140 = arith.constant 0 : i32
      %dma_wait3A_141 = tpu.memref_slice %arg9[%dma_wait3A_138, %dma_wait3A_139, %dma_wait3A_140] : memref<2x128x128xf32, #tpu.memory_space<vmem>> -> memref<1x128x128xf32, #tpu.memory_space<vmem>>
      %dma_wait3A_142 = tpu.memref_squeeze %dma_wait3A_141 : memref<1x128x128xf32, #tpu.memory_space<vmem>> -> memref<128x128xf32, #tpu.memory_space<vmem>>
      %dma_wait3A_143 = arith.constant 0 : i32
      %dma_wait3A_144 = tpu.memref_slice %arg7[%dma_wait3A_137, %dma_wait3A_143] : memref<8x128xi32, #tpu.memory_space<vmem>> -> memref<1x128xi32, #tpu.memory_space<vmem>>
      %dma_wait3A_145 = tpu.memref_squeeze %dma_wait3A_144 : memref<1x128xi32, #tpu.memory_space<vmem>> -> memref<128xi32, #tpu.memory_space<vmem>>
      %dma_wait3A_146 = arith.constant 0 : i32
      %dma_wait3A_147 = arith.constant 0 : i32
      %dma_wait3A_148 = tpu.memref_slice %arg2[%dma_wait3A_146, %dma_wait3A_147] : memref<20000x128xf32, #tpu.memory_space<hbm>> -> memref<20000x128xf32, #tpu.memory_space<hbm>>
      tpu.wait_indirect_dma semaphore(%arg11 : memref<!tpu.dma_semaphore, #tpu.memory_space<semaphore_mem>>) src(%dma_wait3A_148 : memref<20000x128xf32, #tpu.memory_space<hbm>>) dst(%dma_wait3A_142 : memref<128x128xf32, #tpu.memory_space<vmem>>)
      %dma_start3A_149 = arith.constant 5 : i32
      %dma_start3A_150 = arith.constant 1 : i32
      %dma_start3A_151 = arith.constant 0 : i32
      %dma_start3A_152 = arith.constant 0 : i32
      %dma_start3A_153 = tpu.memref_slice %arg9[%dma_start3A_150, %dma_start3A_151, %dma_start3A_152] : memref<2x128x128xf32, #tpu.memory_space<vmem>> -> memref<1x128x128xf32, #tpu.memory_space<vmem>>
      %dma_start3A_154 = tpu.memref_squeeze %dma_start3A_153 : memref<1x128x128xf32, #tpu.memory_space<vmem>> -> memref<128x128xf32, #tpu.memory_space<vmem>>
      %dma_start3A_155 = arith.constant 0 : i32
      %dma_start3A_156 = tpu.memref_slice %arg7[%dma_start3A_149, %dma_start3A_155] : memref<8x128xi32, #tpu.memory_space<vmem>> -> memref<1x128xi32, #tpu.memory_space<vmem>>
      %dma_start3A_157 = tpu.memref_squeeze %dma_start3A_156 : memref<1x128xi32, #tpu.memory_space<vmem>> -> memref<128xi32, #tpu.memory_space<vmem>>
      %dma_start3A_158 = arith.constant 0 : i32
      %dma_start3A_159 = arith.constant 0 : i32
      %dma_start3A_160 = tpu.memref_slice %arg2[%dma_start3A_158, %dma_start3A_159] : memref<20000x128xf32, #tpu.memory_space<hbm>> -> memref<20000x128xf32, #tpu.memory_space<hbm>>
      tpu.enqueue_indirect_dma source(%dma_start3A_160 : memref<20000x128xf32, #tpu.memory_space<hbm>>) target(%dma_start3A_154 : memref<128x128xf32, #tpu.memory_space<vmem>>) offsets(%dma_start3A_157 : memref<128xi32, #tpu.memory_space<vmem>>) semaphore(%arg11 : memref<!tpu.dma_semaphore, #tpu.memory_space<semaphore_mem>>)
      %run_scoped3A_161 = arith.constant 0 : i32
      %run_scoped3A_162 = arith.constant 4 : i32
      "tpu.region"() ({
        %run_scoped3A_229 = tpu.sem_alloc : memref<!tpu.dma_semaphore, #tpu.memory_space<semaphore_mem>>
        %dma_start3A_230 = arith.constant 0 : i32
        %dma_start3A_231 = arith.constant 0 : i32
        %dma_start3A_232 = tpu.memref_slice %arg9[%run_scoped3A_161, %dma_start3A_230, %dma_start3A_231] : memref<2x128x128xf32, #tpu.memory_space<vmem>> -> memref<1x128x128xf32, #tpu.memory_space<vmem>>
        %dma_start3A_233 = tpu.memref_squeeze %dma_start3A_232 : memref<1x128x128xf32, #tpu.memory_space<vmem>> -> memref<128x128xf32, #tpu.memory_space<vmem>>
        %dma_start3A_234 = arith.constant 0 : i32
        %dma_start3A_235 = tpu.memref_slice %arg8[%run_scoped3A_162, %dma_start3A_234] : memref<8x128xi32, #tpu.memory_space<vmem>> -> memref<1x128xi32, #tpu.memory_space<vmem>>
        %dma_start3A_236 = tpu.memref_squeeze %dma_start3A_235 : memref<1x128xi32, #tpu.memory_space<vmem>> -> memref<128xi32, #tpu.memory_space<vmem>>
        %dma_start3A_237 = arith.constant 0 : i32
        %dma_start3A_238 = arith.constant 0 : i32
        %dma_start3A_239 = tpu.memref_slice %arg10[%dma_start3A_237, %dma_start3A_238] : memref<10112x128xf32, #tpu.memory_space<vmem_shared>> -> memref<10112x128xf32, #tpu.memory_space<vmem_shared>>
        tpu.enqueue_indirect_dma source(%dma_start3A_233 : memref<128x128xf32, #tpu.memory_space<vmem>>) target(%dma_start3A_239 : memref<10112x128xf32, #tpu.memory_space<vmem_shared>>) offsets(%dma_start3A_236 : memref<128xi32, #tpu.memory_space<vmem>>) semaphore(%run_scoped3A_229 : memref<!tpu.dma_semaphore, #tpu.memory_space<semaphore_mem>>) {add = true}
        %dma_wait3A_240 = arith.constant 0 : i32
        %dma_wait3A_241 = arith.constant 0 : i32
        %dma_wait3A_242 = tpu.memref_slice %arg9[%run_scoped3A_161, %dma_wait3A_240, %dma_wait3A_241] : memref<2x128x128xf32, #tpu.memory_space<vmem>> -> memref<1x128x128xf32, #tpu.memory_space<vmem>>
        %dma_wait3A_243 = tpu.memref_squeeze %dma_wait3A_242 : memref<1x128x128xf32, #tpu.memory_space<vmem>> -> memref<128x128xf32, #tpu.memory_space<vmem>>
        %dma_wait3A_244 = arith.constant 0 : i32
        %dma_wait3A_245 = tpu.memref_slice %arg8[%run_scoped3A_162, %dma_wait3A_244] : memref<8x128xi32, #tpu.memory_space<vmem>> -> memref<1x128xi32, #tpu.memory_space<vmem>>
        %dma_wait3A_246 = tpu.memref_squeeze %dma_wait3A_245 : memref<1x128xi32, #tpu.memory_space<vmem>> -> memref<128xi32, #tpu.memory_space<vmem>>
        %dma_wait3A_247 = arith.constant 0 : i32
        %dma_wait3A_248 = arith.constant 0 : i32
        %dma_wait3A_249 = tpu.memref_slice %arg10[%dma_wait3A_247, %dma_wait3A_248] : memref<10112x128xf32, #tpu.memory_space<vmem_shared>> -> memref<10112x128xf32, #tpu.memory_space<vmem_shared>>
        tpu.wait_indirect_dma semaphore(%run_scoped3A_229 : memref<!tpu.dma_semaphore, #tpu.memory_space<semaphore_mem>>) src(%dma_wait3A_243 : memref<128x128xf32, #tpu.memory_space<vmem>>) dst(%dma_wait3A_249 : memref<10112x128xf32, #tpu.memory_space<vmem_shared>>)
        tpu.yield
      }) : () -> ()
      %dma_wait3A_163 = arith.constant 5 : i32
      %dma_wait3A_164 = arith.constant 1 : i32
      %dma_wait3A_165 = arith.constant 0 : i32
      %dma_wait3A_166 = arith.constant 0 : i32
      %dma_wait3A_167 = tpu.memref_slice %arg9[%dma_wait3A_164, %dma_wait3A_165, %dma_wait3A_166] : memref<2x128x128xf32, #tpu.memory_space<vmem>> -> memref<1x128x128xf32, #tpu.memory_space<vmem>>
      %dma_wait3A_168 = tpu.memref_squeeze %dma_wait3A_167 : memref<1x128x128xf32, #tpu.memory_space<vmem>> -> memref<128x128xf32, #tpu.memory_space<vmem>>
      %dma_wait3A_169 = arith.constant 0 : i32
      %dma_wait3A_170 = tpu.memref_slice %arg7[%dma_wait3A_163, %dma_wait3A_169] : memref<8x128xi32, #tpu.memory_space<vmem>> -> memref<1x128xi32, #tpu.memory_space<vmem>>
      %dma_wait3A_171 = tpu.memref_squeeze %dma_wait3A_170 : memref<1x128xi32, #tpu.memory_space<vmem>> -> memref<128xi32, #tpu.memory_space<vmem>>
      %dma_wait3A_172 = arith.constant 0 : i32
      %dma_wait3A_173 = arith.constant 0 : i32
      %dma_wait3A_174 = tpu.memref_slice %arg2[%dma_wait3A_172, %dma_wait3A_173] : memref<20000x128xf32, #tpu.memory_space<hbm>> -> memref<20000x128xf32, #tpu.memory_space<hbm>>
      tpu.wait_indirect_dma semaphore(%arg11 : memref<!tpu.dma_semaphore, #tpu.memory_space<semaphore_mem>>) src(%dma_wait3A_174 : memref<20000x128xf32, #tpu.memory_space<hbm>>) dst(%dma_wait3A_168 : memref<128x128xf32, #tpu.memory_space<vmem>>)
      %dma_start3A_175 = arith.constant 6 : i32
      %dma_start3A_176 = arith.constant 0 : i32
      %dma_start3A_177 = arith.constant 0 : i32
      %dma_start3A_178 = arith.constant 0 : i32
      %dma_start3A_179 = tpu.memref_slice %arg9[%dma_start3A_176, %dma_start3A_177, %dma_start3A_178] : memref<2x128x128xf32, #tpu.memory_space<vmem>> -> memref<1x128x128xf32, #tpu.memory_space<vmem>>
      %dma_start3A_180 = tpu.memref_squeeze %dma_start3A_179 : memref<1x128x128xf32, #tpu.memory_space<vmem>> -> memref<128x128xf32, #tpu.memory_space<vmem>>
      %dma_start3A_181 = arith.constant 0 : i32
      %dma_start3A_182 = tpu.memref_slice %arg7[%dma_start3A_175, %dma_start3A_181] : memref<8x128xi32, #tpu.memory_space<vmem>> -> memref<1x128xi32, #tpu.memory_space<vmem>>
      %dma_start3A_183 = tpu.memref_squeeze %dma_start3A_182 : memref<1x128xi32, #tpu.memory_space<vmem>> -> memref<128xi32, #tpu.memory_space<vmem>>
      %dma_start3A_184 = arith.constant 0 : i32
      %dma_start3A_185 = arith.constant 0 : i32
      %dma_start3A_186 = tpu.memref_slice %arg2[%dma_start3A_184, %dma_start3A_185] : memref<20000x128xf32, #tpu.memory_space<hbm>> -> memref<20000x128xf32, #tpu.memory_space<hbm>>
      tpu.enqueue_indirect_dma source(%dma_start3A_186 : memref<20000x128xf32, #tpu.memory_space<hbm>>) target(%dma_start3A_180 : memref<128x128xf32, #tpu.memory_space<vmem>>) offsets(%dma_start3A_183 : memref<128xi32, #tpu.memory_space<vmem>>) semaphore(%arg11 : memref<!tpu.dma_semaphore, #tpu.memory_space<semaphore_mem>>)
      %run_scoped3A_187 = arith.constant 1 : i32
      %run_scoped3A_188 = arith.constant 5 : i32
      "tpu.region"() ({
        %run_scoped3A_229 = tpu.sem_alloc : memref<!tpu.dma_semaphore, #tpu.memory_space<semaphore_mem>>
        %dma_start3A_230 = arith.constant 0 : i32
        %dma_start3A_231 = arith.constant 0 : i32
        %dma_start3A_232 = tpu.memref_slice %arg9[%run_scoped3A_187, %dma_start3A_230, %dma_start3A_231] : memref<2x128x128xf32, #tpu.memory_space<vmem>> -> memref<1x128x128xf32, #tpu.memory_space<vmem>>
        %dma_start3A_233 = tpu.memref_squeeze %dma_start3A_232 : memref<1x128x128xf32, #tpu.memory_space<vmem>> -> memref<128x128xf32, #tpu.memory_space<vmem>>
        %dma_start3A_234 = arith.constant 0 : i32
        %dma_start3A_235 = tpu.memref_slice %arg8[%run_scoped3A_188, %dma_start3A_234] : memref<8x128xi32, #tpu.memory_space<vmem>> -> memref<1x128xi32, #tpu.memory_space<vmem>>
        %dma_start3A_236 = tpu.memref_squeeze %dma_start3A_235 : memref<1x128xi32, #tpu.memory_space<vmem>> -> memref<128xi32, #tpu.memory_space<vmem>>
        %dma_start3A_237 = arith.constant 0 : i32
        %dma_start3A_238 = arith.constant 0 : i32
        %dma_start3A_239 = tpu.memref_slice %arg10[%dma_start3A_237, %dma_start3A_238] : memref<10112x128xf32, #tpu.memory_space<vmem_shared>> -> memref<10112x128xf32, #tpu.memory_space<vmem_shared>>
        tpu.enqueue_indirect_dma source(%dma_start3A_233 : memref<128x128xf32, #tpu.memory_space<vmem>>) target(%dma_start3A_239 : memref<10112x128xf32, #tpu.memory_space<vmem_shared>>) offsets(%dma_start3A_236 : memref<128xi32, #tpu.memory_space<vmem>>) semaphore(%run_scoped3A_229 : memref<!tpu.dma_semaphore, #tpu.memory_space<semaphore_mem>>) {add = true}
        %dma_wait3A_240 = arith.constant 0 : i32
        %dma_wait3A_241 = arith.constant 0 : i32
        %dma_wait3A_242 = tpu.memref_slice %arg9[%run_scoped3A_187, %dma_wait3A_240, %dma_wait3A_241] : memref<2x128x128xf32, #tpu.memory_space<vmem>> -> memref<1x128x128xf32, #tpu.memory_space<vmem>>
        %dma_wait3A_243 = tpu.memref_squeeze %dma_wait3A_242 : memref<1x128x128xf32, #tpu.memory_space<vmem>> -> memref<128x128xf32, #tpu.memory_space<vmem>>
        %dma_wait3A_244 = arith.constant 0 : i32
        %dma_wait3A_245 = tpu.memref_slice %arg8[%run_scoped3A_188, %dma_wait3A_244] : memref<8x128xi32, #tpu.memory_space<vmem>> -> memref<1x128xi32, #tpu.memory_space<vmem>>
        %dma_wait3A_246 = tpu.memref_squeeze %dma_wait3A_245 : memref<1x128xi32, #tpu.memory_space<vmem>> -> memref<128xi32, #tpu.memory_space<vmem>>
        %dma_wait3A_247 = arith.constant 0 : i32
        %dma_wait3A_248 = arith.constant 0 : i32
        %dma_wait3A_249 = tpu.memref_slice %arg10[%dma_wait3A_247, %dma_wait3A_248] : memref<10112x128xf32, #tpu.memory_space<vmem_shared>> -> memref<10112x128xf32, #tpu.memory_space<vmem_shared>>
        tpu.wait_indirect_dma semaphore(%run_scoped3A_229 : memref<!tpu.dma_semaphore, #tpu.memory_space<semaphore_mem>>) src(%dma_wait3A_243 : memref<128x128xf32, #tpu.memory_space<vmem>>) dst(%dma_wait3A_249 : memref<10112x128xf32, #tpu.memory_space<vmem_shared>>)
        tpu.yield
      }) : () -> ()
      %dma_wait3A_189 = arith.constant 6 : i32
      %dma_wait3A_190 = arith.constant 0 : i32
      %dma_wait3A_191 = arith.constant 0 : i32
      %dma_wait3A_192 = arith.constant 0 : i32
      %dma_wait3A_193 = tpu.memref_slice %arg9[%dma_wait3A_190, %dma_wait3A_191, %dma_wait3A_192] : memref<2x128x128xf32, #tpu.memory_space<vmem>> -> memref<1x128x128xf32, #tpu.memory_space<vmem>>
      %dma_wait3A_194 = tpu.memref_squeeze %dma_wait3A_193 : memref<1x128x128xf32, #tpu.memory_space<vmem>> -> memref<128x128xf32, #tpu.memory_space<vmem>>
      %dma_wait3A_195 = arith.constant 0 : i32
      %dma_wait3A_196 = tpu.memref_slice %arg7[%dma_wait3A_189, %dma_wait3A_195] : memref<8x128xi32, #tpu.memory_space<vmem>> -> memref<1x128xi32, #tpu.memory_space<vmem>>
      %dma_wait3A_197 = tpu.memref_squeeze %dma_wait3A_196 : memref<1x128xi32, #tpu.memory_space<vmem>> -> memref<128xi32, #tpu.memory_space<vmem>>
      %dma_wait3A_198 = arith.constant 0 : i32
      %dma_wait3A_199 = arith.constant 0 : i32
      %dma_wait3A_200 = tpu.memref_slice %arg2[%dma_wait3A_198, %dma_wait3A_199] : memref<20000x128xf32, #tpu.memory_space<hbm>> -> memref<20000x128xf32, #tpu.memory_space<hbm>>
      tpu.wait_indirect_dma semaphore(%arg11 : memref<!tpu.dma_semaphore, #tpu.memory_space<semaphore_mem>>) src(%dma_wait3A_200 : memref<20000x128xf32, #tpu.memory_space<hbm>>) dst(%dma_wait3A_194 : memref<128x128xf32, #tpu.memory_space<vmem>>)
      %dma_start3A_201 = arith.constant 7 : i32
      %dma_start3A_202 = arith.constant 1 : i32
      %dma_start3A_203 = arith.constant 0 : i32
      %dma_start3A_204 = arith.constant 0 : i32
      %dma_start3A_205 = tpu.memref_slice %arg9[%dma_start3A_202, %dma_start3A_203, %dma_start3A_204] : memref<2x128x128xf32, #tpu.memory_space<vmem>> -> memref<1x128x128xf32, #tpu.memory_space<vmem>>
      %dma_start3A_206 = tpu.memref_squeeze %dma_start3A_205 : memref<1x128x128xf32, #tpu.memory_space<vmem>> -> memref<128x128xf32, #tpu.memory_space<vmem>>
      %dma_start3A_207 = arith.constant 0 : i32
      %dma_start3A_208 = tpu.memref_slice %arg7[%dma_start3A_201, %dma_start3A_207] : memref<8x128xi32, #tpu.memory_space<vmem>> -> memref<1x128xi32, #tpu.memory_space<vmem>>
      %dma_start3A_209 = tpu.memref_squeeze %dma_start3A_208 : memref<1x128xi32, #tpu.memory_space<vmem>> -> memref<128xi32, #tpu.memory_space<vmem>>
      %dma_start3A_210 = arith.constant 0 : i32
      %dma_start3A_211 = arith.constant 0 : i32
      %dma_start3A_212 = tpu.memref_slice %arg2[%dma_start3A_210, %dma_start3A_211] : memref<20000x128xf32, #tpu.memory_space<hbm>> -> memref<20000x128xf32, #tpu.memory_space<hbm>>
      tpu.enqueue_indirect_dma source(%dma_start3A_212 : memref<20000x128xf32, #tpu.memory_space<hbm>>) target(%dma_start3A_206 : memref<128x128xf32, #tpu.memory_space<vmem>>) offsets(%dma_start3A_209 : memref<128xi32, #tpu.memory_space<vmem>>) semaphore(%arg11 : memref<!tpu.dma_semaphore, #tpu.memory_space<semaphore_mem>>)
      %run_scoped3A_213 = arith.constant 0 : i32
      %run_scoped3A_214 = arith.constant 6 : i32
      "tpu.region"() ({
        %run_scoped3A_229 = tpu.sem_alloc : memref<!tpu.dma_semaphore, #tpu.memory_space<semaphore_mem>>
        %dma_start3A_230 = arith.constant 0 : i32
        %dma_start3A_231 = arith.constant 0 : i32
        %dma_start3A_232 = tpu.memref_slice %arg9[%run_scoped3A_213, %dma_start3A_230, %dma_start3A_231] : memref<2x128x128xf32, #tpu.memory_space<vmem>> -> memref<1x128x128xf32, #tpu.memory_space<vmem>>
        %dma_start3A_233 = tpu.memref_squeeze %dma_start3A_232 : memref<1x128x128xf32, #tpu.memory_space<vmem>> -> memref<128x128xf32, #tpu.memory_space<vmem>>
        %dma_start3A_234 = arith.constant 0 : i32
        %dma_start3A_235 = tpu.memref_slice %arg8[%run_scoped3A_214, %dma_start3A_234] : memref<8x128xi32, #tpu.memory_space<vmem>> -> memref<1x128xi32, #tpu.memory_space<vmem>>
        %dma_start3A_236 = tpu.memref_squeeze %dma_start3A_235 : memref<1x128xi32, #tpu.memory_space<vmem>> -> memref<128xi32, #tpu.memory_space<vmem>>
        %dma_start3A_237 = arith.constant 0 : i32
        %dma_start3A_238 = arith.constant 0 : i32
        %dma_start3A_239 = tpu.memref_slice %arg10[%dma_start3A_237, %dma_start3A_238] : memref<10112x128xf32, #tpu.memory_space<vmem_shared>> -> memref<10112x128xf32, #tpu.memory_space<vmem_shared>>
        tpu.enqueue_indirect_dma source(%dma_start3A_233 : memref<128x128xf32, #tpu.memory_space<vmem>>) target(%dma_start3A_239 : memref<10112x128xf32, #tpu.memory_space<vmem_shared>>) offsets(%dma_start3A_236 : memref<128xi32, #tpu.memory_space<vmem>>) semaphore(%run_scoped3A_229 : memref<!tpu.dma_semaphore, #tpu.memory_space<semaphore_mem>>) {add = true}
        %dma_wait3A_240 = arith.constant 0 : i32
        %dma_wait3A_241 = arith.constant 0 : i32
        %dma_wait3A_242 = tpu.memref_slice %arg9[%run_scoped3A_213, %dma_wait3A_240, %dma_wait3A_241] : memref<2x128x128xf32, #tpu.memory_space<vmem>> -> memref<1x128x128xf32, #tpu.memory_space<vmem>>
        %dma_wait3A_243 = tpu.memref_squeeze %dma_wait3A_242 : memref<1x128x128xf32, #tpu.memory_space<vmem>> -> memref<128x128xf32, #tpu.memory_space<vmem>>
        %dma_wait3A_244 = arith.constant 0 : i32
        %dma_wait3A_245 = tpu.memref_slice %arg8[%run_scoped3A_214, %dma_wait3A_244] : memref<8x128xi32, #tpu.memory_space<vmem>> -> memref<1x128xi32, #tpu.memory_space<vmem>>
        %dma_wait3A_246 = tpu.memref_squeeze %dma_wait3A_245 : memref<1x128xi32, #tpu.memory_space<vmem>> -> memref<128xi32, #tpu.memory_space<vmem>>
        %dma_wait3A_247 = arith.constant 0 : i32
        %dma_wait3A_248 = arith.constant 0 : i32
        %dma_wait3A_249 = tpu.memref_slice %arg10[%dma_wait3A_247, %dma_wait3A_248] : memref<10112x128xf32, #tpu.memory_space<vmem_shared>> -> memref<10112x128xf32, #tpu.memory_space<vmem_shared>>
        tpu.wait_indirect_dma semaphore(%run_scoped3A_229 : memref<!tpu.dma_semaphore, #tpu.memory_space<semaphore_mem>>) src(%dma_wait3A_243 : memref<128x128xf32, #tpu.memory_space<vmem>>) dst(%dma_wait3A_249 : memref<10112x128xf32, #tpu.memory_space<vmem_shared>>)
        tpu.yield
      }) : () -> ()
      %dma_wait3A_215 = arith.constant 7 : i32
      %dma_wait3A_216 = arith.constant 1 : i32
      %dma_wait3A_217 = arith.constant 0 : i32
      %dma_wait3A_218 = arith.constant 0 : i32
      %dma_wait3A_219 = tpu.memref_slice %arg9[%dma_wait3A_216, %dma_wait3A_217, %dma_wait3A_218] : memref<2x128x128xf32, #tpu.memory_space<vmem>> -> memref<1x128x128xf32, #tpu.memory_space<vmem>>
      %dma_wait3A_220 = tpu.memref_squeeze %dma_wait3A_219 : memref<1x128x128xf32, #tpu.memory_space<vmem>> -> memref<128x128xf32, #tpu.memory_space<vmem>>
      %dma_wait3A_221 = arith.constant 0 : i32
      %dma_wait3A_222 = tpu.memref_slice %arg7[%dma_wait3A_215, %dma_wait3A_221] : memref<8x128xi32, #tpu.memory_space<vmem>> -> memref<1x128xi32, #tpu.memory_space<vmem>>
      %dma_wait3A_223 = tpu.memref_squeeze %dma_wait3A_222 : memref<1x128xi32, #tpu.memory_space<vmem>> -> memref<128xi32, #tpu.memory_space<vmem>>
      %dma_wait3A_224 = arith.constant 0 : i32
      %dma_wait3A_225 = arith.constant 0 : i32
      %dma_wait3A_226 = tpu.memref_slice %arg2[%dma_wait3A_224, %dma_wait3A_225] : memref<20000x128xf32, #tpu.memory_space<hbm>> -> memref<20000x128xf32, #tpu.memory_space<hbm>>
      tpu.wait_indirect_dma semaphore(%arg11 : memref<!tpu.dma_semaphore, #tpu.memory_space<semaphore_mem>>) src(%dma_wait3A_226 : memref<20000x128xf32, #tpu.memory_space<hbm>>) dst(%dma_wait3A_220 : memref<128x128xf32, #tpu.memory_space<vmem>>)
      %run_scoped3A_227 = arith.constant 1 : i32
      %run_scoped3A_228 = arith.constant 7 : i32
      "tpu.region"() ({
        %run_scoped3A_229 = tpu.sem_alloc : memref<!tpu.dma_semaphore, #tpu.memory_space<semaphore_mem>>
        %dma_start3A_230 = arith.constant 0 : i32
        %dma_start3A_231 = arith.constant 0 : i32
        %dma_start3A_232 = tpu.memref_slice %arg9[%run_scoped3A_227, %dma_start3A_230, %dma_start3A_231] : memref<2x128x128xf32, #tpu.memory_space<vmem>> -> memref<1x128x128xf32, #tpu.memory_space<vmem>>
        %dma_start3A_233 = tpu.memref_squeeze %dma_start3A_232 : memref<1x128x128xf32, #tpu.memory_space<vmem>> -> memref<128x128xf32, #tpu.memory_space<vmem>>
        %dma_start3A_234 = arith.constant 0 : i32
        %dma_start3A_235 = tpu.memref_slice %arg8[%run_scoped3A_228, %dma_start3A_234] : memref<8x128xi32, #tpu.memory_space<vmem>> -> memref<1x128xi32, #tpu.memory_space<vmem>>
        %dma_start3A_236 = tpu.memref_squeeze %dma_start3A_235 : memref<1x128xi32, #tpu.memory_space<vmem>> -> memref<128xi32, #tpu.memory_space<vmem>>
        %dma_start3A_237 = arith.constant 0 : i32
        %dma_start3A_238 = arith.constant 0 : i32
        %dma_start3A_239 = tpu.memref_slice %arg10[%dma_start3A_237, %dma_start3A_238] : memref<10112x128xf32, #tpu.memory_space<vmem_shared>> -> memref<10112x128xf32, #tpu.memory_space<vmem_shared>>
        tpu.enqueue_indirect_dma source(%dma_start3A_233 : memref<128x128xf32, #tpu.memory_space<vmem>>) target(%dma_start3A_239 : memref<10112x128xf32, #tpu.memory_space<vmem_shared>>) offsets(%dma_start3A_236 : memref<128xi32, #tpu.memory_space<vmem>>) semaphore(%run_scoped3A_229 : memref<!tpu.dma_semaphore, #tpu.memory_space<semaphore_mem>>) {add = true}
        %dma_wait3A_240 = arith.constant 0 : i32
        %dma_wait3A_241 = arith.constant 0 : i32
        %dma_wait3A_242 = tpu.memref_slice %arg9[%run_scoped3A_227, %dma_wait3A_240, %dma_wait3A_241] : memref<2x128x128xf32, #tpu.memory_space<vmem>> -> memref<1x128x128xf32, #tpu.memory_space<vmem>>
        %dma_wait3A_243 = tpu.memref_squeeze %dma_wait3A_242 : memref<1x128x128xf32, #tpu.memory_space<vmem>> -> memref<128x128xf32, #tpu.memory_space<vmem>>
        %dma_wait3A_244 = arith.constant 0 : i32
        %dma_wait3A_245 = tpu.memref_slice %arg8[%run_scoped3A_228, %dma_wait3A_244] : memref<8x128xi32, #tpu.memory_space<vmem>> -> memref<1x128xi32, #tpu.memory_space<vmem>>
        %dma_wait3A_246 = tpu.memref_squeeze %dma_wait3A_245 : memref<1x128xi32, #tpu.memory_space<vmem>> -> memref<128xi32, #tpu.memory_space<vmem>>
        %dma_wait3A_247 = arith.constant 0 : i32
        %dma_wait3A_248 = arith.constant 0 : i32
        %dma_wait3A_249 = tpu.memref_slice %arg10[%dma_wait3A_247, %dma_wait3A_248] : memref<10112x128xf32, #tpu.memory_space<vmem_shared>> -> memref<10112x128xf32, #tpu.memory_space<vmem_shared>>
        tpu.wait_indirect_dma semaphore(%run_scoped3A_229 : memref<!tpu.dma_semaphore, #tpu.memory_space<semaphore_mem>>) src(%dma_wait3A_243 : memref<128x128xf32, #tpu.memory_space<vmem>>) dst(%dma_wait3A_249 : memref<10112x128xf32, #tpu.memory_space<vmem_shared>>)
        tpu.yield
      }) : () -> ()
    }
    %scan3A_9 = arith.constant 18 : i32
    %barrier3A_10 = arith.constant 0 : index
    tpu.barrier barrier_id(%barrier3A_10)
    %lt3A = arith.constant 10 : i32
    %lt3A_11 = arith.cmpi slt, %arg1, %lt3A : i32
    %convert_element_type3A = arith.extui %lt3A_11 : i1 to i32
    %cond3A = arith.constant 0 : i32
    %cond3A_12 = arith.cmpi ne, %convert_element_type3A, %cond3A : i32
    scf.if %cond3A_12 {
      %mul3A_13 = arith.constant 1000 : i32
      %mul3A_14 = arith.muli %arg1, %mul3A_13 : i32
      %mul3A_15 = arith.constant 10000 : i32
      %mul3A_16 = arith.muli %arg0, %mul3A_15 : i32
      %mul3A_17 = arith.constant 1000 : i32
      %mul3A_18 = arith.muli %arg1, %mul3A_17 : i32
      %add3A = arith.addi %mul3A_16, %mul3A_18 : i32
      "tpu.region"() ({
        %run_scoped3A = tpu.sem_alloc : memref<!tpu.dma_semaphore, #tpu.memory_space<semaphore_mem>>
        %dma_start3A = arith.constant 0 : i32
        %dma_start3A_19 = tpu.memref_slice %arg6[%add3A, %dma_start3A] : memref<20000x128xf32, #tpu.memory_space<hbm>> -> memref<1000x128xf32, #tpu.memory_space<hbm>>
        %dma_start3A_20 = arith.constant 0 : i32
        %dma_start3A_21 = tpu.memref_slice %arg10[%mul3A_14, %dma_start3A_20] : memref<10112x128xf32, #tpu.memory_space<vmem_shared>> -> memref<1000x128xf32, #tpu.memory_space<vmem_shared>>
        tpu.enqueue_dma source(%dma_start3A_21 : memref<1000x128xf32, #tpu.memory_space<vmem_shared>>) target(%dma_start3A_19 : memref<1000x128xf32, #tpu.memory_space<hbm>>) target_semaphore(%run_scoped3A : memref<!tpu.dma_semaphore, #tpu.memory_space<semaphore_mem>>)
        %dma_wait3A = arith.constant 0 : i32
        %dma_wait3A_22 = tpu.memref_slice %arg6[%add3A, %dma_wait3A] : memref<20000x128xf32, #tpu.memory_space<hbm>> -> memref<1000x128xf32, #tpu.memory_space<hbm>>
        %dma_wait3A_23 = arith.constant 0 : i32
        %dma_wait3A_24 = tpu.memref_slice %arg10[%mul3A_14, %dma_wait3A_23] : memref<10112x128xf32, #tpu.memory_space<vmem_shared>> -> memref<1000x128xf32, #tpu.memory_space<vmem_shared>>
        tpu.wait_dma2 semaphore(%run_scoped3A : memref<!tpu.dma_semaphore, #tpu.memory_space<semaphore_mem>>) src(%dma_wait3A_24 : memref<1000x128xf32, #tpu.memory_space<vmem_shared>>) dst(%dma_wait3A_22 : memref<1000x128xf32, #tpu.memory_space<hbm>>)
        tpu.yield
      }) : () -> ()
    } else {
    }
    return
  }
}

#map = affine_map<(d0, d1) -> (0, 0)>
module attributes {stable_mosaic.version = 14 : i64} {
  func.func @sc_kernel(%arg0: i32, %arg1: i32, %arg2: memref<20000x128xf32, #tpu.memory_space<hbm>>, %arg3: memref<2304x128xi32, #tpu.memory_space<hbm>>, %arg4: memref<2304x128xi32, #tpu.memory_space<hbm>>, %arg5: memref<10112x128xf32, #tpu.memory_space<hbm>>, %arg6: memref<20000x128xf32, #tpu.memory_space<hbm>>, %arg7: memref<8x128xi32, #tpu.memory_space<vmem>>, %arg8: memref<8x128xi32, #tpu.memory_space<vmem>>, %arg9: memref<2x128x128xf32, #tpu.memory_space<vmem>>, %arg10: memref<10112x128xf32, #tpu.memory_space<vmem_shared>>, %arg11: memref<!tpu.dma_semaphore, #tpu.memory_space<semaphore_mem>>) attributes {dimension_semantics = [#tpu.dimension_semantics<core_parallel>, #tpu.dimension_semantics<subcore_parallel>], iteration_bounds = array<i64: 2, 16>, scalar_prefetch = 0 : i64, scratch_operands = 5 : i64, tpu.core_type = #tpu.core_type<sc_vector_subcore>, window_params = [{transform_indices = #map}, {transform_indices = #map}, {transform_indices = #map}, {transform_indices = #map}, {transform_indices = #map}]} {
    %mul3A = arith.constant 10000 : i32
    %mul3A_0 = arith.muli %arg0, %mul3A : i32
    %mul3A_1 = arith.constant 632 : i32
    %mul3A_2 = arith.muli %arg1, %mul3A_1 : i32
    %mul3A_3 = arith.constant 632 : i32
    %mul3A_4 = arith.muli %arg1, %mul3A_3 : i32
    "tpu.region"() ({
      %run_scoped3A = tpu.sem_alloc : memref<!tpu.dma_semaphore, #tpu.memory_space<semaphore_mem>>
      %dma_start3A = arith.constant 0 : i32
      %dma_start3A_13 = tpu.memref_slice %arg10[%mul3A_4, %dma_start3A] : memref<10112x128xf32, #tpu.memory_space<vmem_shared>> -> memref<632x128xf32, #tpu.memory_space<vmem_shared>>
      %dma_start3A_14 = arith.constant 0 : i32
      %dma_start3A_15 = tpu.memref_slice %arg5[%mul3A_2, %dma_start3A_14] : memref<10112x128xf32, #tpu.memory_space<hbm>> -> memref<632x128xf32, #tpu.memory_space<hbm>>
      tpu.enqueue_dma source(%dma_start3A_15 : memref<632x128xf32, #tpu.memory_space<hbm>>) target(%dma_start3A_13 : memref<632x128xf32, #tpu.memory_space<vmem_shared>>) target_semaphore(%run_scoped3A : memref<!tpu.dma_semaphore, #tpu.memory_space<semaphore_mem>>)
      %dma_wait3A = arith.constant 0 : i32
      %dma_wait3A_16 = tpu.memref_slice %arg10[%mul3A_4, %dma_wait3A] : memref<10112x128xf32, #tpu.memory_space<vmem_shared>> -> memref<632x128xf32, #tpu.memory_space<vmem_shared>>
      %dma_wait3A_17 = arith.constant 0 : i32
      %dma_wait3A_18 = tpu.memref_slice %arg5[%mul3A_2, %dma_wait3A_17] : memref<10112x128xf32, #tpu.memory_space<hbm>> -> memref<632x128xf32, #tpu.memory_space<hbm>>
      tpu.wait_dma2 semaphore(%run_scoped3A : memref<!tpu.dma_semaphore, #tpu.memory_space<semaphore_mem>>) src(%dma_wait3A_18 : memref<632x128xf32, #tpu.memory_space<hbm>>) dst(%dma_wait3A_16 : memref<632x128xf32, #tpu.memory_space<vmem_shared>>)
      tpu.yield
    }) : () -> ()
    %barrier3A = arith.constant 0 : index
    tpu.barrier barrier_id(%barrier3A)
    %scan3A = arith.constant 0 : i32
    %scan3A_5 = arith.constant 0 : i32
    %scan3A_6 = arith.constant 18 : i32
    %scan3A_7 = arith.addi %scan3A_5, %scan3A_6 : i32
    %scan3A_8 = arith.constant 1 : i32
    scf.for %scan3A_13 = %scan3A_5 to %scan3A_7 step %scan3A_8  : i32 {
      %mul3A_14 = arith.constant 144 : i32
      %mul3A_15 = arith.muli %arg1, %mul3A_14 : i32
      %mul3A_16 = arith.constant 8 : i32
      %mul3A_17 = arith.muli %scan3A_13, %mul3A_16 : i32
      %add3A = arith.addi %mul3A_15, %mul3A_17 : i32
      "tpu.region"() ({
        %run_scoped3A_229 = tpu.sem_alloc : memref<!tpu.dma_semaphore, #tpu.memory_space<semaphore_mem>>
        %dma_start3A_230 = arith.constant 0 : i32
        %dma_start3A_231 = tpu.memref_slice %arg3[%add3A, %dma_start3A_230] : memref<2304x128xi32, #tpu.memory_space<hbm>> -> memref<8x128xi32, #tpu.memory_space<hbm>>
        %dma_start3A_232 = arith.constant 0 : i32
        %dma_start3A_233 = tpu.memref_slice %arg3[%add3A, %dma_start3A_232] : memref<2304x128xi32, #tpu.memory_space<hbm>> -> memref<8x128xi32, #tpu.memory_space<hbm>>
        tpu.enqueue_dma source(%dma_start3A_233 : memref<8x128xi32, #tpu.memory_space<hbm>>) target(%arg7 : memref<8x128xi32, #tpu.memory_space<vmem>>) target_semaphore(%run_scoped3A_229 : memref<!tpu.dma_semaphore, #tpu.memory_space<semaphore_mem>>)
        %dma_wait3A_234 = arith.constant 0 : i32
        %dma_wait3A_235 = tpu.memref_slice %arg3[%add3A, %dma_wait3A_234] : memref<2304x128xi32, #tpu.memory_space<hbm>> -> memref<8x128xi32, #tpu.memory_space<hbm>>
        %dma_wait3A_236 = arith.constant 0 : i32
        %dma_wait3A_237 = tpu.memref_slice %arg3[%add3A, %dma_wait3A_236] : memref<2304x128xi32, #tpu.memory_space<hbm>> -> memref<8x128xi32, #tpu.memory_space<hbm>>
        tpu.wait_dma2 semaphore(%run_scoped3A_229 : memref<!tpu.dma_semaphore, #tpu.memory_space<semaphore_mem>>) src(%dma_wait3A_237 : memref<8x128xi32, #tpu.memory_space<hbm>>) dst(%arg7 : memref<8x128xi32, #tpu.memory_space<vmem>>)
        tpu.yield
      }) : () -> ()
      "tpu.region"() ({
        %run_scoped3A_229 = tpu.sem_alloc : memref<!tpu.dma_semaphore, #tpu.memory_space<semaphore_mem>>
        %dma_start3A_230 = arith.constant 0 : i32
        %dma_start3A_231 = tpu.memref_slice %arg4[%add3A, %dma_start3A_230] : memref<2304x128xi32, #tpu.memory_space<hbm>> -> memref<8x128xi32, #tpu.memory_space<hbm>>
        %dma_start3A_232 = arith.constant 0 : i32
        %dma_start3A_233 = tpu.memref_slice %arg4[%add3A, %dma_start3A_232] : memref<2304x128xi32, #tpu.memory_space<hbm>> -> memref<8x128xi32, #tpu.memory_space<hbm>>
        tpu.enqueue_dma source(%dma_start3A_233 : memref<8x128xi32, #tpu.memory_space<hbm>>) target(%arg8 : memref<8x128xi32, #tpu.memory_space<vmem>>) target_semaphore(%run_scoped3A_229 : memref<!tpu.dma_semaphore, #tpu.memory_space<semaphore_mem>>)
        %dma_wait3A_234 = arith.constant 0 : i32
        %dma_wait3A_235 = tpu.memref_slice %arg4[%add3A, %dma_wait3A_234] : memref<2304x128xi32, #tpu.memory_space<hbm>> -> memref<8x128xi32, #tpu.memory_space<hbm>>
        %dma_wait3A_236 = arith.constant 0 : i32
        %dma_wait3A_237 = tpu.memref_slice %arg4[%add3A, %dma_wait3A_236] : memref<2304x128xi32, #tpu.memory_space<hbm>> -> memref<8x128xi32, #tpu.memory_space<hbm>>
        tpu.wait_dma2 semaphore(%run_scoped3A_229 : memref<!tpu.dma_semaphore, #tpu.memory_space<semaphore_mem>>) src(%dma_wait3A_237 : memref<8x128xi32, #tpu.memory_space<hbm>>) dst(%arg8 : memref<8x128xi32, #tpu.memory_space<vmem>>)
        tpu.yield
      }) : () -> ()
      %scan3A_18 = arith.constant 0 : i32
      %scan3A_19 = arith.constant 0 : i32
      %scan3A_20 = arith.constant 8 : i32
      %scan3A_21 = arith.addi %scan3A_19, %scan3A_20 : i32
      %scan3A_22 = arith.constant 1 : i32
      scf.for %scan3A_229 = %scan3A_19 to %scan3A_21 step %scan3A_22  : i32 {
        %get3A = arith.index_cast %scan3A_229 : i32 to index
        %get3A_230 = arith.constant 0 : index
        %get3A_231 = tpu.vector_load %arg7[%get3A, %get3A_230] {strides = array<i32>} : memref<8x128xi32, #tpu.memory_space<vmem>>, vector<1x16xi32>,
        %get3A_232 = vector.shape_cast %get3A_231 : vector<1x16xi32> to vector<16xi32>
        %add3A_233 = vector.broadcast %mul3A_0 : i32 to vector<16xi32>
        %add3A_234 = arith.addi %get3A_232, %add3A_233 : vector<16xi32>
        %swap3A = arith.index_cast %scan3A_229 : i32 to index
        %swap3A_235 = arith.constant 0 : index
        %swap3A_236 = tpu.vector_load %arg7[%swap3A, %swap3A_235] {strides = array<i32>} : memref<8x128xi32, #tpu.memory_space<vmem>>, vector<1x16xi32>,
        %swap3A_237 = vector.shape_cast %swap3A_236 : vector<1x16xi32> to vector<16xi32>
        %swap3A_238 = vector.shape_cast %add3A_234 : vector<16xi32> to vector<1x16xi32>
        tpu.vector_store %arg7[%swap3A, %swap3A_235], %swap3A_238 {strides = array<i32>} : memref<8x128xi32, #tpu.memory_space<vmem>>, vector<1x16xi32>,
        %get3A_239 = arith.index_cast %scan3A_229 : i32 to index
        %get3A_240 = arith.constant 16 : index
        %get3A_241 = tpu.vector_load %arg7[%get3A_239, %get3A_240] {strides = array<i32>} : memref<8x128xi32, #tpu.memory_space<vmem>>, vector<1x16xi32>,
        %get3A_242 = vector.shape_cast %get3A_241 : vector<1x16xi32> to vector<16xi32>
        %add3A_243 = vector.broadcast %mul3A_0 : i32 to vector<16xi32>
        %add3A_244 = arith.addi %get3A_242, %add3A_243 : vector<16xi32>
        %swap3A_245 = arith.index_cast %scan3A_229 : i32 to index
        %swap3A_246 = arith.constant 16 : index
        %swap3A_247 = tpu.vector_load %arg7[%swap3A_245, %swap3A_246] {strides = array<i32>} : memref<8x128xi32, #tpu.memory_space<vmem>>, vector<1x16xi32>,
        %swap3A_248 = vector.shape_cast %swap3A_247 : vector<1x16xi32> to vector<16xi32>
        %swap3A_249 = vector.shape_cast %add3A_244 : vector<16xi32> to vector<1x16xi32>
        tpu.vector_store %arg7[%swap3A_245, %swap3A_246], %swap3A_249 {strides = array<i32>} : memref<8x128xi32, #tpu.memory_space<vmem>>, vector<1x16xi32>,
        %get3A_250 = arith.index_cast %scan3A_229 : i32 to index
        %get3A_251 = arith.constant 32 : index
        %get3A_252 = tpu.vector_load %arg7[%get3A_250, %get3A_251] {strides = array<i32>} : memref<8x128xi32, #tpu.memory_space<vmem>>, vector<1x16xi32>,
        %get3A_253 = vector.shape_cast %get3A_252 : vector<1x16xi32> to vector<16xi32>
        %add3A_254 = vector.broadcast %mul3A_0 : i32 to vector<16xi32>
        %add3A_255 = arith.addi %get3A_253, %add3A_254 : vector<16xi32>
        %swap3A_256 = arith.index_cast %scan3A_229 : i32 to index
        %swap3A_257 = arith.constant 32 : index
        %swap3A_258 = tpu.vector_load %arg7[%swap3A_256, %swap3A_257] {strides = array<i32>} : memref<8x128xi32, #tpu.memory_space<vmem>>, vector<1x16xi32>,
        %swap3A_259 = vector.shape_cast %swap3A_258 : vector<1x16xi32> to vector<16xi32>
        %swap3A_260 = vector.shape_cast %add3A_255 : vector<16xi32> to vector<1x16xi32>
        tpu.vector_store %arg7[%swap3A_256, %swap3A_257], %swap3A_260 {strides = array<i32>} : memref<8x128xi32, #tpu.memory_space<vmem>>, vector<1x16xi32>,
        %get3A_261 = arith.index_cast %scan3A_229 : i32 to index
        %get3A_262 = arith.constant 48 : index
        %get3A_263 = tpu.vector_load %arg7[%get3A_261, %get3A_262] {strides = array<i32>} : memref<8x128xi32, #tpu.memory_space<vmem>>, vector<1x16xi32>,
        %get3A_264 = vector.shape_cast %get3A_263 : vector<1x16xi32> to vector<16xi32>
        %add3A_265 = vector.broadcast %mul3A_0 : i32 to vector<16xi32>
        %add3A_266 = arith.addi %get3A_264, %add3A_265 : vector<16xi32>
        %swap3A_267 = arith.index_cast %scan3A_229 : i32 to index
        %swap3A_268 = arith.constant 48 : index
        %swap3A_269 = tpu.vector_load %arg7[%swap3A_267, %swap3A_268] {strides = array<i32>} : memref<8x128xi32, #tpu.memory_space<vmem>>, vector<1x16xi32>,
        %swap3A_270 = vector.shape_cast %swap3A_269 : vector<1x16xi32> to vector<16xi32>
        %swap3A_271 = vector.shape_cast %add3A_266 : vector<16xi32> to vector<1x16xi32>
        tpu.vector_store %arg7[%swap3A_267, %swap3A_268], %swap3A_271 {strides = array<i32>} : memref<8x128xi32, #tpu.memory_space<vmem>>, vector<1x16xi32>,
        %get3A_272 = arith.index_cast %scan3A_229 : i32 to index
        %get3A_273 = arith.constant 64 : index
        %get3A_274 = tpu.vector_load %arg7[%get3A_272, %get3A_273] {strides = array<i32>} : memref<8x128xi32, #tpu.memory_space<vmem>>, vector<1x16xi32>,
        %get3A_275 = vector.shape_cast %get3A_274 : vector<1x16xi32> to vector<16xi32>
        %add3A_276 = vector.broadcast %mul3A_0 : i32 to vector<16xi32>
        %add3A_277 = arith.addi %get3A_275, %add3A_276 : vector<16xi32>
        %swap3A_278 = arith.index_cast %scan3A_229 : i32 to index
        %swap3A_279 = arith.constant 64 : index
        %swap3A_280 = tpu.vector_load %arg7[%swap3A_278, %swap3A_279] {strides = array<i32>} : memref<8x128xi32, #tpu.memory_space<vmem>>, vector<1x16xi32>,
        %swap3A_281 = vector.shape_cast %swap3A_280 : vector<1x16xi32> to vector<16xi32>
        %swap3A_282 = vector.shape_cast %add3A_277 : vector<16xi32> to vector<1x16xi32>
        tpu.vector_store %arg7[%swap3A_278, %swap3A_279], %swap3A_282 {strides = array<i32>} : memref<8x128xi32, #tpu.memory_space<vmem>>, vector<1x16xi32>,
        %get3A_283 = arith.index_cast %scan3A_229 : i32 to index
        %get3A_284 = arith.constant 80 : index
        %get3A_285 = tpu.vector_load %arg7[%get3A_283, %get3A_284] {strides = array<i32>} : memref<8x128xi32, #tpu.memory_space<vmem>>, vector<1x16xi32>,
        %get3A_286 = vector.shape_cast %get3A_285 : vector<1x16xi32> to vector<16xi32>
        %add3A_287 = vector.broadcast %mul3A_0 : i32 to vector<16xi32>
        %add3A_288 = arith.addi %get3A_286, %add3A_287 : vector<16xi32>
        %swap3A_289 = arith.index_cast %scan3A_229 : i32 to index
        %swap3A_290 = arith.constant 80 : index
        %swap3A_291 = tpu.vector_load %arg7[%swap3A_289, %swap3A_290] {strides = array<i32>} : memref<8x128xi32, #tpu.memory_space<vmem>>, vector<1x16xi32>,
        %swap3A_292 = vector.shape_cast %swap3A_291 : vector<1x16xi32> to vector<16xi32>
        %swap3A_293 = vector.shape_cast %add3A_288 : vector<16xi32> to vector<1x16xi32>
        tpu.vector_store %arg7[%swap3A_289, %swap3A_290], %swap3A_293 {strides = array<i32>} : memref<8x128xi32, #tpu.memory_space<vmem>>, vector<1x16xi32>,
        %get3A_294 = arith.index_cast %scan3A_229 : i32 to index
        %get3A_295 = arith.constant 96 : index
        %get3A_296 = tpu.vector_load %arg7[%get3A_294, %get3A_295] {strides = array<i32>} : memref<8x128xi32, #tpu.memory_space<vmem>>, vector<1x16xi32>,
        %get3A_297 = vector.shape_cast %get3A_296 : vector<1x16xi32> to vector<16xi32>
        %add3A_298 = vector.broadcast %mul3A_0 : i32 to vector<16xi32>
        %add3A_299 = arith.addi %get3A_297, %add3A_298 : vector<16xi32>
        %swap3A_300 = arith.index_cast %scan3A_229 : i32 to index
        %swap3A_301 = arith.constant 96 : index
        %swap3A_302 = tpu.vector_load %arg7[%swap3A_300, %swap3A_301] {strides = array<i32>} : memref<8x128xi32, #tpu.memory_space<vmem>>, vector<1x16xi32>,
        %swap3A_303 = vector.shape_cast %swap3A_302 : vector<1x16xi32> to vector<16xi32>
        %swap3A_304 = vector.shape_cast %add3A_299 : vector<16xi32> to vector<1x16xi32>
        tpu.vector_store %arg7[%swap3A_300, %swap3A_301], %swap3A_304 {strides = array<i32>} : memref<8x128xi32, #tpu.memory_space<vmem>>, vector<1x16xi32>,
        %get3A_305 = arith.index_cast %scan3A_229 : i32 to index
        %get3A_306 = arith.constant 112 : index
        %get3A_307 = tpu.vector_load %arg7[%get3A_305, %get3A_306] {strides = array<i32>} : memref<8x128xi32, #tpu.memory_space<vmem>>, vector<1x16xi32>,
        %get3A_308 = vector.shape_cast %get3A_307 : vector<1x16xi32> to vector<16xi32>
        %add3A_309 = vector.broadcast %mul3A_0 : i32 to vector<16xi32>
        %add3A_310 = arith.addi %get3A_308, %add3A_309 : vector<16xi32>
        %swap3A_311 = arith.index_cast %scan3A_229 : i32 to index
        %swap3A_312 = arith.constant 112 : index
        %swap3A_313 = tpu.vector_load %arg7[%swap3A_311, %swap3A_312] {strides = array<i32>} : memref<8x128xi32, #tpu.memory_space<vmem>>, vector<1x16xi32>,
        %swap3A_314 = vector.shape_cast %swap3A_313 : vector<1x16xi32> to vector<16xi32>
        %swap3A_315 = vector.shape_cast %add3A_310 : vector<16xi32> to vector<1x16xi32>
        tpu.vector_store %arg7[%swap3A_311, %swap3A_312], %swap3A_315 {strides = array<i32>} : memref<8x128xi32, #tpu.memory_space<vmem>>, vector<1x16xi32>,
      }
      %scan3A_23 = arith.constant 8 : i32
      %dma_start3A = arith.constant 0 : i32
      %dma_start3A_24 = arith.constant 0 : i32
      %dma_start3A_25 = arith.constant 0 : i32
      %dma_start3A_26 = arith.constant 0 : i32
      %dma_start3A_27 = tpu.memref_slice %arg9[%dma_start3A_24, %dma_start3A_25, %dma_start3A_26] : memref<2x128x128xf32, #tpu.memory_space<vmem>> -> memref<1x128x128xf32, #tpu.memory_space<vmem>>
      %dma_start3A_28 = tpu.memref_squeeze %dma_start3A_27 : memref<1x128x128xf32, #tpu.memory_space<vmem>> -> memref<128x128xf32, #tpu.memory_space<vmem>>
      %dma_start3A_29 = arith.constant 0 : i32
      %dma_start3A_30 = tpu.memref_slice %arg7[%dma_start3A, %dma_start3A_29] : memref<8x128xi32, #tpu.memory_space<vmem>> -> memref<1x128xi32, #tpu.memory_space<vmem>>
      %dma_start3A_31 = tpu.memref_squeeze %dma_start3A_30 : memref<1x128xi32, #tpu.memory_space<vmem>> -> memref<128xi32, #tpu.memory_space<vmem>>
      %dma_start3A_32 = arith.constant 0 : i32
      %dma_start3A_33 = arith.constant 0 : i32
      %dma_start3A_34 = tpu.memref_slice %arg2[%dma_start3A_32, %dma_start3A_33] : memref<20000x128xf32, #tpu.memory_space<hbm>> -> memref<20000x128xf32, #tpu.memory_space<hbm>>
      tpu.enqueue_indirect_dma source(%dma_start3A_34 : memref<20000x128xf32, #tpu.memory_space<hbm>>) target(%dma_start3A_28 : memref<128x128xf32, #tpu.memory_space<vmem>>) offsets(%dma_start3A_31 : memref<128xi32, #tpu.memory_space<vmem>>) semaphore(%arg11 : memref<!tpu.dma_semaphore, #tpu.memory_space<semaphore_mem>>)
      %dma_wait3A = arith.constant 0 : i32
      %dma_wait3A_35 = arith.constant 0 : i32
      %dma_wait3A_36 = arith.constant 0 : i32
      %dma_wait3A_37 = arith.constant 0 : i32
      %dma_wait3A_38 = tpu.memref_slice %arg9[%dma_wait3A_35, %dma_wait3A_36, %dma_wait3A_37] : memref<2x128x128xf32, #tpu.memory_space<vmem>> -> memref<1x128x128xf32, #tpu.memory_space<vmem>>
      %dma_wait3A_39 = tpu.memref_squeeze %dma_wait3A_38 : memref<1x128x128xf32, #tpu.memory_space<vmem>> -> memref<128x128xf32, #tpu.memory_space<vmem>>
      %dma_wait3A_40 = arith.constant 0 : i32
      %dma_wait3A_41 = tpu.memref_slice %arg7[%dma_wait3A, %dma_wait3A_40] : memref<8x128xi32, #tpu.memory_space<vmem>> -> memref<1x128xi32, #tpu.memory_space<vmem>>
      %dma_wait3A_42 = tpu.memref_squeeze %dma_wait3A_41 : memref<1x128xi32, #tpu.memory_space<vmem>> -> memref<128xi32, #tpu.memory_space<vmem>>
      %dma_wait3A_43 = arith.constant 0 : i32
      %dma_wait3A_44 = arith.constant 0 : i32
      %dma_wait3A_45 = tpu.memref_slice %arg2[%dma_wait3A_43, %dma_wait3A_44] : memref<20000x128xf32, #tpu.memory_space<hbm>> -> memref<20000x128xf32, #tpu.memory_space<hbm>>
      tpu.wait_indirect_dma semaphore(%arg11 : memref<!tpu.dma_semaphore, #tpu.memory_space<semaphore_mem>>) src(%dma_wait3A_45 : memref<20000x128xf32, #tpu.memory_space<hbm>>) dst(%dma_wait3A_39 : memref<128x128xf32, #tpu.memory_space<vmem>>)
      %dma_start3A_46 = arith.constant 1 : i32
      %dma_start3A_47 = arith.constant 1 : i32
      %dma_start3A_48 = arith.constant 0 : i32
      %dma_start3A_49 = arith.constant 0 : i32
      %dma_start3A_50 = tpu.memref_slice %arg9[%dma_start3A_47, %dma_start3A_48, %dma_start3A_49] : memref<2x128x128xf32, #tpu.memory_space<vmem>> -> memref<1x128x128xf32, #tpu.memory_space<vmem>>
      %dma_start3A_51 = tpu.memref_squeeze %dma_start3A_50 : memref<1x128x128xf32, #tpu.memory_space<vmem>> -> memref<128x128xf32, #tpu.memory_space<vmem>>
      %dma_start3A_52 = arith.constant 0 : i32
      %dma_start3A_53 = tpu.memref_slice %arg7[%dma_start3A_46, %dma_start3A_52] : memref<8x128xi32, #tpu.memory_space<vmem>> -> memref<1x128xi32, #tpu.memory_space<vmem>>
      %dma_start3A_54 = tpu.memref_squeeze %dma_start3A_53 : memref<1x128xi32, #tpu.memory_space<vmem>> -> memref<128xi32, #tpu.memory_space<vmem>>
      %dma_start3A_55 = arith.constant 0 : i32
      %dma_start3A_56 = arith.constant 0 : i32
      %dma_start3A_57 = tpu.memref_slice %arg2[%dma_start3A_55, %dma_start3A_56] : memref<20000x128xf32, #tpu.memory_space<hbm>> -> memref<20000x128xf32, #tpu.memory_space<hbm>>
      tpu.enqueue_indirect_dma source(%dma_start3A_57 : memref<20000x128xf32, #tpu.memory_space<hbm>>) target(%dma_start3A_51 : memref<128x128xf32, #tpu.memory_space<vmem>>) offsets(%dma_start3A_54 : memref<128xi32, #tpu.memory_space<vmem>>) semaphore(%arg11 : memref<!tpu.dma_semaphore, #tpu.memory_space<semaphore_mem>>)
      %run_scoped3A = arith.constant 0 : i32
      %run_scoped3A_58 = arith.constant 0 : i32
      "tpu.region"() ({
        %run_scoped3A_229 = tpu.sem_alloc : memref<!tpu.dma_semaphore, #tpu.memory_space<semaphore_mem>>
        %dma_start3A_230 = arith.constant 0 : i32
        %dma_start3A_231 = arith.constant 0 : i32
        %dma_start3A_232 = tpu.memref_slice %arg9[%run_scoped3A, %dma_start3A_230, %dma_start3A_231] : memref<2x128x128xf32, #tpu.memory_space<vmem>> -> memref<1x128x128xf32, #tpu.memory_space<vmem>>
        %dma_start3A_233 = tpu.memref_squeeze %dma_start3A_232 : memref<1x128x128xf32, #tpu.memory_space<vmem>> -> memref<128x128xf32, #tpu.memory_space<vmem>>
        %dma_start3A_234 = arith.constant 0 : i32
        %dma_start3A_235 = tpu.memref_slice %arg8[%run_scoped3A_58, %dma_start3A_234] : memref<8x128xi32, #tpu.memory_space<vmem>> -> memref<1x128xi32, #tpu.memory_space<vmem>>
        %dma_start3A_236 = tpu.memref_squeeze %dma_start3A_235 : memref<1x128xi32, #tpu.memory_space<vmem>> -> memref<128xi32, #tpu.memory_space<vmem>>
        %dma_start3A_237 = arith.constant 0 : i32
        %dma_start3A_238 = arith.constant 0 : i32
        %dma_start3A_239 = tpu.memref_slice %arg10[%dma_start3A_237, %dma_start3A_238] : memref<10112x128xf32, #tpu.memory_space<vmem_shared>> -> memref<10112x128xf32, #tpu.memory_space<vmem_shared>>
        tpu.enqueue_indirect_dma source(%dma_start3A_233 : memref<128x128xf32, #tpu.memory_space<vmem>>) target(%dma_start3A_239 : memref<10112x128xf32, #tpu.memory_space<vmem_shared>>) offsets(%dma_start3A_236 : memref<128xi32, #tpu.memory_space<vmem>>) semaphore(%run_scoped3A_229 : memref<!tpu.dma_semaphore, #tpu.memory_space<semaphore_mem>>) {add = true}
        %dma_wait3A_240 = arith.constant 0 : i32
        %dma_wait3A_241 = arith.constant 0 : i32
        %dma_wait3A_242 = tpu.memref_slice %arg9[%run_scoped3A, %dma_wait3A_240, %dma_wait3A_241] : memref<2x128x128xf32, #tpu.memory_space<vmem>> -> memref<1x128x128xf32, #tpu.memory_space<vmem>>
        %dma_wait3A_243 = tpu.memref_squeeze %dma_wait3A_242 : memref<1x128x128xf32, #tpu.memory_space<vmem>> -> memref<128x128xf32, #tpu.memory_space<vmem>>
        %dma_wait3A_244 = arith.constant 0 : i32
        %dma_wait3A_245 = tpu.memref_slice %arg8[%run_scoped3A_58, %dma_wait3A_244] : memref<8x128xi32, #tpu.memory_space<vmem>> -> memref<1x128xi32, #tpu.memory_space<vmem>>
        %dma_wait3A_246 = tpu.memref_squeeze %dma_wait3A_245 : memref<1x128xi32, #tpu.memory_space<vmem>> -> memref<128xi32, #tpu.memory_space<vmem>>
        %dma_wait3A_247 = arith.constant 0 : i32
        %dma_wait3A_248 = arith.constant 0 : i32
        %dma_wait3A_249 = tpu.memref_slice %arg10[%dma_wait3A_247, %dma_wait3A_248] : memref<10112x128xf32, #tpu.memory_space<vmem_shared>> -> memref<10112x128xf32, #tpu.memory_space<vmem_shared>>
        tpu.wait_indirect_dma semaphore(%run_scoped3A_229 : memref<!tpu.dma_semaphore, #tpu.memory_space<semaphore_mem>>) src(%dma_wait3A_243 : memref<128x128xf32, #tpu.memory_space<vmem>>) dst(%dma_wait3A_249 : memref<10112x128xf32, #tpu.memory_space<vmem_shared>>)
        tpu.yield
      }) : () -> ()
      %dma_wait3A_59 = arith.constant 1 : i32
      %dma_wait3A_60 = arith.constant 1 : i32
      %dma_wait3A_61 = arith.constant 0 : i32
      %dma_wait3A_62 = arith.constant 0 : i32
      %dma_wait3A_63 = tpu.memref_slice %arg9[%dma_wait3A_60, %dma_wait3A_61, %dma_wait3A_62] : memref<2x128x128xf32, #tpu.memory_space<vmem>> -> memref<1x128x128xf32, #tpu.memory_space<vmem>>
      %dma_wait3A_64 = tpu.memref_squeeze %dma_wait3A_63 : memref<1x128x128xf32, #tpu.memory_space<vmem>> -> memref<128x128xf32, #tpu.memory_space<vmem>>
      %dma_wait3A_65 = arith.constant 0 : i32
      %dma_wait3A_66 = tpu.memref_slice %arg7[%dma_wait3A_59, %dma_wait3A_65] : memref<8x128xi32, #tpu.memory_space<vmem>> -> memref<1x128xi32, #tpu.memory_space<vmem>>
      %dma_wait3A_67 = tpu.memref_squeeze %dma_wait3A_66 : memref<1x128xi32, #tpu.memory_space<vmem>> -> memref<128xi32, #tpu.memory_space<vmem>>
      %dma_wait3A_68 = arith.constant 0 : i32
      %dma_wait3A_69 = arith.constant 0 : i32
      %dma_wait3A_70 = tpu.memref_slice %arg2[%dma_wait3A_68, %dma_wait3A_69] : memref<20000x128xf32, #tpu.memory_space<hbm>> -> memref<20000x128xf32, #tpu.memory_space<hbm>>
      tpu.wait_indirect_dma semaphore(%arg11 : memref<!tpu.dma_semaphore, #tpu.memory_space<semaphore_mem>>) src(%dma_wait3A_70 : memref<20000x128xf32, #tpu.memory_space<hbm>>) dst(%dma_wait3A_64 : memref<128x128xf32, #tpu.memory_space<vmem>>)
      %dma_start3A_71 = arith.constant 2 : i32
      %dma_start3A_72 = arith.constant 0 : i32
      %dma_start3A_73 = arith.constant 0 : i32
      %dma_start3A_74 = arith.constant 0 : i32
      %dma_start3A_75 = tpu.memref_slice %arg9[%dma_start3A_72, %dma_start3A_73, %dma_start3A_74] : memref<2x128x128xf32, #tpu.memory_space<vmem>> -> memref<1x128x128xf32, #tpu.memory_space<vmem>>
      %dma_start3A_76 = tpu.memref_squeeze %dma_start3A_75 : memref<1x128x128xf32, #tpu.memory_space<vmem>> -> memref<128x128xf32, #tpu.memory_space<vmem>>
      %dma_start3A_77 = arith.constant 0 : i32
      %dma_start3A_78 = tpu.memref_slice %arg7[%dma_start3A_71, %dma_start3A_77] : memref<8x128xi32, #tpu.memory_space<vmem>> -> memref<1x128xi32, #tpu.memory_space<vmem>>
      %dma_start3A_79 = tpu.memref_squeeze %dma_start3A_78 : memref<1x128xi32, #tpu.memory_space<vmem>> -> memref<128xi32, #tpu.memory_space<vmem>>
      %dma_start3A_80 = arith.constant 0 : i32
      %dma_start3A_81 = arith.constant 0 : i32
      %dma_start3A_82 = tpu.memref_slice %arg2[%dma_start3A_80, %dma_start3A_81] : memref<20000x128xf32, #tpu.memory_space<hbm>> -> memref<20000x128xf32, #tpu.memory_space<hbm>>
      tpu.enqueue_indirect_dma source(%dma_start3A_82 : memref<20000x128xf32, #tpu.memory_space<hbm>>) target(%dma_start3A_76 : memref<128x128xf32, #tpu.memory_space<vmem>>) offsets(%dma_start3A_79 : memref<128xi32, #tpu.memory_space<vmem>>) semaphore(%arg11 : memref<!tpu.dma_semaphore, #tpu.memory_space<semaphore_mem>>)
      %run_scoped3A_83 = arith.constant 1 : i32
      %run_scoped3A_84 = arith.constant 1 : i32
      "tpu.region"() ({
        %run_scoped3A_229 = tpu.sem_alloc : memref<!tpu.dma_semaphore, #tpu.memory_space<semaphore_mem>>
        %dma_start3A_230 = arith.constant 0 : i32
        %dma_start3A_231 = arith.constant 0 : i32
        %dma_start3A_232 = tpu.memref_slice %arg9[%run_scoped3A_83, %dma_start3A_230, %dma_start3A_231] : memref<2x128x128xf32, #tpu.memory_space<vmem>> -> memref<1x128x128xf32, #tpu.memory_space<vmem>>
        %dma_start3A_233 = tpu.memref_squeeze %dma_start3A_232 : memref<1x128x128xf32, #tpu.memory_space<vmem>> -> memref<128x128xf32, #tpu.memory_space<vmem>>
        %dma_start3A_234 = arith.constant 0 : i32
        %dma_start3A_235 = tpu.memref_slice %arg8[%run_scoped3A_84, %dma_start3A_234] : memref<8x128xi32, #tpu.memory_space<vmem>> -> memref<1x128xi32, #tpu.memory_space<vmem>>
        %dma_start3A_236 = tpu.memref_squeeze %dma_start3A_235 : memref<1x128xi32, #tpu.memory_space<vmem>> -> memref<128xi32, #tpu.memory_space<vmem>>
        %dma_start3A_237 = arith.constant 0 : i32
        %dma_start3A_238 = arith.constant 0 : i32
        %dma_start3A_239 = tpu.memref_slice %arg10[%dma_start3A_237, %dma_start3A_238] : memref<10112x128xf32, #tpu.memory_space<vmem_shared>> -> memref<10112x128xf32, #tpu.memory_space<vmem_shared>>
        tpu.enqueue_indirect_dma source(%dma_start3A_233 : memref<128x128xf32, #tpu.memory_space<vmem>>) target(%dma_start3A_239 : memref<10112x128xf32, #tpu.memory_space<vmem_shared>>) offsets(%dma_start3A_236 : memref<128xi32, #tpu.memory_space<vmem>>) semaphore(%run_scoped3A_229 : memref<!tpu.dma_semaphore, #tpu.memory_space<semaphore_mem>>) {add = true}
        %dma_wait3A_240 = arith.constant 0 : i32
        %dma_wait3A_241 = arith.constant 0 : i32
        %dma_wait3A_242 = tpu.memref_slice %arg9[%run_scoped3A_83, %dma_wait3A_240, %dma_wait3A_241] : memref<2x128x128xf32, #tpu.memory_space<vmem>> -> memref<1x128x128xf32, #tpu.memory_space<vmem>>
        %dma_wait3A_243 = tpu.memref_squeeze %dma_wait3A_242 : memref<1x128x128xf32, #tpu.memory_space<vmem>> -> memref<128x128xf32, #tpu.memory_space<vmem>>
        %dma_wait3A_244 = arith.constant 0 : i32
        %dma_wait3A_245 = tpu.memref_slice %arg8[%run_scoped3A_84, %dma_wait3A_244] : memref<8x128xi32, #tpu.memory_space<vmem>> -> memref<1x128xi32, #tpu.memory_space<vmem>>
        %dma_wait3A_246 = tpu.memref_squeeze %dma_wait3A_245 : memref<1x128xi32, #tpu.memory_space<vmem>> -> memref<128xi32, #tpu.memory_space<vmem>>
        %dma_wait3A_247 = arith.constant 0 : i32
        %dma_wait3A_248 = arith.constant 0 : i32
        %dma_wait3A_249 = tpu.memref_slice %arg10[%dma_wait3A_247, %dma_wait3A_248] : memref<10112x128xf32, #tpu.memory_space<vmem_shared>> -> memref<10112x128xf32, #tpu.memory_space<vmem_shared>>
        tpu.wait_indirect_dma semaphore(%run_scoped3A_229 : memref<!tpu.dma_semaphore, #tpu.memory_space<semaphore_mem>>) src(%dma_wait3A_243 : memref<128x128xf32, #tpu.memory_space<vmem>>) dst(%dma_wait3A_249 : memref<10112x128xf32, #tpu.memory_space<vmem_shared>>)
        tpu.yield
      }) : () -> ()
      %dma_wait3A_85 = arith.constant 2 : i32
      %dma_wait3A_86 = arith.constant 0 : i32
      %dma_wait3A_87 = arith.constant 0 : i32
      %dma_wait3A_88 = arith.constant 0 : i32
      %dma_wait3A_89 = tpu.memref_slice %arg9[%dma_wait3A_86, %dma_wait3A_87, %dma_wait3A_88] : memref<2x128x128xf32, #tpu.memory_space<vmem>> -> memref<1x128x128xf32, #tpu.memory_space<vmem>>
      %dma_wait3A_90 = tpu.memref_squeeze %dma_wait3A_89 : memref<1x128x128xf32, #tpu.memory_space<vmem>> -> memref<128x128xf32, #tpu.memory_space<vmem>>
      %dma_wait3A_91 = arith.constant 0 : i32
      %dma_wait3A_92 = tpu.memref_slice %arg7[%dma_wait3A_85, %dma_wait3A_91] : memref<8x128xi32, #tpu.memory_space<vmem>> -> memref<1x128xi32, #tpu.memory_space<vmem>>
      %dma_wait3A_93 = tpu.memref_squeeze %dma_wait3A_92 : memref<1x128xi32, #tpu.memory_space<vmem>> -> memref<128xi32, #tpu.memory_space<vmem>>
      %dma_wait3A_94 = arith.constant 0 : i32
      %dma_wait3A_95 = arith.constant 0 : i32
      %dma_wait3A_96 = tpu.memref_slice %arg2[%dma_wait3A_94, %dma_wait3A_95] : memref<20000x128xf32, #tpu.memory_space<hbm>> -> memref<20000x128xf32, #tpu.memory_space<hbm>>
      tpu.wait_indirect_dma semaphore(%arg11 : memref<!tpu.dma_semaphore, #tpu.memory_space<semaphore_mem>>) src(%dma_wait3A_96 : memref<20000x128xf32, #tpu.memory_space<hbm>>) dst(%dma_wait3A_90 : memref<128x128xf32, #tpu.memory_space<vmem>>)
      %dma_start3A_97 = arith.constant 3 : i32
      %dma_start3A_98 = arith.constant 1 : i32
      %dma_start3A_99 = arith.constant 0 : i32
      %dma_start3A_100 = arith.constant 0 : i32
      %dma_start3A_101 = tpu.memref_slice %arg9[%dma_start3A_98, %dma_start3A_99, %dma_start3A_100] : memref<2x128x128xf32, #tpu.memory_space<vmem>> -> memref<1x128x128xf32, #tpu.memory_space<vmem>>
      %dma_start3A_102 = tpu.memref_squeeze %dma_start3A_101 : memref<1x128x128xf32, #tpu.memory_space<vmem>> -> memref<128x128xf32, #tpu.memory_space<vmem>>
      %dma_start3A_103 = arith.constant 0 : i32
      %dma_start3A_104 = tpu.memref_slice %arg7[%dma_start3A_97, %dma_start3A_103] : memref<8x128xi32, #tpu.memory_space<vmem>> -> memref<1x128xi32, #tpu.memory_space<vmem>>
      %dma_start3A_105 = tpu.memref_squeeze %dma_start3A_104 : memref<1x128xi32, #tpu.memory_space<vmem>> -> memref<128xi32, #tpu.memory_space<vmem>>
      %dma_start3A_106 = arith.constant 0 : i32
      %dma_start3A_107 = arith.constant 0 : i32
      %dma_start3A_108 = tpu.memref_slice %arg2[%dma_start3A_106, %dma_start3A_107] : memref<20000x128xf32, #tpu.memory_space<hbm>> -> memref<20000x128xf32, #tpu.memory_space<hbm>>
      tpu.enqueue_indirect_dma source(%dma_start3A_108 : memref<20000x128xf32, #tpu.memory_space<hbm>>) target(%dma_start3A_102 : memref<128x128xf32, #tpu.memory_space<vmem>>) offsets(%dma_start3A_105 : memref<128xi32, #tpu.memory_space<vmem>>) semaphore(%arg11 : memref<!tpu.dma_semaphore, #tpu.memory_space<semaphore_mem>>)
      %run_scoped3A_109 = arith.constant 0 : i32
      %run_scoped3A_110 = arith.constant 2 : i32
      "tpu.region"() ({
        %run_scoped3A_229 = tpu.sem_alloc : memref<!tpu.dma_semaphore, #tpu.memory_space<semaphore_mem>>
        %dma_start3A_230 = arith.constant 0 : i32
        %dma_start3A_231 = arith.constant 0 : i32
        %dma_start3A_232 = tpu.memref_slice %arg9[%run_scoped3A_109, %dma_start3A_230, %dma_start3A_231] : memref<2x128x128xf32, #tpu.memory_space<vmem>> -> memref<1x128x128xf32, #tpu.memory_space<vmem>>
        %dma_start3A_233 = tpu.memref_squeeze %dma_start3A_232 : memref<1x128x128xf32, #tpu.memory_space<vmem>> -> memref<128x128xf32, #tpu.memory_space<vmem>>
        %dma_start3A_234 = arith.constant 0 : i32
        %dma_start3A_235 = tpu.memref_slice %arg8[%run_scoped3A_110, %dma_start3A_234] : memref<8x128xi32, #tpu.memory_space<vmem>> -> memref<1x128xi32, #tpu.memory_space<vmem>>
        %dma_start3A_236 = tpu.memref_squeeze %dma_start3A_235 : memref<1x128xi32, #tpu.memory_space<vmem>> -> memref<128xi32, #tpu.memory_space<vmem>>
        %dma_start3A_237 = arith.constant 0 : i32
        %dma_start3A_238 = arith.constant 0 : i32
        %dma_start3A_239 = tpu.memref_slice %arg10[%dma_start3A_237, %dma_start3A_238] : memref<10112x128xf32, #tpu.memory_space<vmem_shared>> -> memref<10112x128xf32, #tpu.memory_space<vmem_shared>>
        tpu.enqueue_indirect_dma source(%dma_start3A_233 : memref<128x128xf32, #tpu.memory_space<vmem>>) target(%dma_start3A_239 : memref<10112x128xf32, #tpu.memory_space<vmem_shared>>) offsets(%dma_start3A_236 : memref<128xi32, #tpu.memory_space<vmem>>) semaphore(%run_scoped3A_229 : memref<!tpu.dma_semaphore, #tpu.memory_space<semaphore_mem>>) {add = true}
        %dma_wait3A_240 = arith.constant 0 : i32
        %dma_wait3A_241 = arith.constant 0 : i32
        %dma_wait3A_242 = tpu.memref_slice %arg9[%run_scoped3A_109, %dma_wait3A_240, %dma_wait3A_241] : memref<2x128x128xf32, #tpu.memory_space<vmem>> -> memref<1x128x128xf32, #tpu.memory_space<vmem>>
        %dma_wait3A_243 = tpu.memref_squeeze %dma_wait3A_242 : memref<1x128x128xf32, #tpu.memory_space<vmem>> -> memref<128x128xf32, #tpu.memory_space<vmem>>
        %dma_wait3A_244 = arith.constant 0 : i32
        %dma_wait3A_245 = tpu.memref_slice %arg8[%run_scoped3A_110, %dma_wait3A_244] : memref<8x128xi32, #tpu.memory_space<vmem>> -> memref<1x128xi32, #tpu.memory_space<vmem>>
        %dma_wait3A_246 = tpu.memref_squeeze %dma_wait3A_245 : memref<1x128xi32, #tpu.memory_space<vmem>> -> memref<128xi32, #tpu.memory_space<vmem>>
        %dma_wait3A_247 = arith.constant 0 : i32
        %dma_wait3A_248 = arith.constant 0 : i32
        %dma_wait3A_249 = tpu.memref_slice %arg10[%dma_wait3A_247, %dma_wait3A_248] : memref<10112x128xf32, #tpu.memory_space<vmem_shared>> -> memref<10112x128xf32, #tpu.memory_space<vmem_shared>>
        tpu.wait_indirect_dma semaphore(%run_scoped3A_229 : memref<!tpu.dma_semaphore, #tpu.memory_space<semaphore_mem>>) src(%dma_wait3A_243 : memref<128x128xf32, #tpu.memory_space<vmem>>) dst(%dma_wait3A_249 : memref<10112x128xf32, #tpu.memory_space<vmem_shared>>)
        tpu.yield
      }) : () -> ()
      %dma_wait3A_111 = arith.constant 3 : i32
      %dma_wait3A_112 = arith.constant 1 : i32
      %dma_wait3A_113 = arith.constant 0 : i32
      %dma_wait3A_114 = arith.constant 0 : i32
      %dma_wait3A_115 = tpu.memref_slice %arg9[%dma_wait3A_112, %dma_wait3A_113, %dma_wait3A_114] : memref<2x128x128xf32, #tpu.memory_space<vmem>> -> memref<1x128x128xf32, #tpu.memory_space<vmem>>
      %dma_wait3A_116 = tpu.memref_squeeze %dma_wait3A_115 : memref<1x128x128xf32, #tpu.memory_space<vmem>> -> memref<128x128xf32, #tpu.memory_space<vmem>>
      %dma_wait3A_117 = arith.constant 0 : i32
      %dma_wait3A_118 = tpu.memref_slice %arg7[%dma_wait3A_111, %dma_wait3A_117] : memref<8x128xi32, #tpu.memory_space<vmem>> -> memref<1x128xi32, #tpu.memory_space<vmem>>
      %dma_wait3A_119 = tpu.memref_squeeze %dma_wait3A_118 : memref<1x128xi32, #tpu.memory_space<vmem>> -> memref<128xi32, #tpu.memory_space<vmem>>
      %dma_wait3A_120 = arith.constant 0 : i32
      %dma_wait3A_121 = arith.constant 0 : i32
      %dma_wait3A_122 = tpu.memref_slice %arg2[%dma_wait3A_120, %dma_wait3A_121] : memref<20000x128xf32, #tpu.memory_space<hbm>> -> memref<20000x128xf32, #tpu.memory_space<hbm>>
      tpu.wait_indirect_dma semaphore(%arg11 : memref<!tpu.dma_semaphore, #tpu.memory_space<semaphore_mem>>) src(%dma_wait3A_122 : memref<20000x128xf32, #tpu.memory_space<hbm>>) dst(%dma_wait3A_116 : memref<128x128xf32, #tpu.memory_space<vmem>>)
      %dma_start3A_123 = arith.constant 4 : i32
      %dma_start3A_124 = arith.constant 0 : i32
      %dma_start3A_125 = arith.constant 0 : i32
      %dma_start3A_126 = arith.constant 0 : i32
      %dma_start3A_127 = tpu.memref_slice %arg9[%dma_start3A_124, %dma_start3A_125, %dma_start3A_126] : memref<2x128x128xf32, #tpu.memory_space<vmem>> -> memref<1x128x128xf32, #tpu.memory_space<vmem>>
      %dma_start3A_128 = tpu.memref_squeeze %dma_start3A_127 : memref<1x128x128xf32, #tpu.memory_space<vmem>> -> memref<128x128xf32, #tpu.memory_space<vmem>>
      %dma_start3A_129 = arith.constant 0 : i32
      %dma_start3A_130 = tpu.memref_slice %arg7[%dma_start3A_123, %dma_start3A_129] : memref<8x128xi32, #tpu.memory_space<vmem>> -> memref<1x128xi32, #tpu.memory_space<vmem>>
      %dma_start3A_131 = tpu.memref_squeeze %dma_start3A_130 : memref<1x128xi32, #tpu.memory_space<vmem>> -> memref<128xi32, #tpu.memory_space<vmem>>
      %dma_start3A_132 = arith.constant 0 : i32
      %dma_start3A_133 = arith.constant 0 : i32
      %dma_start3A_134 = tpu.memref_slice %arg2[%dma_start3A_132, %dma_start3A_133] : memref<20000x128xf32, #tpu.memory_space<hbm>> -> memref<20000x128xf32, #tpu.memory_space<hbm>>
      tpu.enqueue_indirect_dma source(%dma_start3A_134 : memref<20000x128xf32, #tpu.memory_space<hbm>>) target(%dma_start3A_128 : memref<128x128xf32, #tpu.memory_space<vmem>>) offsets(%dma_start3A_131 : memref<128xi32, #tpu.memory_space<vmem>>) semaphore(%arg11 : memref<!tpu.dma_semaphore, #tpu.memory_space<semaphore_mem>>)
      %run_scoped3A_135 = arith.constant 1 : i32
      %run_scoped3A_136 = arith.constant 3 : i32
      "tpu.region"() ({
        %run_scoped3A_229 = tpu.sem_alloc : memref<!tpu.dma_semaphore, #tpu.memory_space<semaphore_mem>>
        %dma_start3A_230 = arith.constant 0 : i32
        %dma_start3A_231 = arith.constant 0 : i32
        %dma_start3A_232 = tpu.memref_slice %arg9[%run_scoped3A_135, %dma_start3A_230, %dma_start3A_231] : memref<2x128x128xf32, #tpu.memory_space<vmem>> -> memref<1x128x128xf32, #tpu.memory_space<vmem>>
        %dma_start3A_233 = tpu.memref_squeeze %dma_start3A_232 : memref<1x128x128xf32, #tpu.memory_space<vmem>> -> memref<128x128xf32, #tpu.memory_space<vmem>>
        %dma_start3A_234 = arith.constant 0 : i32
        %dma_start3A_235 = tpu.memref_slice %arg8[%run_scoped3A_136, %dma_start3A_234] : memref<8x128xi32, #tpu.memory_space<vmem>> -> memref<1x128xi32, #tpu.memory_space<vmem>>
        %dma_start3A_236 = tpu.memref_squeeze %dma_start3A_235 : memref<1x128xi32, #tpu.memory_space<vmem>> -> memref<128xi32, #tpu.memory_space<vmem>>
        %dma_start3A_237 = arith.constant 0 : i32
        %dma_start3A_238 = arith.constant 0 : i32
        %dma_start3A_239 = tpu.memref_slice %arg10[%dma_start3A_237, %dma_start3A_238] : memref<10112x128xf32, #tpu.memory_space<vmem_shared>> -> memref<10112x128xf32, #tpu.memory_space<vmem_shared>>
        tpu.enqueue_indirect_dma source(%dma_start3A_233 : memref<128x128xf32, #tpu.memory_space<vmem>>) target(%dma_start3A_239 : memref<10112x128xf32, #tpu.memory_space<vmem_shared>>) offsets(%dma_start3A_236 : memref<128xi32, #tpu.memory_space<vmem>>) semaphore(%run_scoped3A_229 : memref<!tpu.dma_semaphore, #tpu.memory_space<semaphore_mem>>) {add = true}
        %dma_wait3A_240 = arith.constant 0 : i32
        %dma_wait3A_241 = arith.constant 0 : i32
        %dma_wait3A_242 = tpu.memref_slice %arg9[%run_scoped3A_135, %dma_wait3A_240, %dma_wait3A_241] : memref<2x128x128xf32, #tpu.memory_space<vmem>> -> memref<1x128x128xf32, #tpu.memory_space<vmem>>
        %dma_wait3A_243 = tpu.memref_squeeze %dma_wait3A_242 : memref<1x128x128xf32, #tpu.memory_space<vmem>> -> memref<128x128xf32, #tpu.memory_space<vmem>>
        %dma_wait3A_244 = arith.constant 0 : i32
        %dma_wait3A_245 = tpu.memref_slice %arg8[%run_scoped3A_136, %dma_wait3A_244] : memref<8x128xi32, #tpu.memory_space<vmem>> -> memref<1x128xi32, #tpu.memory_space<vmem>>
        %dma_wait3A_246 = tpu.memref_squeeze %dma_wait3A_245 : memref<1x128xi32, #tpu.memory_space<vmem>> -> memref<128xi32, #tpu.memory_space<vmem>>
        %dma_wait3A_247 = arith.constant 0 : i32
        %dma_wait3A_248 = arith.constant 0 : i32
        %dma_wait3A_249 = tpu.memref_slice %arg10[%dma_wait3A_247, %dma_wait3A_248] : memref<10112x128xf32, #tpu.memory_space<vmem_shared>> -> memref<10112x128xf32, #tpu.memory_space<vmem_shared>>
        tpu.wait_indirect_dma semaphore(%run_scoped3A_229 : memref<!tpu.dma_semaphore, #tpu.memory_space<semaphore_mem>>) src(%dma_wait3A_243 : memref<128x128xf32, #tpu.memory_space<vmem>>) dst(%dma_wait3A_249 : memref<10112x128xf32, #tpu.memory_space<vmem_shared>>)
        tpu.yield
      }) : () -> ()
      %dma_wait3A_137 = arith.constant 4 : i32
      %dma_wait3A_138 = arith.constant 0 : i32
      %dma_wait3A_139 = arith.constant 0 : i32
      %dma_wait3A_140 = arith.constant 0 : i32
      %dma_wait3A_141 = tpu.memref_slice %arg9[%dma_wait3A_138, %dma_wait3A_139, %dma_wait3A_140] : memref<2x128x128xf32, #tpu.memory_space<vmem>> -> memref<1x128x128xf32, #tpu.memory_space<vmem>>
      %dma_wait3A_142 = tpu.memref_squeeze %dma_wait3A_141 : memref<1x128x128xf32, #tpu.memory_space<vmem>> -> memref<128x128xf32, #tpu.memory_space<vmem>>
      %dma_wait3A_143 = arith.constant 0 : i32
      %dma_wait3A_144 = tpu.memref_slice %arg7[%dma_wait3A_137, %dma_wait3A_143] : memref<8x128xi32, #tpu.memory_space<vmem>> -> memref<1x128xi32, #tpu.memory_space<vmem>>
      %dma_wait3A_145 = tpu.memref_squeeze %dma_wait3A_144 : memref<1x128xi32, #tpu.memory_space<vmem>> -> memref<128xi32, #tpu.memory_space<vmem>>
      %dma_wait3A_146 = arith.constant 0 : i32
      %dma_wait3A_147 = arith.constant 0 : i32
      %dma_wait3A_148 = tpu.memref_slice %arg2[%dma_wait3A_146, %dma_wait3A_147] : memref<20000x128xf32, #tpu.memory_space<hbm>> -> memref<20000x128xf32, #tpu.memory_space<hbm>>
      tpu.wait_indirect_dma semaphore(%arg11 : memref<!tpu.dma_semaphore, #tpu.memory_space<semaphore_mem>>) src(%dma_wait3A_148 : memref<20000x128xf32, #tpu.memory_space<hbm>>) dst(%dma_wait3A_142 : memref<128x128xf32, #tpu.memory_space<vmem>>)
      %dma_start3A_149 = arith.constant 5 : i32
      %dma_start3A_150 = arith.constant 1 : i32
      %dma_start3A_151 = arith.constant 0 : i32
      %dma_start3A_152 = arith.constant 0 : i32
      %dma_start3A_153 = tpu.memref_slice %arg9[%dma_start3A_150, %dma_start3A_151, %dma_start3A_152] : memref<2x128x128xf32, #tpu.memory_space<vmem>> -> memref<1x128x128xf32, #tpu.memory_space<vmem>>
      %dma_start3A_154 = tpu.memref_squeeze %dma_start3A_153 : memref<1x128x128xf32, #tpu.memory_space<vmem>> -> memref<128x128xf32, #tpu.memory_space<vmem>>
      %dma_start3A_155 = arith.constant 0 : i32
      %dma_start3A_156 = tpu.memref_slice %arg7[%dma_start3A_149, %dma_start3A_155] : memref<8x128xi32, #tpu.memory_space<vmem>> -> memref<1x128xi32, #tpu.memory_space<vmem>>
      %dma_start3A_157 = tpu.memref_squeeze %dma_start3A_156 : memref<1x128xi32, #tpu.memory_space<vmem>> -> memref<128xi32, #tpu.memory_space<vmem>>
      %dma_start3A_158 = arith.constant 0 : i32
      %dma_start3A_159 = arith.constant 0 : i32
      %dma_start3A_160 = tpu.memref_slice %arg2[%dma_start3A_158, %dma_start3A_159] : memref<20000x128xf32, #tpu.memory_space<hbm>> -> memref<20000x128xf32, #tpu.memory_space<hbm>>
      tpu.enqueue_indirect_dma source(%dma_start3A_160 : memref<20000x128xf32, #tpu.memory_space<hbm>>) target(%dma_start3A_154 : memref<128x128xf32, #tpu.memory_space<vmem>>) offsets(%dma_start3A_157 : memref<128xi32, #tpu.memory_space<vmem>>) semaphore(%arg11 : memref<!tpu.dma_semaphore, #tpu.memory_space<semaphore_mem>>)
      %run_scoped3A_161 = arith.constant 0 : i32
      %run_scoped3A_162 = arith.constant 4 : i32
      "tpu.region"() ({
        %run_scoped3A_229 = tpu.sem_alloc : memref<!tpu.dma_semaphore, #tpu.memory_space<semaphore_mem>>
        %dma_start3A_230 = arith.constant 0 : i32
        %dma_start3A_231 = arith.constant 0 : i32
        %dma_start3A_232 = tpu.memref_slice %arg9[%run_scoped3A_161, %dma_start3A_230, %dma_start3A_231] : memref<2x128x128xf32, #tpu.memory_space<vmem>> -> memref<1x128x128xf32, #tpu.memory_space<vmem>>
        %dma_start3A_233 = tpu.memref_squeeze %dma_start3A_232 : memref<1x128x128xf32, #tpu.memory_space<vmem>> -> memref<128x128xf32, #tpu.memory_space<vmem>>
        %dma_start3A_234 = arith.constant 0 : i32
        %dma_start3A_235 = tpu.memref_slice %arg8[%run_scoped3A_162, %dma_start3A_234] : memref<8x128xi32, #tpu.memory_space<vmem>> -> memref<1x128xi32, #tpu.memory_space<vmem>>
        %dma_start3A_236 = tpu.memref_squeeze %dma_start3A_235 : memref<1x128xi32, #tpu.memory_space<vmem>> -> memref<128xi32, #tpu.memory_space<vmem>>
        %dma_start3A_237 = arith.constant 0 : i32
        %dma_start3A_238 = arith.constant 0 : i32
        %dma_start3A_239 = tpu.memref_slice %arg10[%dma_start3A_237, %dma_start3A_238] : memref<10112x128xf32, #tpu.memory_space<vmem_shared>> -> memref<10112x128xf32, #tpu.memory_space<vmem_shared>>
        tpu.enqueue_indirect_dma source(%dma_start3A_233 : memref<128x128xf32, #tpu.memory_space<vmem>>) target(%dma_start3A_239 : memref<10112x128xf32, #tpu.memory_space<vmem_shared>>) offsets(%dma_start3A_236 : memref<128xi32, #tpu.memory_space<vmem>>) semaphore(%run_scoped3A_229 : memref<!tpu.dma_semaphore, #tpu.memory_space<semaphore_mem>>) {add = true}
        %dma_wait3A_240 = arith.constant 0 : i32
        %dma_wait3A_241 = arith.constant 0 : i32
        %dma_wait3A_242 = tpu.memref_slice %arg9[%run_scoped3A_161, %dma_wait3A_240, %dma_wait3A_241] : memref<2x128x128xf32, #tpu.memory_space<vmem>> -> memref<1x128x128xf32, #tpu.memory_space<vmem>>
        %dma_wait3A_243 = tpu.memref_squeeze %dma_wait3A_242 : memref<1x128x128xf32, #tpu.memory_space<vmem>> -> memref<128x128xf32, #tpu.memory_space<vmem>>
        %dma_wait3A_244 = arith.constant 0 : i32
        %dma_wait3A_245 = tpu.memref_slice %arg8[%run_scoped3A_162, %dma_wait3A_244] : memref<8x128xi32, #tpu.memory_space<vmem>> -> memref<1x128xi32, #tpu.memory_space<vmem>>
        %dma_wait3A_246 = tpu.memref_squeeze %dma_wait3A_245 : memref<1x128xi32, #tpu.memory_space<vmem>> -> memref<128xi32, #tpu.memory_space<vmem>>
        %dma_wait3A_247 = arith.constant 0 : i32
        %dma_wait3A_248 = arith.constant 0 : i32
        %dma_wait3A_249 = tpu.memref_slice %arg10[%dma_wait3A_247, %dma_wait3A_248] : memref<10112x128xf32, #tpu.memory_space<vmem_shared>> -> memref<10112x128xf32, #tpu.memory_space<vmem_shared>>
        tpu.wait_indirect_dma semaphore(%run_scoped3A_229 : memref<!tpu.dma_semaphore, #tpu.memory_space<semaphore_mem>>) src(%dma_wait3A_243 : memref<128x128xf32, #tpu.memory_space<vmem>>) dst(%dma_wait3A_249 : memref<10112x128xf32, #tpu.memory_space<vmem_shared>>)
        tpu.yield
      }) : () -> ()
      %dma_wait3A_163 = arith.constant 5 : i32
      %dma_wait3A_164 = arith.constant 1 : i32
      %dma_wait3A_165 = arith.constant 0 : i32
      %dma_wait3A_166 = arith.constant 0 : i32
      %dma_wait3A_167 = tpu.memref_slice %arg9[%dma_wait3A_164, %dma_wait3A_165, %dma_wait3A_166] : memref<2x128x128xf32, #tpu.memory_space<vmem>> -> memref<1x128x128xf32, #tpu.memory_space<vmem>>
      %dma_wait3A_168 = tpu.memref_squeeze %dma_wait3A_167 : memref<1x128x128xf32, #tpu.memory_space<vmem>> -> memref<128x128xf32, #tpu.memory_space<vmem>>
      %dma_wait3A_169 = arith.constant 0 : i32
      %dma_wait3A_170 = tpu.memref_slice %arg7[%dma_wait3A_163, %dma_wait3A_169] : memref<8x128xi32, #tpu.memory_space<vmem>> -> memref<1x128xi32, #tpu.memory_space<vmem>>
      %dma_wait3A_171 = tpu.memref_squeeze %dma_wait3A_170 : memref<1x128xi32, #tpu.memory_space<vmem>> -> memref<128xi32, #tpu.memory_space<vmem>>
      %dma_wait3A_172 = arith.constant 0 : i32
      %dma_wait3A_173 = arith.constant 0 : i32
      %dma_wait3A_174 = tpu.memref_slice %arg2[%dma_wait3A_172, %dma_wait3A_173] : memref<20000x128xf32, #tpu.memory_space<hbm>> -> memref<20000x128xf32, #tpu.memory_space<hbm>>
      tpu.wait_indirect_dma semaphore(%arg11 : memref<!tpu.dma_semaphore, #tpu.memory_space<semaphore_mem>>) src(%dma_wait3A_174 : memref<20000x128xf32, #tpu.memory_space<hbm>>) dst(%dma_wait3A_168 : memref<128x128xf32, #tpu.memory_space<vmem>>)
      %dma_start3A_175 = arith.constant 6 : i32
      %dma_start3A_176 = arith.constant 0 : i32
      %dma_start3A_177 = arith.constant 0 : i32
      %dma_start3A_178 = arith.constant 0 : i32
      %dma_start3A_179 = tpu.memref_slice %arg9[%dma_start3A_176, %dma_start3A_177, %dma_start3A_178] : memref<2x128x128xf32, #tpu.memory_space<vmem>> -> memref<1x128x128xf32, #tpu.memory_space<vmem>>
      %dma_start3A_180 = tpu.memref_squeeze %dma_start3A_179 : memref<1x128x128xf32, #tpu.memory_space<vmem>> -> memref<128x128xf32, #tpu.memory_space<vmem>>
      %dma_start3A_181 = arith.constant 0 : i32
      %dma_start3A_182 = tpu.memref_slice %arg7[%dma_start3A_175, %dma_start3A_181] : memref<8x128xi32, #tpu.memory_space<vmem>> -> memref<1x128xi32, #tpu.memory_space<vmem>>
      %dma_start3A_183 = tpu.memref_squeeze %dma_start3A_182 : memref<1x128xi32, #tpu.memory_space<vmem>> -> memref<128xi32, #tpu.memory_space<vmem>>
      %dma_start3A_184 = arith.constant 0 : i32
      %dma_start3A_185 = arith.constant 0 : i32
      %dma_start3A_186 = tpu.memref_slice %arg2[%dma_start3A_184, %dma_start3A_185] : memref<20000x128xf32, #tpu.memory_space<hbm>> -> memref<20000x128xf32, #tpu.memory_space<hbm>>
      tpu.enqueue_indirect_dma source(%dma_start3A_186 : memref<20000x128xf32, #tpu.memory_space<hbm>>) target(%dma_start3A_180 : memref<128x128xf32, #tpu.memory_space<vmem>>) offsets(%dma_start3A_183 : memref<128xi32, #tpu.memory_space<vmem>>) semaphore(%arg11 : memref<!tpu.dma_semaphore, #tpu.memory_space<semaphore_mem>>)
      %run_scoped3A_187 = arith.constant 1 : i32
      %run_scoped3A_188 = arith.constant 5 : i32
      "tpu.region"() ({
        %run_scoped3A_229 = tpu.sem_alloc : memref<!tpu.dma_semaphore, #tpu.memory_space<semaphore_mem>>
        %dma_start3A_230 = arith.constant 0 : i32
        %dma_start3A_231 = arith.constant 0 : i32
        %dma_start3A_232 = tpu.memref_slice %arg9[%run_scoped3A_187, %dma_start3A_230, %dma_start3A_231] : memref<2x128x128xf32, #tpu.memory_space<vmem>> -> memref<1x128x128xf32, #tpu.memory_space<vmem>>
        %dma_start3A_233 = tpu.memref_squeeze %dma_start3A_232 : memref<1x128x128xf32, #tpu.memory_space<vmem>> -> memref<128x128xf32, #tpu.memory_space<vmem>>
        %dma_start3A_234 = arith.constant 0 : i32
        %dma_start3A_235 = tpu.memref_slice %arg8[%run_scoped3A_188, %dma_start3A_234] : memref<8x128xi32, #tpu.memory_space<vmem>> -> memref<1x128xi32, #tpu.memory_space<vmem>>
        %dma_start3A_236 = tpu.memref_squeeze %dma_start3A_235 : memref<1x128xi32, #tpu.memory_space<vmem>> -> memref<128xi32, #tpu.memory_space<vmem>>
        %dma_start3A_237 = arith.constant 0 : i32
        %dma_start3A_238 = arith.constant 0 : i32
        %dma_start3A_239 = tpu.memref_slice %arg10[%dma_start3A_237, %dma_start3A_238] : memref<10112x128xf32, #tpu.memory_space<vmem_shared>> -> memref<10112x128xf32, #tpu.memory_space<vmem_shared>>
        tpu.enqueue_indirect_dma source(%dma_start3A_233 : memref<128x128xf32, #tpu.memory_space<vmem>>) target(%dma_start3A_239 : memref<10112x128xf32, #tpu.memory_space<vmem_shared>>) offsets(%dma_start3A_236 : memref<128xi32, #tpu.memory_space<vmem>>) semaphore(%run_scoped3A_229 : memref<!tpu.dma_semaphore, #tpu.memory_space<semaphore_mem>>) {add = true}
        %dma_wait3A_240 = arith.constant 0 : i32
        %dma_wait3A_241 = arith.constant 0 : i32
        %dma_wait3A_242 = tpu.memref_slice %arg9[%run_scoped3A_187, %dma_wait3A_240, %dma_wait3A_241] : memref<2x128x128xf32, #tpu.memory_space<vmem>> -> memref<1x128x128xf32, #tpu.memory_space<vmem>>
        %dma_wait3A_243 = tpu.memref_squeeze %dma_wait3A_242 : memref<1x128x128xf32, #tpu.memory_space<vmem>> -> memref<128x128xf32, #tpu.memory_space<vmem>>
        %dma_wait3A_244 = arith.constant 0 : i32
        %dma_wait3A_245 = tpu.memref_slice %arg8[%run_scoped3A_188, %dma_wait3A_244] : memref<8x128xi32, #tpu.memory_space<vmem>> -> memref<1x128xi32, #tpu.memory_space<vmem>>
        %dma_wait3A_246 = tpu.memref_squeeze %dma_wait3A_245 : memref<1x128xi32, #tpu.memory_space<vmem>> -> memref<128xi32, #tpu.memory_space<vmem>>
        %dma_wait3A_247 = arith.constant 0 : i32
        %dma_wait3A_248 = arith.constant 0 : i32
        %dma_wait3A_249 = tpu.memref_slice %arg10[%dma_wait3A_247, %dma_wait3A_248] : memref<10112x128xf32, #tpu.memory_space<vmem_shared>> -> memref<10112x128xf32, #tpu.memory_space<vmem_shared>>
        tpu.wait_indirect_dma semaphore(%run_scoped3A_229 : memref<!tpu.dma_semaphore, #tpu.memory_space<semaphore_mem>>) src(%dma_wait3A_243 : memref<128x128xf32, #tpu.memory_space<vmem>>) dst(%dma_wait3A_249 : memref<10112x128xf32, #tpu.memory_space<vmem_shared>>)
        tpu.yield
      }) : () -> ()
      %dma_wait3A_189 = arith.constant 6 : i32
      %dma_wait3A_190 = arith.constant 0 : i32
      %dma_wait3A_191 = arith.constant 0 : i32
      %dma_wait3A_192 = arith.constant 0 : i32
      %dma_wait3A_193 = tpu.memref_slice %arg9[%dma_wait3A_190, %dma_wait3A_191, %dma_wait3A_192] : memref<2x128x128xf32, #tpu.memory_space<vmem>> -> memref<1x128x128xf32, #tpu.memory_space<vmem>>
      %dma_wait3A_194 = tpu.memref_squeeze %dma_wait3A_193 : memref<1x128x128xf32, #tpu.memory_space<vmem>> -> memref<128x128xf32, #tpu.memory_space<vmem>>
      %dma_wait3A_195 = arith.constant 0 : i32
      %dma_wait3A_196 = tpu.memref_slice %arg7[%dma_wait3A_189, %dma_wait3A_195] : memref<8x128xi32, #tpu.memory_space<vmem>> -> memref<1x128xi32, #tpu.memory_space<vmem>>
      %dma_wait3A_197 = tpu.memref_squeeze %dma_wait3A_196 : memref<1x128xi32, #tpu.memory_space<vmem>> -> memref<128xi32, #tpu.memory_space<vmem>>
      %dma_wait3A_198 = arith.constant 0 : i32
      %dma_wait3A_199 = arith.constant 0 : i32
      %dma_wait3A_200 = tpu.memref_slice %arg2[%dma_wait3A_198, %dma_wait3A_199] : memref<20000x128xf32, #tpu.memory_space<hbm>> -> memref<20000x128xf32, #tpu.memory_space<hbm>>
      tpu.wait_indirect_dma semaphore(%arg11 : memref<!tpu.dma_semaphore, #tpu.memory_space<semaphore_mem>>) src(%dma_wait3A_200 : memref<20000x128xf32, #tpu.memory_space<hbm>>) dst(%dma_wait3A_194 : memref<128x128xf32, #tpu.memory_space<vmem>>)
      %dma_start3A_201 = arith.constant 7 : i32
      %dma_start3A_202 = arith.constant 1 : i32
      %dma_start3A_203 = arith.constant 0 : i32
      %dma_start3A_204 = arith.constant 0 : i32
      %dma_start3A_205 = tpu.memref_slice %arg9[%dma_start3A_202, %dma_start3A_203, %dma_start3A_204] : memref<2x128x128xf32, #tpu.memory_space<vmem>> -> memref<1x128x128xf32, #tpu.memory_space<vmem>>
      %dma_start3A_206 = tpu.memref_squeeze %dma_start3A_205 : memref<1x128x128xf32, #tpu.memory_space<vmem>> -> memref<128x128xf32, #tpu.memory_space<vmem>>
      %dma_start3A_207 = arith.constant 0 : i32
      %dma_start3A_208 = tpu.memref_slice %arg7[%dma_start3A_201, %dma_start3A_207] : memref<8x128xi32, #tpu.memory_space<vmem>> -> memref<1x128xi32, #tpu.memory_space<vmem>>
      %dma_start3A_209 = tpu.memref_squeeze %dma_start3A_208 : memref<1x128xi32, #tpu.memory_space<vmem>> -> memref<128xi32, #tpu.memory_space<vmem>>
      %dma_start3A_210 = arith.constant 0 : i32
      %dma_start3A_211 = arith.constant 0 : i32
      %dma_start3A_212 = tpu.memref_slice %arg2[%dma_start3A_210, %dma_start3A_211] : memref<20000x128xf32, #tpu.memory_space<hbm>> -> memref<20000x128xf32, #tpu.memory_space<hbm>>
      tpu.enqueue_indirect_dma source(%dma_start3A_212 : memref<20000x128xf32, #tpu.memory_space<hbm>>) target(%dma_start3A_206 : memref<128x128xf32, #tpu.memory_space<vmem>>) offsets(%dma_start3A_209 : memref<128xi32, #tpu.memory_space<vmem>>) semaphore(%arg11 : memref<!tpu.dma_semaphore, #tpu.memory_space<semaphore_mem>>)
      %run_scoped3A_213 = arith.constant 0 : i32
      %run_scoped3A_214 = arith.constant 6 : i32
      "tpu.region"() ({
        %run_scoped3A_229 = tpu.sem_alloc : memref<!tpu.dma_semaphore, #tpu.memory_space<semaphore_mem>>
        %dma_start3A_230 = arith.constant 0 : i32
        %dma_start3A_231 = arith.constant 0 : i32
        %dma_start3A_232 = tpu.memref_slice %arg9[%run_scoped3A_213, %dma_start3A_230, %dma_start3A_231] : memref<2x128x128xf32, #tpu.memory_space<vmem>> -> memref<1x128x128xf32, #tpu.memory_space<vmem>>
        %dma_start3A_233 = tpu.memref_squeeze %dma_start3A_232 : memref<1x128x128xf32, #tpu.memory_space<vmem>> -> memref<128x128xf32, #tpu.memory_space<vmem>>
        %dma_start3A_234 = arith.constant 0 : i32
        %dma_start3A_235 = tpu.memref_slice %arg8[%run_scoped3A_214, %dma_start3A_234] : memref<8x128xi32, #tpu.memory_space<vmem>> -> memref<1x128xi32, #tpu.memory_space<vmem>>
        %dma_start3A_236 = tpu.memref_squeeze %dma_start3A_235 : memref<1x128xi32, #tpu.memory_space<vmem>> -> memref<128xi32, #tpu.memory_space<vmem>>
        %dma_start3A_237 = arith.constant 0 : i32
        %dma_start3A_238 = arith.constant 0 : i32
        %dma_start3A_239 = tpu.memref_slice %arg10[%dma_start3A_237, %dma_start3A_238] : memref<10112x128xf32, #tpu.memory_space<vmem_shared>> -> memref<10112x128xf32, #tpu.memory_space<vmem_shared>>
        tpu.enqueue_indirect_dma source(%dma_start3A_233 : memref<128x128xf32, #tpu.memory_space<vmem>>) target(%dma_start3A_239 : memref<10112x128xf32, #tpu.memory_space<vmem_shared>>) offsets(%dma_start3A_236 : memref<128xi32, #tpu.memory_space<vmem>>) semaphore(%run_scoped3A_229 : memref<!tpu.dma_semaphore, #tpu.memory_space<semaphore_mem>>) {add = true}
        %dma_wait3A_240 = arith.constant 0 : i32
        %dma_wait3A_241 = arith.constant 0 : i32
        %dma_wait3A_242 = tpu.memref_slice %arg9[%run_scoped3A_213, %dma_wait3A_240, %dma_wait3A_241] : memref<2x128x128xf32, #tpu.memory_space<vmem>> -> memref<1x128x128xf32, #tpu.memory_space<vmem>>
        %dma_wait3A_243 = tpu.memref_squeeze %dma_wait3A_242 : memref<1x128x128xf32, #tpu.memory_space<vmem>> -> memref<128x128xf32, #tpu.memory_space<vmem>>
        %dma_wait3A_244 = arith.constant 0 : i32
        %dma_wait3A_245 = tpu.memref_slice %arg8[%run_scoped3A_214, %dma_wait3A_244] : memref<8x128xi32, #tpu.memory_space<vmem>> -> memref<1x128xi32, #tpu.memory_space<vmem>>
        %dma_wait3A_246 = tpu.memref_squeeze %dma_wait3A_245 : memref<1x128xi32, #tpu.memory_space<vmem>> -> memref<128xi32, #tpu.memory_space<vmem>>
        %dma_wait3A_247 = arith.constant 0 : i32
        %dma_wait3A_248 = arith.constant 0 : i32
        %dma_wait3A_249 = tpu.memref_slice %arg10[%dma_wait3A_247, %dma_wait3A_248] : memref<10112x128xf32, #tpu.memory_space<vmem_shared>> -> memref<10112x128xf32, #tpu.memory_space<vmem_shared>>
        tpu.wait_indirect_dma semaphore(%run_scoped3A_229 : memref<!tpu.dma_semaphore, #tpu.memory_space<semaphore_mem>>) src(%dma_wait3A_243 : memref<128x128xf32, #tpu.memory_space<vmem>>) dst(%dma_wait3A_249 : memref<10112x128xf32, #tpu.memory_space<vmem_shared>>)
        tpu.yield
      }) : () -> ()
      %dma_wait3A_215 = arith.constant 7 : i32
      %dma_wait3A_216 = arith.constant 1 : i32
      %dma_wait3A_217 = arith.constant 0 : i32
      %dma_wait3A_218 = arith.constant 0 : i32
      %dma_wait3A_219 = tpu.memref_slice %arg9[%dma_wait3A_216, %dma_wait3A_217, %dma_wait3A_218] : memref<2x128x128xf32, #tpu.memory_space<vmem>> -> memref<1x128x128xf32, #tpu.memory_space<vmem>>
      %dma_wait3A_220 = tpu.memref_squeeze %dma_wait3A_219 : memref<1x128x128xf32, #tpu.memory_space<vmem>> -> memref<128x128xf32, #tpu.memory_space<vmem>>
      %dma_wait3A_221 = arith.constant 0 : i32
      %dma_wait3A_222 = tpu.memref_slice %arg7[%dma_wait3A_215, %dma_wait3A_221] : memref<8x128xi32, #tpu.memory_space<vmem>> -> memref<1x128xi32, #tpu.memory_space<vmem>>
      %dma_wait3A_223 = tpu.memref_squeeze %dma_wait3A_222 : memref<1x128xi32, #tpu.memory_space<vmem>> -> memref<128xi32, #tpu.memory_space<vmem>>
      %dma_wait3A_224 = arith.constant 0 : i32
      %dma_wait3A_225 = arith.constant 0 : i32
      %dma_wait3A_226 = tpu.memref_slice %arg2[%dma_wait3A_224, %dma_wait3A_225] : memref<20000x128xf32, #tpu.memory_space<hbm>> -> memref<20000x128xf32, #tpu.memory_space<hbm>>
      tpu.wait_indirect_dma semaphore(%arg11 : memref<!tpu.dma_semaphore, #tpu.memory_space<semaphore_mem>>) src(%dma_wait3A_226 : memref<20000x128xf32, #tpu.memory_space<hbm>>) dst(%dma_wait3A_220 : memref<128x128xf32, #tpu.memory_space<vmem>>)
      %run_scoped3A_227 = arith.constant 1 : i32
      %run_scoped3A_228 = arith.constant 7 : i32
      "tpu.region"() ({
        %run_scoped3A_229 = tpu.sem_alloc : memref<!tpu.dma_semaphore, #tpu.memory_space<semaphore_mem>>
        %dma_start3A_230 = arith.constant 0 : i32
        %dma_start3A_231 = arith.constant 0 : i32
        %dma_start3A_232 = tpu.memref_slice %arg9[%run_scoped3A_227, %dma_start3A_230, %dma_start3A_231] : memref<2x128x128xf32, #tpu.memory_space<vmem>> -> memref<1x128x128xf32, #tpu.memory_space<vmem>>
        %dma_start3A_233 = tpu.memref_squeeze %dma_start3A_232 : memref<1x128x128xf32, #tpu.memory_space<vmem>> -> memref<128x128xf32, #tpu.memory_space<vmem>>
        %dma_start3A_234 = arith.constant 0 : i32
        %dma_start3A_235 = tpu.memref_slice %arg8[%run_scoped3A_228, %dma_start3A_234] : memref<8x128xi32, #tpu.memory_space<vmem>> -> memref<1x128xi32, #tpu.memory_space<vmem>>
        %dma_start3A_236 = tpu.memref_squeeze %dma_start3A_235 : memref<1x128xi32, #tpu.memory_space<vmem>> -> memref<128xi32, #tpu.memory_space<vmem>>
        %dma_start3A_237 = arith.constant 0 : i32
        %dma_start3A_238 = arith.constant 0 : i32
        %dma_start3A_239 = tpu.memref_slice %arg10[%dma_start3A_237, %dma_start3A_238] : memref<10112x128xf32, #tpu.memory_space<vmem_shared>> -> memref<10112x128xf32, #tpu.memory_space<vmem_shared>>
        tpu.enqueue_indirect_dma source(%dma_start3A_233 : memref<128x128xf32, #tpu.memory_space<vmem>>) target(%dma_start3A_239 : memref<10112x128xf32, #tpu.memory_space<vmem_shared>>) offsets(%dma_start3A_236 : memref<128xi32, #tpu.memory_space<vmem>>) semaphore(%run_scoped3A_229 : memref<!tpu.dma_semaphore, #tpu.memory_space<semaphore_mem>>) {add = true}
        %dma_wait3A_240 = arith.constant 0 : i32
        %dma_wait3A_241 = arith.constant 0 : i32
        %dma_wait3A_242 = tpu.memref_slice %arg9[%run_scoped3A_227, %dma_wait3A_240, %dma_wait3A_241] : memref<2x128x128xf32, #tpu.memory_space<vmem>> -> memref<1x128x128xf32, #tpu.memory_space<vmem>>
        %dma_wait3A_243 = tpu.memref_squeeze %dma_wait3A_242 : memref<1x128x128xf32, #tpu.memory_space<vmem>> -> memref<128x128xf32, #tpu.memory_space<vmem>>
        %dma_wait3A_244 = arith.constant 0 : i32
        %dma_wait3A_245 = tpu.memref_slice %arg8[%run_scoped3A_228, %dma_wait3A_244] : memref<8x128xi32, #tpu.memory_space<vmem>> -> memref<1x128xi32, #tpu.memory_space<vmem>>
        %dma_wait3A_246 = tpu.memref_squeeze %dma_wait3A_245 : memref<1x128xi32, #tpu.memory_space<vmem>> -> memref<128xi32, #tpu.memory_space<vmem>>
        %dma_wait3A_247 = arith.constant 0 : i32
        %dma_wait3A_248 = arith.constant 0 : i32
        %dma_wait3A_249 = tpu.memref_slice %arg10[%dma_wait3A_247, %dma_wait3A_248] : memref<10112x128xf32, #tpu.memory_space<vmem_shared>> -> memref<10112x128xf32, #tpu.memory_space<vmem_shared>>
        tpu.wait_indirect_dma semaphore(%run_scoped3A_229 : memref<!tpu.dma_semaphore, #tpu.memory_space<semaphore_mem>>) src(%dma_wait3A_243 : memref<128x128xf32, #tpu.memory_space<vmem>>) dst(%dma_wait3A_249 : memref<10112x128xf32, #tpu.memory_space<vmem_shared>>)
        tpu.yield
      }) : () -> ()
    }
    %scan3A_9 = arith.constant 18 : i32
    %barrier3A_10 = arith.constant 0 : index
    tpu.barrier barrier_id(%barrier3A_10)
    %lt3A = arith.constant 10 : i32
    %lt3A_11 = arith.cmpi slt, %arg1, %lt3A : i32
    %convert_element_type3A = arith.extui %lt3A_11 : i1 to i32
    %cond3A = arith.constant 0 : i32
    %cond3A_12 = arith.cmpi ne, %convert_element_type3A, %cond3A : i32
    scf.if %cond3A_12 {
      %mul3A_13 = arith.constant 1000 : i32
      %mul3A_14 = arith.muli %arg1, %mul3A_13 : i32
      %mul3A_15 = arith.constant 10000 : i32
      %mul3A_16 = arith.muli %arg0, %mul3A_15 : i32
      %mul3A_17 = arith.constant 1000 : i32
      %mul3A_18 = arith.muli %arg1, %mul3A_17 : i32
      %add3A = arith.addi %mul3A_16, %mul3A_18 : i32
      "tpu.region"() ({
        %run_scoped3A = tpu.sem_alloc : memref<!tpu.dma_semaphore, #tpu.memory_space<semaphore_mem>>
        %dma_start3A = arith.constant 0 : i32
        %dma_start3A_19 = tpu.memref_slice %arg6[%add3A, %dma_start3A] : memref<20000x128xf32, #tpu.memory_space<hbm>> -> memref<1000x128xf32, #tpu.memory_space<hbm>>
        %dma_start3A_20 = arith.constant 0 : i32
        %dma_start3A_21 = tpu.memref_slice %arg10[%mul3A_14, %dma_start3A_20] : memref<10112x128xf32, #tpu.memory_space<vmem_shared>> -> memref<1000x128xf32, #tpu.memory_space<vmem_shared>>
        tpu.enqueue_dma source(%dma_start3A_21 : memref<1000x128xf32, #tpu.memory_space<vmem_shared>>) target(%dma_start3A_19 : memref<1000x128xf32, #tpu.memory_space<hbm>>) target_semaphore(%run_scoped3A : memref<!tpu.dma_semaphore, #tpu.memory_space<semaphore_mem>>)
        %dma_wait3A = arith.constant 0 : i32
        %dma_wait3A_22 = tpu.memref_slice %arg6[%add3A, %dma_wait3A] : memref<20000x128xf32, #tpu.memory_space<hbm>> -> memref<1000x128xf32, #tpu.memory_space<hbm>>
        %dma_wait3A_23 = arith.constant 0 : i32
        %dma_wait3A_24 = tpu.memref_slice %arg10[%mul3A_14, %dma_wait3A_23] : memref<10112x128xf32, #tpu.memory_space<vmem_shared>> -> memref<1000x128xf32, #tpu.memory_space<vmem_shared>>
        tpu.wait_dma2 semaphore(%run_scoped3A : memref<!tpu.dma_semaphore, #tpu.memory_space<semaphore_mem>>) src(%dma_wait3A_24 : memref<1000x128xf32, #tpu.memory_space<vmem_shared>>) dst(%dma_wait3A_22 : memref<1000x128xf32, #tpu.memory_space<hbm>>)
        tpu.yield
      }) : () -> ()
    } else {
    }
    return
  }
}

#map = affine_map<(d0, d1) -> (0, 0)>
module attributes {stable_mosaic.version = 14 : i64} {
  func.func @sc_kernel(%arg0: i32, %arg1: i32, %arg2: memref<20000x128xf32, #tpu.memory_space<hbm>>, %arg3: memref<2304x128xi32, #tpu.memory_space<hbm>>, %arg4: memref<2304x128xi32, #tpu.memory_space<hbm>>, %arg5: memref<10112x128xf32, #tpu.memory_space<hbm>>, %arg6: memref<20000x128xf32, #tpu.memory_space<hbm>>, %arg7: memref<8x128xi32, #tpu.memory_space<vmem>>, %arg8: memref<8x128xi32, #tpu.memory_space<vmem>>, %arg9: memref<2x128x128xf32, #tpu.memory_space<vmem>>, %arg10: memref<10112x128xf32, #tpu.memory_space<vmem_shared>>, %arg11: memref<!tpu.dma_semaphore, #tpu.memory_space<semaphore_mem>>) attributes {dimension_semantics = [#tpu.dimension_semantics<core_parallel>, #tpu.dimension_semantics<subcore_parallel>], iteration_bounds = array<i64: 2, 16>, scalar_prefetch = 0 : i64, scratch_operands = 5 : i64, tpu.core_type = #tpu.core_type<sc_vector_subcore>, window_params = [{transform_indices = #map}, {transform_indices = #map}, {transform_indices = #map}, {transform_indices = #map}, {transform_indices = #map}]} {
    %mul3A = arith.constant 10000 : i32
    %mul3A_0 = arith.muli %arg0, %mul3A : i32
    %mul3A_1 = arith.constant 632 : i32
    %mul3A_2 = arith.muli %arg1, %mul3A_1 : i32
    %mul3A_3 = arith.constant 632 : i32
    %mul3A_4 = arith.muli %arg1, %mul3A_3 : i32
    "tpu.region"() ({
      %run_scoped3A = tpu.sem_alloc : memref<!tpu.dma_semaphore, #tpu.memory_space<semaphore_mem>>
      %dma_start3A = arith.constant 0 : i32
      %dma_start3A_13 = tpu.memref_slice %arg10[%mul3A_4, %dma_start3A] : memref<10112x128xf32, #tpu.memory_space<vmem_shared>> -> memref<632x128xf32, #tpu.memory_space<vmem_shared>>
      %dma_start3A_14 = arith.constant 0 : i32
      %dma_start3A_15 = tpu.memref_slice %arg5[%mul3A_2, %dma_start3A_14] : memref<10112x128xf32, #tpu.memory_space<hbm>> -> memref<632x128xf32, #tpu.memory_space<hbm>>
      tpu.enqueue_dma source(%dma_start3A_15 : memref<632x128xf32, #tpu.memory_space<hbm>>) target(%dma_start3A_13 : memref<632x128xf32, #tpu.memory_space<vmem_shared>>) target_semaphore(%run_scoped3A : memref<!tpu.dma_semaphore, #tpu.memory_space<semaphore_mem>>)
      %dma_wait3A = arith.constant 0 : i32
      %dma_wait3A_16 = tpu.memref_slice %arg10[%mul3A_4, %dma_wait3A] : memref<10112x128xf32, #tpu.memory_space<vmem_shared>> -> memref<632x128xf32, #tpu.memory_space<vmem_shared>>
      %dma_wait3A_17 = arith.constant 0 : i32
      %dma_wait3A_18 = tpu.memref_slice %arg5[%mul3A_2, %dma_wait3A_17] : memref<10112x128xf32, #tpu.memory_space<hbm>> -> memref<632x128xf32, #tpu.memory_space<hbm>>
      tpu.wait_dma2 semaphore(%run_scoped3A : memref<!tpu.dma_semaphore, #tpu.memory_space<semaphore_mem>>) src(%dma_wait3A_18 : memref<632x128xf32, #tpu.memory_space<hbm>>) dst(%dma_wait3A_16 : memref<632x128xf32, #tpu.memory_space<vmem_shared>>)
      tpu.yield
    }) : () -> ()
    %barrier3A = arith.constant 0 : index
    tpu.barrier barrier_id(%barrier3A)
    %scan3A = arith.constant 0 : i32
    %scan3A_5 = arith.constant 0 : i32
    %scan3A_6 = arith.constant 18 : i32
    %scan3A_7 = arith.addi %scan3A_5, %scan3A_6 : i32
    %scan3A_8 = arith.constant 1 : i32
    scf.for %scan3A_13 = %scan3A_5 to %scan3A_7 step %scan3A_8  : i32 {
      %mul3A_14 = arith.constant 144 : i32
      %mul3A_15 = arith.muli %arg1, %mul3A_14 : i32
      %mul3A_16 = arith.constant 8 : i32
      %mul3A_17 = arith.muli %scan3A_13, %mul3A_16 : i32
      %add3A = arith.addi %mul3A_15, %mul3A_17 : i32
      "tpu.region"() ({
        %run_scoped3A_229 = tpu.sem_alloc : memref<!tpu.dma_semaphore, #tpu.memory_space<semaphore_mem>>
        %dma_start3A_230 = arith.constant 0 : i32
        %dma_start3A_231 = tpu.memref_slice %arg3[%add3A, %dma_start3A_230] : memref<2304x128xi32, #tpu.memory_space<hbm>> -> memref<8x128xi32, #tpu.memory_space<hbm>>
        %dma_start3A_232 = arith.constant 0 : i32
        %dma_start3A_233 = tpu.memref_slice %arg3[%add3A, %dma_start3A_232] : memref<2304x128xi32, #tpu.memory_space<hbm>> -> memref<8x128xi32, #tpu.memory_space<hbm>>
        tpu.enqueue_dma source(%dma_start3A_233 : memref<8x128xi32, #tpu.memory_space<hbm>>) target(%arg7 : memref<8x128xi32, #tpu.memory_space<vmem>>) target_semaphore(%run_scoped3A_229 : memref<!tpu.dma_semaphore, #tpu.memory_space<semaphore_mem>>)
        %dma_wait3A_234 = arith.constant 0 : i32
        %dma_wait3A_235 = tpu.memref_slice %arg3[%add3A, %dma_wait3A_234] : memref<2304x128xi32, #tpu.memory_space<hbm>> -> memref<8x128xi32, #tpu.memory_space<hbm>>
        %dma_wait3A_236 = arith.constant 0 : i32
        %dma_wait3A_237 = tpu.memref_slice %arg3[%add3A, %dma_wait3A_236] : memref<2304x128xi32, #tpu.memory_space<hbm>> -> memref<8x128xi32, #tpu.memory_space<hbm>>
        tpu.wait_dma2 semaphore(%run_scoped3A_229 : memref<!tpu.dma_semaphore, #tpu.memory_space<semaphore_mem>>) src(%dma_wait3A_237 : memref<8x128xi32, #tpu.memory_space<hbm>>) dst(%arg7 : memref<8x128xi32, #tpu.memory_space<vmem>>)
        tpu.yield
      }) : () -> ()
      "tpu.region"() ({
        %run_scoped3A_229 = tpu.sem_alloc : memref<!tpu.dma_semaphore, #tpu.memory_space<semaphore_mem>>
        %dma_start3A_230 = arith.constant 0 : i32
        %dma_start3A_231 = tpu.memref_slice %arg4[%add3A, %dma_start3A_230] : memref<2304x128xi32, #tpu.memory_space<hbm>> -> memref<8x128xi32, #tpu.memory_space<hbm>>
        %dma_start3A_232 = arith.constant 0 : i32
        %dma_start3A_233 = tpu.memref_slice %arg4[%add3A, %dma_start3A_232] : memref<2304x128xi32, #tpu.memory_space<hbm>> -> memref<8x128xi32, #tpu.memory_space<hbm>>
        tpu.enqueue_dma source(%dma_start3A_233 : memref<8x128xi32, #tpu.memory_space<hbm>>) target(%arg8 : memref<8x128xi32, #tpu.memory_space<vmem>>) target_semaphore(%run_scoped3A_229 : memref<!tpu.dma_semaphore, #tpu.memory_space<semaphore_mem>>)
        %dma_wait3A_234 = arith.constant 0 : i32
        %dma_wait3A_235 = tpu.memref_slice %arg4[%add3A, %dma_wait3A_234] : memref<2304x128xi32, #tpu.memory_space<hbm>> -> memref<8x128xi32, #tpu.memory_space<hbm>>
        %dma_wait3A_236 = arith.constant 0 : i32
        %dma_wait3A_237 = tpu.memref_slice %arg4[%add3A, %dma_wait3A_236] : memref<2304x128xi32, #tpu.memory_space<hbm>> -> memref<8x128xi32, #tpu.memory_space<hbm>>
        tpu.wait_dma2 semaphore(%run_scoped3A_229 : memref<!tpu.dma_semaphore, #tpu.memory_space<semaphore_mem>>) src(%dma_wait3A_237 : memref<8x128xi32, #tpu.memory_space<hbm>>) dst(%arg8 : memref<8x128xi32, #tpu.memory_space<vmem>>)
        tpu.yield
      }) : () -> ()
      %scan3A_18 = arith.constant 0 : i32
      %scan3A_19 = arith.constant 0 : i32
      %scan3A_20 = arith.constant 8 : i32
      %scan3A_21 = arith.addi %scan3A_19, %scan3A_20 : i32
      %scan3A_22 = arith.constant 1 : i32
      scf.for %scan3A_229 = %scan3A_19 to %scan3A_21 step %scan3A_22  : i32 {
        %get3A = arith.index_cast %scan3A_229 : i32 to index
        %get3A_230 = arith.constant 0 : index
        %get3A_231 = tpu.vector_load %arg7[%get3A, %get3A_230] {strides = array<i32>} : memref<8x128xi32, #tpu.memory_space<vmem>>, vector<1x16xi32>,
        %get3A_232 = vector.shape_cast %get3A_231 : vector<1x16xi32> to vector<16xi32>
        %add3A_233 = vector.broadcast %mul3A_0 : i32 to vector<16xi32>
        %add3A_234 = arith.addi %get3A_232, %add3A_233 : vector<16xi32>
        %swap3A = arith.index_cast %scan3A_229 : i32 to index
        %swap3A_235 = arith.constant 0 : index
        %swap3A_236 = tpu.vector_load %arg7[%swap3A, %swap3A_235] {strides = array<i32>} : memref<8x128xi32, #tpu.memory_space<vmem>>, vector<1x16xi32>,
        %swap3A_237 = vector.shape_cast %swap3A_236 : vector<1x16xi32> to vector<16xi32>
        %swap3A_238 = vector.shape_cast %add3A_234 : vector<16xi32> to vector<1x16xi32>
        tpu.vector_store %arg7[%swap3A, %swap3A_235], %swap3A_238 {strides = array<i32>} : memref<8x128xi32, #tpu.memory_space<vmem>>, vector<1x16xi32>,
        %get3A_239 = arith.index_cast %scan3A_229 : i32 to index
        %get3A_240 = arith.constant 16 : index
        %get3A_241 = tpu.vector_load %arg7[%get3A_239, %get3A_240] {strides = array<i32>} : memref<8x128xi32, #tpu.memory_space<vmem>>, vector<1x16xi32>,
        %get3A_242 = vector.shape_cast %get3A_241 : vector<1x16xi32> to vector<16xi32>
        %add3A_243 = vector.broadcast %mul3A_0 : i32 to vector<16xi32>
        %add3A_244 = arith.addi %get3A_242, %add3A_243 : vector<16xi32>
        %swap3A_245 = arith.index_cast %scan3A_229 : i32 to index
        %swap3A_246 = arith.constant 16 : index
        %swap3A_247 = tpu.vector_load %arg7[%swap3A_245, %swap3A_246] {strides = array<i32>} : memref<8x128xi32, #tpu.memory_space<vmem>>, vector<1x16xi32>,
        %swap3A_248 = vector.shape_cast %swap3A_247 : vector<1x16xi32> to vector<16xi32>
        %swap3A_249 = vector.shape_cast %add3A_244 : vector<16xi32> to vector<1x16xi32>
        tpu.vector_store %arg7[%swap3A_245, %swap3A_246], %swap3A_249 {strides = array<i32>} : memref<8x128xi32, #tpu.memory_space<vmem>>, vector<1x16xi32>,
        %get3A_250 = arith.index_cast %scan3A_229 : i32 to index
        %get3A_251 = arith.constant 32 : index
        %get3A_252 = tpu.vector_load %arg7[%get3A_250, %get3A_251] {strides = array<i32>} : memref<8x128xi32, #tpu.memory_space<vmem>>, vector<1x16xi32>,
        %get3A_253 = vector.shape_cast %get3A_252 : vector<1x16xi32> to vector<16xi32>
        %add3A_254 = vector.broadcast %mul3A_0 : i32 to vector<16xi32>
        %add3A_255 = arith.addi %get3A_253, %add3A_254 : vector<16xi32>
        %swap3A_256 = arith.index_cast %scan3A_229 : i32 to index
        %swap3A_257 = arith.constant 32 : index
        %swap3A_258 = tpu.vector_load %arg7[%swap3A_256, %swap3A_257] {strides = array<i32>} : memref<8x128xi32, #tpu.memory_space<vmem>>, vector<1x16xi32>,
        %swap3A_259 = vector.shape_cast %swap3A_258 : vector<1x16xi32> to vector<16xi32>
        %swap3A_260 = vector.shape_cast %add3A_255 : vector<16xi32> to vector<1x16xi32>
        tpu.vector_store %arg7[%swap3A_256, %swap3A_257], %swap3A_260 {strides = array<i32>} : memref<8x128xi32, #tpu.memory_space<vmem>>, vector<1x16xi32>,
        %get3A_261 = arith.index_cast %scan3A_229 : i32 to index
        %get3A_262 = arith.constant 48 : index
        %get3A_263 = tpu.vector_load %arg7[%get3A_261, %get3A_262] {strides = array<i32>} : memref<8x128xi32, #tpu.memory_space<vmem>>, vector<1x16xi32>,
        %get3A_264 = vector.shape_cast %get3A_263 : vector<1x16xi32> to vector<16xi32>
        %add3A_265 = vector.broadcast %mul3A_0 : i32 to vector<16xi32>
        %add3A_266 = arith.addi %get3A_264, %add3A_265 : vector<16xi32>
        %swap3A_267 = arith.index_cast %scan3A_229 : i32 to index
        %swap3A_268 = arith.constant 48 : index
        %swap3A_269 = tpu.vector_load %arg7[%swap3A_267, %swap3A_268] {strides = array<i32>} : memref<8x128xi32, #tpu.memory_space<vmem>>, vector<1x16xi32>,
        %swap3A_270 = vector.shape_cast %swap3A_269 : vector<1x16xi32> to vector<16xi32>
        %swap3A_271 = vector.shape_cast %add3A_266 : vector<16xi32> to vector<1x16xi32>
        tpu.vector_store %arg7[%swap3A_267, %swap3A_268], %swap3A_271 {strides = array<i32>} : memref<8x128xi32, #tpu.memory_space<vmem>>, vector<1x16xi32>,
        %get3A_272 = arith.index_cast %scan3A_229 : i32 to index
        %get3A_273 = arith.constant 64 : index
        %get3A_274 = tpu.vector_load %arg7[%get3A_272, %get3A_273] {strides = array<i32>} : memref<8x128xi32, #tpu.memory_space<vmem>>, vector<1x16xi32>,
        %get3A_275 = vector.shape_cast %get3A_274 : vector<1x16xi32> to vector<16xi32>
        %add3A_276 = vector.broadcast %mul3A_0 : i32 to vector<16xi32>
        %add3A_277 = arith.addi %get3A_275, %add3A_276 : vector<16xi32>
        %swap3A_278 = arith.index_cast %scan3A_229 : i32 to index
        %swap3A_279 = arith.constant 64 : index
        %swap3A_280 = tpu.vector_load %arg7[%swap3A_278, %swap3A_279] {strides = array<i32>} : memref<8x128xi32, #tpu.memory_space<vmem>>, vector<1x16xi32>,
        %swap3A_281 = vector.shape_cast %swap3A_280 : vector<1x16xi32> to vector<16xi32>
        %swap3A_282 = vector.shape_cast %add3A_277 : vector<16xi32> to vector<1x16xi32>
        tpu.vector_store %arg7[%swap3A_278, %swap3A_279], %swap3A_282 {strides = array<i32>} : memref<8x128xi32, #tpu.memory_space<vmem>>, vector<1x16xi32>,
        %get3A_283 = arith.index_cast %scan3A_229 : i32 to index
        %get3A_284 = arith.constant 80 : index
        %get3A_285 = tpu.vector_load %arg7[%get3A_283, %get3A_284] {strides = array<i32>} : memref<8x128xi32, #tpu.memory_space<vmem>>, vector<1x16xi32>,
        %get3A_286 = vector.shape_cast %get3A_285 : vector<1x16xi32> to vector<16xi32>
        %add3A_287 = vector.broadcast %mul3A_0 : i32 to vector<16xi32>
        %add3A_288 = arith.addi %get3A_286, %add3A_287 : vector<16xi32>
        %swap3A_289 = arith.index_cast %scan3A_229 : i32 to index
        %swap3A_290 = arith.constant 80 : index
        %swap3A_291 = tpu.vector_load %arg7[%swap3A_289, %swap3A_290] {strides = array<i32>} : memref<8x128xi32, #tpu.memory_space<vmem>>, vector<1x16xi32>,
        %swap3A_292 = vector.shape_cast %swap3A_291 : vector<1x16xi32> to vector<16xi32>
        %swap3A_293 = vector.shape_cast %add3A_288 : vector<16xi32> to vector<1x16xi32>
        tpu.vector_store %arg7[%swap3A_289, %swap3A_290], %swap3A_293 {strides = array<i32>} : memref<8x128xi32, #tpu.memory_space<vmem>>, vector<1x16xi32>,
        %get3A_294 = arith.index_cast %scan3A_229 : i32 to index
        %get3A_295 = arith.constant 96 : index
        %get3A_296 = tpu.vector_load %arg7[%get3A_294, %get3A_295] {strides = array<i32>} : memref<8x128xi32, #tpu.memory_space<vmem>>, vector<1x16xi32>,
        %get3A_297 = vector.shape_cast %get3A_296 : vector<1x16xi32> to vector<16xi32>
        %add3A_298 = vector.broadcast %mul3A_0 : i32 to vector<16xi32>
        %add3A_299 = arith.addi %get3A_297, %add3A_298 : vector<16xi32>
        %swap3A_300 = arith.index_cast %scan3A_229 : i32 to index
        %swap3A_301 = arith.constant 96 : index
        %swap3A_302 = tpu.vector_load %arg7[%swap3A_300, %swap3A_301] {strides = array<i32>} : memref<8x128xi32, #tpu.memory_space<vmem>>, vector<1x16xi32>,
        %swap3A_303 = vector.shape_cast %swap3A_302 : vector<1x16xi32> to vector<16xi32>
        %swap3A_304 = vector.shape_cast %add3A_299 : vector<16xi32> to vector<1x16xi32>
        tpu.vector_store %arg7[%swap3A_300, %swap3A_301], %swap3A_304 {strides = array<i32>} : memref<8x128xi32, #tpu.memory_space<vmem>>, vector<1x16xi32>,
        %get3A_305 = arith.index_cast %scan3A_229 : i32 to index
        %get3A_306 = arith.constant 112 : index
        %get3A_307 = tpu.vector_load %arg7[%get3A_305, %get3A_306] {strides = array<i32>} : memref<8x128xi32, #tpu.memory_space<vmem>>, vector<1x16xi32>,
        %get3A_308 = vector.shape_cast %get3A_307 : vector<1x16xi32> to vector<16xi32>
        %add3A_309 = vector.broadcast %mul3A_0 : i32 to vector<16xi32>
        %add3A_310 = arith.addi %get3A_308, %add3A_309 : vector<16xi32>
        %swap3A_311 = arith.index_cast %scan3A_229 : i32 to index
        %swap3A_312 = arith.constant 112 : index
        %swap3A_313 = tpu.vector_load %arg7[%swap3A_311, %swap3A_312] {strides = array<i32>} : memref<8x128xi32, #tpu.memory_space<vmem>>, vector<1x16xi32>,
        %swap3A_314 = vector.shape_cast %swap3A_313 : vector<1x16xi32> to vector<16xi32>
        %swap3A_315 = vector.shape_cast %add3A_310 : vector<16xi32> to vector<1x16xi32>
        tpu.vector_store %arg7[%swap3A_311, %swap3A_312], %swap3A_315 {strides = array<i32>} : memref<8x128xi32, #tpu.memory_space<vmem>>, vector<1x16xi32>,
      }
      %scan3A_23 = arith.constant 8 : i32
      %dma_start3A = arith.constant 0 : i32
      %dma_start3A_24 = arith.constant 0 : i32
      %dma_start3A_25 = arith.constant 0 : i32
      %dma_start3A_26 = arith.constant 0 : i32
      %dma_start3A_27 = tpu.memref_slice %arg9[%dma_start3A_24, %dma_start3A_25, %dma_start3A_26] : memref<2x128x128xf32, #tpu.memory_space<vmem>> -> memref<1x128x128xf32, #tpu.memory_space<vmem>>
      %dma_start3A_28 = tpu.memref_squeeze %dma_start3A_27 : memref<1x128x128xf32, #tpu.memory_space<vmem>> -> memref<128x128xf32, #tpu.memory_space<vmem>>
      %dma_start3A_29 = arith.constant 0 : i32
      %dma_start3A_30 = tpu.memref_slice %arg7[%dma_start3A, %dma_start3A_29] : memref<8x128xi32, #tpu.memory_space<vmem>> -> memref<1x128xi32, #tpu.memory_space<vmem>>
      %dma_start3A_31 = tpu.memref_squeeze %dma_start3A_30 : memref<1x128xi32, #tpu.memory_space<vmem>> -> memref<128xi32, #tpu.memory_space<vmem>>
      %dma_start3A_32 = arith.constant 0 : i32
      %dma_start3A_33 = arith.constant 0 : i32
      %dma_start3A_34 = tpu.memref_slice %arg2[%dma_start3A_32, %dma_start3A_33] : memref<20000x128xf32, #tpu.memory_space<hbm>> -> memref<20000x128xf32, #tpu.memory_space<hbm>>
      tpu.enqueue_indirect_dma source(%dma_start3A_34 : memref<20000x128xf32, #tpu.memory_space<hbm>>) target(%dma_start3A_28 : memref<128x128xf32, #tpu.memory_space<vmem>>) offsets(%dma_start3A_31 : memref<128xi32, #tpu.memory_space<vmem>>) semaphore(%arg11 : memref<!tpu.dma_semaphore, #tpu.memory_space<semaphore_mem>>)
      %dma_wait3A = arith.constant 0 : i32
      %dma_wait3A_35 = arith.constant 0 : i32
      %dma_wait3A_36 = arith.constant 0 : i32
      %dma_wait3A_37 = arith.constant 0 : i32
      %dma_wait3A_38 = tpu.memref_slice %arg9[%dma_wait3A_35, %dma_wait3A_36, %dma_wait3A_37] : memref<2x128x128xf32, #tpu.memory_space<vmem>> -> memref<1x128x128xf32, #tpu.memory_space<vmem>>
      %dma_wait3A_39 = tpu.memref_squeeze %dma_wait3A_38 : memref<1x128x128xf32, #tpu.memory_space<vmem>> -> memref<128x128xf32, #tpu.memory_space<vmem>>
      %dma_wait3A_40 = arith.constant 0 : i32
      %dma_wait3A_41 = tpu.memref_slice %arg7[%dma_wait3A, %dma_wait3A_40] : memref<8x128xi32, #tpu.memory_space<vmem>> -> memref<1x128xi32, #tpu.memory_space<vmem>>
      %dma_wait3A_42 = tpu.memref_squeeze %dma_wait3A_41 : memref<1x128xi32, #tpu.memory_space<vmem>> -> memref<128xi32, #tpu.memory_space<vmem>>
      %dma_wait3A_43 = arith.constant 0 : i32
      %dma_wait3A_44 = arith.constant 0 : i32
      %dma_wait3A_45 = tpu.memref_slice %arg2[%dma_wait3A_43, %dma_wait3A_44] : memref<20000x128xf32, #tpu.memory_space<hbm>> -> memref<20000x128xf32, #tpu.memory_space<hbm>>
      tpu.wait_indirect_dma semaphore(%arg11 : memref<!tpu.dma_semaphore, #tpu.memory_space<semaphore_mem>>) src(%dma_wait3A_45 : memref<20000x128xf32, #tpu.memory_space<hbm>>) dst(%dma_wait3A_39 : memref<128x128xf32, #tpu.memory_space<vmem>>)
      %dma_start3A_46 = arith.constant 1 : i32
      %dma_start3A_47 = arith.constant 1 : i32
      %dma_start3A_48 = arith.constant 0 : i32
      %dma_start3A_49 = arith.constant 0 : i32
      %dma_start3A_50 = tpu.memref_slice %arg9[%dma_start3A_47, %dma_start3A_48, %dma_start3A_49] : memref<2x128x128xf32, #tpu.memory_space<vmem>> -> memref<1x128x128xf32, #tpu.memory_space<vmem>>
      %dma_start3A_51 = tpu.memref_squeeze %dma_start3A_50 : memref<1x128x128xf32, #tpu.memory_space<vmem>> -> memref<128x128xf32, #tpu.memory_space<vmem>>
      %dma_start3A_52 = arith.constant 0 : i32
      %dma_start3A_53 = tpu.memref_slice %arg7[%dma_start3A_46, %dma_start3A_52] : memref<8x128xi32, #tpu.memory_space<vmem>> -> memref<1x128xi32, #tpu.memory_space<vmem>>
      %dma_start3A_54 = tpu.memref_squeeze %dma_start3A_53 : memref<1x128xi32, #tpu.memory_space<vmem>> -> memref<128xi32, #tpu.memory_space<vmem>>
      %dma_start3A_55 = arith.constant 0 : i32
      %dma_start3A_56 = arith.constant 0 : i32
      %dma_start3A_57 = tpu.memref_slice %arg2[%dma_start3A_55, %dma_start3A_56] : memref<20000x128xf32, #tpu.memory_space<hbm>> -> memref<20000x128xf32, #tpu.memory_space<hbm>>
      tpu.enqueue_indirect_dma source(%dma_start3A_57 : memref<20000x128xf32, #tpu.memory_space<hbm>>) target(%dma_start3A_51 : memref<128x128xf32, #tpu.memory_space<vmem>>) offsets(%dma_start3A_54 : memref<128xi32, #tpu.memory_space<vmem>>) semaphore(%arg11 : memref<!tpu.dma_semaphore, #tpu.memory_space<semaphore_mem>>)
      %run_scoped3A = arith.constant 0 : i32
      %run_scoped3A_58 = arith.constant 0 : i32
      "tpu.region"() ({
        %run_scoped3A_229 = tpu.sem_alloc : memref<!tpu.dma_semaphore, #tpu.memory_space<semaphore_mem>>
        %dma_start3A_230 = arith.constant 0 : i32
        %dma_start3A_231 = arith.constant 0 : i32
        %dma_start3A_232 = tpu.memref_slice %arg9[%run_scoped3A, %dma_start3A_230, %dma_start3A_231] : memref<2x128x128xf32, #tpu.memory_space<vmem>> -> memref<1x128x128xf32, #tpu.memory_space<vmem>>
        %dma_start3A_233 = tpu.memref_squeeze %dma_start3A_232 : memref<1x128x128xf32, #tpu.memory_space<vmem>> -> memref<128x128xf32, #tpu.memory_space<vmem>>
        %dma_start3A_234 = arith.constant 0 : i32
        %dma_start3A_235 = tpu.memref_slice %arg8[%run_scoped3A_58, %dma_start3A_234] : memref<8x128xi32, #tpu.memory_space<vmem>> -> memref<1x128xi32, #tpu.memory_space<vmem>>
        %dma_start3A_236 = tpu.memref_squeeze %dma_start3A_235 : memref<1x128xi32, #tpu.memory_space<vmem>> -> memref<128xi32, #tpu.memory_space<vmem>>
        %dma_start3A_237 = arith.constant 0 : i32
        %dma_start3A_238 = arith.constant 0 : i32
        %dma_start3A_239 = tpu.memref_slice %arg10[%dma_start3A_237, %dma_start3A_238] : memref<10112x128xf32, #tpu.memory_space<vmem_shared>> -> memref<10112x128xf32, #tpu.memory_space<vmem_shared>>
        tpu.enqueue_indirect_dma source(%dma_start3A_233 : memref<128x128xf32, #tpu.memory_space<vmem>>) target(%dma_start3A_239 : memref<10112x128xf32, #tpu.memory_space<vmem_shared>>) offsets(%dma_start3A_236 : memref<128xi32, #tpu.memory_space<vmem>>) semaphore(%run_scoped3A_229 : memref<!tpu.dma_semaphore, #tpu.memory_space<semaphore_mem>>) {add = true}
        %dma_wait3A_240 = arith.constant 0 : i32
        %dma_wait3A_241 = arith.constant 0 : i32
        %dma_wait3A_242 = tpu.memref_slice %arg9[%run_scoped3A, %dma_wait3A_240, %dma_wait3A_241] : memref<2x128x128xf32, #tpu.memory_space<vmem>> -> memref<1x128x128xf32, #tpu.memory_space<vmem>>
        %dma_wait3A_243 = tpu.memref_squeeze %dma_wait3A_242 : memref<1x128x128xf32, #tpu.memory_space<vmem>> -> memref<128x128xf32, #tpu.memory_space<vmem>>
        %dma_wait3A_244 = arith.constant 0 : i32
        %dma_wait3A_245 = tpu.memref_slice %arg8[%run_scoped3A_58, %dma_wait3A_244] : memref<8x128xi32, #tpu.memory_space<vmem>> -> memref<1x128xi32, #tpu.memory_space<vmem>>
        %dma_wait3A_246 = tpu.memref_squeeze %dma_wait3A_245 : memref<1x128xi32, #tpu.memory_space<vmem>> -> memref<128xi32, #tpu.memory_space<vmem>>
        %dma_wait3A_247 = arith.constant 0 : i32
        %dma_wait3A_248 = arith.constant 0 : i32
        %dma_wait3A_249 = tpu.memref_slice %arg10[%dma_wait3A_247, %dma_wait3A_248] : memref<10112x128xf32, #tpu.memory_space<vmem_shared>> -> memref<10112x128xf32, #tpu.memory_space<vmem_shared>>
        tpu.wait_indirect_dma semaphore(%run_scoped3A_229 : memref<!tpu.dma_semaphore, #tpu.memory_space<semaphore_mem>>) src(%dma_wait3A_243 : memref<128x128xf32, #tpu.memory_space<vmem>>) dst(%dma_wait3A_249 : memref<10112x128xf32, #tpu.memory_space<vmem_shared>>)
        tpu.yield
      }) : () -> ()
      %dma_wait3A_59 = arith.constant 1 : i32
      %dma_wait3A_60 = arith.constant 1 : i32
      %dma_wait3A_61 = arith.constant 0 : i32
      %dma_wait3A_62 = arith.constant 0 : i32
      %dma_wait3A_63 = tpu.memref_slice %arg9[%dma_wait3A_60, %dma_wait3A_61, %dma_wait3A_62] : memref<2x128x128xf32, #tpu.memory_space<vmem>> -> memref<1x128x128xf32, #tpu.memory_space<vmem>>
      %dma_wait3A_64 = tpu.memref_squeeze %dma_wait3A_63 : memref<1x128x128xf32, #tpu.memory_space<vmem>> -> memref<128x128xf32, #tpu.memory_space<vmem>>
      %dma_wait3A_65 = arith.constant 0 : i32
      %dma_wait3A_66 = tpu.memref_slice %arg7[%dma_wait3A_59, %dma_wait3A_65] : memref<8x128xi32, #tpu.memory_space<vmem>> -> memref<1x128xi32, #tpu.memory_space<vmem>>
      %dma_wait3A_67 = tpu.memref_squeeze %dma_wait3A_66 : memref<1x128xi32, #tpu.memory_space<vmem>> -> memref<128xi32, #tpu.memory_space<vmem>>
      %dma_wait3A_68 = arith.constant 0 : i32
      %dma_wait3A_69 = arith.constant 0 : i32
      %dma_wait3A_70 = tpu.memref_slice %arg2[%dma_wait3A_68, %dma_wait3A_69] : memref<20000x128xf32, #tpu.memory_space<hbm>> -> memref<20000x128xf32, #tpu.memory_space<hbm>>
      tpu.wait_indirect_dma semaphore(%arg11 : memref<!tpu.dma_semaphore, #tpu.memory_space<semaphore_mem>>) src(%dma_wait3A_70 : memref<20000x128xf32, #tpu.memory_space<hbm>>) dst(%dma_wait3A_64 : memref<128x128xf32, #tpu.memory_space<vmem>>)
      %dma_start3A_71 = arith.constant 2 : i32
      %dma_start3A_72 = arith.constant 0 : i32
      %dma_start3A_73 = arith.constant 0 : i32
      %dma_start3A_74 = arith.constant 0 : i32
      %dma_start3A_75 = tpu.memref_slice %arg9[%dma_start3A_72, %dma_start3A_73, %dma_start3A_74] : memref<2x128x128xf32, #tpu.memory_space<vmem>> -> memref<1x128x128xf32, #tpu.memory_space<vmem>>
      %dma_start3A_76 = tpu.memref_squeeze %dma_start3A_75 : memref<1x128x128xf32, #tpu.memory_space<vmem>> -> memref<128x128xf32, #tpu.memory_space<vmem>>
      %dma_start3A_77 = arith.constant 0 : i32
      %dma_start3A_78 = tpu.memref_slice %arg7[%dma_start3A_71, %dma_start3A_77] : memref<8x128xi32, #tpu.memory_space<vmem>> -> memref<1x128xi32, #tpu.memory_space<vmem>>
      %dma_start3A_79 = tpu.memref_squeeze %dma_start3A_78 : memref<1x128xi32, #tpu.memory_space<vmem>> -> memref<128xi32, #tpu.memory_space<vmem>>
      %dma_start3A_80 = arith.constant 0 : i32
      %dma_start3A_81 = arith.constant 0 : i32
      %dma_start3A_82 = tpu.memref_slice %arg2[%dma_start3A_80, %dma_start3A_81] : memref<20000x128xf32, #tpu.memory_space<hbm>> -> memref<20000x128xf32, #tpu.memory_space<hbm>>
      tpu.enqueue_indirect_dma source(%dma_start3A_82 : memref<20000x128xf32, #tpu.memory_space<hbm>>) target(%dma_start3A_76 : memref<128x128xf32, #tpu.memory_space<vmem>>) offsets(%dma_start3A_79 : memref<128xi32, #tpu.memory_space<vmem>>) semaphore(%arg11 : memref<!tpu.dma_semaphore, #tpu.memory_space<semaphore_mem>>)
      %run_scoped3A_83 = arith.constant 1 : i32
      %run_scoped3A_84 = arith.constant 1 : i32
      "tpu.region"() ({
        %run_scoped3A_229 = tpu.sem_alloc : memref<!tpu.dma_semaphore, #tpu.memory_space<semaphore_mem>>
        %dma_start3A_230 = arith.constant 0 : i32
        %dma_start3A_231 = arith.constant 0 : i32
        %dma_start3A_232 = tpu.memref_slice %arg9[%run_scoped3A_83, %dma_start3A_230, %dma_start3A_231] : memref<2x128x128xf32, #tpu.memory_space<vmem>> -> memref<1x128x128xf32, #tpu.memory_space<vmem>>
        %dma_start3A_233 = tpu.memref_squeeze %dma_start3A_232 : memref<1x128x128xf32, #tpu.memory_space<vmem>> -> memref<128x128xf32, #tpu.memory_space<vmem>>
        %dma_start3A_234 = arith.constant 0 : i32
        %dma_start3A_235 = tpu.memref_slice %arg8[%run_scoped3A_84, %dma_start3A_234] : memref<8x128xi32, #tpu.memory_space<vmem>> -> memref<1x128xi32, #tpu.memory_space<vmem>>
        %dma_start3A_236 = tpu.memref_squeeze %dma_start3A_235 : memref<1x128xi32, #tpu.memory_space<vmem>> -> memref<128xi32, #tpu.memory_space<vmem>>
        %dma_start3A_237 = arith.constant 0 : i32
        %dma_start3A_238 = arith.constant 0 : i32
        %dma_start3A_239 = tpu.memref_slice %arg10[%dma_start3A_237, %dma_start3A_238] : memref<10112x128xf32, #tpu.memory_space<vmem_shared>> -> memref<10112x128xf32, #tpu.memory_space<vmem_shared>>
        tpu.enqueue_indirect_dma source(%dma_start3A_233 : memref<128x128xf32, #tpu.memory_space<vmem>>) target(%dma_start3A_239 : memref<10112x128xf32, #tpu.memory_space<vmem_shared>>) offsets(%dma_start3A_236 : memref<128xi32, #tpu.memory_space<vmem>>) semaphore(%run_scoped3A_229 : memref<!tpu.dma_semaphore, #tpu.memory_space<semaphore_mem>>) {add = true}
        %dma_wait3A_240 = arith.constant 0 : i32
        %dma_wait3A_241 = arith.constant 0 : i32
        %dma_wait3A_242 = tpu.memref_slice %arg9[%run_scoped3A_83, %dma_wait3A_240, %dma_wait3A_241] : memref<2x128x128xf32, #tpu.memory_space<vmem>> -> memref<1x128x128xf32, #tpu.memory_space<vmem>>
        %dma_wait3A_243 = tpu.memref_squeeze %dma_wait3A_242 : memref<1x128x128xf32, #tpu.memory_space<vmem>> -> memref<128x128xf32, #tpu.memory_space<vmem>>
        %dma_wait3A_244 = arith.constant 0 : i32
        %dma_wait3A_245 = tpu.memref_slice %arg8[%run_scoped3A_84, %dma_wait3A_244] : memref<8x128xi32, #tpu.memory_space<vmem>> -> memref<1x128xi32, #tpu.memory_space<vmem>>
        %dma_wait3A_246 = tpu.memref_squeeze %dma_wait3A_245 : memref<1x128xi32, #tpu.memory_space<vmem>> -> memref<128xi32, #tpu.memory_space<vmem>>
        %dma_wait3A_247 = arith.constant 0 : i32
        %dma_wait3A_248 = arith.constant 0 : i32
        %dma_wait3A_249 = tpu.memref_slice %arg10[%dma_wait3A_247, %dma_wait3A_248] : memref<10112x128xf32, #tpu.memory_space<vmem_shared>> -> memref<10112x128xf32, #tpu.memory_space<vmem_shared>>
        tpu.wait_indirect_dma semaphore(%run_scoped3A_229 : memref<!tpu.dma_semaphore, #tpu.memory_space<semaphore_mem>>) src(%dma_wait3A_243 : memref<128x128xf32, #tpu.memory_space<vmem>>) dst(%dma_wait3A_249 : memref<10112x128xf32, #tpu.memory_space<vmem_shared>>)
        tpu.yield
      }) : () -> ()
      %dma_wait3A_85 = arith.constant 2 : i32
      %dma_wait3A_86 = arith.constant 0 : i32
      %dma_wait3A_87 = arith.constant 0 : i32
      %dma_wait3A_88 = arith.constant 0 : i32
      %dma_wait3A_89 = tpu.memref_slice %arg9[%dma_wait3A_86, %dma_wait3A_87, %dma_wait3A_88] : memref<2x128x128xf32, #tpu.memory_space<vmem>> -> memref<1x128x128xf32, #tpu.memory_space<vmem>>
      %dma_wait3A_90 = tpu.memref_squeeze %dma_wait3A_89 : memref<1x128x128xf32, #tpu.memory_space<vmem>> -> memref<128x128xf32, #tpu.memory_space<vmem>>
      %dma_wait3A_91 = arith.constant 0 : i32
      %dma_wait3A_92 = tpu.memref_slice %arg7[%dma_wait3A_85, %dma_wait3A_91] : memref<8x128xi32, #tpu.memory_space<vmem>> -> memref<1x128xi32, #tpu.memory_space<vmem>>
      %dma_wait3A_93 = tpu.memref_squeeze %dma_wait3A_92 : memref<1x128xi32, #tpu.memory_space<vmem>> -> memref<128xi32, #tpu.memory_space<vmem>>
      %dma_wait3A_94 = arith.constant 0 : i32
      %dma_wait3A_95 = arith.constant 0 : i32
      %dma_wait3A_96 = tpu.memref_slice %arg2[%dma_wait3A_94, %dma_wait3A_95] : memref<20000x128xf32, #tpu.memory_space<hbm>> -> memref<20000x128xf32, #tpu.memory_space<hbm>>
      tpu.wait_indirect_dma semaphore(%arg11 : memref<!tpu.dma_semaphore, #tpu.memory_space<semaphore_mem>>) src(%dma_wait3A_96 : memref<20000x128xf32, #tpu.memory_space<hbm>>) dst(%dma_wait3A_90 : memref<128x128xf32, #tpu.memory_space<vmem>>)
      %dma_start3A_97 = arith.constant 3 : i32
      %dma_start3A_98 = arith.constant 1 : i32
      %dma_start3A_99 = arith.constant 0 : i32
      %dma_start3A_100 = arith.constant 0 : i32
      %dma_start3A_101 = tpu.memref_slice %arg9[%dma_start3A_98, %dma_start3A_99, %dma_start3A_100] : memref<2x128x128xf32, #tpu.memory_space<vmem>> -> memref<1x128x128xf32, #tpu.memory_space<vmem>>
      %dma_start3A_102 = tpu.memref_squeeze %dma_start3A_101 : memref<1x128x128xf32, #tpu.memory_space<vmem>> -> memref<128x128xf32, #tpu.memory_space<vmem>>
      %dma_start3A_103 = arith.constant 0 : i32
      %dma_start3A_104 = tpu.memref_slice %arg7[%dma_start3A_97, %dma_start3A_103] : memref<8x128xi32, #tpu.memory_space<vmem>> -> memref<1x128xi32, #tpu.memory_space<vmem>>
      %dma_start3A_105 = tpu.memref_squeeze %dma_start3A_104 : memref<1x128xi32, #tpu.memory_space<vmem>> -> memref<128xi32, #tpu.memory_space<vmem>>
      %dma_start3A_106 = arith.constant 0 : i32
      %dma_start3A_107 = arith.constant 0 : i32
      %dma_start3A_108 = tpu.memref_slice %arg2[%dma_start3A_106, %dma_start3A_107] : memref<20000x128xf32, #tpu.memory_space<hbm>> -> memref<20000x128xf32, #tpu.memory_space<hbm>>
      tpu.enqueue_indirect_dma source(%dma_start3A_108 : memref<20000x128xf32, #tpu.memory_space<hbm>>) target(%dma_start3A_102 : memref<128x128xf32, #tpu.memory_space<vmem>>) offsets(%dma_start3A_105 : memref<128xi32, #tpu.memory_space<vmem>>) semaphore(%arg11 : memref<!tpu.dma_semaphore, #tpu.memory_space<semaphore_mem>>)
      %run_scoped3A_109 = arith.constant 0 : i32
      %run_scoped3A_110 = arith.constant 2 : i32
      "tpu.region"() ({
        %run_scoped3A_229 = tpu.sem_alloc : memref<!tpu.dma_semaphore, #tpu.memory_space<semaphore_mem>>
        %dma_start3A_230 = arith.constant 0 : i32
        %dma_start3A_231 = arith.constant 0 : i32
        %dma_start3A_232 = tpu.memref_slice %arg9[%run_scoped3A_109, %dma_start3A_230, %dma_start3A_231] : memref<2x128x128xf32, #tpu.memory_space<vmem>> -> memref<1x128x128xf32, #tpu.memory_space<vmem>>
        %dma_start3A_233 = tpu.memref_squeeze %dma_start3A_232 : memref<1x128x128xf32, #tpu.memory_space<vmem>> -> memref<128x128xf32, #tpu.memory_space<vmem>>
        %dma_start3A_234 = arith.constant 0 : i32
        %dma_start3A_235 = tpu.memref_slice %arg8[%run_scoped3A_110, %dma_start3A_234] : memref<8x128xi32, #tpu.memory_space<vmem>> -> memref<1x128xi32, #tpu.memory_space<vmem>>
        %dma_start3A_236 = tpu.memref_squeeze %dma_start3A_235 : memref<1x128xi32, #tpu.memory_space<vmem>> -> memref<128xi32, #tpu.memory_space<vmem>>
        %dma_start3A_237 = arith.constant 0 : i32
        %dma_start3A_238 = arith.constant 0 : i32
        %dma_start3A_239 = tpu.memref_slice %arg10[%dma_start3A_237, %dma_start3A_238] : memref<10112x128xf32, #tpu.memory_space<vmem_shared>> -> memref<10112x128xf32, #tpu.memory_space<vmem_shared>>
        tpu.enqueue_indirect_dma source(%dma_start3A_233 : memref<128x128xf32, #tpu.memory_space<vmem>>) target(%dma_start3A_239 : memref<10112x128xf32, #tpu.memory_space<vmem_shared>>) offsets(%dma_start3A_236 : memref<128xi32, #tpu.memory_space<vmem>>) semaphore(%run_scoped3A_229 : memref<!tpu.dma_semaphore, #tpu.memory_space<semaphore_mem>>) {add = true}
        %dma_wait3A_240 = arith.constant 0 : i32
        %dma_wait3A_241 = arith.constant 0 : i32
        %dma_wait3A_242 = tpu.memref_slice %arg9[%run_scoped3A_109, %dma_wait3A_240, %dma_wait3A_241] : memref<2x128x128xf32, #tpu.memory_space<vmem>> -> memref<1x128x128xf32, #tpu.memory_space<vmem>>
        %dma_wait3A_243 = tpu.memref_squeeze %dma_wait3A_242 : memref<1x128x128xf32, #tpu.memory_space<vmem>> -> memref<128x128xf32, #tpu.memory_space<vmem>>
        %dma_wait3A_244 = arith.constant 0 : i32
        %dma_wait3A_245 = tpu.memref_slice %arg8[%run_scoped3A_110, %dma_wait3A_244] : memref<8x128xi32, #tpu.memory_space<vmem>> -> memref<1x128xi32, #tpu.memory_space<vmem>>
        %dma_wait3A_246 = tpu.memref_squeeze %dma_wait3A_245 : memref<1x128xi32, #tpu.memory_space<vmem>> -> memref<128xi32, #tpu.memory_space<vmem>>
        %dma_wait3A_247 = arith.constant 0 : i32
        %dma_wait3A_248 = arith.constant 0 : i32
        %dma_wait3A_249 = tpu.memref_slice %arg10[%dma_wait3A_247, %dma_wait3A_248] : memref<10112x128xf32, #tpu.memory_space<vmem_shared>> -> memref<10112x128xf32, #tpu.memory_space<vmem_shared>>
        tpu.wait_indirect_dma semaphore(%run_scoped3A_229 : memref<!tpu.dma_semaphore, #tpu.memory_space<semaphore_mem>>) src(%dma_wait3A_243 : memref<128x128xf32, #tpu.memory_space<vmem>>) dst(%dma_wait3A_249 : memref<10112x128xf32, #tpu.memory_space<vmem_shared>>)
        tpu.yield
      }) : () -> ()
      %dma_wait3A_111 = arith.constant 3 : i32
      %dma_wait3A_112 = arith.constant 1 : i32
      %dma_wait3A_113 = arith.constant 0 : i32
      %dma_wait3A_114 = arith.constant 0 : i32
      %dma_wait3A_115 = tpu.memref_slice %arg9[%dma_wait3A_112, %dma_wait3A_113, %dma_wait3A_114] : memref<2x128x128xf32, #tpu.memory_space<vmem>> -> memref<1x128x128xf32, #tpu.memory_space<vmem>>
      %dma_wait3A_116 = tpu.memref_squeeze %dma_wait3A_115 : memref<1x128x128xf32, #tpu.memory_space<vmem>> -> memref<128x128xf32, #tpu.memory_space<vmem>>
      %dma_wait3A_117 = arith.constant 0 : i32
      %dma_wait3A_118 = tpu.memref_slice %arg7[%dma_wait3A_111, %dma_wait3A_117] : memref<8x128xi32, #tpu.memory_space<vmem>> -> memref<1x128xi32, #tpu.memory_space<vmem>>
      %dma_wait3A_119 = tpu.memref_squeeze %dma_wait3A_118 : memref<1x128xi32, #tpu.memory_space<vmem>> -> memref<128xi32, #tpu.memory_space<vmem>>
      %dma_wait3A_120 = arith.constant 0 : i32
      %dma_wait3A_121 = arith.constant 0 : i32
      %dma_wait3A_122 = tpu.memref_slice %arg2[%dma_wait3A_120, %dma_wait3A_121] : memref<20000x128xf32, #tpu.memory_space<hbm>> -> memref<20000x128xf32, #tpu.memory_space<hbm>>
      tpu.wait_indirect_dma semaphore(%arg11 : memref<!tpu.dma_semaphore, #tpu.memory_space<semaphore_mem>>) src(%dma_wait3A_122 : memref<20000x128xf32, #tpu.memory_space<hbm>>) dst(%dma_wait3A_116 : memref<128x128xf32, #tpu.memory_space<vmem>>)
      %dma_start3A_123 = arith.constant 4 : i32
      %dma_start3A_124 = arith.constant 0 : i32
      %dma_start3A_125 = arith.constant 0 : i32
      %dma_start3A_126 = arith.constant 0 : i32
      %dma_start3A_127 = tpu.memref_slice %arg9[%dma_start3A_124, %dma_start3A_125, %dma_start3A_126] : memref<2x128x128xf32, #tpu.memory_space<vmem>> -> memref<1x128x128xf32, #tpu.memory_space<vmem>>
      %dma_start3A_128 = tpu.memref_squeeze %dma_start3A_127 : memref<1x128x128xf32, #tpu.memory_space<vmem>> -> memref<128x128xf32, #tpu.memory_space<vmem>>
      %dma_start3A_129 = arith.constant 0 : i32
      %dma_start3A_130 = tpu.memref_slice %arg7[%dma_start3A_123, %dma_start3A_129] : memref<8x128xi32, #tpu.memory_space<vmem>> -> memref<1x128xi32, #tpu.memory_space<vmem>>
      %dma_start3A_131 = tpu.memref_squeeze %dma_start3A_130 : memref<1x128xi32, #tpu.memory_space<vmem>> -> memref<128xi32, #tpu.memory_space<vmem>>
      %dma_start3A_132 = arith.constant 0 : i32
      %dma_start3A_133 = arith.constant 0 : i32
      %dma_start3A_134 = tpu.memref_slice %arg2[%dma_start3A_132, %dma_start3A_133] : memref<20000x128xf32, #tpu.memory_space<hbm>> -> memref<20000x128xf32, #tpu.memory_space<hbm>>
      tpu.enqueue_indirect_dma source(%dma_start3A_134 : memref<20000x128xf32, #tpu.memory_space<hbm>>) target(%dma_start3A_128 : memref<128x128xf32, #tpu.memory_space<vmem>>) offsets(%dma_start3A_131 : memref<128xi32, #tpu.memory_space<vmem>>) semaphore(%arg11 : memref<!tpu.dma_semaphore, #tpu.memory_space<semaphore_mem>>)
      %run_scoped3A_135 = arith.constant 1 : i32
      %run_scoped3A_136 = arith.constant 3 : i32
      "tpu.region"() ({
        %run_scoped3A_229 = tpu.sem_alloc : memref<!tpu.dma_semaphore, #tpu.memory_space<semaphore_mem>>
        %dma_start3A_230 = arith.constant 0 : i32
        %dma_start3A_231 = arith.constant 0 : i32
        %dma_start3A_232 = tpu.memref_slice %arg9[%run_scoped3A_135, %dma_start3A_230, %dma_start3A_231] : memref<2x128x128xf32, #tpu.memory_space<vmem>> -> memref<1x128x128xf32, #tpu.memory_space<vmem>>
        %dma_start3A_233 = tpu.memref_squeeze %dma_start3A_232 : memref<1x128x128xf32, #tpu.memory_space<vmem>> -> memref<128x128xf32, #tpu.memory_space<vmem>>
        %dma_start3A_234 = arith.constant 0 : i32
        %dma_start3A_235 = tpu.memref_slice %arg8[%run_scoped3A_136, %dma_start3A_234] : memref<8x128xi32, #tpu.memory_space<vmem>> -> memref<1x128xi32, #tpu.memory_space<vmem>>
        %dma_start3A_236 = tpu.memref_squeeze %dma_start3A_235 : memref<1x128xi32, #tpu.memory_space<vmem>> -> memref<128xi32, #tpu.memory_space<vmem>>
        %dma_start3A_237 = arith.constant 0 : i32
        %dma_start3A_238 = arith.constant 0 : i32
        %dma_start3A_239 = tpu.memref_slice %arg10[%dma_start3A_237, %dma_start3A_238] : memref<10112x128xf32, #tpu.memory_space<vmem_shared>> -> memref<10112x128xf32, #tpu.memory_space<vmem_shared>>
        tpu.enqueue_indirect_dma source(%dma_start3A_233 : memref<128x128xf32, #tpu.memory_space<vmem>>) target(%dma_start3A_239 : memref<10112x128xf32, #tpu.memory_space<vmem_shared>>) offsets(%dma_start3A_236 : memref<128xi32, #tpu.memory_space<vmem>>) semaphore(%run_scoped3A_229 : memref<!tpu.dma_semaphore, #tpu.memory_space<semaphore_mem>>) {add = true}
        %dma_wait3A_240 = arith.constant 0 : i32
        %dma_wait3A_241 = arith.constant 0 : i32
        %dma_wait3A_242 = tpu.memref_slice %arg9[%run_scoped3A_135, %dma_wait3A_240, %dma_wait3A_241] : memref<2x128x128xf32, #tpu.memory_space<vmem>> -> memref<1x128x128xf32, #tpu.memory_space<vmem>>
        %dma_wait3A_243 = tpu.memref_squeeze %dma_wait3A_242 : memref<1x128x128xf32, #tpu.memory_space<vmem>> -> memref<128x128xf32, #tpu.memory_space<vmem>>
        %dma_wait3A_244 = arith.constant 0 : i32
        %dma_wait3A_245 = tpu.memref_slice %arg8[%run_scoped3A_136, %dma_wait3A_244] : memref<8x128xi32, #tpu.memory_space<vmem>> -> memref<1x128xi32, #tpu.memory_space<vmem>>
        %dma_wait3A_246 = tpu.memref_squeeze %dma_wait3A_245 : memref<1x128xi32, #tpu.memory_space<vmem>> -> memref<128xi32, #tpu.memory_space<vmem>>
        %dma_wait3A_247 = arith.constant 0 : i32
        %dma_wait3A_248 = arith.constant 0 : i32
        %dma_wait3A_249 = tpu.memref_slice %arg10[%dma_wait3A_247, %dma_wait3A_248] : memref<10112x128xf32, #tpu.memory_space<vmem_shared>> -> memref<10112x128xf32, #tpu.memory_space<vmem_shared>>
        tpu.wait_indirect_dma semaphore(%run_scoped3A_229 : memref<!tpu.dma_semaphore, #tpu.memory_space<semaphore_mem>>) src(%dma_wait3A_243 : memref<128x128xf32, #tpu.memory_space<vmem>>) dst(%dma_wait3A_249 : memref<10112x128xf32, #tpu.memory_space<vmem_shared>>)
        tpu.yield
      }) : () -> ()
      %dma_wait3A_137 = arith.constant 4 : i32
      %dma_wait3A_138 = arith.constant 0 : i32
      %dma_wait3A_139 = arith.constant 0 : i32
      %dma_wait3A_140 = arith.constant 0 : i32
      %dma_wait3A_141 = tpu.memref_slice %arg9[%dma_wait3A_138, %dma_wait3A_139, %dma_wait3A_140] : memref<2x128x128xf32, #tpu.memory_space<vmem>> -> memref<1x128x128xf32, #tpu.memory_space<vmem>>
      %dma_wait3A_142 = tpu.memref_squeeze %dma_wait3A_141 : memref<1x128x128xf32, #tpu.memory_space<vmem>> -> memref<128x128xf32, #tpu.memory_space<vmem>>
      %dma_wait3A_143 = arith.constant 0 : i32
      %dma_wait3A_144 = tpu.memref_slice %arg7[%dma_wait3A_137, %dma_wait3A_143] : memref<8x128xi32, #tpu.memory_space<vmem>> -> memref<1x128xi32, #tpu.memory_space<vmem>>
      %dma_wait3A_145 = tpu.memref_squeeze %dma_wait3A_144 : memref<1x128xi32, #tpu.memory_space<vmem>> -> memref<128xi32, #tpu.memory_space<vmem>>
      %dma_wait3A_146 = arith.constant 0 : i32
      %dma_wait3A_147 = arith.constant 0 : i32
      %dma_wait3A_148 = tpu.memref_slice %arg2[%dma_wait3A_146, %dma_wait3A_147] : memref<20000x128xf32, #tpu.memory_space<hbm>> -> memref<20000x128xf32, #tpu.memory_space<hbm>>
      tpu.wait_indirect_dma semaphore(%arg11 : memref<!tpu.dma_semaphore, #tpu.memory_space<semaphore_mem>>) src(%dma_wait3A_148 : memref<20000x128xf32, #tpu.memory_space<hbm>>) dst(%dma_wait3A_142 : memref<128x128xf32, #tpu.memory_space<vmem>>)
      %dma_start3A_149 = arith.constant 5 : i32
      %dma_start3A_150 = arith.constant 1 : i32
      %dma_start3A_151 = arith.constant 0 : i32
      %dma_start3A_152 = arith.constant 0 : i32
      %dma_start3A_153 = tpu.memref_slice %arg9[%dma_start3A_150, %dma_start3A_151, %dma_start3A_152] : memref<2x128x128xf32, #tpu.memory_space<vmem>> -> memref<1x128x128xf32, #tpu.memory_space<vmem>>
      %dma_start3A_154 = tpu.memref_squeeze %dma_start3A_153 : memref<1x128x128xf32, #tpu.memory_space<vmem>> -> memref<128x128xf32, #tpu.memory_space<vmem>>
      %dma_start3A_155 = arith.constant 0 : i32
      %dma_start3A_156 = tpu.memref_slice %arg7[%dma_start3A_149, %dma_start3A_155] : memref<8x128xi32, #tpu.memory_space<vmem>> -> memref<1x128xi32, #tpu.memory_space<vmem>>
      %dma_start3A_157 = tpu.memref_squeeze %dma_start3A_156 : memref<1x128xi32, #tpu.memory_space<vmem>> -> memref<128xi32, #tpu.memory_space<vmem>>
      %dma_start3A_158 = arith.constant 0 : i32
      %dma_start3A_159 = arith.constant 0 : i32
      %dma_start3A_160 = tpu.memref_slice %arg2[%dma_start3A_158, %dma_start3A_159] : memref<20000x128xf32, #tpu.memory_space<hbm>> -> memref<20000x128xf32, #tpu.memory_space<hbm>>
      tpu.enqueue_indirect_dma source(%dma_start3A_160 : memref<20000x128xf32, #tpu.memory_space<hbm>>) target(%dma_start3A_154 : memref<128x128xf32, #tpu.memory_space<vmem>>) offsets(%dma_start3A_157 : memref<128xi32, #tpu.memory_space<vmem>>) semaphore(%arg11 : memref<!tpu.dma_semaphore, #tpu.memory_space<semaphore_mem>>)
      %run_scoped3A_161 = arith.constant 0 : i32
      %run_scoped3A_162 = arith.constant 4 : i32
      "tpu.region"() ({
        %run_scoped3A_229 = tpu.sem_alloc : memref<!tpu.dma_semaphore, #tpu.memory_space<semaphore_mem>>
        %dma_start3A_230 = arith.constant 0 : i32
        %dma_start3A_231 = arith.constant 0 : i32
        %dma_start3A_232 = tpu.memref_slice %arg9[%run_scoped3A_161, %dma_start3A_230, %dma_start3A_231] : memref<2x128x128xf32, #tpu.memory_space<vmem>> -> memref<1x128x128xf32, #tpu.memory_space<vmem>>
        %dma_start3A_233 = tpu.memref_squeeze %dma_start3A_232 : memref<1x128x128xf32, #tpu.memory_space<vmem>> -> memref<128x128xf32, #tpu.memory_space<vmem>>
        %dma_start3A_234 = arith.constant 0 : i32
        %dma_start3A_235 = tpu.memref_slice %arg8[%run_scoped3A_162, %dma_start3A_234] : memref<8x128xi32, #tpu.memory_space<vmem>> -> memref<1x128xi32, #tpu.memory_space<vmem>>
        %dma_start3A_236 = tpu.memref_squeeze %dma_start3A_235 : memref<1x128xi32, #tpu.memory_space<vmem>> -> memref<128xi32, #tpu.memory_space<vmem>>
        %dma_start3A_237 = arith.constant 0 : i32
        %dma_start3A_238 = arith.constant 0 : i32
        %dma_start3A_239 = tpu.memref_slice %arg10[%dma_start3A_237, %dma_start3A_238] : memref<10112x128xf32, #tpu.memory_space<vmem_shared>> -> memref<10112x128xf32, #tpu.memory_space<vmem_shared>>
        tpu.enqueue_indirect_dma source(%dma_start3A_233 : memref<128x128xf32, #tpu.memory_space<vmem>>) target(%dma_start3A_239 : memref<10112x128xf32, #tpu.memory_space<vmem_shared>>) offsets(%dma_start3A_236 : memref<128xi32, #tpu.memory_space<vmem>>) semaphore(%run_scoped3A_229 : memref<!tpu.dma_semaphore, #tpu.memory_space<semaphore_mem>>) {add = true}
        %dma_wait3A_240 = arith.constant 0 : i32
        %dma_wait3A_241 = arith.constant 0 : i32
        %dma_wait3A_242 = tpu.memref_slice %arg9[%run_scoped3A_161, %dma_wait3A_240, %dma_wait3A_241] : memref<2x128x128xf32, #tpu.memory_space<vmem>> -> memref<1x128x128xf32, #tpu.memory_space<vmem>>
        %dma_wait3A_243 = tpu.memref_squeeze %dma_wait3A_242 : memref<1x128x128xf32, #tpu.memory_space<vmem>> -> memref<128x128xf32, #tpu.memory_space<vmem>>
        %dma_wait3A_244 = arith.constant 0 : i32
        %dma_wait3A_245 = tpu.memref_slice %arg8[%run_scoped3A_162, %dma_wait3A_244] : memref<8x128xi32, #tpu.memory_space<vmem>> -> memref<1x128xi32, #tpu.memory_space<vmem>>
        %dma_wait3A_246 = tpu.memref_squeeze %dma_wait3A_245 : memref<1x128xi32, #tpu.memory_space<vmem>> -> memref<128xi32, #tpu.memory_space<vmem>>
        %dma_wait3A_247 = arith.constant 0 : i32
        %dma_wait3A_248 = arith.constant 0 : i32
        %dma_wait3A_249 = tpu.memref_slice %arg10[%dma_wait3A_247, %dma_wait3A_248] : memref<10112x128xf32, #tpu.memory_space<vmem_shared>> -> memref<10112x128xf32, #tpu.memory_space<vmem_shared>>
        tpu.wait_indirect_dma semaphore(%run_scoped3A_229 : memref<!tpu.dma_semaphore, #tpu.memory_space<semaphore_mem>>) src(%dma_wait3A_243 : memref<128x128xf32, #tpu.memory_space<vmem>>) dst(%dma_wait3A_249 : memref<10112x128xf32, #tpu.memory_space<vmem_shared>>)
        tpu.yield
      }) : () -> ()
      %dma_wait3A_163 = arith.constant 5 : i32
      %dma_wait3A_164 = arith.constant 1 : i32
      %dma_wait3A_165 = arith.constant 0 : i32
      %dma_wait3A_166 = arith.constant 0 : i32
      %dma_wait3A_167 = tpu.memref_slice %arg9[%dma_wait3A_164, %dma_wait3A_165, %dma_wait3A_166] : memref<2x128x128xf32, #tpu.memory_space<vmem>> -> memref<1x128x128xf32, #tpu.memory_space<vmem>>
      %dma_wait3A_168 = tpu.memref_squeeze %dma_wait3A_167 : memref<1x128x128xf32, #tpu.memory_space<vmem>> -> memref<128x128xf32, #tpu.memory_space<vmem>>
      %dma_wait3A_169 = arith.constant 0 : i32
      %dma_wait3A_170 = tpu.memref_slice %arg7[%dma_wait3A_163, %dma_wait3A_169] : memref<8x128xi32, #tpu.memory_space<vmem>> -> memref<1x128xi32, #tpu.memory_space<vmem>>
      %dma_wait3A_171 = tpu.memref_squeeze %dma_wait3A_170 : memref<1x128xi32, #tpu.memory_space<vmem>> -> memref<128xi32, #tpu.memory_space<vmem>>
      %dma_wait3A_172 = arith.constant 0 : i32
      %dma_wait3A_173 = arith.constant 0 : i32
      %dma_wait3A_174 = tpu.memref_slice %arg2[%dma_wait3A_172, %dma_wait3A_173] : memref<20000x128xf32, #tpu.memory_space<hbm>> -> memref<20000x128xf32, #tpu.memory_space<hbm>>
      tpu.wait_indirect_dma semaphore(%arg11 : memref<!tpu.dma_semaphore, #tpu.memory_space<semaphore_mem>>) src(%dma_wait3A_174 : memref<20000x128xf32, #tpu.memory_space<hbm>>) dst(%dma_wait3A_168 : memref<128x128xf32, #tpu.memory_space<vmem>>)
      %dma_start3A_175 = arith.constant 6 : i32
      %dma_start3A_176 = arith.constant 0 : i32
      %dma_start3A_177 = arith.constant 0 : i32
      %dma_start3A_178 = arith.constant 0 : i32
      %dma_start3A_179 = tpu.memref_slice %arg9[%dma_start3A_176, %dma_start3A_177, %dma_start3A_178] : memref<2x128x128xf32, #tpu.memory_space<vmem>> -> memref<1x128x128xf32, #tpu.memory_space<vmem>>
      %dma_start3A_180 = tpu.memref_squeeze %dma_start3A_179 : memref<1x128x128xf32, #tpu.memory_space<vmem>> -> memref<128x128xf32, #tpu.memory_space<vmem>>
      %dma_start3A_181 = arith.constant 0 : i32
      %dma_start3A_182 = tpu.memref_slice %arg7[%dma_start3A_175, %dma_start3A_181] : memref<8x128xi32, #tpu.memory_space<vmem>> -> memref<1x128xi32, #tpu.memory_space<vmem>>
      %dma_start3A_183 = tpu.memref_squeeze %dma_start3A_182 : memref<1x128xi32, #tpu.memory_space<vmem>> -> memref<128xi32, #tpu.memory_space<vmem>>
      %dma_start3A_184 = arith.constant 0 : i32
      %dma_start3A_185 = arith.constant 0 : i32
      %dma_start3A_186 = tpu.memref_slice %arg2[%dma_start3A_184, %dma_start3A_185] : memref<20000x128xf32, #tpu.memory_space<hbm>> -> memref<20000x128xf32, #tpu.memory_space<hbm>>
      tpu.enqueue_indirect_dma source(%dma_start3A_186 : memref<20000x128xf32, #tpu.memory_space<hbm>>) target(%dma_start3A_180 : memref<128x128xf32, #tpu.memory_space<vmem>>) offsets(%dma_start3A_183 : memref<128xi32, #tpu.memory_space<vmem>>) semaphore(%arg11 : memref<!tpu.dma_semaphore, #tpu.memory_space<semaphore_mem>>)
      %run_scoped3A_187 = arith.constant 1 : i32
      %run_scoped3A_188 = arith.constant 5 : i32
      "tpu.region"() ({
        %run_scoped3A_229 = tpu.sem_alloc : memref<!tpu.dma_semaphore, #tpu.memory_space<semaphore_mem>>
        %dma_start3A_230 = arith.constant 0 : i32
        %dma_start3A_231 = arith.constant 0 : i32
        %dma_start3A_232 = tpu.memref_slice %arg9[%run_scoped3A_187, %dma_start3A_230, %dma_start3A_231] : memref<2x128x128xf32, #tpu.memory_space<vmem>> -> memref<1x128x128xf32, #tpu.memory_space<vmem>>
        %dma_start3A_233 = tpu.memref_squeeze %dma_start3A_232 : memref<1x128x128xf32, #tpu.memory_space<vmem>> -> memref<128x128xf32, #tpu.memory_space<vmem>>
        %dma_start3A_234 = arith.constant 0 : i32
        %dma_start3A_235 = tpu.memref_slice %arg8[%run_scoped3A_188, %dma_start3A_234] : memref<8x128xi32, #tpu.memory_space<vmem>> -> memref<1x128xi32, #tpu.memory_space<vmem>>
        %dma_start3A_236 = tpu.memref_squeeze %dma_start3A_235 : memref<1x128xi32, #tpu.memory_space<vmem>> -> memref<128xi32, #tpu.memory_space<vmem>>
        %dma_start3A_237 = arith.constant 0 : i32
        %dma_start3A_238 = arith.constant 0 : i32
        %dma_start3A_239 = tpu.memref_slice %arg10[%dma_start3A_237, %dma_start3A_238] : memref<10112x128xf32, #tpu.memory_space<vmem_shared>> -> memref<10112x128xf32, #tpu.memory_space<vmem_shared>>
        tpu.enqueue_indirect_dma source(%dma_start3A_233 : memref<128x128xf32, #tpu.memory_space<vmem>>) target(%dma_start3A_239 : memref<10112x128xf32, #tpu.memory_space<vmem_shared>>) offsets(%dma_start3A_236 : memref<128xi32, #tpu.memory_space<vmem>>) semaphore(%run_scoped3A_229 : memref<!tpu.dma_semaphore, #tpu.memory_space<semaphore_mem>>) {add = true}
        %dma_wait3A_240 = arith.constant 0 : i32
        %dma_wait3A_241 = arith.constant 0 : i32
        %dma_wait3A_242 = tpu.memref_slice %arg9[%run_scoped3A_187, %dma_wait3A_240, %dma_wait3A_241] : memref<2x128x128xf32, #tpu.memory_space<vmem>> -> memref<1x128x128xf32, #tpu.memory_space<vmem>>
        %dma_wait3A_243 = tpu.memref_squeeze %dma_wait3A_242 : memref<1x128x128xf32, #tpu.memory_space<vmem>> -> memref<128x128xf32, #tpu.memory_space<vmem>>
        %dma_wait3A_244 = arith.constant 0 : i32
        %dma_wait3A_245 = tpu.memref_slice %arg8[%run_scoped3A_188, %dma_wait3A_244] : memref<8x128xi32, #tpu.memory_space<vmem>> -> memref<1x128xi32, #tpu.memory_space<vmem>>
        %dma_wait3A_246 = tpu.memref_squeeze %dma_wait3A_245 : memref<1x128xi32, #tpu.memory_space<vmem>> -> memref<128xi32, #tpu.memory_space<vmem>>
        %dma_wait3A_247 = arith.constant 0 : i32
        %dma_wait3A_248 = arith.constant 0 : i32
        %dma_wait3A_249 = tpu.memref_slice %arg10[%dma_wait3A_247, %dma_wait3A_248] : memref<10112x128xf32, #tpu.memory_space<vmem_shared>> -> memref<10112x128xf32, #tpu.memory_space<vmem_shared>>
        tpu.wait_indirect_dma semaphore(%run_scoped3A_229 : memref<!tpu.dma_semaphore, #tpu.memory_space<semaphore_mem>>) src(%dma_wait3A_243 : memref<128x128xf32, #tpu.memory_space<vmem>>) dst(%dma_wait3A_249 : memref<10112x128xf32, #tpu.memory_space<vmem_shared>>)
        tpu.yield
      }) : () -> ()
      %dma_wait3A_189 = arith.constant 6 : i32
      %dma_wait3A_190 = arith.constant 0 : i32
      %dma_wait3A_191 = arith.constant 0 : i32
      %dma_wait3A_192 = arith.constant 0 : i32
      %dma_wait3A_193 = tpu.memref_slice %arg9[%dma_wait3A_190, %dma_wait3A_191, %dma_wait3A_192] : memref<2x128x128xf32, #tpu.memory_space<vmem>> -> memref<1x128x128xf32, #tpu.memory_space<vmem>>
      %dma_wait3A_194 = tpu.memref_squeeze %dma_wait3A_193 : memref<1x128x128xf32, #tpu.memory_space<vmem>> -> memref<128x128xf32, #tpu.memory_space<vmem>>
      %dma_wait3A_195 = arith.constant 0 : i32
      %dma_wait3A_196 = tpu.memref_slice %arg7[%dma_wait3A_189, %dma_wait3A_195] : memref<8x128xi32, #tpu.memory_space<vmem>> -> memref<1x128xi32, #tpu.memory_space<vmem>>
      %dma_wait3A_197 = tpu.memref_squeeze %dma_wait3A_196 : memref<1x128xi32, #tpu.memory_space<vmem>> -> memref<128xi32, #tpu.memory_space<vmem>>
      %dma_wait3A_198 = arith.constant 0 : i32
      %dma_wait3A_199 = arith.constant 0 : i32
      %dma_wait3A_200 = tpu.memref_slice %arg2[%dma_wait3A_198, %dma_wait3A_199] : memref<20000x128xf32, #tpu.memory_space<hbm>> -> memref<20000x128xf32, #tpu.memory_space<hbm>>
      tpu.wait_indirect_dma semaphore(%arg11 : memref<!tpu.dma_semaphore, #tpu.memory_space<semaphore_mem>>) src(%dma_wait3A_200 : memref<20000x128xf32, #tpu.memory_space<hbm>>) dst(%dma_wait3A_194 : memref<128x128xf32, #tpu.memory_space<vmem>>)
      %dma_start3A_201 = arith.constant 7 : i32
      %dma_start3A_202 = arith.constant 1 : i32
      %dma_start3A_203 = arith.constant 0 : i32
      %dma_start3A_204 = arith.constant 0 : i32
      %dma_start3A_205 = tpu.memref_slice %arg9[%dma_start3A_202, %dma_start3A_203, %dma_start3A_204] : memref<2x128x128xf32, #tpu.memory_space<vmem>> -> memref<1x128x128xf32, #tpu.memory_space<vmem>>
      %dma_start3A_206 = tpu.memref_squeeze %dma_start3A_205 : memref<1x128x128xf32, #tpu.memory_space<vmem>> -> memref<128x128xf32, #tpu.memory_space<vmem>>
      %dma_start3A_207 = arith.constant 0 : i32
      %dma_start3A_208 = tpu.memref_slice %arg7[%dma_start3A_201, %dma_start3A_207] : memref<8x128xi32, #tpu.memory_space<vmem>> -> memref<1x128xi32, #tpu.memory_space<vmem>>
      %dma_start3A_209 = tpu.memref_squeeze %dma_start3A_208 : memref<1x128xi32, #tpu.memory_space<vmem>> -> memref<128xi32, #tpu.memory_space<vmem>>
      %dma_start3A_210 = arith.constant 0 : i32
      %dma_start3A_211 = arith.constant 0 : i32
      %dma_start3A_212 = tpu.memref_slice %arg2[%dma_start3A_210, %dma_start3A_211] : memref<20000x128xf32, #tpu.memory_space<hbm>> -> memref<20000x128xf32, #tpu.memory_space<hbm>>
      tpu.enqueue_indirect_dma source(%dma_start3A_212 : memref<20000x128xf32, #tpu.memory_space<hbm>>) target(%dma_start3A_206 : memref<128x128xf32, #tpu.memory_space<vmem>>) offsets(%dma_start3A_209 : memref<128xi32, #tpu.memory_space<vmem>>) semaphore(%arg11 : memref<!tpu.dma_semaphore, #tpu.memory_space<semaphore_mem>>)
      %run_scoped3A_213 = arith.constant 0 : i32
      %run_scoped3A_214 = arith.constant 6 : i32
      "tpu.region"() ({
        %run_scoped3A_229 = tpu.sem_alloc : memref<!tpu.dma_semaphore, #tpu.memory_space<semaphore_mem>>
        %dma_start3A_230 = arith.constant 0 : i32
        %dma_start3A_231 = arith.constant 0 : i32
        %dma_start3A_232 = tpu.memref_slice %arg9[%run_scoped3A_213, %dma_start3A_230, %dma_start3A_231] : memref<2x128x128xf32, #tpu.memory_space<vmem>> -> memref<1x128x128xf32, #tpu.memory_space<vmem>>
        %dma_start3A_233 = tpu.memref_squeeze %dma_start3A_232 : memref<1x128x128xf32, #tpu.memory_space<vmem>> -> memref<128x128xf32, #tpu.memory_space<vmem>>
        %dma_start3A_234 = arith.constant 0 : i32
        %dma_start3A_235 = tpu.memref_slice %arg8[%run_scoped3A_214, %dma_start3A_234] : memref<8x128xi32, #tpu.memory_space<vmem>> -> memref<1x128xi32, #tpu.memory_space<vmem>>
        %dma_start3A_236 = tpu.memref_squeeze %dma_start3A_235 : memref<1x128xi32, #tpu.memory_space<vmem>> -> memref<128xi32, #tpu.memory_space<vmem>>
        %dma_start3A_237 = arith.constant 0 : i32
        %dma_start3A_238 = arith.constant 0 : i32
        %dma_start3A_239 = tpu.memref_slice %arg10[%dma_start3A_237, %dma_start3A_238] : memref<10112x128xf32, #tpu.memory_space<vmem_shared>> -> memref<10112x128xf32, #tpu.memory_space<vmem_shared>>
        tpu.enqueue_indirect_dma source(%dma_start3A_233 : memref<128x128xf32, #tpu.memory_space<vmem>>) target(%dma_start3A_239 : memref<10112x128xf32, #tpu.memory_space<vmem_shared>>) offsets(%dma_start3A_236 : memref<128xi32, #tpu.memory_space<vmem>>) semaphore(%run_scoped3A_229 : memref<!tpu.dma_semaphore, #tpu.memory_space<semaphore_mem>>) {add = true}
        %dma_wait3A_240 = arith.constant 0 : i32
        %dma_wait3A_241 = arith.constant 0 : i32
        %dma_wait3A_242 = tpu.memref_slice %arg9[%run_scoped3A_213, %dma_wait3A_240, %dma_wait3A_241] : memref<2x128x128xf32, #tpu.memory_space<vmem>> -> memref<1x128x128xf32, #tpu.memory_space<vmem>>
        %dma_wait3A_243 = tpu.memref_squeeze %dma_wait3A_242 : memref<1x128x128xf32, #tpu.memory_space<vmem>> -> memref<128x128xf32, #tpu.memory_space<vmem>>
        %dma_wait3A_244 = arith.constant 0 : i32
        %dma_wait3A_245 = tpu.memref_slice %arg8[%run_scoped3A_214, %dma_wait3A_244] : memref<8x128xi32, #tpu.memory_space<vmem>> -> memref<1x128xi32, #tpu.memory_space<vmem>>
        %dma_wait3A_246 = tpu.memref_squeeze %dma_wait3A_245 : memref<1x128xi32, #tpu.memory_space<vmem>> -> memref<128xi32, #tpu.memory_space<vmem>>
        %dma_wait3A_247 = arith.constant 0 : i32
        %dma_wait3A_248 = arith.constant 0 : i32
        %dma_wait3A_249 = tpu.memref_slice %arg10[%dma_wait3A_247, %dma_wait3A_248] : memref<10112x128xf32, #tpu.memory_space<vmem_shared>> -> memref<10112x128xf32, #tpu.memory_space<vmem_shared>>
        tpu.wait_indirect_dma semaphore(%run_scoped3A_229 : memref<!tpu.dma_semaphore, #tpu.memory_space<semaphore_mem>>) src(%dma_wait3A_243 : memref<128x128xf32, #tpu.memory_space<vmem>>) dst(%dma_wait3A_249 : memref<10112x128xf32, #tpu.memory_space<vmem_shared>>)
        tpu.yield
      }) : () -> ()
      %dma_wait3A_215 = arith.constant 7 : i32
      %dma_wait3A_216 = arith.constant 1 : i32
      %dma_wait3A_217 = arith.constant 0 : i32
      %dma_wait3A_218 = arith.constant 0 : i32
      %dma_wait3A_219 = tpu.memref_slice %arg9[%dma_wait3A_216, %dma_wait3A_217, %dma_wait3A_218] : memref<2x128x128xf32, #tpu.memory_space<vmem>> -> memref<1x128x128xf32, #tpu.memory_space<vmem>>
      %dma_wait3A_220 = tpu.memref_squeeze %dma_wait3A_219 : memref<1x128x128xf32, #tpu.memory_space<vmem>> -> memref<128x128xf32, #tpu.memory_space<vmem>>
      %dma_wait3A_221 = arith.constant 0 : i32
      %dma_wait3A_222 = tpu.memref_slice %arg7[%dma_wait3A_215, %dma_wait3A_221] : memref<8x128xi32, #tpu.memory_space<vmem>> -> memref<1x128xi32, #tpu.memory_space<vmem>>
      %dma_wait3A_223 = tpu.memref_squeeze %dma_wait3A_222 : memref<1x128xi32, #tpu.memory_space<vmem>> -> memref<128xi32, #tpu.memory_space<vmem>>
      %dma_wait3A_224 = arith.constant 0 : i32
      %dma_wait3A_225 = arith.constant 0 : i32
      %dma_wait3A_226 = tpu.memref_slice %arg2[%dma_wait3A_224, %dma_wait3A_225] : memref<20000x128xf32, #tpu.memory_space<hbm>> -> memref<20000x128xf32, #tpu.memory_space<hbm>>
      tpu.wait_indirect_dma semaphore(%arg11 : memref<!tpu.dma_semaphore, #tpu.memory_space<semaphore_mem>>) src(%dma_wait3A_226 : memref<20000x128xf32, #tpu.memory_space<hbm>>) dst(%dma_wait3A_220 : memref<128x128xf32, #tpu.memory_space<vmem>>)
      %run_scoped3A_227 = arith.constant 1 : i32
      %run_scoped3A_228 = arith.constant 7 : i32
      "tpu.region"() ({
        %run_scoped3A_229 = tpu.sem_alloc : memref<!tpu.dma_semaphore, #tpu.memory_space<semaphore_mem>>
        %dma_start3A_230 = arith.constant 0 : i32
        %dma_start3A_231 = arith.constant 0 : i32
        %dma_start3A_232 = tpu.memref_slice %arg9[%run_scoped3A_227, %dma_start3A_230, %dma_start3A_231] : memref<2x128x128xf32, #tpu.memory_space<vmem>> -> memref<1x128x128xf32, #tpu.memory_space<vmem>>
        %dma_start3A_233 = tpu.memref_squeeze %dma_start3A_232 : memref<1x128x128xf32, #tpu.memory_space<vmem>> -> memref<128x128xf32, #tpu.memory_space<vmem>>
        %dma_start3A_234 = arith.constant 0 : i32
        %dma_start3A_235 = tpu.memref_slice %arg8[%run_scoped3A_228, %dma_start3A_234] : memref<8x128xi32, #tpu.memory_space<vmem>> -> memref<1x128xi32, #tpu.memory_space<vmem>>
        %dma_start3A_236 = tpu.memref_squeeze %dma_start3A_235 : memref<1x128xi32, #tpu.memory_space<vmem>> -> memref<128xi32, #tpu.memory_space<vmem>>
        %dma_start3A_237 = arith.constant 0 : i32
        %dma_start3A_238 = arith.constant 0 : i32
        %dma_start3A_239 = tpu.memref_slice %arg10[%dma_start3A_237, %dma_start3A_238] : memref<10112x128xf32, #tpu.memory_space<vmem_shared>> -> memref<10112x128xf32, #tpu.memory_space<vmem_shared>>
        tpu.enqueue_indirect_dma source(%dma_start3A_233 : memref<128x128xf32, #tpu.memory_space<vmem>>) target(%dma_start3A_239 : memref<10112x128xf32, #tpu.memory_space<vmem_shared>>) offsets(%dma_start3A_236 : memref<128xi32, #tpu.memory_space<vmem>>) semaphore(%run_scoped3A_229 : memref<!tpu.dma_semaphore, #tpu.memory_space<semaphore_mem>>) {add = true}
        %dma_wait3A_240 = arith.constant 0 : i32
        %dma_wait3A_241 = arith.constant 0 : i32
        %dma_wait3A_242 = tpu.memref_slice %arg9[%run_scoped3A_227, %dma_wait3A_240, %dma_wait3A_241] : memref<2x128x128xf32, #tpu.memory_space<vmem>> -> memref<1x128x128xf32, #tpu.memory_space<vmem>>
        %dma_wait3A_243 = tpu.memref_squeeze %dma_wait3A_242 : memref<1x128x128xf32, #tpu.memory_space<vmem>> -> memref<128x128xf32, #tpu.memory_space<vmem>>
        %dma_wait3A_244 = arith.constant 0 : i32
        %dma_wait3A_245 = tpu.memref_slice %arg8[%run_scoped3A_228, %dma_wait3A_244] : memref<8x128xi32, #tpu.memory_space<vmem>> -> memref<1x128xi32, #tpu.memory_space<vmem>>
        %dma_wait3A_246 = tpu.memref_squeeze %dma_wait3A_245 : memref<1x128xi32, #tpu.memory_space<vmem>> -> memref<128xi32, #tpu.memory_space<vmem>>
        %dma_wait3A_247 = arith.constant 0 : i32
        %dma_wait3A_248 = arith.constant 0 : i32
        %dma_wait3A_249 = tpu.memref_slice %arg10[%dma_wait3A_247, %dma_wait3A_248] : memref<10112x128xf32, #tpu.memory_space<vmem_shared>> -> memref<10112x128xf32, #tpu.memory_space<vmem_shared>>
        tpu.wait_indirect_dma semaphore(%run_scoped3A_229 : memref<!tpu.dma_semaphore, #tpu.memory_space<semaphore_mem>>) src(%dma_wait3A_243 : memref<128x128xf32, #tpu.memory_space<vmem>>) dst(%dma_wait3A_249 : memref<10112x128xf32, #tpu.memory_space<vmem_shared>>)
        tpu.yield
      }) : () -> ()
    }
    %scan3A_9 = arith.constant 18 : i32
    %barrier3A_10 = arith.constant 0 : index
    tpu.barrier barrier_id(%barrier3A_10)
    %lt3A = arith.constant 10 : i32
    %lt3A_11 = arith.cmpi slt, %arg1, %lt3A : i32
    %convert_element_type3A = arith.extui %lt3A_11 : i1 to i32
    %cond3A = arith.constant 0 : i32
    %cond3A_12 = arith.cmpi ne, %convert_element_type3A, %cond3A : i32
    scf.if %cond3A_12 {
      %mul3A_13 = arith.constant 1000 : i32
      %mul3A_14 = arith.muli %arg1, %mul3A_13 : i32
      %mul3A_15 = arith.constant 10000 : i32
      %mul3A_16 = arith.muli %arg0, %mul3A_15 : i32
      %mul3A_17 = arith.constant 1000 : i32
      %mul3A_18 = arith.muli %arg1, %mul3A_17 : i32
      %add3A = arith.addi %mul3A_16, %mul3A_18 : i32
      "tpu.region"() ({
        %run_scoped3A = tpu.sem_alloc : memref<!tpu.dma_semaphore, #tpu.memory_space<semaphore_mem>>
        %dma_start3A = arith.constant 0 : i32
        %dma_start3A_19 = tpu.memref_slice %arg6[%add3A, %dma_start3A] : memref<20000x128xf32, #tpu.memory_space<hbm>> -> memref<1000x128xf32, #tpu.memory_space<hbm>>
        %dma_start3A_20 = arith.constant 0 : i32
        %dma_start3A_21 = tpu.memref_slice %arg10[%mul3A_14, %dma_start3A_20] : memref<10112x128xf32, #tpu.memory_space<vmem_shared>> -> memref<1000x128xf32, #tpu.memory_space<vmem_shared>>
        tpu.enqueue_dma source(%dma_start3A_21 : memref<1000x128xf32, #tpu.memory_space<vmem_shared>>) target(%dma_start3A_19 : memref<1000x128xf32, #tpu.memory_space<hbm>>) target_semaphore(%run_scoped3A : memref<!tpu.dma_semaphore, #tpu.memory_space<semaphore_mem>>)
        %dma_wait3A = arith.constant 0 : i32
        %dma_wait3A_22 = tpu.memref_slice %arg6[%add3A, %dma_wait3A] : memref<20000x128xf32, #tpu.memory_space<hbm>> -> memref<1000x128xf32, #tpu.memory_space<hbm>>
        %dma_wait3A_23 = arith.constant 0 : i32
        %dma_wait3A_24 = tpu.memref_slice %arg10[%mul3A_14, %dma_wait3A_23] : memref<10112x128xf32, #tpu.memory_space<vmem_shared>> -> memref<1000x128xf32, #tpu.memory_space<vmem_shared>>
        tpu.wait_dma2 semaphore(%run_scoped3A : memref<!tpu.dma_semaphore, #tpu.memory_space<semaphore_mem>>) src(%dma_wait3A_24 : memref<1000x128xf32, #tpu.memory_space<vmem_shared>>) dst(%dma_wait3A_22 : memref<1000x128xf32, #tpu.memory_space<hbm>>)
        tpu.yield
      }) : () -> ()
    } else {
    }
    return
  }
}

module attributes {stable_mosaic.version = 14 : i64} {
  func.func @tc_body(%arg0: i32, %arg1: memref<2x2000x128xf32, #tpu.memory_space<vmem>>, %arg2: memref<2x2000x128xf32, #tpu.memory_space<vmem>>, %arg3: memref<256x256xf32, #tpu.memory_space<vmem>>, %arg4: memref<256x256xf32, #tpu.memory_space<vmem>>, %arg5: memref<1x256xf32, #tpu.memory_space<vmem>>, %arg6: memref<128x256xf32, #tpu.memory_space<vmem>>, %arg7: memref<1x1x2000xi32, #tpu.memory_space<vmem>>, %arg8: memref<64x128xf32, #tpu.memory_space<vmem>>, %arg9: memref<2x2000x128xf32, #tpu.memory_space<vmem>>, %arg10: memref<64x128xf32, #tpu.memory_space<vmem>>) attributes {dimension_semantics = [#tpu.dimension_semantics<arbitrary>], iteration_bounds = array<i64: 5>, scalar_prefetch = 0 : i64, scratch_operands = 0 : i64, tpu.core_type = #tpu.core_type<tc>, window_params = [{transform_indices = @transform_0, window_bounds = array<i64: 2, 2000, 128>}, {transform_indices = @transform_1, window_bounds = array<i64: 2, 2000, 128>}, {pipeline_mode = #tpu.pipeline_mode<synchronous>, transform_indices = @transform_2, window_bounds = array<i64: 256, 256>}, {pipeline_mode = #tpu.pipeline_mode<synchronous>, transform_indices = @transform_3, window_bounds = array<i64: 256, 256>}, {pipeline_mode = #tpu.pipeline_mode<synchronous>, transform_indices = @transform_4, window_bounds = array<i64: 1, 256>}, {pipeline_mode = #tpu.pipeline_mode<synchronous>, transform_indices = @transform_5, window_bounds = array<i64: 128, 256>}, {transform_indices = @transform_6, window_bounds = array<i64: 1, 1, 2000>}, {pipeline_mode = #tpu.pipeline_mode<synchronous>, transform_indices = @transform_7, window_bounds = array<i64: 64, 128>}, {transform_indices = @transform_8, window_bounds = array<i64: 2, 2000, 128>}, {pipeline_mode = #tpu.pipeline_mode<synchronous>, transform_indices = @transform_9, window_bounds = array<i64: 64, 128>}]} {
    %get3A = arith.constant 0 : index
    %get3A_0 = arith.constant 0 : index
    %get3A_1 = arith.constant 0 : index
    %get3A_2 = vector.load %arg1[%get3A, %get3A_0, %get3A_1] : memref<2x2000x128xf32, #tpu.memory_space<vmem>>, vector<1x2000x128xf32>
    %get3A_3 = vector.shape_cast %get3A_2 : vector<1x2000x128xf32> to vector<2000x128xf32>
    %get3A_4 = arith.constant 1 : index
    %get3A_5 = arith.constant 0 : index
    %get3A_6 = arith.constant 0 : index
    %get3A_7 = vector.load %arg1[%get3A_4, %get3A_5, %get3A_6] : memref<2x2000x128xf32, #tpu.memory_space<vmem>>, vector<1x2000x128xf32>
    %get3A_8 = vector.shape_cast %get3A_7 : vector<1x2000x128xf32> to vector<2000x128xf32>
    %concatenate3A = tpu.concatenate %get3A_3, %get3A_8 in 1 : vector<2000x128xf32>, vector<2000x128xf32> -> vector<2000x256xf32>
    %get3A_9 = arith.constant 0 : index
    %get3A_10 = arith.constant 0 : index
    %get3A_11 = arith.constant 0 : index
    %get3A_12 = vector.load %arg2[%get3A_9, %get3A_10, %get3A_11] : memref<2x2000x128xf32, #tpu.memory_space<vmem>>, vector<1x2000x128xf32>
    %get3A_13 = vector.shape_cast %get3A_12 : vector<1x2000x128xf32> to vector<2000x128xf32>
    %get3A_14 = arith.constant 1 : index
    %get3A_15 = arith.constant 0 : index
    %get3A_16 = arith.constant 0 : index
    %get3A_17 = vector.load %arg2[%get3A_14, %get3A_15, %get3A_16] : memref<2x2000x128xf32, #tpu.memory_space<vmem>>, vector<1x2000x128xf32>
    %get3A_18 = vector.shape_cast %get3A_17 : vector<1x2000x128xf32> to vector<2000x128xf32>
    %concatenate3A_19 = tpu.concatenate %get3A_13, %get3A_18 in 1 : vector<2000x128xf32>, vector<2000x128xf32> -> vector<2000x256xf32>
    %get3A_20 = arith.constant 0 : index
    %get3A_21 = arith.constant 0 : index
    %get3A_22 = vector.load %arg3[%get3A_20, %get3A_21] : memref<256x256xf32, #tpu.memory_space<vmem>>, vector<256x256xf32>
    %dot_general3A = arith.constant dense<0.000000e+00> : vector<2000x256xf32>
    %dot_general3A_23 = tpu.matmul %concatenate3A, %get3A_22, %dot_general3A {dimension_numbers = #tpu.dot_dimension_numbers<[1], [1], [0], [0], [0, 0, 1, 0], [], []>, transpose_lhs_hint = false} : vector<2000x256xf32>, vector<256x256xf32>, vector<2000x256xf32> -> vector<2000x256xf32>
    %get3A_24 = arith.constant 0 : index
    %get3A_25 = arith.constant 0 : index
    %get3A_26 = vector.load %arg4[%get3A_24, %get3A_25] : memref<256x256xf32, #tpu.memory_space<vmem>>, vector<256x256xf32>
    %dot_general3A_27 = arith.constant dense<0.000000e+00> : vector<2000x256xf32>
    %dot_general3A_28 = tpu.matmul %concatenate3A_19, %get3A_26, %dot_general3A_27 {dimension_numbers = #tpu.dot_dimension_numbers<[1], [1], [0], [0], [0, 0, 1, 0], [], []>, transpose_lhs_hint = false} : vector<2000x256xf32>, vector<256x256xf32>, vector<2000x256xf32> -> vector<2000x256xf32>
    %add3A = arith.addf %dot_general3A_23, %dot_general3A_28 : vector<2000x256xf32>
    %get3A_29 = arith.constant 0 : index
    %get3A_30 = arith.constant 0 : index
    %get3A_31 = vector.load %arg5[%get3A_29, %get3A_30] : memref<1x256xf32, #tpu.memory_space<vmem>>, vector<1x256xf32>
    %add3A_32 = vector.broadcast %get3A_31 : vector<1x256xf32> to vector<2000x256xf32>
    %add3A_33 = arith.addf %add3A, %add3A_32 : vector<2000x256xf32>
    %tanh3A = math.tanh %add3A_33 : vector<2000x256xf32>
    %slice3A = vector.extract_strided_slice %tanh3A {offsets = [0, 0], sizes = [2000, 128], strides = [1, 1]} : vector<2000x256xf32> to vector<2000x128xf32>
    %swap3A = arith.constant 0 : index
    %swap3A_34 = arith.constant 0 : index
    %swap3A_35 = arith.constant 0 : index
    %swap3A_36 = vector.load %arg9[%swap3A, %swap3A_34, %swap3A_35] : memref<2x2000x128xf32, #tpu.memory_space<vmem>>, vector<1x2000x128xf32>
    %swap3A_37 = vector.shape_cast %swap3A_36 : vector<1x2000x128xf32> to vector<2000x128xf32>
    %swap3A_38 = vector.shape_cast %slice3A : vector<2000x128xf32> to vector<1x2000x128xf32>
    tpu.vector_store %arg9[%swap3A, %swap3A_34, %swap3A_35], %swap3A_38 {strides = array<i32>} : memref<2x2000x128xf32, #tpu.memory_space<vmem>>, vector<1x2000x128xf32>,
    %slice3A_39 = vector.extract_strided_slice %tanh3A {offsets = [0, 128], sizes = [2000, 128], strides = [1, 1]} : vector<2000x256xf32> to vector<2000x128xf32>
    %swap3A_40 = arith.constant 1 : index
    %swap3A_41 = arith.constant 0 : index
    %swap3A_42 = arith.constant 0 : index
    %swap3A_43 = vector.load %arg9[%swap3A_40, %swap3A_41, %swap3A_42] : memref<2x2000x128xf32, #tpu.memory_space<vmem>>, vector<1x2000x128xf32>
    %swap3A_44 = vector.shape_cast %swap3A_43 : vector<1x2000x128xf32> to vector<2000x128xf32>
    %swap3A_45 = vector.shape_cast %slice3A_39 : vector<2000x128xf32> to vector<1x2000x128xf32>
    tpu.vector_store %arg9[%swap3A_40, %swap3A_41, %swap3A_42], %swap3A_45 {strides = array<i32>} : memref<2x2000x128xf32, #tpu.memory_space<vmem>>, vector<1x2000x128xf32>,
    %get3A_46 = arith.constant 0 : index
    %get3A_47 = arith.constant 0 : index
    %get3A_48 = vector.load %arg6[%get3A_46, %get3A_47] : memref<128x256xf32, #tpu.memory_space<vmem>>, vector<128x256xf32>
    %dot_general3A_49 = arith.constant dense<0.000000e+00> : vector<2000x128xf32>
    %dot_general3A_50 = tpu.matmul %tanh3A, %get3A_48, %dot_general3A_49 {dimension_numbers = #tpu.dot_dimension_numbers<[1], [1], [0], [0], [0, 0, 1, 0], [], []>, transpose_lhs_hint = false} : vector<2000x256xf32>, vector<128x256xf32>, vector<2000x128xf32> -> vector<2000x128xf32>
    %reduce_max3A = arith.constant dense<0xFF800000> : vector<2000xf32>
    %reduce_max3A_51 = vector.multi_reduction <maximumf>, %dot_general3A_50, %reduce_max3A [1] : vector<2000x128xf32> to vector<2000xf32>
    %broadcast_in_dim3A = vector.shape_cast %reduce_max3A_51 : vector<2000xf32> to vector<2000x1xf32>
    %sub3A = vector.broadcast %broadcast_in_dim3A : vector<2000x1xf32> to vector<2000x128xf32>
    %sub3A_52 = arith.subf %dot_general3A_50, %sub3A : vector<2000x128xf32>
    %exp3A = math.exp %sub3A_52 : vector<2000x128xf32>
    %reduce_sum3A = arith.constant dense<0.000000e+00> : vector<2000xf32>
    %reduce_sum3A_53 = vector.multi_reduction <add>, %exp3A, %reduce_sum3A [1] : vector<2000x128xf32> to vector<2000xf32>
    %broadcast_in_dim3A_54 = vector.shape_cast %reduce_sum3A_53 : vector<2000xf32> to vector<2000x1xf32>
    %div3A = vector.broadcast %broadcast_in_dim3A_54 : vector<2000x1xf32> to vector<2000x128xf32>
    %div3A_55 = arith.divf %exp3A, %div3A : vector<2000x128xf32>
    %get3A_56 = arith.constant 0 : index
    %get3A_57 = arith.constant 0 : index
    %get3A_58 = arith.constant 0 : index
    %get3A_59 = vector.load %arg7[%get3A_56, %get3A_57, %get3A_58] : memref<1x1x2000xi32, #tpu.memory_space<vmem>>, vector<1x1x2000xi32>
    %get3A_60 = vector.shape_cast %get3A_59 : vector<1x1x2000xi32> to vector<2000xi32>
    %broadcast_in_dim3A_61 = vector.shape_cast %get3A_60 : vector<2000xi32> to vector<1x2000xi32>
    %iota3A = tpu.iota {dimensions = array<i32: 0>} : vector<64x2000xi32>
    %eq3A = vector.broadcast %broadcast_in_dim3A_61 : vector<1x2000xi32> to vector<64x2000xi32>
    %eq3A_62 = arith.cmpi eq, %eq3A, %iota3A : vector<64x2000xi32>
    %convert_element_type3A = arith.extui %eq3A_62 : vector<64x2000xi1> to vector<64x2000xi32>
    %convert_element_type3A_63 = arith.sitofp %convert_element_type3A : vector<64x2000xi32> to vector<64x2000xf32>
    %dot_general3A_64 = arith.constant dense<0.000000e+00> : vector<64x128xf32>
    %dot_general3A_65 = tpu.matmul %convert_element_type3A_63, %div3A_55, %dot_general3A_64 {dimension_numbers = #tpu.dot_dimension_numbers<[1], [0], [0], [1], [0, 0, 1, 1], [], []>, precision = #tpu.contract_precision<fp32>, transpose_lhs_hint = false} : vector<64x2000xf32>, vector<2000x128xf32>, vector<64x128xf32> -> vector<64x128xf32>
    %eq3A_66 = arith.constant 0 : i32
    %eq3A_67 = arith.cmpi eq, %arg0, %eq3A_66 : i32
    %convert_element_type3A_68 = arith.extui %eq3A_67 : i1 to i32
    %cond3A = arith.constant 0 : i32
    %cond3A_69 = arith.cmpi ne, %convert_element_type3A_68, %cond3A : i32
    scf.if %cond3A_69 {
      %get3A_77 = arith.constant 0 : index
      %get3A_78 = arith.constant 0 : index
      %get3A_79 = vector.load %arg8[%get3A_77, %get3A_78] : memref<64x128xf32, #tpu.memory_space<vmem>>, vector<64x128xf32>
      %swap3A_80 = arith.constant 0 : index
      %swap3A_81 = arith.constant 0 : index
      %swap3A_82 = vector.load %arg10[%swap3A_80, %swap3A_81] : memref<64x128xf32, #tpu.memory_space<vmem>>, vector<64x128xf32>
      tpu.vector_store %arg10[%swap3A_80, %swap3A_81], %get3A_79 {strides = array<i32>} : memref<64x128xf32, #tpu.memory_space<vmem>>, vector<64x128xf32>,
    } else {
    }
    %get3A_70 = arith.constant 0 : index
    %get3A_71 = arith.constant 0 : index
    %get3A_72 = vector.load %arg10[%get3A_70, %get3A_71] : memref<64x128xf32, #tpu.memory_space<vmem>>, vector<64x128xf32>
    %add3A_73 = arith.addf %get3A_72, %dot_general3A_65 : vector<64x128xf32>
    %swap3A_74 = arith.constant 0 : index
    %swap3A_75 = arith.constant 0 : index
    %swap3A_76 = vector.load %arg10[%swap3A_74, %swap3A_75] : memref<64x128xf32, #tpu.memory_space<vmem>>, vector<64x128xf32>
    tpu.vector_store %arg10[%swap3A_74, %swap3A_75], %add3A_73 {strides = array<i32>} : memref<64x128xf32, #tpu.memory_space<vmem>>, vector<64x128xf32>,
    return
  }
  func.func @transform_0(%arg0: i32) -> (i32, i32, i32) {
    %c0_i32 = arith.constant 0 : i32
    %c0_i32_0 = arith.constant 0 : i32
    %c0_i32_1 = arith.constant 0 : i32
    return %c0_i32, %arg0, %c0_i32_0 : i32, i32, i32
  }
  func.func @transform_1(%arg0: i32) -> (i32, i32, i32) {
    %c0_i32 = arith.constant 0 : i32
    %c0_i32_0 = arith.constant 0 : i32
    %c0_i32_1 = arith.constant 0 : i32
    return %c0_i32, %arg0, %c0_i32_0 : i32, i32, i32
  }
  func.func @transform_2(%arg0: i32) -> (i32, i32) {
    %c0_i32 = arith.constant 0 : i32
    %c0_i32_0 = arith.constant 0 : i32
    %c0_i32_1 = arith.constant 0 : i32
    return %c0_i32, %c0_i32_0 : i32, i32
  }
  func.func @transform_3(%arg0: i32) -> (i32, i32) {
    %c0_i32 = arith.constant 0 : i32
    %c0_i32_0 = arith.constant 0 : i32
    %c0_i32_1 = arith.constant 0 : i32
    return %c0_i32, %c0_i32_0 : i32, i32
  }
  func.func @transform_4(%arg0: i32) -> (i32, i32) {
    %c0_i32 = arith.constant 0 : i32
    %c0_i32_0 = arith.constant 0 : i32
    %c0_i32_1 = arith.constant 0 : i32
    return %c0_i32, %c0_i32_0 : i32, i32
  }
  func.func @transform_5(%arg0: i32) -> (i32, i32) {
    %c0_i32 = arith.constant 0 : i32
    %c0_i32_0 = arith.constant 0 : i32
    %c0_i32_1 = arith.constant 0 : i32
    return %c0_i32, %c0_i32_0 : i32, i32
  }
  func.func @transform_6(%arg0: i32) -> (i32, i32, i32) {
    %c0_i32 = arith.constant 0 : i32
    %c0_i32_0 = arith.constant 0 : i32
    %c0_i32_1 = arith.constant 0 : i32
    return %arg0, %c0_i32, %c0_i32_0 : i32, i32, i32
  }
  func.func @transform_7(%arg0: i32) -> (i32, i32) {
    %c0_i32 = arith.constant 0 : i32
    %c0_i32_0 = arith.constant 0 : i32
    %c0_i32_1 = arith.constant 0 : i32
    return %c0_i32, %c0_i32_0 : i32, i32
  }
  func.func @transform_8(%arg0: i32) -> (i32, i32, i32) {
    %c0_i32 = arith.constant 0 : i32
    %c0_i32_0 = arith.constant 0 : i32
    %c0_i32_1 = arith.constant 0 : i32
    return %c0_i32, %arg0, %c0_i32_0 : i32, i32, i32
  }
  func.func @transform_9(%arg0: i32) -> (i32, i32) {
    %c0_i32 = arith.constant 0 : i32
    %c0_i32_0 = arith.constant 0 : i32
    %c0_i32_1 = arith.constant 0 : i32
    return %c0_i32, %c0_i32_0 : i32, i32
  }
}

module attributes {stable_mosaic.version = 14 : i64} {
  func.func @tc_body(%arg0: i32, %arg1: memref<2x2000x128xf32, #tpu.memory_space<vmem>>, %arg2: memref<2x2000x128xf32, #tpu.memory_space<vmem>>, %arg3: memref<256x256xf32, #tpu.memory_space<vmem>>, %arg4: memref<256x256xf32, #tpu.memory_space<vmem>>, %arg5: memref<1x256xf32, #tpu.memory_space<vmem>>, %arg6: memref<128x256xf32, #tpu.memory_space<vmem>>, %arg7: memref<1x1x2000xi32, #tpu.memory_space<vmem>>, %arg8: memref<64x128xf32, #tpu.memory_space<vmem>>, %arg9: memref<2x2000x128xf32, #tpu.memory_space<vmem>>, %arg10: memref<64x128xf32, #tpu.memory_space<vmem>>) attributes {dimension_semantics = [#tpu.dimension_semantics<arbitrary>], iteration_bounds = array<i64: 5>, scalar_prefetch = 0 : i64, scratch_operands = 0 : i64, tpu.core_type = #tpu.core_type<tc>, window_params = [{transform_indices = @transform_0, window_bounds = array<i64: 2, 2000, 128>}, {transform_indices = @transform_1, window_bounds = array<i64: 2, 2000, 128>}, {pipeline_mode = #tpu.pipeline_mode<synchronous>, transform_indices = @transform_2, window_bounds = array<i64: 256, 256>}, {pipeline_mode = #tpu.pipeline_mode<synchronous>, transform_indices = @transform_3, window_bounds = array<i64: 256, 256>}, {pipeline_mode = #tpu.pipeline_mode<synchronous>, transform_indices = @transform_4, window_bounds = array<i64: 1, 256>}, {pipeline_mode = #tpu.pipeline_mode<synchronous>, transform_indices = @transform_5, window_bounds = array<i64: 128, 256>}, {transform_indices = @transform_6, window_bounds = array<i64: 1, 1, 2000>}, {pipeline_mode = #tpu.pipeline_mode<synchronous>, transform_indices = @transform_7, window_bounds = array<i64: 64, 128>}, {transform_indices = @transform_8, window_bounds = array<i64: 2, 2000, 128>}, {pipeline_mode = #tpu.pipeline_mode<synchronous>, transform_indices = @transform_9, window_bounds = array<i64: 64, 128>}]} {
    %get3A = arith.constant 0 : index
    %get3A_0 = arith.constant 0 : index
    %get3A_1 = arith.constant 0 : index
    %get3A_2 = vector.load %arg1[%get3A, %get3A_0, %get3A_1] : memref<2x2000x128xf32, #tpu.memory_space<vmem>>, vector<1x2000x128xf32>
    %get3A_3 = vector.shape_cast %get3A_2 : vector<1x2000x128xf32> to vector<2000x128xf32>
    %get3A_4 = arith.constant 1 : index
    %get3A_5 = arith.constant 0 : index
    %get3A_6 = arith.constant 0 : index
    %get3A_7 = vector.load %arg1[%get3A_4, %get3A_5, %get3A_6] : memref<2x2000x128xf32, #tpu.memory_space<vmem>>, vector<1x2000x128xf32>
    %get3A_8 = vector.shape_cast %get3A_7 : vector<1x2000x128xf32> to vector<2000x128xf32>
    %concatenate3A = tpu.concatenate %get3A_3, %get3A_8 in 1 : vector<2000x128xf32>, vector<2000x128xf32> -> vector<2000x256xf32>
    %get3A_9 = arith.constant 0 : index
    %get3A_10 = arith.constant 0 : index
    %get3A_11 = arith.constant 0 : index
    %get3A_12 = vector.load %arg2[%get3A_9, %get3A_10, %get3A_11] : memref<2x2000x128xf32, #tpu.memory_space<vmem>>, vector<1x2000x128xf32>
    %get3A_13 = vector.shape_cast %get3A_12 : vector<1x2000x128xf32> to vector<2000x128xf32>
    %get3A_14 = arith.constant 1 : index
    %get3A_15 = arith.constant 0 : index
    %get3A_16 = arith.constant 0 : index
    %get3A_17 = vector.load %arg2[%get3A_14, %get3A_15, %get3A_16] : memref<2x2000x128xf32, #tpu.memory_space<vmem>>, vector<1x2000x128xf32>
    %get3A_18 = vector.shape_cast %get3A_17 : vector<1x2000x128xf32> to vector<2000x128xf32>
    %concatenate3A_19 = tpu.concatenate %get3A_13, %get3A_18 in 1 : vector<2000x128xf32>, vector<2000x128xf32> -> vector<2000x256xf32>
    %get3A_20 = arith.constant 0 : index
    %get3A_21 = arith.constant 0 : index
    %get3A_22 = vector.load %arg3[%get3A_20, %get3A_21] : memref<256x256xf32, #tpu.memory_space<vmem>>, vector<256x256xf32>
    %dot_general3A = arith.constant dense<0.000000e+00> : vector<2000x256xf32>
    %dot_general3A_23 = tpu.matmul %concatenate3A, %get3A_22, %dot_general3A {dimension_numbers = #tpu.dot_dimension_numbers<[1], [1], [0], [0], [0, 0, 1, 0], [], []>, transpose_lhs_hint = false} : vector<2000x256xf32>, vector<256x256xf32>, vector<2000x256xf32> -> vector<2000x256xf32>
    %get3A_24 = arith.constant 0 : index
    %get3A_25 = arith.constant 0 : index
    %get3A_26 = vector.load %arg4[%get3A_24, %get3A_25] : memref<256x256xf32, #tpu.memory_space<vmem>>, vector<256x256xf32>
    %dot_general3A_27 = arith.constant dense<0.000000e+00> : vector<2000x256xf32>
    %dot_general3A_28 = tpu.matmul %concatenate3A_19, %get3A_26, %dot_general3A_27 {dimension_numbers = #tpu.dot_dimension_numbers<[1], [1], [0], [0], [0, 0, 1, 0], [], []>, transpose_lhs_hint = false} : vector<2000x256xf32>, vector<256x256xf32>, vector<2000x256xf32> -> vector<2000x256xf32>
    %add3A = arith.addf %dot_general3A_23, %dot_general3A_28 : vector<2000x256xf32>
    %get3A_29 = arith.constant 0 : index
    %get3A_30 = arith.constant 0 : index
    %get3A_31 = vector.load %arg5[%get3A_29, %get3A_30] : memref<1x256xf32, #tpu.memory_space<vmem>>, vector<1x256xf32>
    %add3A_32 = vector.broadcast %get3A_31 : vector<1x256xf32> to vector<2000x256xf32>
    %add3A_33 = arith.addf %add3A, %add3A_32 : vector<2000x256xf32>
    %tanh3A = math.tanh %add3A_33 : vector<2000x256xf32>
    %slice3A = vector.extract_strided_slice %tanh3A {offsets = [0, 0], sizes = [2000, 128], strides = [1, 1]} : vector<2000x256xf32> to vector<2000x128xf32>
    %swap3A = arith.constant 0 : index
    %swap3A_34 = arith.constant 0 : index
    %swap3A_35 = arith.constant 0 : index
    %swap3A_36 = vector.load %arg9[%swap3A, %swap3A_34, %swap3A_35] : memref<2x2000x128xf32, #tpu.memory_space<vmem>>, vector<1x2000x128xf32>
    %swap3A_37 = vector.shape_cast %swap3A_36 : vector<1x2000x128xf32> to vector<2000x128xf32>
    %swap3A_38 = vector.shape_cast %slice3A : vector<2000x128xf32> to vector<1x2000x128xf32>
    tpu.vector_store %arg9[%swap3A, %swap3A_34, %swap3A_35], %swap3A_38 {strides = array<i32>} : memref<2x2000x128xf32, #tpu.memory_space<vmem>>, vector<1x2000x128xf32>,
    %slice3A_39 = vector.extract_strided_slice %tanh3A {offsets = [0, 128], sizes = [2000, 128], strides = [1, 1]} : vector<2000x256xf32> to vector<2000x128xf32>
    %swap3A_40 = arith.constant 1 : index
    %swap3A_41 = arith.constant 0 : index
    %swap3A_42 = arith.constant 0 : index
    %swap3A_43 = vector.load %arg9[%swap3A_40, %swap3A_41, %swap3A_42] : memref<2x2000x128xf32, #tpu.memory_space<vmem>>, vector<1x2000x128xf32>
    %swap3A_44 = vector.shape_cast %swap3A_43 : vector<1x2000x128xf32> to vector<2000x128xf32>
    %swap3A_45 = vector.shape_cast %slice3A_39 : vector<2000x128xf32> to vector<1x2000x128xf32>
    tpu.vector_store %arg9[%swap3A_40, %swap3A_41, %swap3A_42], %swap3A_45 {strides = array<i32>} : memref<2x2000x128xf32, #tpu.memory_space<vmem>>, vector<1x2000x128xf32>,
    %get3A_46 = arith.constant 0 : index
    %get3A_47 = arith.constant 0 : index
    %get3A_48 = vector.load %arg6[%get3A_46, %get3A_47] : memref<128x256xf32, #tpu.memory_space<vmem>>, vector<128x256xf32>
    %dot_general3A_49 = arith.constant dense<0.000000e+00> : vector<2000x128xf32>
    %dot_general3A_50 = tpu.matmul %tanh3A, %get3A_48, %dot_general3A_49 {dimension_numbers = #tpu.dot_dimension_numbers<[1], [1], [0], [0], [0, 0, 1, 0], [], []>, transpose_lhs_hint = false} : vector<2000x256xf32>, vector<128x256xf32>, vector<2000x128xf32> -> vector<2000x128xf32>
    %reduce_max3A = arith.constant dense<0xFF800000> : vector<2000xf32>
    %reduce_max3A_51 = vector.multi_reduction <maximumf>, %dot_general3A_50, %reduce_max3A [1] : vector<2000x128xf32> to vector<2000xf32>
    %broadcast_in_dim3A = vector.shape_cast %reduce_max3A_51 : vector<2000xf32> to vector<2000x1xf32>
    %sub3A = vector.broadcast %broadcast_in_dim3A : vector<2000x1xf32> to vector<2000x128xf32>
    %sub3A_52 = arith.subf %dot_general3A_50, %sub3A : vector<2000x128xf32>
    %exp3A = math.exp %sub3A_52 : vector<2000x128xf32>
    %reduce_sum3A = arith.constant dense<0.000000e+00> : vector<2000xf32>
    %reduce_sum3A_53 = vector.multi_reduction <add>, %exp3A, %reduce_sum3A [1] : vector<2000x128xf32> to vector<2000xf32>
    %broadcast_in_dim3A_54 = vector.shape_cast %reduce_sum3A_53 : vector<2000xf32> to vector<2000x1xf32>
    %div3A = vector.broadcast %broadcast_in_dim3A_54 : vector<2000x1xf32> to vector<2000x128xf32>
    %div3A_55 = arith.divf %exp3A, %div3A : vector<2000x128xf32>
    %get3A_56 = arith.constant 0 : index
    %get3A_57 = arith.constant 0 : index
    %get3A_58 = arith.constant 0 : index
    %get3A_59 = vector.load %arg7[%get3A_56, %get3A_57, %get3A_58] : memref<1x1x2000xi32, #tpu.memory_space<vmem>>, vector<1x1x2000xi32>
    %get3A_60 = vector.shape_cast %get3A_59 : vector<1x1x2000xi32> to vector<2000xi32>
    %broadcast_in_dim3A_61 = vector.shape_cast %get3A_60 : vector<2000xi32> to vector<1x2000xi32>
    %iota3A = tpu.iota {dimensions = array<i32: 0>} : vector<64x2000xi32>
    %eq3A = vector.broadcast %broadcast_in_dim3A_61 : vector<1x2000xi32> to vector<64x2000xi32>
    %eq3A_62 = arith.cmpi eq, %eq3A, %iota3A : vector<64x2000xi32>
    %convert_element_type3A = arith.extui %eq3A_62 : vector<64x2000xi1> to vector<64x2000xi32>
    %convert_element_type3A_63 = arith.sitofp %convert_element_type3A : vector<64x2000xi32> to vector<64x2000xf32>
    %dot_general3A_64 = arith.constant dense<0.000000e+00> : vector<64x128xf32>
    %dot_general3A_65 = tpu.matmul %convert_element_type3A_63, %div3A_55, %dot_general3A_64 {dimension_numbers = #tpu.dot_dimension_numbers<[1], [0], [0], [1], [0, 0, 1, 1], [], []>, precision = #tpu.contract_precision<fp32>, transpose_lhs_hint = false} : vector<64x2000xf32>, vector<2000x128xf32>, vector<64x128xf32> -> vector<64x128xf32>
    %eq3A_66 = arith.constant 0 : i32
    %eq3A_67 = arith.cmpi eq, %arg0, %eq3A_66 : i32
    %convert_element_type3A_68 = arith.extui %eq3A_67 : i1 to i32
    %cond3A = arith.constant 0 : i32
    %cond3A_69 = arith.cmpi ne, %convert_element_type3A_68, %cond3A : i32
    scf.if %cond3A_69 {
      %get3A_77 = arith.constant 0 : index
      %get3A_78 = arith.constant 0 : index
      %get3A_79 = vector.load %arg8[%get3A_77, %get3A_78] : memref<64x128xf32, #tpu.memory_space<vmem>>, vector<64x128xf32>
      %swap3A_80 = arith.constant 0 : index
      %swap3A_81 = arith.constant 0 : index
      %swap3A_82 = vector.load %arg10[%swap3A_80, %swap3A_81] : memref<64x128xf32, #tpu.memory_space<vmem>>, vector<64x128xf32>
      tpu.vector_store %arg10[%swap3A_80, %swap3A_81], %get3A_79 {strides = array<i32>} : memref<64x128xf32, #tpu.memory_space<vmem>>, vector<64x128xf32>,
    } else {
    }
    %get3A_70 = arith.constant 0 : index
    %get3A_71 = arith.constant 0 : index
    %get3A_72 = vector.load %arg10[%get3A_70, %get3A_71] : memref<64x128xf32, #tpu.memory_space<vmem>>, vector<64x128xf32>
    %add3A_73 = arith.addf %get3A_72, %dot_general3A_65 : vector<64x128xf32>
    %swap3A_74 = arith.constant 0 : index
    %swap3A_75 = arith.constant 0 : index
    %swap3A_76 = vector.load %arg10[%swap3A_74, %swap3A_75] : memref<64x128xf32, #tpu.memory_space<vmem>>, vector<64x128xf32>
    tpu.vector_store %arg10[%swap3A_74, %swap3A_75], %add3A_73 {strides = array<i32>} : memref<64x128xf32, #tpu.memory_space<vmem>>, vector<64x128xf32>,
    return
  }
  func.func @transform_0(%arg0: i32) -> (i32, i32, i32) {
    %c0_i32 = arith.constant 0 : i32
    %c0_i32_0 = arith.constant 0 : i32
    %c0_i32_1 = arith.constant 0 : i32
    return %c0_i32, %arg0, %c0_i32_0 : i32, i32, i32
  }
  func.func @transform_1(%arg0: i32) -> (i32, i32, i32) {
    %c0_i32 = arith.constant 0 : i32
    %c0_i32_0 = arith.constant 0 : i32
    %c0_i32_1 = arith.constant 0 : i32
    return %c0_i32, %arg0, %c0_i32_0 : i32, i32, i32
  }
  func.func @transform_2(%arg0: i32) -> (i32, i32) {
    %c0_i32 = arith.constant 0 : i32
    %c0_i32_0 = arith.constant 0 : i32
    %c0_i32_1 = arith.constant 0 : i32
    return %c0_i32, %c0_i32_0 : i32, i32
  }
  func.func @transform_3(%arg0: i32) -> (i32, i32) {
    %c0_i32 = arith.constant 0 : i32
    %c0_i32_0 = arith.constant 0 : i32
    %c0_i32_1 = arith.constant 0 : i32
    return %c0_i32, %c0_i32_0 : i32, i32
  }
  func.func @transform_4(%arg0: i32) -> (i32, i32) {
    %c0_i32 = arith.constant 0 : i32
    %c0_i32_0 = arith.constant 0 : i32
    %c0_i32_1 = arith.constant 0 : i32
    return %c0_i32, %c0_i32_0 : i32, i32
  }
  func.func @transform_5(%arg0: i32) -> (i32, i32) {
    %c0_i32 = arith.constant 0 : i32
    %c0_i32_0 = arith.constant 0 : i32
    %c0_i32_1 = arith.constant 0 : i32
    return %c0_i32, %c0_i32_0 : i32, i32
  }
  func.func @transform_6(%arg0: i32) -> (i32, i32, i32) {
    %c0_i32 = arith.constant 0 : i32
    %c0_i32_0 = arith.constant 0 : i32
    %c0_i32_1 = arith.constant 0 : i32
    return %arg0, %c0_i32, %c0_i32_0 : i32, i32, i32
  }
  func.func @transform_7(%arg0: i32) -> (i32, i32) {
    %c0_i32 = arith.constant 0 : i32
    %c0_i32_0 = arith.constant 0 : i32
    %c0_i32_1 = arith.constant 0 : i32
    return %c0_i32, %c0_i32_0 : i32, i32
  }
  func.func @transform_8(%arg0: i32) -> (i32, i32, i32) {
    %c0_i32 = arith.constant 0 : i32
    %c0_i32_0 = arith.constant 0 : i32
    %c0_i32_1 = arith.constant 0 : i32
    return %c0_i32, %arg0, %c0_i32_0 : i32, i32, i32
  }
  func.func @transform_9(%arg0: i32) -> (i32, i32) {
    %c0_i32 = arith.constant 0 : i32
    %c0_i32_0 = arith.constant 0 : i32
    %c0_i32_1 = arith.constant 0 : i32
    return %c0_i32, %c0_i32_0 : i32, i32
  }
}

</mosaic_0001>

<sc_bundles>
// kernel: gather_offload_async_start.1
scs
__scs_entry_jumppad:
0x0: {  	(pc) =	sbr.rel $0x88, $3  }
0x1: {  	(tag) =	ssettag $0x0;
	lr =	simm.s32 $0x1  }
0x2: {  	[smem:$0x3F99] =	sst lr;
	_ =	strace $0xD0000000  }
0x3: {  	_ = 	snop  }
0x4: {  	_ = 	snop  }
0x5: {  	_ = 	snop  }
0x6: {  	_ = 	snop  }
0x7: {  	_ = 	snop  }
__scs_overlays_trampoline_lowered:
0x8: {  	[smem:$0x3FA8] =	sst s0  }
0x9: {  	[smem:$0x3FA9] =	sst s1  }
0xa: {  	[smem:$0x3FAA] =	sst s2  }
0xb: {  	[smem:$0x3FAB] =	sst s3  }
0xc: {  	[smem:$0x3FAC] =	sst s4  }
0xd: {  	[smem:$0x3FAD] =	sst s5  }
0xe: {  	[smem:$0x3FAE] =	sst s6  }
0xf: {  	[smem:$0x3FAF] =	sst s7  }
0x10: {  	[smem:$0x3FB0] =	sst s8  }
0x11: {  	[smem:$0x3FB1] =	sst s9;
	s0 =	simm.s32 @!p0 $0x0  }
0x12: {  	s1 =	sld [smem:$0x3F97];
	s0 =	simm.s32 @p0 $0x1  }
0x13: {  	[smem:$0x3FB2] =	sst s0;
	s0 =	simm.s32 @!p1 $0x0  }
0x14: {  	s2 =	sld [smem:$0x3F96];
	s0 =	simm.s32 @p1 $0x1  }
0x15: {  	[smem:$0x3FB3] =	sst s0;
	s0 =	simm.s32 @!p2 $0x0  }
0x16: {  	s3 =	sld [smem:$0x3FDB];
	s0 =	simm.s32 @p2 $0x1  }
0x17: {  	s4 =	simm.s32 $0x1BF5;
	[smem:$0x3FB5] =	sst s0  }
0x18: {  	s0 =	sld [smem:$0x3F98];
	_ =	swait.ge [sflag:s4], $0x0  }
0x19: {  	s7 =	sld [smem:$0x3F99]  }
0x1a: {  	s8 =	sadd.s32 $0xFFFFE003, lr  }
0x1b: {  	s9 =	sadd.s32 $0xFFFFFEF7, lr;
	s5 =	simm.s32 $0xFFFFFFFF;
	p2 =	slt.u32 s8, $0xFFFFF086  }
0x1c: {  	p1 =	slt.u32 s9, $0xF7A;
	s5 =	simm.s32 @!p2 $0x0  }
0x1d: {  	s5 =	simm.s32 @p1 $0x1;
	p0 =	seq.s32 s7, s2  }
0x1e: {  	s7 =	smul.u32 @!p0 $0xF7A, s2;
	p2 =	seq.s32 @!p0 s5, $0x0  }
0x1f: {  	s9 =	smul.u32 $0xF7A, s1;
	s8 =	simm.s32 @!p0 $0x1BF5;
	p2 =	por !p2, p0  }
0x20: {  	[sflag:s8] =	ssyncset.s32 @!p0 $0xFFFFF086;
	s6 =	sadd.s32 @!p0 s3, s7;
	s7 =	simm.s32 @!p0 $0x108  }
0x21: {  	s3 =	sadd.s32 s3, s9;
	s6 =	sadd.s32 @!p0 $0x88, s6;
	s7 =	simm.s32 @p2 $0x1082  }
0x22: {  	[simem:s7], [sflag:s8] =	dma.local @!p0 [hbm:s6], $0xF7A  }
0x23: {  	s9 =	sor.u32 $0xD0000000, s2;
	s6 =	simm.s32 $0x108;
	_ =	swait.ge @!p0 [sflag:s8], $0x0  }
0x24: {  	s3 =	sadd.s32 $0x88, s3;
	s6 =	simm.s32 @!p1 $0x1082;
	[sflag:s4] =	ssyncset.s32 $0xFFFFF086  }
0x25: {  	[simem:s6], [sflag:s4] =	dma.local [hbm:s3], $0xF7A  }
0x26: {  	[smem:$0x3F99] =	sst s1;
	(tag) =	ssettag s2;
	_ =	strace s9  }
0x27: {  	s1 =	sld [smem:$0x3FA9]  }
0x28: {  	s2 =	sld [smem:$0x3FAA]  }
0x29: {  	s4 =	sld [smem:$0x3FAC]  }
0x2a: {  	p0 =	seq.s32 s5, $0x0;
	s5 =	sld [smem:$0x3FAD]  }
0x2b: {  	s6 =	sld [smem:$0x3FAE]  }
0x2c: {  	s7 =	sld [smem:$0x3FAF]  }
0x2d: {  	s3 =	simm.s32 $0x108;
	s8 =	sld [smem:$0x3FB0]  }
0x2e: {  	s3 =	simm.s32 @!p0 $0x1082;
	s9 =	sld [smem:$0x3FB1]  }
0x2f: {  	lr =	sadd.s32 s0, s3;
	s0 =	sld [smem:$0x3FA8]  }
0x30: {  	s3 =	sld [smem:$0x3FAB]  }
0x31: {  	[smem:$0x3FB4] =	sst s10  }
0x32: {  	s10 =	sld [smem:$0x3FB2];
	_ =	sdelay $0x3  }
0x33: {  	p0 =	seq.s32 s10, $0x1;
	s10 =	sld [smem:$0x3FB4];
	_ =	sdelay $0x3  }
0x34: {  	[smem:$0x3FB4] =	sst s10  }
0x35: {  	s10 =	sld [smem:$0x3FB3];
	_ =	sdelay $0x3  }
0x36: {  	p1 =	seq.s32 s10, $0x1;
	s10 =	sld [smem:$0x3FB4];
	_ =	sdelay $0x3  }
0x37: {  	[smem:$0x3FB4] =	sst s10  }
0x38: {  	s10 =	sld [smem:$0x3FB5]  }
0x39: {  	_ = 	snop;
	(pc) =	sbr.ind lr, $3  }
0x3a: {  	_ = 	snop  }
0x3b: {  	_ = 	snop  }
0x3c: {  	p2 =	seq.s32 s10, $0x1;
	s10 =	sld [smem:$0x3FB4]  }
0x3d: {  	_ =	shalt  }
0x3e: {  	_ =	shalt  }
0x3f: {  	_ =	shalt  }
0x40: {  	_ =	shalt  }
0x41: {  	_ =	shalt  }
0x42: {  	_ =	shalt  }
0x43: {  	_ =	shalt  }
0x44: {  	_ =	shalt  }
0x45: {  	_ =	shalt  }
0x46: {  	_ =	shalt  }
0x47: {  	_ =	shalt  }
0x48: {  	_ =	shalt  }
0x49: {  	_ =	shalt  }
0x4a: {  	_ =	shalt  }
0x4b: {  	_ =	shalt  }
0x4c: {  	_ =	shalt  }
0x4d: {  	_ =	shalt  }
0x4e: {  	_ =	shalt  }
0x4f: {  	_ =	shalt  }
0x50: {  	_ =	shalt  }
0x51: {  	_ =	shalt  }
0x52: {  	_ =	shalt  }
0x53: {  	_ =	shalt  }
0x54: {  	_ =	shalt  }
0x55: {  	_ =	shalt  }
0x56: {  	_ =	shalt  }
0x57: {  	_ =	shalt  }
0x58: {  	_ =	shalt  }
0x59: {  	_ =	shalt  }
0x5a: {  	_ =	shalt  }
0x5b: {  	_ =	shalt  }
0x5c: {  	_ =	shalt  }
0x5d: {  	_ =	shalt  }
0x5e: {  	_ =	shalt  }
0x5f: {  	_ =	shalt  }
0x60: {  	_ =	shalt  }
0x61: {  	_ =	shalt  }
0x62: {  	_ =	shalt  }
0x63: {  	_ =	shalt  }
0x64: {  	_ =	shalt  }
0x65: {  	_ =	shalt  }
0x66: {  	_ =	shalt  }
0x67: {  	_ =	shalt  }
0x68: {  	_ =	shalt  }
0x69: {  	_ =	shalt  }
0x6a: {  	_ =	shalt  }
0x6b: {  	_ =	shalt  }
0x6c: {  	_ =	shalt  }
0x6d: {  	_ =	shalt  }
0x6e: {  	_ =	shalt  }
0x6f: {  	_ =	shalt  }
0x70: {  	_ =	shalt  }
0x71: {  	_ =	shalt  }
0x72: {  	_ =	shalt  }
0x73: {  	_ =	shalt  }
0x74: {  	_ =	shalt  }
0x75: {  	_ =	shalt  }
0x76: {  	_ =	shalt  }
0x77: {  	_ =	shalt  }
0x78: {  	_ =	shalt  }
0x79: {  	_ =	shalt  }
0x7a: {  	_ =	shalt  }
0x7b: {  	_ =	shalt  }
0x7c: {  	_ =	shalt  }
0x7d: {  	_ =	shalt  }
0x7e: {  	_ =	shalt  }
0x7f: {  	_ =	shalt  }
0x80: {  	_ =	shalt  }
0x81: {  	_ =	shalt  }
0x82: {  	_ =	shalt  }
0x83: {  	_ =	shalt  }
0x84: {  	_ =	shalt  }
0x85: {  	_ =	shalt  }
0x86: {  	_ =	shalt  }
0x87: {  	_ =	shalt  }
.Lfunc_end0:
.L_simem_size_0:
called_computation.3_lowered:
.L_overlay_start_0:
0x88: {  	s2 =	sld [smem:$0x3FD9]  }
0x89: {  	s3 =	sld [smem:$0x3FFE];
	_ =	sdelay $0x1  }
0x8a: {  	s1 =	srdreg.scid  }
0x8b: {  	s0 =	sand.u32 $0x1, s1  }
0x8c: {  	s16 =	sshll.u32 s0, $0xA;
	s2 =	sadd.s32 s3, s2  }
0x8d: {  	s2 =	sadd.s32 s2, s16  }
0x8e: {  	[smem:$0x3FC0] =	sst s2  }
0x8f: {  	_ = 	snop  }
0x90: {  	(tm) =	ssettm $0x1  }
0x91: {  	s17 =	sld [smem:$0x3FFB];
	_ =	sdelay $0x3  }
0x92: {  	_ =	strace s17  }
0x93: {  	s2 =	sld [smem:$0x3FFC];
	_ =	sdelay $0x3  }
0x94: {  	_ =	strace s2  }
0x95: {  	s2 =	sld [smem:$0x3FFD];
	_ =	sdelay $0x3  }
0x96: {  	_ =	strace s2  }
0x97: {  	_ =	strace $0x8FFFFFFF  }
0x98: {  	s18 =	sld [smem:$0x3FDB];
	_ =	sdelay $0x1  }
0x99: {  	s19 =	simm.s32 $_scs_section_size  }
0x9a: {  	s4 =	simm.s32 $_size__tile_overlayer_lowered;
	s5 =	simm.s32 $_tile_overlayer_lowered  }
0x9b: {  	s22 =	simm.s32 $0x1BFF;
	s21 =	sshll.u32 s5, $0x1;
	s2 =	sadd.s32 s19, s18  }
0x9c: {  	s6 =	simm.s32 $0x0;
	s20 =	sshll.u32 s4, $0x1;
	s4 =	sadd.s32 s21, s2  }
0x9d: {  	[timem:s6], [sflag:s22] =	dma.local [hbm:s4], s20  }
0x9e: {  	_ =	swait.ge [sflag:s22], s20  }
0x9f: {  	s3 =	ssub.s32 $0x0, s20;
	[sflag:s22] =	ssyncset.done $0x0  }
0xa0: {  	[sflag:s22] =	ssyncadd.s32 s3;
	_ =	sdelay $0x1  }
0xa1: {  	s23 =	simm.s32 $0x1B8B  }
0xa2: {  	_ =	swait.ge [sflag:s23], $0x1  }
0xa3: {  	[sflag:s23] =	ssyncset.done $0x0  }
0xa4: {  	s25 =	simm.s32 $0x1B8E;
	s24 =	sld [smem:$0x3FFE];
	[sflag:s23] =	ssyncadd.s32 $0xFFFFFFFF  }
0xa5: {  	s26 =	simm.s32 $execute0_lowered;
	[smem:$0x3FD2] =	sst s25  }
0xa6: {  	s4 =	sshll.u32 s26, $0x1;
	_ =	strace $0x80000049;
	[dreg:$0x1] =	wrdreg $0xFFFFFFFF  }
0xa7: {  	s28 =	simm.s32 $_size_execute0_lowered;
	s2 =	sadd.s32 s2, s4;
	[dreg:$0x0] =	wrdreg $0x0  }
0xa8: {  	s4 =	sshll.u32 s28, $0x1;
	[dreg:$0x2] =	wrdreg s2  }
0xa9: {  	[dreg:$0x3] =	wrdreg s4  }
0xaa: {  	[dreg:$0x4] =	wrdreg $0xC0  }
0xab: {  	_ =	task [dreg:s6], $0x5FFFF  }
0xac: {  	[dreg:$0x1] =	wrdreg $0xFFFFFFFF  }
0xad: {  	[dreg:$0x0] =	wrdreg $0x60  }
0xae: {  	[dreg:$0x2] =	wrdreg s24  }
0xaf: {  	[dreg:$0x3] =	wrdreg $0x9  }
0xb0: {  	_ =	task.clear_ibuf [dreg:s6], $0x4FFFF;
	_ =	strace $0x90000049  }
0xb1: {  	s29 =	simm.s32 $0x9;
	_ =	strace $0x8000004B  }
0xb2: {  	_ =	swait.ge [sflag:s29], $0x1  }
0xb3: {  	[sflag:s29] =	ssyncadd.s32 $0xFFFFFFFF  }
0xb4: {  	_ =	strace $0x9000004B  }
0xb5: {  	_ =	sfence  }
0xb6: {  	s30 =	sld [smem:$0x0];
	_ =	sdelay $0x2  }
0xb7: {  	s31 =	sshll.u32 s1, $0xD;
	s1 =	sshrl.u32 s1, $0x2  }
0xb8: {  	s3 =	sand.u32 $0x4000, s31;
	s1 =	sadd.s32 s1, s30  }
0xb9: {  	s0 =	sor.u32 s3, s0;
	s1 =	sshll.u32 s1, $0x11  }
0xba: {  	s0 =	sor.u32 s1, s0  }
0xbb: {  	s0 =	sadd.s32 $0x8F2B, s0  }
0xbc: {  	[sflag:s0] =	ssyncadd.remote.s32 $0x1  }
0xbd: {  	_ =	sfence.sel $0xFFFF  }
0xbe: {  	[dreg:$0x0] =	wrdreg $0xFFFFFFFF;
	(pc) =	sbr.abs _section_cstart, $3  }
0xbf: {  	[dreg:$0x1] =	wrdreg $0xFFFFFFFF  }
0xc0: {  	_ =	task.clear_ibuf [dreg:s6], $0x2FFFF;
	_ =	strace $0x9FFFFFFF  }
0xc1: {  	(tm) =	ssettm $0x7FFFFFFF  }
tec
execute0_lowered:
.L_overlay_start_1:
0x0: {  	(tag) =	ssettag $0x1  }
0x1: {  	s8 =	rddreg [dreg:$0x0]  }
0x2: {  	s0 =	rddreg [dreg:$0x1];
	_ =	strace $0x8000004A;
	s1 =	stileid.u32  }
0x3: {  	s3 =	srdreg.scid;
	s4 =	simm.s32 $0x1;
	s7 =	simm.s32 $0x1  }
0x4: {  	s9 =	simm.s32 $0x1;
	s10 =	simm.s32 $0x3;
	s13 =	simm.s32 $0x0  }
0x5: {  	s12 =	simm.s32 $0x0;
	s5 =	sand.u32 $0x1, s3;
	s6 =	sshll.u32 s1, $0x1  }
0x6: {  	s2 =	sadd.s32 $0x17800, s8;
	s3 =	sadd.s32 $0x1C800, s8;
	s5 =	sor.u32 s6, s5  }
.Ltmp0:
0x7: {  	[sflag:s4] =	ssyncpa.u1 $0x0;
	p0 =	slt.u32 s5, $0x9;
	(pc) =	sbr.rel .LBB2_1-.Ltmp0, $4  }
0x8: {  	s6 =	simm.s32 $0x2;
	s7 =	simm.s32 @!p0 $0x0;
	p0 =	sne.s32 s5, $0x8  }
0x9: {  	[sflag:s6] =	ssyncpa.u1 $0x0;
	s5 =	smul.u32 $0xFA0, s5;
	s9 =	simm.s32 @!p0 $0x0  }
0xa: {  	s8 =	sadd.s32 $0x75200, s8;
	[sflag:s10] =	ssyncpa.u1 $0x0;
	s7 =	sadd.s32 s9, s7  }
0xb: {  	vm0 =	vmmov $0xffff;
	s10 =	simm.s32 $0x0;
	s11 =	smov.u32 s5;
	s9 =	sadd.s32 $0x1, s7  }
.LBB2_4:
0xc: {  	v2 =	vnsel vm1, $0x0, v2  }
0xd: {  	vm1 =	vgt.s32 v0, $0x0;
	v2 =	vmin.u32 v2, $0x270FF  }
0xe: {  	v0 =	vnsel vm1, $0x0, v0  }
0xf: {  	v0 =	vmin.u32 v0, $0x270FF  }
0x10: {  	[tilespmem:s18], [sflag:$0x1] =	stream.indirect_vreg.gather [hbm4b:s2+s10], $0x1, v1, vm0, $0x4038;
	[tilespmem:$0x3E80] =	vst v63  }
0x11: {  	(ifvalue) =	ssetifvalue $0x7FFFFFFF  }
0x12: {  	[tilespmem:s15], [sflag:$0x1] =	stream.indirect_vreg.gather [hbm4b:s2+s10], $0x1, v2, vm0, $0x4038;
	[tilespmem:$0x3E80] =	vst v63  }
0x13: {  	s29 =	sadd.s32 $0x10, s15;
	(ifvalue) =	ssetifvalue $0x7FFFFFFF  }
0x14: {  	[tilespmem:s29], [sflag:$0x1] =	stream.indirect_vreg.gather [hbm4b:s2+s10], $0x1, v0, vm0, $0x4038;
	[tilespmem:$0x3E80] =	vst v63  }
0x15: {  	_ =	swait.ge [sflag:s4], $0xFA0  }
0x16: {  	s30 =	sshrl.u32 s13, $0x3;
	[sflag:s4] =	ssyncset.done $0x0  }
0x17: {  	s31 =	sand.u32 $0x7, s13;
	s15 =	sadd.s32 s8, s30;
	[sflag:s4] =	ssyncadd.s32 $0xFFFFF060  }
0x18: {  	[hbm4b:s15+s31] =	stream.linear.scatter [tilespmem:s14], [sflag:$0x3], $0xFA0, $0x38;
	[tilespmem:$0x3E80] =	vst v63  }
.LBB2_5:
0x19: {  	s15 =	sadd.s32 $0x1F400, s11  }
0x1a: {  	p1 =	sgt.s32 s15, $0x270FF  }
0x1b: {  	s15 =	smov.u32 @p1 s5;
	p1 =	sne.s32 s12, s9  }
.Ltmp1:
0x1c: {  	p0 =	slt.u32 s12, $0x2;
	(pc) =	sbr.rel @!p1 .LBB2_6-.Ltmp1, $4  }
0x1d: {  	s14 =	simm.s32 @!p0 $0x3  }
0x1e: {  	_ =	swait.ge @!p0 [sflag:s14], $0xFA0  }
0x1f: {  	s16 =	sadd.s32 $0x1, s12;
	s13 =	smov.u32 s11;
	[sflag:s14] =	ssyncset.done @!p0 $0x0  }
0x20: {  	s12 =	smov.u32 s16;
	s11 =	smov.u32 s15;
	[sflag:s14] =	ssyncadd.s32 @!p0 $0xFFFFF060  }
.LBB2_1:
0x21: {  	p0 =	sge.u32 s12, s7  }
0x22: {  	s14 =	sxor.u32 @!p0 $0x1, s12  }
0x23: {  	s14 =	smul.u32 @!p0 $0x3E80, s14  }
0x24: {  	s31 =	sadd.s32 $0xFFFFFFFF, s12;
	s15 =	sshrl.u32 @!p0 s11, $0x3  }
0x25: {  	s16 =	sand.u32 @!p0 $0x7, s11;
	s15 =	sadd.s32 @!p0 s3, s15;
	s14 =	sshra.s32 @!p0 s14, $0x2  }
0x26: {  	[tilespmem:s14], [sflag:$0x2] =	stream.linear.gather @!p0 [hbm4b:s15+s16], $0xFA0, $0x38;
	[tilespmem:$0x3E80] =	vst v63  }
0x27: {  	p0 =	sge.u32 s31, s7  }
.Ltmp2:
0x28: {  	_ = 	snop;
	(pc) =	sbr.rel @p0 .LBB2_5-.Ltmp2, $1  }
0x29: {  	_ =	sdelay $0x3  }
0x2a: {  	s14 =	sand.u32 $0x1, s12  }
0x2b: {  	_ =	swait.ge [sflag:s6], $0xFA0;
	p0 =	seq.s32 s14, $0x1;
	s14 =	simm.s32 $0xFA0  }
0x2c: {  	[sflag:s6] =	ssyncset.done $0x0;
	s14 =	simm.s32 @!p0 $0x0  }
0x2d: {  	[sflag:s6] =	ssyncadd.s32 $0xFFFFF060;
	(ifvalue) =	ssetifvalue $0x7FFFFFFF;
	v0 =	vld.msk [tilespmem:s14+$0x0 ss:$0x1], $0xffff;
	_ =	sdelay $0x4  }
0x2e: {  	s15 =	sadd.s32 $0x10, s14;
	vm1 =	vgt.s32 v0, $0x0  }
0x2f: {  	v2 =	vld.msk [tilespmem:s15+$0x0 ss:$0x1], $0xffff;
	v1 =	vnsel vm1, $0x0, v0  }
0x30: {  	v1 =	vmin.u32 v1, $0x270FF;
	_ =	sdelay $0x2  }
0x31: {  	s17 =	simm.s32 $0x20;
	s14 =	sadd.s32 $0x1F40, s14;
	s16 =	sadd.s32 $0x10, s15  }
0x32: {  	s15 =	sadd.s32 $0x10, s14;
	s18 =	smov.u32 s14;
	v0 =	vld.msk [tilespmem:s16+$0x0 ss:$0x1], $0xffff;
	vm1 =	vgt.s32 v2, $0x0;
	(ifvalue) =	ssetifvalue $0x7FFFFFFF  }
.LBB2_3:
0x33: {  	[tilespmem:s18], [sflag:$0x1] =	stream.indirect_vreg.gather [hbm4b:s2+s10], $0x1, v1, vm0, $0x4038;
	[tilespmem:$0x3E80] =	vst v63  }
0x34: {  	s17 =	sadd.s32 $0x10, s17  }
0x35: {  	v2 =	vnsel vm1, $0x0, v2;
	p0 =	slt.u32 s17, $0xF90  }
.Ltmp3:
0x36: {  	s18 =	smov.u32 s15;
	v1 =	vmin.u32 v2, $0x270FF;
	(pc) =	sbr.rel @p0 .LBB2_3-.Ltmp3, $3  }
0x37: {  	_ =	sdelay $0x1  }
0x38: {  	s16 =	sadd.s32 $0x10, s16  }
0x39: {  	vm1 =	vgt.s32 v0, $0x0;
	s15 =	sadd.s32 $0x10, s15;
	v2 =	vmov v0;
	(ifvalue) =	ssetifvalue $0x7FFFFFFF;
	v0 =	vld.msk [tilespmem:s16+$0x0 ss:$0x1], $0xffff  }
.Ltmp4:
0x3a: {  	_ = 	snop;
	(pc) =	sbr.rel .LBB2_4-.Ltmp4, $1  }
0x3b: {  	_ =	sdelay $0x3  }
.LBB2_6:
0x3c: {  	_ =	sfence.sel $0x180000  }
0x3d: {  	s2 =	simm.s32 $0x2;
	[bflag:$0x0] =	sbarrier.arrive $0xFFFF  }
0x3e: {  	s30 =	simm.s32 $0x3;
	[sflag:s2] =	ssyncpa.u1 $0x1  }
0x3f: {  	s31 =	simm.s32 $0x1;
	[sflag:s30] =	ssyncpa.u1 $0x1  }
0x40: {  	[sflag:s31] =	ssyncpa.u1 $0x1  }
0x41: {  	p0 =	sne.s32 s1, $0x0;
	_ =	strace $0x9000004A  }
0x42: {  	s0 =	sadd.s32 @!p0 $0x100000, s0;
	[bflag:$0x2] =	sbarrier.arrive $0xFFFF  }
0x43: {  	[sflag:s0] =	ssyncadd.tile.s32 @!p0 $0x1;
	_ =	shalt  }
.Lfunc_end2:
_tile_overlayer_lowered:
.L_overlay_start_2:
0x44: {  	(tag) =	ssettag $0x2  }
0x45: {  	s0 =	rddreg [dreg:$0x0];
	s2 =	stileid.u32  }
0x46: {  	s1 =	rddreg [dreg:$0x1];
	p0 =	sne.s32 s2, $0x0  }
0x47: {  	s3 =	rddreg [dreg:$0x2];
	[bflag:$0x3] =	sbarrier.arrive $0xFFFF;
	s2 =	simm.s32 @!p0 $0x1C01  }
0x48: {  	[timem:s3], [sflag:s2] =	dma.local @!p0 [hbm:s0], s1  }
0x49: {  	s0 =	simm.s32 @!p0 $0x1  }
0x4a: {  	_ =	swait.ge @!p0 [sflag:s0], s1  }
0x4b: {  	s1 =	ssub.s32 @!p0 $0x0, s1;
	[sflag:s0] =	ssyncset.done @!p0 $0x0  }
0x4c: {  	[sflag:s0] =	ssyncadd.s32 @!p0 s1  }
0x4d: {  	[bflag:$0x3] =	sbarrier.arrive $0xFFFF  }
0x4e: {  	_ =	shalt  }

// kernel: gather_offload_async_start.2
scs
__scs_entry_jumppad:
0x0: {  	(pc) =	sbr.rel $0x88, $3  }
0x1: {  	(tag) =	ssettag $0x0;
	lr =	simm.s32 $0x1  }
0x2: {  	[smem:$0x3F99] =	sst lr;
	_ =	strace $0xD0000000  }
0x3: {  	_ = 	snop  }
0x4: {  	_ = 	snop  }
0x5: {  	_ = 	snop  }
0x6: {  	_ = 	snop  }
0x7: {  	_ = 	snop  }
__scs_overlays_trampoline_lowered:
0x8: {  	[smem:$0x3FA8] =	sst s0  }
0x9: {  	[smem:$0x3FA9] =	sst s1  }
0xa: {  	[smem:$0x3FAA] =	sst s2  }
0xb: {  	[smem:$0x3FAB] =	sst s3  }
0xc: {  	[smem:$0x3FAC] =	sst s4  }
0xd: {  	[smem:$0x3FAD] =	sst s5  }
0xe: {  	[smem:$0x3FAE] =	sst s6  }
0xf: {  	[smem:$0x3FAF] =	sst s7  }
0x10: {  	[smem:$0x3FB0] =	sst s8  }
0x11: {  	[smem:$0x3FB1] =	sst s9;
	s0 =	simm.s32 @!p0 $0x0  }
0x12: {  	s1 =	sld [smem:$0x3F97];
	s0 =	simm.s32 @p0 $0x1  }
0x13: {  	[smem:$0x3FB2] =	sst s0;
	s0 =	simm.s32 @!p1 $0x0  }
0x14: {  	s2 =	sld [smem:$0x3F96];
	s0 =	simm.s32 @p1 $0x1  }
0x15: {  	[smem:$0x3FB3] =	sst s0;
	s0 =	simm.s32 @!p2 $0x0  }
0x16: {  	s3 =	sld [smem:$0x3FDB];
	s0 =	simm.s32 @p2 $0x1  }
0x17: {  	s4 =	simm.s32 $0x1BF5;
	[smem:$0x3FB5] =	sst s0  }
0x18: {  	s0 =	sld [smem:$0x3F98];
	_ =	swait.ge [sflag:s4], $0x0  }
0x19: {  	s7 =	sld [smem:$0x3F99]  }
0x1a: {  	s8 =	sadd.s32 $0xFFFFE003, lr  }
0x1b: {  	s9 =	sadd.s32 $0xFFFFFEF7, lr;
	s5 =	simm.s32 $0xFFFFFFFF;
	p2 =	slt.u32 s8, $0xFFFFF086  }
0x1c: {  	p1 =	slt.u32 s9, $0xF7A;
	s5 =	simm.s32 @!p2 $0x0  }
0x1d: {  	s5 =	simm.s32 @p1 $0x1;
	p0 =	seq.s32 s7, s2  }
0x1e: {  	s7 =	smul.u32 @!p0 $0xF7A, s2;
	p2 =	seq.s32 @!p0 s5, $0x0  }
0x1f: {  	s9 =	smul.u32 $0xF7A, s1;
	s8 =	simm.s32 @!p0 $0x1BF5;
	p2 =	por !p2, p0  }
0x20: {  	[sflag:s8] =	ssyncset.s32 @!p0 $0xFFFFF086;
	s6 =	sadd.s32 @!p0 s3, s7;
	s7 =	simm.s32 @!p0 $0x108  }
0x21: {  	s3 =	sadd.s32 s3, s9;
	s6 =	sadd.s32 @!p0 $0x88, s6;
	s7 =	simm.s32 @p2 $0x1082  }
0x22: {  	[simem:s7], [sflag:s8] =	dma.local @!p0 [hbm:s6], $0xF7A  }
0x23: {  	s9 =	sor.u32 $0xD0000000, s2;
	s6 =	simm.s32 $0x108;
	_ =	swait.ge @!p0 [sflag:s8], $0x0  }
0x24: {  	s3 =	sadd.s32 $0x88, s3;
	s6 =	simm.s32 @!p1 $0x1082;
	[sflag:s4] =	ssyncset.s32 $0xFFFFF086  }
0x25: {  	[simem:s6], [sflag:s4] =	dma.local [hbm:s3], $0xF7A  }
0x26: {  	[smem:$0x3F99] =	sst s1;
	(tag) =	ssettag s2;
	_ =	strace s9  }
0x27: {  	s1 =	sld [smem:$0x3FA9]  }
0x28: {  	s2 =	sld [smem:$0x3FAA]  }
0x29: {  	s4 =	sld [smem:$0x3FAC]  }
0x2a: {  	p0 =	seq.s32 s5, $0x0;
	s5 =	sld [smem:$0x3FAD]  }
0x2b: {  	s6 =	sld [smem:$0x3FAE]  }
0x2c: {  	s7 =	sld [smem:$0x3FAF]  }
0x2d: {  	s3 =	simm.s32 $0x108;
	s8 =	sld [smem:$0x3FB0]  }
0x2e: {  	s3 =	simm.s32 @!p0 $0x1082;
	s9 =	sld [smem:$0x3FB1]  }
0x2f: {  	lr =	sadd.s32 s0, s3;
	s0 =	sld [smem:$0x3FA8]  }
0x30: {  	s3 =	sld [smem:$0x3FAB]  }
0x31: {  	[smem:$0x3FB4] =	sst s10  }
0x32: {  	s10 =	sld [smem:$0x3FB2];
	_ =	sdelay $0x3  }
0x33: {  	p0 =	seq.s32 s10, $0x1;
	s10 =	sld [smem:$0x3FB4];
	_ =	sdelay $0x3  }
0x34: {  	[smem:$0x3FB4] =	sst s10  }
0x35: {  	s10 =	sld [smem:$0x3FB3];
	_ =	sdelay $0x3  }
0x36: {  	p1 =	seq.s32 s10, $0x1;
	s10 =	sld [smem:$0x3FB4];
	_ =	sdelay $0x3  }
0x37: {  	[smem:$0x3FB4] =	sst s10  }
0x38: {  	s10 =	sld [smem:$0x3FB5]  }
0x39: {  	_ = 	snop;
	(pc) =	sbr.ind lr, $3  }
0x3a: {  	_ = 	snop  }
0x3b: {  	_ = 	snop  }
0x3c: {  	p2 =	seq.s32 s10, $0x1;
	s10 =	sld [smem:$0x3FB4]  }
0x3d: {  	_ =	shalt  }
0x3e: {  	_ =	shalt  }
0x3f: {  	_ =	shalt  }
0x40: {  	_ =	shalt  }
0x41: {  	_ =	shalt  }
0x42: {  	_ =	shalt  }
0x43: {  	_ =	shalt  }
0x44: {  	_ =	shalt  }
0x45: {  	_ =	shalt  }
0x46: {  	_ =	shalt  }
0x47: {  	_ =	shalt  }
0x48: {  	_ =	shalt  }
0x49: {  	_ =	shalt  }
0x4a: {  	_ =	shalt  }
0x4b: {  	_ =	shalt  }
0x4c: {  	_ =	shalt  }
0x4d: {  	_ =	shalt  }
0x4e: {  	_ =	shalt  }
0x4f: {  	_ =	shalt  }
0x50: {  	_ =	shalt  }
0x51: {  	_ =	shalt  }
0x52: {  	_ =	shalt  }
0x53: {  	_ =	shalt  }
0x54: {  	_ =	shalt  }
0x55: {  	_ =	shalt  }
0x56: {  	_ =	shalt  }
0x57: {  	_ =	shalt  }
0x58: {  	_ =	shalt  }
0x59: {  	_ =	shalt  }
0x5a: {  	_ =	shalt  }
0x5b: {  	_ =	shalt  }
0x5c: {  	_ =	shalt  }
0x5d: {  	_ =	shalt  }
0x5e: {  	_ =	shalt  }
0x5f: {  	_ =	shalt  }
0x60: {  	_ =	shalt  }
0x61: {  	_ =	shalt  }
0x62: {  	_ =	shalt  }
0x63: {  	_ =	shalt  }
0x64: {  	_ =	shalt  }
0x65: {  	_ =	shalt  }
0x66: {  	_ =	shalt  }
0x67: {  	_ =	shalt  }
0x68: {  	_ =	shalt  }
0x69: {  	_ =	shalt  }
0x6a: {  	_ =	shalt  }
0x6b: {  	_ =	shalt  }
0x6c: {  	_ =	shalt  }
0x6d: {  	_ =	shalt  }
0x6e: {  	_ =	shalt  }
0x6f: {  	_ =	shalt  }
0x70: {  	_ =	shalt  }
0x71: {  	_ =	shalt  }
0x72: {  	_ =	shalt  }
0x73: {  	_ =	shalt  }
0x74: {  	_ =	shalt  }
0x75: {  	_ =	shalt  }
0x76: {  	_ =	shalt  }
0x77: {  	_ =	shalt  }
0x78: {  	_ =	shalt  }
0x79: {  	_ =	shalt  }
0x7a: {  	_ =	shalt  }
0x7b: {  	_ =	shalt  }
0x7c: {  	_ =	shalt  }
0x7d: {  	_ =	shalt  }
0x7e: {  	_ =	shalt  }
0x7f: {  	_ =	shalt  }
0x80: {  	_ =	shalt  }
0x81: {  	_ =	shalt  }
0x82: {  	_ =	shalt  }
0x83: {  	_ =	shalt  }
0x84: {  	_ =	shalt  }
0x85: {  	_ =	shalt  }
0x86: {  	_ =	shalt  }
0x87: {  	_ =	shalt  }
.Lfunc_end0:
.L_simem_size_0:
called_computation.4_lowered:
.L_overlay_start_0:
0x88: {  	s2 =	sld [smem:$0x3FD9]  }
0x89: {  	s3 =	sld [smem:$0x3FFE];
	_ =	sdelay $0x1  }
0x8a: {  	s1 =	srdreg.scid  }
0x8b: {  	s0 =	sand.u32 $0x1, s1  }
0x8c: {  	s16 =	sshll.u32 s0, $0xA;
	s2 =	sadd.s32 s3, s2  }
0x8d: {  	s2 =	sadd.s32 s2, s16  }
0x8e: {  	[smem:$0x3FC0] =	sst s2  }
0x8f: {  	_ = 	snop  }
0x90: {  	(tm) =	ssettm $0x1  }
0x91: {  	s17 =	sld [smem:$0x3FFB];
	_ =	sdelay $0x3  }
0x92: {  	_ =	strace s17  }
0x93: {  	s2 =	sld [smem:$0x3FFC];
	_ =	sdelay $0x3  }
0x94: {  	_ =	strace s2  }
0x95: {  	s2 =	sld [smem:$0x3FFD];
	_ =	sdelay $0x3  }
0x96: {  	_ =	strace s2  }
0x97: {  	_ =	strace $0x8FFFFFFF  }
0x98: {  	s18 =	sld [smem:$0x3FDB];
	_ =	sdelay $0x1  }
0x99: {  	s19 =	simm.s32 $_scs_section_size  }
0x9a: {  	s4 =	simm.s32 $_size__tile_overlayer_lowered;
	s5 =	simm.s32 $_tile_overlayer_lowered  }
0x9b: {  	s22 =	simm.s32 $0x1BFF;
	s21 =	sshll.u32 s5, $0x1;
	s2 =	sadd.s32 s19, s18  }
0x9c: {  	s6 =	simm.s32 $0x0;
	s20 =	sshll.u32 s4, $0x1;
	s4 =	sadd.s32 s21, s2  }
0x9d: {  	[timem:s6], [sflag:s22] =	dma.local [hbm:s4], s20  }
0x9e: {  	_ =	swait.ge [sflag:s22], s20  }
0x9f: {  	s3 =	ssub.s32 $0x0, s20;
	[sflag:s22] =	ssyncset.done $0x0  }
0xa0: {  	[sflag:s22] =	ssyncadd.s32 s3;
	_ =	sdelay $0x1  }
0xa1: {  	s23 =	simm.s32 $0x1B8B  }
0xa2: {  	_ =	swait.ge [sflag:s23], $0x1  }
0xa3: {  	[sflag:s23] =	ssyncset.done $0x0  }
0xa4: {  	s25 =	simm.s32 $0x1B8E;
	s24 =	sld [smem:$0x3FFE];
	[sflag:s23] =	ssyncadd.s32 $0xFFFFFFFF  }
0xa5: {  	s26 =	simm.s32 $execute0_lowered;
	[smem:$0x3FD2] =	sst s25  }
0xa6: {  	s4 =	sshll.u32 s26, $0x1;
	_ =	strace $0x80000052;
	[dreg:$0x1] =	wrdreg $0xFFFFFFFF  }
0xa7: {  	s28 =	simm.s32 $_size_execute0_lowered;
	s2 =	sadd.s32 s2, s4;
	[dreg:$0x0] =	wrdreg $0x0  }
0xa8: {  	s4 =	sshll.u32 s28, $0x1;
	[dreg:$0x2] =	wrdreg s2  }
0xa9: {  	[dreg:$0x3] =	wrdreg s4  }
0xaa: {  	[dreg:$0x4] =	wrdreg $0xC0  }
0xab: {  	_ =	task [dreg:s6], $0x5FFFF  }
0xac: {  	[dreg:$0x1] =	wrdreg $0xFFFFFFFF  }
0xad: {  	[dreg:$0x0] =	wrdreg $0x60  }
0xae: {  	[dreg:$0x2] =	wrdreg s24  }
0xaf: {  	[dreg:$0x3] =	wrdreg $0x9  }
0xb0: {  	_ =	task.clear_ibuf [dreg:s6], $0x4FFFF;
	_ =	strace $0x90000052  }
0xb1: {  	s29 =	simm.s32 $0x9;
	_ =	strace $0x80000054  }
0xb2: {  	_ =	swait.ge [sflag:s29], $0x1  }
0xb3: {  	[sflag:s29] =	ssyncadd.s32 $0xFFFFFFFF  }
0xb4: {  	_ =	strace $0x90000054  }
0xb5: {  	_ =	sfence  }
0xb6: {  	s30 =	sld [smem:$0x0];
	_ =	sdelay $0x2  }
0xb7: {  	s31 =	sshll.u32 s1, $0xD;
	s1 =	sshrl.u32 s1, $0x2  }
0xb8: {  	s3 =	sand.u32 $0x4000, s31;
	s1 =	sadd.s32 s1, s30  }
0xb9: {  	s0 =	sor.u32 s3, s0;
	s1 =	sshll.u32 s1, $0x11  }
0xba: {  	s0 =	sor.u32 s1, s0  }
0xbb: {  	s0 =	sadd.s32 $0x8F2B, s0  }
0xbc: {  	[sflag:s0] =	ssyncadd.remote.s32 $0x1  }
0xbd: {  	_ =	sfence.sel $0xFFFF  }
0xbe: {  	[dreg:$0x0] =	wrdreg $0xFFFFFFFF;
	(pc) =	sbr.abs _section_cstart, $3  }
0xbf: {  	[dreg:$0x1] =	wrdreg $0xFFFFFFFF  }
0xc0: {  	_ =	task.clear_ibuf [dreg:s6], $0x2FFFF;
	_ =	strace $0x9FFFFFFF  }
0xc1: {  	(tm) =	ssettm $0x7FFFFFFF  }
tec
execute0_lowered:
.L_overlay_start_1:
0x0: {  	(tag) =	ssettag $0x1  }
0x1: {  	s8 =	rddreg [dreg:$0x0]  }
0x2: {  	s0 =	rddreg [dreg:$0x1];
	_ =	strace $0x80000053;
	s1 =	stileid.u32  }
0x3: {  	s3 =	srdreg.scid;
	s4 =	simm.s32 $0x1;
	s7 =	simm.s32 $0x1  }
0x4: {  	s9 =	simm.s32 $0x1;
	s10 =	simm.s32 $0x3;
	s13 =	simm.s32 $0x0  }
0x5: {  	s12 =	simm.s32 $0x0;
	s5 =	sand.u32 $0x1, s3;
	s6 =	sshll.u32 s1, $0x1  }
0x6: {  	s2 =	sadd.s32 $0x12800, s8;
	s3 =	sadd.s32 $0x1C800, s8;
	s5 =	sor.u32 s6, s5  }
.Ltmp0:
0x7: {  	[sflag:s4] =	ssyncpa.u1 $0x0;
	p0 =	slt.u32 s5, $0x9;
	(pc) =	sbr.rel .LBB2_1-.Ltmp0, $4  }
0x8: {  	s6 =	simm.s32 $0x2;
	s7 =	simm.s32 @!p0 $0x0;
	p0 =	sne.s32 s5, $0x8  }
0x9: {  	[sflag:s6] =	ssyncpa.u1 $0x0;
	s5 =	smul.u32 $0xFA0, s5;
	s9 =	simm.s32 @!p0 $0x0  }
0xa: {  	s8 =	sadd.s32 $0x6FA00, s8;
	[sflag:s10] =	ssyncpa.u1 $0x0;
	s7 =	sadd.s32 s9, s7  }
0xb: {  	vm0 =	vmmov $0xffff;
	s10 =	simm.s32 $0x0;
	s11 =	smov.u32 s5;
	s9 =	sadd.s32 $0x1, s7  }
.LBB2_4:
0xc: {  	v2 =	vnsel vm1, $0x0, v2  }
0xd: {  	vm1 =	vgt.s32 v0, $0x0;
	v2 =	vmin.u32 v2, $0x270FF  }
0xe: {  	v0 =	vnsel vm1, $0x0, v0  }
0xf: {  	v0 =	vmin.u32 v0, $0x270FF  }
0x10: {  	[tilespmem:s18], [sflag:$0x1] =	stream.indirect_vreg.gather [hbm4b:s2+s10], $0x1, v1, vm0, $0x4038;
	[tilespmem:$0x3E80] =	vst v63  }
0x11: {  	(ifvalue) =	ssetifvalue $0x7FFFFFFF  }
0x12: {  	[tilespmem:s15], [sflag:$0x1] =	stream.indirect_vreg.gather [hbm4b:s2+s10], $0x1, v2, vm0, $0x4038;
	[tilespmem:$0x3E80] =	vst v63  }
0x13: {  	s29 =	sadd.s32 $0x10, s15;
	(ifvalue) =	ssetifvalue $0x7FFFFFFF  }
0x14: {  	[tilespmem:s29], [sflag:$0x1] =	stream.indirect_vreg.gather [hbm4b:s2+s10], $0x1, v0, vm0, $0x4038;
	[tilespmem:$0x3E80] =	vst v63  }
0x15: {  	_ =	swait.ge [sflag:s4], $0xFA0  }
0x16: {  	s30 =	sshrl.u32 s13, $0x3;
	[sflag:s4] =	ssyncset.done $0x0  }
0x17: {  	s31 =	sand.u32 $0x7, s13;
	s15 =	sadd.s32 s8, s30;
	[sflag:s4] =	ssyncadd.s32 $0xFFFFF060  }
0x18: {  	[hbm4b:s15+s31] =	stream.linear.scatter [tilespmem:s14], [sflag:$0x3], $0xFA0, $0x38;
	[tilespmem:$0x3E80] =	vst v63  }
.LBB2_5:
0x19: {  	s15 =	sadd.s32 $0x1F400, s11  }
0x1a: {  	p1 =	sgt.s32 s15, $0x270FF  }
0x1b: {  	s15 =	smov.u32 @p1 s5;
	p1 =	sne.s32 s12, s9  }
.Ltmp1:
0x1c: {  	p0 =	slt.u32 s12, $0x2;
	(pc) =	sbr.rel @!p1 .LBB2_6-.Ltmp1, $4  }
0x1d: {  	s14 =	simm.s32 @!p0 $0x3  }
0x1e: {  	_ =	swait.ge @!p0 [sflag:s14], $0xFA0  }
0x1f: {  	s16 =	sadd.s32 $0x1, s12;
	s13 =	smov.u32 s11;
	[sflag:s14] =	ssyncset.done @!p0 $0x0  }
0x20: {  	s12 =	smov.u32 s16;
	s11 =	smov.u32 s15;
	[sflag:s14] =	ssyncadd.s32 @!p0 $0xFFFFF060  }
.LBB2_1:
0x21: {  	p0 =	sge.u32 s12, s7  }
0x22: {  	s14 =	sxor.u32 @!p0 $0x1, s12  }
0x23: {  	s14 =	smul.u32 @!p0 $0x3E80, s14  }
0x24: {  	s31 =	sadd.s32 $0xFFFFFFFF, s12;
	s15 =	sshrl.u32 @!p0 s11, $0x3  }
0x25: {  	s16 =	sand.u32 @!p0 $0x7, s11;
	s15 =	sadd.s32 @!p0 s3, s15;
	s14 =	sshra.s32 @!p0 s14, $0x2  }
0x26: {  	[tilespmem:s14], [sflag:$0x2] =	stream.linear.gather @!p0 [hbm4b:s15+s16], $0xFA0, $0x38;
	[tilespmem:$0x3E80] =	vst v63  }
0x27: {  	p0 =	sge.u32 s31, s7  }
.Ltmp2:
0x28: {  	_ = 	snop;
	(pc) =	sbr.rel @p0 .LBB2_5-.Ltmp2, $1  }
0x29: {  	_ =	sdelay $0x3  }
0x2a: {  	s14 =	sand.u32 $0x1, s12  }
0x2b: {  	_ =	swait.ge [sflag:s6], $0xFA0;
	p0 =	seq.s32 s14, $0x1;
	s14 =	simm.s32 $0xFA0  }
0x2c: {  	[sflag:s6] =	ssyncset.done $0x0;
	s14 =	simm.s32 @!p0 $0x0  }
0x2d: {  	[sflag:s6] =	ssyncadd.s32 $0xFFFFF060;
	(ifvalue) =	ssetifvalue $0x7FFFFFFF;
	v0 =	vld.msk [tilespmem:s14+$0x0 ss:$0x1], $0xffff;
	_ =	sdelay $0x4  }
0x2e: {  	s15 =	sadd.s32 $0x10, s14;
	vm1 =	vgt.s32 v0, $0x0  }
0x2f: {  	v2 =	vld.msk [tilespmem:s15+$0x0 ss:$0x1], $0xffff;
	v1 =	vnsel vm1, $0x0, v0  }
0x30: {  	v1 =	vmin.u32 v1, $0x270FF;
	_ =	sdelay $0x2  }
0x31: {  	s17 =	simm.s32 $0x20;
	s14 =	sadd.s32 $0x1F40, s14;
	s16 =	sadd.s32 $0x10, s15  }
0x32: {  	s15 =	sadd.s32 $0x10, s14;
	s18 =	smov.u32 s14;
	v0 =	vld.msk [tilespmem:s16+$0x0 ss:$0x1], $0xffff;
	vm1 =	vgt.s32 v2, $0x0;
	(ifvalue) =	ssetifvalue $0x7FFFFFFF  }
.LBB2_3:
0x33: {  	[tilespmem:s18], [sflag:$0x1] =	stream.indirect_vreg.gather [hbm4b:s2+s10], $0x1, v1, vm0, $0x4038;
	[tilespmem:$0x3E80] =	vst v63  }
0x34: {  	s17 =	sadd.s32 $0x10, s17  }
0x35: {  	v2 =	vnsel vm1, $0x0, v2;
	p0 =	slt.u32 s17, $0xF90  }
.Ltmp3:
0x36: {  	s18 =	smov.u32 s15;
	v1 =	vmin.u32 v2, $0x270FF;
	(pc) =	sbr.rel @p0 .LBB2_3-.Ltmp3, $3  }
0x37: {  	_ =	sdelay $0x1  }
0x38: {  	s16 =	sadd.s32 $0x10, s16  }
0x39: {  	vm1 =	vgt.s32 v0, $0x0;
	s15 =	sadd.s32 $0x10, s15;
	v2 =	vmov v0;
	(ifvalue) =	ssetifvalue $0x7FFFFFFF;
	v0 =	vld.msk [tilespmem:s16+$0x0 ss:$0x1], $0xffff  }
.Ltmp4:
0x3a: {  	_ = 	snop;
	(pc) =	sbr.rel .LBB2_4-.Ltmp4, $1  }
0x3b: {  	_ =	sdelay $0x3  }
.LBB2_6:
0x3c: {  	_ =	sfence.sel $0x180000  }
0x3d: {  	s2 =	simm.s32 $0x2;
	[bflag:$0x0] =	sbarrier.arrive $0xFFFF  }
0x3e: {  	s30 =	simm.s32 $0x3;
	[sflag:s2] =	ssyncpa.u1 $0x1  }
0x3f: {  	s31 =	simm.s32 $0x1;
	[sflag:s30] =	ssyncpa.u1 $0x1  }
0x40: {  	[sflag:s31] =	ssyncpa.u1 $0x1  }
0x41: {  	p0 =	sne.s32 s1, $0x0;
	_ =	strace $0x90000053  }
0x42: {  	s0 =	sadd.s32 @!p0 $0x100000, s0;
	[bflag:$0x2] =	sbarrier.arrive $0xFFFF  }
0x43: {  	[sflag:s0] =	ssyncadd.tile.s32 @!p0 $0x1;
	_ =	shalt  }
.Lfunc_end2:
_tile_overlayer_lowered:
.L_overlay_start_2:
0x44: {  	(tag) =	ssettag $0x2  }
0x45: {  	s0 =	rddreg [dreg:$0x0];
	s2 =	stileid.u32  }
0x46: {  	s1 =	rddreg [dreg:$0x1];
	p0 =	sne.s32 s2, $0x0  }
0x47: {  	s3 =	rddreg [dreg:$0x2];
	[bflag:$0x3] =	sbarrier.arrive $0xFFFF;
	s2 =	simm.s32 @!p0 $0x1C01  }
0x48: {  	[timem:s3], [sflag:s2] =	dma.local @!p0 [hbm:s0], s1  }
0x49: {  	s0 =	simm.s32 @!p0 $0x1  }
0x4a: {  	_ =	swait.ge @!p0 [sflag:s0], s1  }
0x4b: {  	s1 =	ssub.s32 @!p0 $0x0, s1;
	[sflag:s0] =	ssyncset.done @!p0 $0x0  }
0x4c: {  	[sflag:s0] =	ssyncadd.s32 @!p0 s1  }
0x4d: {  	[bflag:$0x3] =	sbarrier.arrive $0xFFFF  }
0x4e: {  	_ =	shalt  }

// kernel: gather_offload_async_start.3
scs
__scs_entry_jumppad:
0x0: {  	(pc) =	sbr.rel $0x88, $3  }
0x1: {  	(tag) =	ssettag $0x0;
	lr =	simm.s32 $0x1  }
0x2: {  	[smem:$0x3F99] =	sst lr;
	_ =	strace $0xD0000000  }
0x3: {  	_ = 	snop  }
0x4: {  	_ = 	snop  }
0x5: {  	_ = 	snop  }
0x6: {  	_ = 	snop  }
0x7: {  	_ = 	snop  }
__scs_overlays_trampoline_lowered:
0x8: {  	[smem:$0x3FA8] =	sst s0  }
0x9: {  	[smem:$0x3FA9] =	sst s1  }
0xa: {  	[smem:$0x3FAA] =	sst s2  }
0xb: {  	[smem:$0x3FAB] =	sst s3  }
0xc: {  	[smem:$0x3FAC] =	sst s4  }
0xd: {  	[smem:$0x3FAD] =	sst s5  }
0xe: {  	[smem:$0x3FAE] =	sst s6  }
0xf: {  	[smem:$0x3FAF] =	sst s7  }
0x10: {  	[smem:$0x3FB0] =	sst s8  }
0x11: {  	[smem:$0x3FB1] =	sst s9;
	s0 =	simm.s32 @!p0 $0x0  }
0x12: {  	s1 =	sld [smem:$0x3F97];
	s0 =	simm.s32 @p0 $0x1  }
0x13: {  	[smem:$0x3FB2] =	sst s0;
	s0 =	simm.s32 @!p1 $0x0  }
0x14: {  	s2 =	sld [smem:$0x3F96];
	s0 =	simm.s32 @p1 $0x1  }
0x15: {  	[smem:$0x3FB3] =	sst s0;
	s0 =	simm.s32 @!p2 $0x0  }
0x16: {  	s3 =	sld [smem:$0x3FDB];
	s0 =	simm.s32 @p2 $0x1  }
0x17: {  	s4 =	simm.s32 $0x1BF5;
	[smem:$0x3FB5] =	sst s0  }
0x18: {  	s0 =	sld [smem:$0x3F98];
	_ =	swait.ge [sflag:s4], $0x0  }
0x19: {  	s7 =	sld [smem:$0x3F99]  }
0x1a: {  	s8 =	sadd.s32 $0xFFFFE003, lr  }
0x1b: {  	s9 =	sadd.s32 $0xFFFFFEF7, lr;
	s5 =	simm.s32 $0xFFFFFFFF;
	p2 =	slt.u32 s8, $0xFFFFF086  }
0x1c: {  	p1 =	slt.u32 s9, $0xF7A;
	s5 =	simm.s32 @!p2 $0x0  }
0x1d: {  	s5 =	simm.s32 @p1 $0x1;
	p0 =	seq.s32 s7, s2  }
0x1e: {  	s7 =	smul.u32 @!p0 $0xF7A, s2;
	p2 =	seq.s32 @!p0 s5, $0x0  }
0x1f: {  	s9 =	smul.u32 $0xF7A, s1;
	s8 =	simm.s32 @!p0 $0x1BF5;
	p2 =	por !p2, p0  }
0x20: {  	[sflag:s8] =	ssyncset.s32 @!p0 $0xFFFFF086;
	s6 =	sadd.s32 @!p0 s3, s7;
	s7 =	simm.s32 @!p0 $0x108  }
0x21: {  	s3 =	sadd.s32 s3, s9;
	s6 =	sadd.s32 @!p0 $0x88, s6;
	s7 =	simm.s32 @p2 $0x1082  }
0x22: {  	[simem:s7], [sflag:s8] =	dma.local @!p0 [hbm:s6], $0xF7A  }
0x23: {  	s9 =	sor.u32 $0xD0000000, s2;
	s6 =	simm.s32 $0x108;
	_ =	swait.ge @!p0 [sflag:s8], $0x0  }
0x24: {  	s3 =	sadd.s32 $0x88, s3;
	s6 =	simm.s32 @!p1 $0x1082;
	[sflag:s4] =	ssyncset.s32 $0xFFFFF086  }
0x25: {  	[simem:s6], [sflag:s4] =	dma.local [hbm:s3], $0xF7A  }
0x26: {  	[smem:$0x3F99] =	sst s1;
	(tag) =	ssettag s2;
	_ =	strace s9  }
0x27: {  	s1 =	sld [smem:$0x3FA9]  }
0x28: {  	s2 =	sld [smem:$0x3FAA]  }
0x29: {  	s4 =	sld [smem:$0x3FAC]  }
0x2a: {  	p0 =	seq.s32 s5, $0x0;
	s5 =	sld [smem:$0x3FAD]  }
0x2b: {  	s6 =	sld [smem:$0x3FAE]  }
0x2c: {  	s7 =	sld [smem:$0x3FAF]  }
0x2d: {  	s3 =	simm.s32 $0x108;
	s8 =	sld [smem:$0x3FB0]  }
0x2e: {  	s3 =	simm.s32 @!p0 $0x1082;
	s9 =	sld [smem:$0x3FB1]  }
0x2f: {  	lr =	sadd.s32 s0, s3;
	s0 =	sld [smem:$0x3FA8]  }
0x30: {  	s3 =	sld [smem:$0x3FAB]  }
0x31: {  	[smem:$0x3FB4] =	sst s10  }
0x32: {  	s10 =	sld [smem:$0x3FB2];
	_ =	sdelay $0x3  }
0x33: {  	p0 =	seq.s32 s10, $0x1;
	s10 =	sld [smem:$0x3FB4];
	_ =	sdelay $0x3  }
0x34: {  	[smem:$0x3FB4] =	sst s10  }
0x35: {  	s10 =	sld [smem:$0x3FB3];
	_ =	sdelay $0x3  }
0x36: {  	p1 =	seq.s32 s10, $0x1;
	s10 =	sld [smem:$0x3FB4];
	_ =	sdelay $0x3  }
0x37: {  	[smem:$0x3FB4] =	sst s10  }
0x38: {  	s10 =	sld [smem:$0x3FB5]  }
0x39: {  	_ = 	snop;
	(pc) =	sbr.ind lr, $3  }
0x3a: {  	_ = 	snop  }
0x3b: {  	_ = 	snop  }
0x3c: {  	p2 =	seq.s32 s10, $0x1;
	s10 =	sld [smem:$0x3FB4]  }
0x3d: {  	_ =	shalt  }
0x3e: {  	_ =	shalt  }
0x3f: {  	_ =	shalt  }
0x40: {  	_ =	shalt  }
0x41: {  	_ =	shalt  }
0x42: {  	_ =	shalt  }
0x43: {  	_ =	shalt  }
0x44: {  	_ =	shalt  }
0x45: {  	_ =	shalt  }
0x46: {  	_ =	shalt  }
0x47: {  	_ =	shalt  }
0x48: {  	_ =	shalt  }
0x49: {  	_ =	shalt  }
0x4a: {  	_ =	shalt  }
0x4b: {  	_ =	shalt  }
0x4c: {  	_ =	shalt  }
0x4d: {  	_ =	shalt  }
0x4e: {  	_ =	shalt  }
0x4f: {  	_ =	shalt  }
0x50: {  	_ =	shalt  }
0x51: {  	_ =	shalt  }
0x52: {  	_ =	shalt  }
0x53: {  	_ =	shalt  }
0x54: {  	_ =	shalt  }
0x55: {  	_ =	shalt  }
0x56: {  	_ =	shalt  }
0x57: {  	_ =	shalt  }
0x58: {  	_ =	shalt  }
0x59: {  	_ =	shalt  }
0x5a: {  	_ =	shalt  }
0x5b: {  	_ =	shalt  }
0x5c: {  	_ =	shalt  }
0x5d: {  	_ =	shalt  }
0x5e: {  	_ =	shalt  }
0x5f: {  	_ =	shalt  }
0x60: {  	_ =	shalt  }
0x61: {  	_ =	shalt  }
0x62: {  	_ =	shalt  }
0x63: {  	_ =	shalt  }
0x64: {  	_ =	shalt  }
0x65: {  	_ =	shalt  }
0x66: {  	_ =	shalt  }
0x67: {  	_ =	shalt  }
0x68: {  	_ =	shalt  }
0x69: {  	_ =	shalt  }
0x6a: {  	_ =	shalt  }
0x6b: {  	_ =	shalt  }
0x6c: {  	_ =	shalt  }
0x6d: {  	_ =	shalt  }
0x6e: {  	_ =	shalt  }
0x6f: {  	_ =	shalt  }
0x70: {  	_ =	shalt  }
0x71: {  	_ =	shalt  }
0x72: {  	_ =	shalt  }
0x73: {  	_ =	shalt  }
0x74: {  	_ =	shalt  }
0x75: {  	_ =	shalt  }
0x76: {  	_ =	shalt  }
0x77: {  	_ =	shalt  }
0x78: {  	_ =	shalt  }
0x79: {  	_ =	shalt  }
0x7a: {  	_ =	shalt  }
0x7b: {  	_ =	shalt  }
0x7c: {  	_ =	shalt  }
0x7d: {  	_ =	shalt  }
0x7e: {  	_ =	shalt  }
0x7f: {  	_ =	shalt  }
0x80: {  	_ =	shalt  }
0x81: {  	_ =	shalt  }
0x82: {  	_ =	shalt  }
0x83: {  	_ =	shalt  }
0x84: {  	_ =	shalt  }
0x85: {  	_ =	shalt  }
0x86: {  	_ =	shalt  }
0x87: {  	_ =	shalt  }
.Lfunc_end0:
.L_simem_size_0:
called_computation.5_lowered:
.L_overlay_start_0:
0x88: {  	s2 =	sld [smem:$0x3FD9]  }
0x89: {  	s3 =	sld [smem:$0x3FFE];
	_ =	sdelay $0x1  }
0x8a: {  	s1 =	srdreg.scid  }
0x8b: {  	s0 =	sand.u32 $0x1, s1  }
0x8c: {  	s16 =	sshll.u32 s0, $0xA;
	s2 =	sadd.s32 s3, s2  }
0x8d: {  	s2 =	sadd.s32 s2, s16  }
0x8e: {  	[smem:$0x3FC0] =	sst s2  }
0x8f: {  	_ = 	snop  }
0x90: {  	(tm) =	ssettm $0x1  }
0x91: {  	s17 =	sld [smem:$0x3FFB];
	_ =	sdelay $0x3  }
0x92: {  	_ =	strace s17  }
0x93: {  	s2 =	sld [smem:$0x3FFC];
	_ =	sdelay $0x3  }
0x94: {  	_ =	strace s2  }
0x95: {  	s2 =	sld [smem:$0x3FFD];
	_ =	sdelay $0x3  }
0x96: {  	_ =	strace s2  }
0x97: {  	_ =	strace $0x8FFFFFFF  }
0x98: {  	s18 =	sld [smem:$0x3FDB];
	_ =	sdelay $0x1  }
0x99: {  	s19 =	simm.s32 $_scs_section_size  }
0x9a: {  	s4 =	simm.s32 $_size__tile_overlayer_lowered;
	s5 =	simm.s32 $_tile_overlayer_lowered  }
0x9b: {  	s22 =	simm.s32 $0x1BFF;
	s21 =	sshll.u32 s5, $0x1;
	s2 =	sadd.s32 s19, s18  }
0x9c: {  	s6 =	simm.s32 $0x0;
	s20 =	sshll.u32 s4, $0x1;
	s4 =	sadd.s32 s21, s2  }
0x9d: {  	[timem:s6], [sflag:s22] =	dma.local [hbm:s4], s20  }
0x9e: {  	_ =	swait.ge [sflag:s22], s20  }
0x9f: {  	s3 =	ssub.s32 $0x0, s20;
	[sflag:s22] =	ssyncset.done $0x0  }
0xa0: {  	[sflag:s22] =	ssyncadd.s32 s3;
	_ =	sdelay $0x1  }
0xa1: {  	s23 =	simm.s32 $0x1B8B  }
0xa2: {  	_ =	swait.ge [sflag:s23], $0x1  }
0xa3: {  	[sflag:s23] =	ssyncset.done $0x0  }
0xa4: {  	s25 =	simm.s32 $0x1B8E;
	s24 =	sld [smem:$0x3FFE];
	[sflag:s23] =	ssyncadd.s32 $0xFFFFFFFF  }
0xa5: {  	s26 =	simm.s32 $execute0_lowered;
	[smem:$0x3FD2] =	sst s25  }
0xa6: {  	s4 =	sshll.u32 s26, $0x1;
	_ =	strace $0x8000004F;
	[dreg:$0x1] =	wrdreg $0xFFFFFFFF  }
0xa7: {  	s28 =	simm.s32 $_size_execute0_lowered;
	s2 =	sadd.s32 s2, s4;
	[dreg:$0x0] =	wrdreg $0x0  }
0xa8: {  	s4 =	sshll.u32 s28, $0x1;
	[dreg:$0x2] =	wrdreg s2  }
0xa9: {  	[dreg:$0x3] =	wrdreg s4  }
0xaa: {  	[dreg:$0x4] =	wrdreg $0xC0  }
0xab: {  	_ =	task [dreg:s6], $0x5FFFF  }
0xac: {  	[dreg:$0x1] =	wrdreg $0xFFFFFFFF  }
0xad: {  	[dreg:$0x0] =	wrdreg $0x60  }
0xae: {  	[dreg:$0x2] =	wrdreg s24  }
0xaf: {  	[dreg:$0x3] =	wrdreg $0x9  }
0xb0: {  	_ =	task.clear_ibuf [dreg:s6], $0x4FFFF;
	_ =	strace $0x9000004F  }
0xb1: {  	s29 =	simm.s32 $0x9;
	_ =	strace $0x80000051  }
0xb2: {  	_ =	swait.ge [sflag:s29], $0x1  }
0xb3: {  	[sflag:s29] =	ssyncadd.s32 $0xFFFFFFFF  }
0xb4: {  	_ =	strace $0x90000051  }
0xb5: {  	_ =	sfence  }
0xb6: {  	s30 =	sld [smem:$0x0];
	_ =	sdelay $0x2  }
0xb7: {  	s31 =	sshll.u32 s1, $0xD;
	s1 =	sshrl.u32 s1, $0x2  }
0xb8: {  	s3 =	sand.u32 $0x4000, s31;
	s1 =	sadd.s32 s1, s30  }
0xb9: {  	s0 =	sor.u32 s3, s0;
	s1 =	sshll.u32 s1, $0x11  }
0xba: {  	s0 =	sor.u32 s1, s0  }
0xbb: {  	s0 =	sadd.s32 $0x8F2B, s0  }
0xbc: {  	[sflag:s0] =	ssyncadd.remote.s32 $0x1  }
0xbd: {  	_ =	sfence.sel $0xFFFF  }
0xbe: {  	[dreg:$0x0] =	wrdreg $0xFFFFFFFF;
	(pc) =	sbr.abs _section_cstart, $3  }
0xbf: {  	[dreg:$0x1] =	wrdreg $0xFFFFFFFF  }
0xc0: {  	_ =	task.clear_ibuf [dreg:s6], $0x2FFFF;
	_ =	strace $0x9FFFFFFF  }
0xc1: {  	(tm) =	ssettm $0x7FFFFFFF  }
tec
execute0_lowered:
.L_overlay_start_1:
0x0: {  	(tag) =	ssettag $0x1  }
0x1: {  	s8 =	rddreg [dreg:$0x0]  }
0x2: {  	s0 =	rddreg [dreg:$0x1];
	_ =	strace $0x80000050;
	s1 =	stileid.u32  }
0x3: {  	s3 =	srdreg.scid;
	s4 =	simm.s32 $0x1;
	s7 =	simm.s32 $0x1  }
0x4: {  	s9 =	simm.s32 $0x1;
	s10 =	simm.s32 $0x3;
	s13 =	simm.s32 $0x0  }
0x5: {  	s12 =	simm.s32 $0x0;
	s5 =	sand.u32 $0x1, s3;
	s6 =	sshll.u32 s1, $0x1  }
0x6: {  	s2 =	sadd.s32 $0xD800, s8;
	s3 =	sadd.s32 $0x7A200, s8;
	s5 =	sor.u32 s6, s5  }
.Ltmp0:
0x7: {  	[sflag:s4] =	ssyncpa.u1 $0x0;
	p0 =	slt.u32 s5, $0x9;
	(pc) =	sbr.rel .LBB2_1-.Ltmp0, $4  }
0x8: {  	s6 =	simm.s32 $0x2;
	s7 =	simm.s32 @!p0 $0x0;
	p0 =	sne.s32 s5, $0x8  }
0x9: {  	[sflag:s6] =	ssyncpa.u1 $0x0;
	s5 =	smul.u32 $0xFA0, s5;
	s9 =	simm.s32 @!p0 $0x0  }
0xa: {  	s8 =	sadd.s32 $0x17800, s8;
	[sflag:s10] =	ssyncpa.u1 $0x0;
	s7 =	sadd.s32 s9, s7  }
0xb: {  	vm0 =	vmmov $0xffff;
	s10 =	simm.s32 $0x0;
	s11 =	smov.u32 s5;
	s9 =	sadd.s32 $0x1, s7  }
.LBB2_4:
0xc: {  	v2 =	vnsel vm1, $0x0, v2  }
0xd: {  	vm1 =	vgt.s32 v0, $0x0;
	v2 =	vmin.u32 v2, $0x270FF  }
0xe: {  	v0 =	vnsel vm1, $0x0, v0  }
0xf: {  	v0 =	vmin.u32 v0, $0x270FF  }
0x10: {  	[tilespmem:s18], [sflag:$0x1] =	stream.indirect_vreg.gather [hbm4b:s2+s10], $0x1, v1, vm0, $0x4038;
	[tilespmem:$0x3E80] =	vst v63  }
0x11: {  	(ifvalue) =	ssetifvalue $0x7FFFFFFF  }
0x12: {  	[tilespmem:s15], [sflag:$0x1] =	stream.indirect_vreg.gather [hbm4b:s2+s10], $0x1, v2, vm0, $0x4038;
	[tilespmem:$0x3E80] =	vst v63  }
0x13: {  	s29 =	sadd.s32 $0x10, s15;
	(ifvalue) =	ssetifvalue $0x7FFFFFFF  }
0x14: {  	[tilespmem:s29], [sflag:$0x1] =	stream.indirect_vreg.gather [hbm4b:s2+s10], $0x1, v0, vm0, $0x4038;
	[tilespmem:$0x3E80] =	vst v63  }
0x15: {  	_ =	swait.ge [sflag:s4], $0xFA0  }
0x16: {  	s30 =	sshrl.u32 s13, $0x3;
	[sflag:s4] =	ssyncset.done $0x0  }
0x17: {  	s31 =	sand.u32 $0x7, s13;
	s15 =	sadd.s32 s8, s30;
	[sflag:s4] =	ssyncadd.s32 $0xFFFFF060  }
0x18: {  	[hbm4b:s15+s31] =	stream.linear.scatter [tilespmem:s14], [sflag:$0x3], $0xFA0, $0x38;
	[tilespmem:$0x3E80] =	vst v63  }
.LBB2_5:
0x19: {  	s15 =	sadd.s32 $0x1F400, s11  }
0x1a: {  	p1 =	sgt.s32 s15, $0x270FF  }
0x1b: {  	s15 =	smov.u32 @p1 s5;
	p1 =	sne.s32 s12, s9  }
.Ltmp1:
0x1c: {  	p0 =	slt.u32 s12, $0x2;
	(pc) =	sbr.rel @!p1 .LBB2_6-.Ltmp1, $4  }
0x1d: {  	s14 =	simm.s32 @!p0 $0x3  }
0x1e: {  	_ =	swait.ge @!p0 [sflag:s14], $0xFA0  }
0x1f: {  	s16 =	sadd.s32 $0x1, s12;
	s13 =	smov.u32 s11;
	[sflag:s14] =	ssyncset.done @!p0 $0x0  }
0x20: {  	s12 =	smov.u32 s16;
	s11 =	smov.u32 s15;
	[sflag:s14] =	ssyncadd.s32 @!p0 $0xFFFFF060  }
.LBB2_1:
0x21: {  	p0 =	sge.u32 s12, s7  }
0x22: {  	s14 =	sxor.u32 @!p0 $0x1, s12  }
0x23: {  	s14 =	smul.u32 @!p0 $0x3E80, s14  }
0x24: {  	s31 =	sadd.s32 $0xFFFFFFFF, s12;
	s15 =	sshrl.u32 @!p0 s11, $0x3  }
0x25: {  	s16 =	sand.u32 @!p0 $0x7, s11;
	s15 =	sadd.s32 @!p0 s3, s15;
	s14 =	sshra.s32 @!p0 s14, $0x2  }
0x26: {  	[tilespmem:s14], [sflag:$0x2] =	stream.linear.gather @!p0 [hbm4b:s15+s16], $0xFA0, $0x38;
	[tilespmem:$0x3E80] =	vst v63  }
0x27: {  	p0 =	sge.u32 s31, s7  }
.Ltmp2:
0x28: {  	_ = 	snop;
	(pc) =	sbr.rel @p0 .LBB2_5-.Ltmp2, $1  }
0x29: {  	_ =	sdelay $0x3  }
0x2a: {  	s14 =	sand.u32 $0x1, s12  }
0x2b: {  	_ =	swait.ge [sflag:s6], $0xFA0;
	p0 =	seq.s32 s14, $0x1;
	s14 =	simm.s32 $0xFA0  }
0x2c: {  	[sflag:s6] =	ssyncset.done $0x0;
	s14 =	simm.s32 @!p0 $0x0  }
0x2d: {  	[sflag:s6] =	ssyncadd.s32 $0xFFFFF060;
	(ifvalue) =	ssetifvalue $0x7FFFFFFF;
	v0 =	vld.msk [tilespmem:s14+$0x0 ss:$0x1], $0xffff;
	_ =	sdelay $0x4  }
0x2e: {  	s15 =	sadd.s32 $0x10, s14;
	vm1 =	vgt.s32 v0, $0x0  }
0x2f: {  	v2 =	vld.msk [tilespmem:s15+$0x0 ss:$0x1], $0xffff;
	v1 =	vnsel vm1, $0x0, v0  }
0x30: {  	v1 =	vmin.u32 v1, $0x270FF;
	_ =	sdelay $0x2  }
0x31: {  	s17 =	simm.s32 $0x20;
	s14 =	sadd.s32 $0x1F40, s14;
	s16 =	sadd.s32 $0x10, s15  }
0x32: {  	s15 =	sadd.s32 $0x10, s14;
	s18 =	smov.u32 s14;
	v0 =	vld.msk [tilespmem:s16+$0x0 ss:$0x1], $0xffff;
	vm1 =	vgt.s32 v2, $0x0;
	(ifvalue) =	ssetifvalue $0x7FFFFFFF  }
.LBB2_3:
0x33: {  	[tilespmem:s18], [sflag:$0x1] =	stream.indirect_vreg.gather [hbm4b:s2+s10], $0x1, v1, vm0, $0x4038;
	[tilespmem:$0x3E80] =	vst v63  }
0x34: {  	s17 =	sadd.s32 $0x10, s17  }
0x35: {  	v2 =	vnsel vm1, $0x0, v2;
	p0 =	slt.u32 s17, $0xF90  }
.Ltmp3:
0x36: {  	s18 =	smov.u32 s15;
	v1 =	vmin.u32 v2, $0x270FF;
	(pc) =	sbr.rel @p0 .LBB2_3-.Ltmp3, $3  }
0x37: {  	_ =	sdelay $0x1  }
0x38: {  	s16 =	sadd.s32 $0x10, s16  }
0x39: {  	vm1 =	vgt.s32 v0, $0x0;
	s15 =	sadd.s32 $0x10, s15;
	v2 =	vmov v0;
	(ifvalue) =	ssetifvalue $0x7FFFFFFF;
	v0 =	vld.msk [tilespmem:s16+$0x0 ss:$0x1], $0xffff  }
.Ltmp4:
0x3a: {  	_ = 	snop;
	(pc) =	sbr.rel .LBB2_4-.Ltmp4, $1  }
0x3b: {  	_ =	sdelay $0x3  }
.LBB2_6:
0x3c: {  	_ =	sfence.sel $0x180000  }
0x3d: {  	s2 =	simm.s32 $0x2;
	[bflag:$0x0] =	sbarrier.arrive $0xFFFF  }
0x3e: {  	s30 =	simm.s32 $0x3;
	[sflag:s2] =	ssyncpa.u1 $0x1  }
0x3f: {  	s31 =	simm.s32 $0x1;
	[sflag:s30] =	ssyncpa.u1 $0x1  }
0x40: {  	[sflag:s31] =	ssyncpa.u1 $0x1  }
0x41: {  	p0 =	sne.s32 s1, $0x0;
	_ =	strace $0x90000050  }
0x42: {  	s0 =	sadd.s32 @!p0 $0x100000, s0;
	[bflag:$0x2] =	sbarrier.arrive $0xFFFF  }
0x43: {  	[sflag:s0] =	ssyncadd.tile.s32 @!p0 $0x1;
	_ =	shalt  }
.Lfunc_end2:
_tile_overlayer_lowered:
.L_overlay_start_2:
0x44: {  	(tag) =	ssettag $0x2  }
0x45: {  	s0 =	rddreg [dreg:$0x0];
	s2 =	stileid.u32  }
0x46: {  	s1 =	rddreg [dreg:$0x1];
	p0 =	sne.s32 s2, $0x0  }
0x47: {  	s3 =	rddreg [dreg:$0x2];
	[bflag:$0x3] =	sbarrier.arrive $0xFFFF;
	s2 =	simm.s32 @!p0 $0x1C01  }
0x48: {  	[timem:s3], [sflag:s2] =	dma.local @!p0 [hbm:s0], s1  }
0x49: {  	s0 =	simm.s32 @!p0 $0x1  }
0x4a: {  	_ =	swait.ge @!p0 [sflag:s0], s1  }
0x4b: {  	s1 =	ssub.s32 @!p0 $0x0, s1;
	[sflag:s0] =	ssyncset.done @!p0 $0x0  }
0x4c: {  	[sflag:s0] =	ssyncadd.s32 @!p0 s1  }
0x4d: {  	[bflag:$0x3] =	sbarrier.arrive $0xFFFF  }
0x4e: {  	_ =	shalt  }

// kernel: gather_offload_async_start.4
scs
__scs_entry_jumppad:
0x0: {  	(pc) =	sbr.rel $0x88, $3  }
0x1: {  	(tag) =	ssettag $0x0;
	lr =	simm.s32 $0x1  }
0x2: {  	[smem:$0x3F99] =	sst lr;
	_ =	strace $0xD0000000  }
0x3: {  	_ = 	snop  }
0x4: {  	_ = 	snop  }
0x5: {  	_ = 	snop  }
0x6: {  	_ = 	snop  }
0x7: {  	_ = 	snop  }
__scs_overlays_trampoline_lowered:
0x8: {  	[smem:$0x3FA8] =	sst s0  }
0x9: {  	[smem:$0x3FA9] =	sst s1  }
0xa: {  	[smem:$0x3FAA] =	sst s2  }
0xb: {  	[smem:$0x3FAB] =	sst s3  }
0xc: {  	[smem:$0x3FAC] =	sst s4  }
0xd: {  	[smem:$0x3FAD] =	sst s5  }
0xe: {  	[smem:$0x3FAE] =	sst s6  }
0xf: {  	[smem:$0x3FAF] =	sst s7  }
0x10: {  	[smem:$0x3FB0] =	sst s8  }
0x11: {  	[smem:$0x3FB1] =	sst s9;
	s0 =	simm.s32 @!p0 $0x0  }
0x12: {  	s1 =	sld [smem:$0x3F97];
	s0 =	simm.s32 @p0 $0x1  }
0x13: {  	[smem:$0x3FB2] =	sst s0;
	s0 =	simm.s32 @!p1 $0x0  }
0x14: {  	s2 =	sld [smem:$0x3F96];
	s0 =	simm.s32 @p1 $0x1  }
0x15: {  	[smem:$0x3FB3] =	sst s0;
	s0 =	simm.s32 @!p2 $0x0  }
0x16: {  	s3 =	sld [smem:$0x3FDB];
	s0 =	simm.s32 @p2 $0x1  }
0x17: {  	s4 =	simm.s32 $0x1BF5;
	[smem:$0x3FB5] =	sst s0  }
0x18: {  	s0 =	sld [smem:$0x3F98];
	_ =	swait.ge [sflag:s4], $0x0  }
0x19: {  	s7 =	sld [smem:$0x3F99]  }
0x1a: {  	s8 =	sadd.s32 $0xFFFFE003, lr  }
0x1b: {  	s9 =	sadd.s32 $0xFFFFFEF7, lr;
	s5 =	simm.s32 $0xFFFFFFFF;
	p2 =	slt.u32 s8, $0xFFFFF086  }
0x1c: {  	p1 =	slt.u32 s9, $0xF7A;
	s5 =	simm.s32 @!p2 $0x0  }
0x1d: {  	s5 =	simm.s32 @p1 $0x1;
	p0 =	seq.s32 s7, s2  }
0x1e: {  	s7 =	smul.u32 @!p0 $0xF7A, s2;
	p2 =	seq.s32 @!p0 s5, $0x0  }
0x1f: {  	s9 =	smul.u32 $0xF7A, s1;
	s8 =	simm.s32 @!p0 $0x1BF5;
	p2 =	por !p2, p0  }
0x20: {  	[sflag:s8] =	ssyncset.s32 @!p0 $0xFFFFF086;
	s6 =	sadd.s32 @!p0 s3, s7;
	s7 =	simm.s32 @!p0 $0x108  }
0x21: {  	s3 =	sadd.s32 s3, s9;
	s6 =	sadd.s32 @!p0 $0x88, s6;
	s7 =	simm.s32 @p2 $0x1082  }
0x22: {  	[simem:s7], [sflag:s8] =	dma.local @!p0 [hbm:s6], $0xF7A  }
0x23: {  	s9 =	sor.u32 $0xD0000000, s2;
	s6 =	simm.s32 $0x108;
	_ =	swait.ge @!p0 [sflag:s8], $0x0  }
0x24: {  	s3 =	sadd.s32 $0x88, s3;
	s6 =	simm.s32 @!p1 $0x1082;
	[sflag:s4] =	ssyncset.s32 $0xFFFFF086  }
0x25: {  	[simem:s6], [sflag:s4] =	dma.local [hbm:s3], $0xF7A  }
0x26: {  	[smem:$0x3F99] =	sst s1;
	(tag) =	ssettag s2;
	_ =	strace s9  }
0x27: {  	s1 =	sld [smem:$0x3FA9]  }
0x28: {  	s2 =	sld [smem:$0x3FAA]  }
0x29: {  	s4 =	sld [smem:$0x3FAC]  }
0x2a: {  	p0 =	seq.s32 s5, $0x0;
	s5 =	sld [smem:$0x3FAD]  }
0x2b: {  	s6 =	sld [smem:$0x3FAE]  }
0x2c: {  	s7 =	sld [smem:$0x3FAF]  }
0x2d: {  	s3 =	simm.s32 $0x108;
	s8 =	sld [smem:$0x3FB0]  }
0x2e: {  	s3 =	simm.s32 @!p0 $0x1082;
	s9 =	sld [smem:$0x3FB1]  }
0x2f: {  	lr =	sadd.s32 s0, s3;
	s0 =	sld [smem:$0x3FA8]  }
0x30: {  	s3 =	sld [smem:$0x3FAB]  }
0x31: {  	[smem:$0x3FB4] =	sst s10  }
0x32: {  	s10 =	sld [smem:$0x3FB2];
	_ =	sdelay $0x3  }
0x33: {  	p0 =	seq.s32 s10, $0x1;
	s10 =	sld [smem:$0x3FB4];
	_ =	sdelay $0x3  }
0x34: {  	[smem:$0x3FB4] =	sst s10  }
0x35: {  	s10 =	sld [smem:$0x3FB3];
	_ =	sdelay $0x3  }
0x36: {  	p1 =	seq.s32 s10, $0x1;
	s10 =	sld [smem:$0x3FB4];
	_ =	sdelay $0x3  }
0x37: {  	[smem:$0x3FB4] =	sst s10  }
0x38: {  	s10 =	sld [smem:$0x3FB5]  }
0x39: {  	_ = 	snop;
	(pc) =	sbr.ind lr, $3  }
0x3a: {  	_ = 	snop  }
0x3b: {  	_ = 	snop  }
0x3c: {  	p2 =	seq.s32 s10, $0x1;
	s10 =	sld [smem:$0x3FB4]  }
0x3d: {  	_ =	shalt  }
0x3e: {  	_ =	shalt  }
0x3f: {  	_ =	shalt  }
0x40: {  	_ =	shalt  }
0x41: {  	_ =	shalt  }
0x42: {  	_ =	shalt  }
0x43: {  	_ =	shalt  }
0x44: {  	_ =	shalt  }
0x45: {  	_ =	shalt  }
0x46: {  	_ =	shalt  }
0x47: {  	_ =	shalt  }
0x48: {  	_ =	shalt  }
0x49: {  	_ =	shalt  }
0x4a: {  	_ =	shalt  }
0x4b: {  	_ =	shalt  }
0x4c: {  	_ =	shalt  }
0x4d: {  	_ =	shalt  }
0x4e: {  	_ =	shalt  }
0x4f: {  	_ =	shalt  }
0x50: {  	_ =	shalt  }
0x51: {  	_ =	shalt  }
0x52: {  	_ =	shalt  }
0x53: {  	_ =	shalt  }
0x54: {  	_ =	shalt  }
0x55: {  	_ =	shalt  }
0x56: {  	_ =	shalt  }
0x57: {  	_ =	shalt  }
0x58: {  	_ =	shalt  }
0x59: {  	_ =	shalt  }
0x5a: {  	_ =	shalt  }
0x5b: {  	_ =	shalt  }
0x5c: {  	_ =	shalt  }
0x5d: {  	_ =	shalt  }
0x5e: {  	_ =	shalt  }
0x5f: {  	_ =	shalt  }
0x60: {  	_ =	shalt  }
0x61: {  	_ =	shalt  }
0x62: {  	_ =	shalt  }
0x63: {  	_ =	shalt  }
0x64: {  	_ =	shalt  }
0x65: {  	_ =	shalt  }
0x66: {  	_ =	shalt  }
0x67: {  	_ =	shalt  }
0x68: {  	_ =	shalt  }
0x69: {  	_ =	shalt  }
0x6a: {  	_ =	shalt  }
0x6b: {  	_ =	shalt  }
0x6c: {  	_ =	shalt  }
0x6d: {  	_ =	shalt  }
0x6e: {  	_ =	shalt  }
0x6f: {  	_ =	shalt  }
0x70: {  	_ =	shalt  }
0x71: {  	_ =	shalt  }
0x72: {  	_ =	shalt  }
0x73: {  	_ =	shalt  }
0x74: {  	_ =	shalt  }
0x75: {  	_ =	shalt  }
0x76: {  	_ =	shalt  }
0x77: {  	_ =	shalt  }
0x78: {  	_ =	shalt  }
0x79: {  	_ =	shalt  }
0x7a: {  	_ =	shalt  }
0x7b: {  	_ =	shalt  }
0x7c: {  	_ =	shalt  }
0x7d: {  	_ =	shalt  }
0x7e: {  	_ =	shalt  }
0x7f: {  	_ =	shalt  }
0x80: {  	_ =	shalt  }
0x81: {  	_ =	shalt  }
0x82: {  	_ =	shalt  }
0x83: {  	_ =	shalt  }
0x84: {  	_ =	shalt  }
0x85: {  	_ =	shalt  }
0x86: {  	_ =	shalt  }
0x87: {  	_ =	shalt  }
.Lfunc_end0:
.L_simem_size_0:
called_computation.6_lowered:
.L_overlay_start_0:
0x88: {  	s2 =	sld [smem:$0x3FD9]  }
0x89: {  	s3 =	sld [smem:$0x3FFE];
	_ =	sdelay $0x1  }
0x8a: {  	s1 =	srdreg.scid  }
0x8b: {  	s0 =	sand.u32 $0x1, s1  }
0x8c: {  	s16 =	sshll.u32 s0, $0xA;
	s2 =	sadd.s32 s3, s2  }
0x8d: {  	s2 =	sadd.s32 s2, s16  }
0x8e: {  	[smem:$0x3FC0] =	sst s2  }
0x8f: {  	_ = 	snop  }
0x90: {  	(tm) =	ssettm $0x1  }
0x91: {  	s17 =	sld [smem:$0x3FFB];
	_ =	sdelay $0x3  }
0x92: {  	_ =	strace s17  }
0x93: {  	s2 =	sld [smem:$0x3FFC];
	_ =	sdelay $0x3  }
0x94: {  	_ =	strace s2  }
0x95: {  	s2 =	sld [smem:$0x3FFD];
	_ =	sdelay $0x3  }
0x96: {  	_ =	strace s2  }
0x97: {  	_ =	strace $0x8FFFFFFF  }
0x98: {  	s18 =	sld [smem:$0x3FDB];
	_ =	sdelay $0x1  }
0x99: {  	s19 =	simm.s32 $_scs_section_size  }
0x9a: {  	s4 =	simm.s32 $_size__tile_overlayer_lowered;
	s5 =	simm.s32 $_tile_overlayer_lowered  }
0x9b: {  	s22 =	simm.s32 $0x1BFF;
	s21 =	sshll.u32 s5, $0x1;
	s2 =	sadd.s32 s19, s18  }
0x9c: {  	s6 =	simm.s32 $0x0;
	s20 =	sshll.u32 s4, $0x1;
	s4 =	sadd.s32 s21, s2  }
0x9d: {  	[timem:s6], [sflag:s22] =	dma.local [hbm:s4], s20  }
0x9e: {  	_ =	swait.ge [sflag:s22], s20  }
0x9f: {  	s3 =	ssub.s32 $0x0, s20;
	[sflag:s22] =	ssyncset.done $0x0  }
0xa0: {  	[sflag:s22] =	ssyncadd.s32 s3;
	_ =	sdelay $0x1  }
0xa1: {  	s23 =	simm.s32 $0x1B8B  }
0xa2: {  	_ =	swait.ge [sflag:s23], $0x1  }
0xa3: {  	[sflag:s23] =	ssyncset.done $0x0  }
0xa4: {  	s25 =	simm.s32 $0x1B8E;
	s24 =	sld [smem:$0x3FFE];
	[sflag:s23] =	ssyncadd.s32 $0xFFFFFFFF  }
0xa5: {  	s26 =	simm.s32 $execute0_lowered;
	[smem:$0x3FD2] =	sst s25  }
0xa6: {  	s4 =	sshll.u32 s26, $0x1;
	_ =	strace $0x80000058;
	[dreg:$0x1] =	wrdreg $0xFFFFFFFF  }
0xa7: {  	s28 =	simm.s32 $_size_execute0_lowered;
	s2 =	sadd.s32 s2, s4;
	[dreg:$0x0] =	wrdreg $0x0  }
0xa8: {  	s4 =	sshll.u32 s28, $0x1;
	[dreg:$0x2] =	wrdreg s2  }
0xa9: {  	[dreg:$0x3] =	wrdreg s4  }
0xaa: {  	[dreg:$0x4] =	wrdreg $0xC0  }
0xab: {  	_ =	task [dreg:s6], $0x5FFFF  }
0xac: {  	[dreg:$0x1] =	wrdreg $0xFFFFFFFF  }
0xad: {  	[dreg:$0x0] =	wrdreg $0x60  }
0xae: {  	[dreg:$0x2] =	wrdreg s24  }
0xaf: {  	[dreg:$0x3] =	wrdreg $0x9  }
0xb0: {  	_ =	task.clear_ibuf [dreg:s6], $0x4FFFF;
	_ =	strace $0x90000058  }
0xb1: {  	s29 =	simm.s32 $0x9;
	_ =	strace $0x8000005A  }
0xb2: {  	_ =	swait.ge [sflag:s29], $0x1  }
0xb3: {  	[sflag:s29] =	ssyncadd.s32 $0xFFFFFFFF  }
0xb4: {  	_ =	strace $0x9000005A  }
0xb5: {  	_ =	sfence  }
0xb6: {  	s30 =	sld [smem:$0x0];
	_ =	sdelay $0x2  }
0xb7: {  	s31 =	sshll.u32 s1, $0xD;
	s1 =	sshrl.u32 s1, $0x2  }
0xb8: {  	s3 =	sand.u32 $0x4000, s31;
	s1 =	sadd.s32 s1, s30  }
0xb9: {  	s0 =	sor.u32 s3, s0;
	s1 =	sshll.u32 s1, $0x11  }
0xba: {  	s0 =	sor.u32 s1, s0  }
0xbb: {  	s0 =	sadd.s32 $0x8F2B, s0  }
0xbc: {  	[sflag:s0] =	ssyncadd.remote.s32 $0x1  }
0xbd: {  	_ =	sfence.sel $0xFFFF  }
0xbe: {  	[dreg:$0x0] =	wrdreg $0xFFFFFFFF;
	(pc) =	sbr.abs _section_cstart, $3  }
0xbf: {  	[dreg:$0x1] =	wrdreg $0xFFFFFFFF  }
0xc0: {  	_ =	task.clear_ibuf [dreg:s6], $0x2FFFF;
	_ =	strace $0x9FFFFFFF  }
0xc1: {  	(tm) =	ssettm $0x7FFFFFFF  }
tec
execute0_lowered:
.L_overlay_start_1:
0x0: {  	(tag) =	ssettag $0x1  }
0x1: {  	s8 =	rddreg [dreg:$0x0]  }
0x2: {  	s0 =	rddreg [dreg:$0x1];
	_ =	strace $0x80000059;
	s1 =	stileid.u32  }
0x3: {  	s3 =	srdreg.scid;
	s4 =	simm.s32 $0x1;
	s7 =	simm.s32 $0x1  }
0x4: {  	s9 =	simm.s32 $0x1;
	s10 =	simm.s32 $0x3;
	s13 =	simm.s32 $0x0  }
0x5: {  	s12 =	simm.s32 $0x0;
	s5 =	sand.u32 $0x1, s3;
	s6 =	sshll.u32 s1, $0x1  }
0x6: {  	s2 =	sadd.s32 $0x75200, s8;
	s3 =	sadd.s32 $0x7A200, s8;
	s5 =	sor.u32 s6, s5  }
.Ltmp0:
0x7: {  	[sflag:s4] =	ssyncpa.u1 $0x0;
	p0 =	slt.u32 s5, $0x9;
	(pc) =	sbr.rel .LBB2_1-.Ltmp0, $4  }
0x8: {  	s6 =	simm.s32 $0x2;
	s7 =	simm.s32 @!p0 $0x0;
	p0 =	sne.s32 s5, $0x8  }
0x9: {  	[sflag:s6] =	ssyncpa.u1 $0x0;
	s5 =	smul.u32 $0xFA0, s5;
	s9 =	simm.s32 @!p0 $0x0  }
0xa: {  	s8 =	sadd.s32 $0x17800, s8;
	[sflag:s10] =	ssyncpa.u1 $0x0;
	s7 =	sadd.s32 s9, s7  }
0xb: {  	vm0 =	vmmov $0xffff;
	s10 =	simm.s32 $0x0;
	s11 =	smov.u32 s5;
	s9 =	sadd.s32 $0x1, s7  }
.LBB2_4:
0xc: {  	v2 =	vnsel vm1, $0x0, v2  }
0xd: {  	vm1 =	vgt.s32 v0, $0x0;
	v2 =	vmin.u32 v2, $0x270FF  }
0xe: {  	v0 =	vnsel vm1, $0x0, v0  }
0xf: {  	v0 =	vmin.u32 v0, $0x270FF  }
0x10: {  	[tilespmem:s18], [sflag:$0x1] =	stream.indirect_vreg.gather [hbm4b:s2+s10], $0x1, v1, vm0, $0x4038;
	[tilespmem:$0x3E80] =	vst v63  }
0x11: {  	(ifvalue) =	ssetifvalue $0x7FFFFFFF  }
0x12: {  	[tilespmem:s15], [sflag:$0x1] =	stream.indirect_vreg.gather [hbm4b:s2+s10], $0x1, v2, vm0, $0x4038;
	[tilespmem:$0x3E80] =	vst v63  }
0x13: {  	s29 =	sadd.s32 $0x10, s15;
	(ifvalue) =	ssetifvalue $0x7FFFFFFF  }
0x14: {  	[tilespmem:s29], [sflag:$0x1] =	stream.indirect_vreg.gather [hbm4b:s2+s10], $0x1, v0, vm0, $0x4038;
	[tilespmem:$0x3E80] =	vst v63  }
0x15: {  	_ =	swait.ge [sflag:s4], $0xFA0  }
0x16: {  	s30 =	sshrl.u32 s13, $0x3;
	[sflag:s4] =	ssyncset.done $0x0  }
0x17: {  	s31 =	sand.u32 $0x7, s13;
	s15 =	sadd.s32 s8, s30;
	[sflag:s4] =	ssyncadd.s32 $0xFFFFF060  }
0x18: {  	[hbm4b:s15+s31] =	stream.linear.scatter [tilespmem:s14], [sflag:$0x3], $0xFA0, $0x38;
	[tilespmem:$0x3E80] =	vst v63  }
.LBB2_5:
0x19: {  	s15 =	sadd.s32 $0x1F400, s11  }
0x1a: {  	p1 =	sgt.s32 s15, $0x270FF  }
0x1b: {  	s15 =	smov.u32 @p1 s5;
	p1 =	sne.s32 s12, s9  }
.Ltmp1:
0x1c: {  	p0 =	slt.u32 s12, $0x2;
	(pc) =	sbr.rel @!p1 .LBB2_6-.Ltmp1, $4  }
0x1d: {  	s14 =	simm.s32 @!p0 $0x3  }
0x1e: {  	_ =	swait.ge @!p0 [sflag:s14], $0xFA0  }
0x1f: {  	s16 =	sadd.s32 $0x1, s12;
	s13 =	smov.u32 s11;
	[sflag:s14] =	ssyncset.done @!p0 $0x0  }
0x20: {  	s12 =	smov.u32 s16;
	s11 =	smov.u32 s15;
	[sflag:s14] =	ssyncadd.s32 @!p0 $0xFFFFF060  }
.LBB2_1:
0x21: {  	p0 =	sge.u32 s12, s7  }
0x22: {  	s14 =	sxor.u32 @!p0 $0x1, s12  }
0x23: {  	s14 =	smul.u32 @!p0 $0x3E80, s14  }
0x24: {  	s31 =	sadd.s32 $0xFFFFFFFF, s12;
	s15 =	sshrl.u32 @!p0 s11, $0x3  }
0x25: {  	s16 =	sand.u32 @!p0 $0x7, s11;
	s15 =	sadd.s32 @!p0 s3, s15;
	s14 =	sshra.s32 @!p0 s14, $0x2  }
0x26: {  	[tilespmem:s14], [sflag:$0x2] =	stream.linear.gather @!p0 [hbm4b:s15+s16], $0xFA0, $0x38;
	[tilespmem:$0x3E80] =	vst v63  }
0x27: {  	p0 =	sge.u32 s31, s7  }
.Ltmp2:
0x28: {  	_ = 	snop;
	(pc) =	sbr.rel @p0 .LBB2_5-.Ltmp2, $1  }
0x29: {  	_ =	sdelay $0x3  }
0x2a: {  	s14 =	sand.u32 $0x1, s12  }
0x2b: {  	_ =	swait.ge [sflag:s6], $0xFA0;
	p0 =	seq.s32 s14, $0x1;
	s14 =	simm.s32 $0xFA0  }
0x2c: {  	[sflag:s6] =	ssyncset.done $0x0;
	s14 =	simm.s32 @!p0 $0x0  }
0x2d: {  	[sflag:s6] =	ssyncadd.s32 $0xFFFFF060;
	(ifvalue) =	ssetifvalue $0x7FFFFFFF;
	v0 =	vld.msk [tilespmem:s14+$0x0 ss:$0x1], $0xffff;
	_ =	sdelay $0x4  }
0x2e: {  	s15 =	sadd.s32 $0x10, s14;
	vm1 =	vgt.s32 v0, $0x0  }
0x2f: {  	v2 =	vld.msk [tilespmem:s15+$0x0 ss:$0x1], $0xffff;
	v1 =	vnsel vm1, $0x0, v0  }
0x30: {  	v1 =	vmin.u32 v1, $0x270FF;
	_ =	sdelay $0x2  }
0x31: {  	s17 =	simm.s32 $0x20;
	s14 =	sadd.s32 $0x1F40, s14;
	s16 =	sadd.s32 $0x10, s15  }
0x32: {  	s15 =	sadd.s32 $0x10, s14;
	s18 =	smov.u32 s14;
	v0 =	vld.msk [tilespmem:s16+$0x0 ss:$0x1], $0xffff;
	vm1 =	vgt.s32 v2, $0x0;
	(ifvalue) =	ssetifvalue $0x7FFFFFFF  }
.LBB2_3:
0x33: {  	[tilespmem:s18], [sflag:$0x1] =	stream.indirect_vreg.gather [hbm4b:s2+s10], $0x1, v1, vm0, $0x4038;
	[tilespmem:$0x3E80] =	vst v63  }
0x34: {  	s17 =	sadd.s32 $0x10, s17  }
0x35: {  	v2 =	vnsel vm1, $0x0, v2;
	p0 =	slt.u32 s17, $0xF90  }
.Ltmp3:
0x36: {  	s18 =	smov.u32 s15;
	v1 =	vmin.u32 v2, $0x270FF;
	(pc) =	sbr.rel @p0 .LBB2_3-.Ltmp3, $3  }
0x37: {  	_ =	sdelay $0x1  }
0x38: {  	s16 =	sadd.s32 $0x10, s16  }
0x39: {  	vm1 =	vgt.s32 v0, $0x0;
	s15 =	sadd.s32 $0x10, s15;
	v2 =	vmov v0;
	(ifvalue) =	ssetifvalue $0x7FFFFFFF;
	v0 =	vld.msk [tilespmem:s16+$0x0 ss:$0x1], $0xffff  }
.Ltmp4:
0x3a: {  	_ = 	snop;
	(pc) =	sbr.rel .LBB2_4-.Ltmp4, $1  }
0x3b: {  	_ =	sdelay $0x3  }
.LBB2_6:
0x3c: {  	_ =	sfence.sel $0x180000  }
0x3d: {  	s2 =	simm.s32 $0x2;
	[bflag:$0x0] =	sbarrier.arrive $0xFFFF  }
0x3e: {  	s30 =	simm.s32 $0x3;
	[sflag:s2] =	ssyncpa.u1 $0x1  }
0x3f: {  	s31 =	simm.s32 $0x1;
	[sflag:s30] =	ssyncpa.u1 $0x1  }
0x40: {  	[sflag:s31] =	ssyncpa.u1 $0x1  }
0x41: {  	p0 =	sne.s32 s1, $0x0;
	_ =	strace $0x90000059  }
0x42: {  	s0 =	sadd.s32 @!p0 $0x100000, s0;
	[bflag:$0x2] =	sbarrier.arrive $0xFFFF  }
0x43: {  	[sflag:s0] =	ssyncadd.tile.s32 @!p0 $0x1;
	_ =	shalt  }
.Lfunc_end2:
_tile_overlayer_lowered:
.L_overlay_start_2:
0x44: {  	(tag) =	ssettag $0x2  }
0x45: {  	s0 =	rddreg [dreg:$0x0];
	s2 =	stileid.u32  }
0x46: {  	s1 =	rddreg [dreg:$0x1];
	p0 =	sne.s32 s2, $0x0  }
0x47: {  	s3 =	rddreg [dreg:$0x2];
	[bflag:$0x3] =	sbarrier.arrive $0xFFFF;
	s2 =	simm.s32 @!p0 $0x1C01  }
0x48: {  	[timem:s3], [sflag:s2] =	dma.local @!p0 [hbm:s0], s1  }
0x49: {  	s0 =	simm.s32 @!p0 $0x1  }
0x4a: {  	_ =	swait.ge @!p0 [sflag:s0], s1  }
0x4b: {  	s1 =	ssub.s32 @!p0 $0x0, s1;
	[sflag:s0] =	ssyncset.done @!p0 $0x0  }
0x4c: {  	[sflag:s0] =	ssyncadd.s32 @!p0 s1  }
0x4d: {  	[bflag:$0x3] =	sbarrier.arrive $0xFFFF  }
0x4e: {  	_ =	shalt  }

// kernel: gather_offload_async_start.5
scs
__scs_entry_jumppad:
0x0: {  	(pc) =	sbr.rel $0x88, $3  }
0x1: {  	(tag) =	ssettag $0x0;
	lr =	simm.s32 $0x1  }
0x2: {  	[smem:$0x3F99] =	sst lr;
	_ =	strace $0xD0000000  }
0x3: {  	_ = 	snop  }
0x4: {  	_ = 	snop  }
0x5: {  	_ = 	snop  }
0x6: {  	_ = 	snop  }
0x7: {  	_ = 	snop  }
__scs_overlays_trampoline_lowered:
0x8: {  	[smem:$0x3FA8] =	sst s0  }
0x9: {  	[smem:$0x3FA9] =	sst s1  }
0xa: {  	[smem:$0x3FAA] =	sst s2  }
0xb: {  	[smem:$0x3FAB] =	sst s3  }
0xc: {  	[smem:$0x3FAC] =	sst s4  }
0xd: {  	[smem:$0x3FAD] =	sst s5  }
0xe: {  	[smem:$0x3FAE] =	sst s6  }
0xf: {  	[smem:$0x3FAF] =	sst s7  }
0x10: {  	[smem:$0x3FB0] =	sst s8  }
0x11: {  	[smem:$0x3FB1] =	sst s9;
	s0 =	simm.s32 @!p0 $0x0  }
0x12: {  	s1 =	sld [smem:$0x3F97];
	s0 =	simm.s32 @p0 $0x1  }
0x13: {  	[smem:$0x3FB2] =	sst s0;
	s0 =	simm.s32 @!p1 $0x0  }
0x14: {  	s2 =	sld [smem:$0x3F96];
	s0 =	simm.s32 @p1 $0x1  }
0x15: {  	[smem:$0x3FB3] =	sst s0;
	s0 =	simm.s32 @!p2 $0x0  }
0x16: {  	s3 =	sld [smem:$0x3FDB];
	s0 =	simm.s32 @p2 $0x1  }
0x17: {  	s4 =	simm.s32 $0x1BF5;
	[smem:$0x3FB5] =	sst s0  }
0x18: {  	s0 =	sld [smem:$0x3F98];
	_ =	swait.ge [sflag:s4], $0x0  }
0x19: {  	s7 =	sld [smem:$0x3F99]  }
0x1a: {  	s8 =	sadd.s32 $0xFFFFE003, lr  }
0x1b: {  	s9 =	sadd.s32 $0xFFFFFEF7, lr;
	s5 =	simm.s32 $0xFFFFFFFF;
	p2 =	slt.u32 s8, $0xFFFFF086  }
0x1c: {  	p1 =	slt.u32 s9, $0xF7A;
	s5 =	simm.s32 @!p2 $0x0  }
0x1d: {  	s5 =	simm.s32 @p1 $0x1;
	p0 =	seq.s32 s7, s2  }
0x1e: {  	s7 =	smul.u32 @!p0 $0xF7A, s2;
	p2 =	seq.s32 @!p0 s5, $0x0  }
0x1f: {  	s9 =	smul.u32 $0xF7A, s1;
	s8 =	simm.s32 @!p0 $0x1BF5;
	p2 =	por !p2, p0  }
0x20: {  	[sflag:s8] =	ssyncset.s32 @!p0 $0xFFFFF086;
	s6 =	sadd.s32 @!p0 s3, s7;
	s7 =	simm.s32 @!p0 $0x108  }
0x21: {  	s3 =	sadd.s32 s3, s9;
	s6 =	sadd.s32 @!p0 $0x88, s6;
	s7 =	simm.s32 @p2 $0x1082  }
0x22: {  	[simem:s7], [sflag:s8] =	dma.local @!p0 [hbm:s6], $0xF7A  }
0x23: {  	s9 =	sor.u32 $0xD0000000, s2;
	s6 =	simm.s32 $0x108;
	_ =	swait.ge @!p0 [sflag:s8], $0x0  }
0x24: {  	s3 =	sadd.s32 $0x88, s3;
	s6 =	simm.s32 @!p1 $0x1082;
	[sflag:s4] =	ssyncset.s32 $0xFFFFF086  }
0x25: {  	[simem:s6], [sflag:s4] =	dma.local [hbm:s3], $0xF7A  }
0x26: {  	[smem:$0x3F99] =	sst s1;
	(tag) =	ssettag s2;
	_ =	strace s9  }
0x27: {  	s1 =	sld [smem:$0x3FA9]  }
0x28: {  	s2 =	sld [smem:$0x3FAA]  }
0x29: {  	s4 =	sld [smem:$0x3FAC]  }
0x2a: {  	p0 =	seq.s32 s5, $0x0;
	s5 =	sld [smem:$0x3FAD]  }
0x2b: {  	s6 =	sld [smem:$0x3FAE]  }
0x2c: {  	s7 =	sld [smem:$0x3FAF]  }
0x2d: {  	s3 =	simm.s32 $0x108;
	s8 =	sld [smem:$0x3FB0]  }
0x2e: {  	s3 =	simm.s32 @!p0 $0x1082;
	s9 =	sld [smem:$0x3FB1]  }
0x2f: {  	lr =	sadd.s32 s0, s3;
	s0 =	sld [smem:$0x3FA8]  }
0x30: {  	s3 =	sld [smem:$0x3FAB]  }
0x31: {  	[smem:$0x3FB4] =	sst s10  }
0x32: {  	s10 =	sld [smem:$0x3FB2];
	_ =	sdelay $0x3  }
0x33: {  	p0 =	seq.s32 s10, $0x1;
	s10 =	sld [smem:$0x3FB4];
	_ =	sdelay $0x3  }
0x34: {  	[smem:$0x3FB4] =	sst s10  }
0x35: {  	s10 =	sld [smem:$0x3FB3];
	_ =	sdelay $0x3  }
0x36: {  	p1 =	seq.s32 s10, $0x1;
	s10 =	sld [smem:$0x3FB4];
	_ =	sdelay $0x3  }
0x37: {  	[smem:$0x3FB4] =	sst s10  }
0x38: {  	s10 =	sld [smem:$0x3FB5]  }
0x39: {  	_ = 	snop;
	(pc) =	sbr.ind lr, $3  }
0x3a: {  	_ = 	snop  }
0x3b: {  	_ = 	snop  }
0x3c: {  	p2 =	seq.s32 s10, $0x1;
	s10 =	sld [smem:$0x3FB4]  }
0x3d: {  	_ =	shalt  }
0x3e: {  	_ =	shalt  }
0x3f: {  	_ =	shalt  }
0x40: {  	_ =	shalt  }
0x41: {  	_ =	shalt  }
0x42: {  	_ =	shalt  }
0x43: {  	_ =	shalt  }
0x44: {  	_ =	shalt  }
0x45: {  	_ =	shalt  }
0x46: {  	_ =	shalt  }
0x47: {  	_ =	shalt  }
0x48: {  	_ =	shalt  }
0x49: {  	_ =	shalt  }
0x4a: {  	_ =	shalt  }
0x4b: {  	_ =	shalt  }
0x4c: {  	_ =	shalt  }
0x4d: {  	_ =	shalt  }
0x4e: {  	_ =	shalt  }
0x4f: {  	_ =	shalt  }
0x50: {  	_ =	shalt  }
0x51: {  	_ =	shalt  }
0x52: {  	_ =	shalt  }
0x53: {  	_ =	shalt  }
0x54: {  	_ =	shalt  }
0x55: {  	_ =	shalt  }
0x56: {  	_ =	shalt  }
0x57: {  	_ =	shalt  }
0x58: {  	_ =	shalt  }
0x59: {  	_ =	shalt  }
0x5a: {  	_ =	shalt  }
0x5b: {  	_ =	shalt  }
0x5c: {  	_ =	shalt  }
0x5d: {  	_ =	shalt  }
0x5e: {  	_ =	shalt  }
0x5f: {  	_ =	shalt  }
0x60: {  	_ =	shalt  }
0x61: {  	_ =	shalt  }
0x62: {  	_ =	shalt  }
0x63: {  	_ =	shalt  }
0x64: {  	_ =	shalt  }
0x65: {  	_ =	shalt  }
0x66: {  	_ =	shalt  }
0x67: {  	_ =	shalt  }
0x68: {  	_ =	shalt  }
0x69: {  	_ =	shalt  }
0x6a: {  	_ =	shalt  }
0x6b: {  	_ =	shalt  }
0x6c: {  	_ =	shalt  }
0x6d: {  	_ =	shalt  }
0x6e: {  	_ =	shalt  }
0x6f: {  	_ =	shalt  }
0x70: {  	_ =	shalt  }
0x71: {  	_ =	shalt  }
0x72: {  	_ =	shalt  }
0x73: {  	_ =	shalt  }
0x74: {  	_ =	shalt  }
0x75: {  	_ =	shalt  }
0x76: {  	_ =	shalt  }
0x77: {  	_ =	shalt  }
0x78: {  	_ =	shalt  }
0x79: {  	_ =	shalt  }
0x7a: {  	_ =	shalt  }
0x7b: {  	_ =	shalt  }
0x7c: {  	_ =	shalt  }
0x7d: {  	_ =	shalt  }
0x7e: {  	_ =	shalt  }
0x7f: {  	_ =	shalt  }
0x80: {  	_ =	shalt  }
0x81: {  	_ =	shalt  }
0x82: {  	_ =	shalt  }
0x83: {  	_ =	shalt  }
0x84: {  	_ =	shalt  }
0x85: {  	_ =	shalt  }
0x86: {  	_ =	shalt  }
0x87: {  	_ =	shalt  }
.Lfunc_end0:
.L_simem_size_0:
called_computation.7_lowered:
.L_overlay_start_0:
0x88: {  	s2 =	sld [smem:$0x3FD9]  }
0x89: {  	s3 =	sld [smem:$0x3FFE];
	_ =	sdelay $0x1  }
0x8a: {  	s1 =	srdreg.scid  }
0x8b: {  	s0 =	sand.u32 $0x1, s1  }
0x8c: {  	s16 =	sshll.u32 s0, $0xA;
	s2 =	sadd.s32 s3, s2  }
0x8d: {  	s2 =	sadd.s32 s2, s16  }
0x8e: {  	[smem:$0x3FC0] =	sst s2  }
0x8f: {  	_ = 	snop  }
0x90: {  	(tm) =	ssettm $0x1  }
0x91: {  	s17 =	sld [smem:$0x3FFB];
	_ =	sdelay $0x3  }
0x92: {  	_ =	strace s17  }
0x93: {  	s2 =	sld [smem:$0x3FFC];
	_ =	sdelay $0x3  }
0x94: {  	_ =	strace s2  }
0x95: {  	s2 =	sld [smem:$0x3FFD];
	_ =	sdelay $0x3  }
0x96: {  	_ =	strace s2  }
0x97: {  	_ =	strace $0x8FFFFFFF  }
0x98: {  	s18 =	sld [smem:$0x3FDB];
	_ =	sdelay $0x1  }
0x99: {  	s19 =	simm.s32 $_scs_section_size  }
0x9a: {  	s4 =	simm.s32 $_size__tile_overlayer_lowered;
	s5 =	simm.s32 $_tile_overlayer_lowered  }
0x9b: {  	s22 =	simm.s32 $0x1BFF;
	s21 =	sshll.u32 s5, $0x1;
	s2 =	sadd.s32 s19, s18  }
0x9c: {  	s6 =	simm.s32 $0x0;
	s20 =	sshll.u32 s4, $0x1;
	s4 =	sadd.s32 s21, s2  }
0x9d: {  	[timem:s6], [sflag:s22] =	dma.local [hbm:s4], s20  }
0x9e: {  	_ =	swait.ge [sflag:s22], s20  }
0x9f: {  	s3 =	ssub.s32 $0x0, s20;
	[sflag:s22] =	ssyncset.done $0x0  }
0xa0: {  	[sflag:s22] =	ssyncadd.s32 s3;
	_ =	sdelay $0x1  }
0xa1: {  	s23 =	simm.s32 $0x1B8B  }
0xa2: {  	_ =	swait.ge [sflag:s23], $0x1  }
0xa3: {  	[sflag:s23] =	ssyncset.done $0x0  }
0xa4: {  	s25 =	simm.s32 $0x1B8E;
	s24 =	sld [smem:$0x3FFE];
	[sflag:s23] =	ssyncadd.s32 $0xFFFFFFFF  }
0xa5: {  	s26 =	simm.s32 $execute0_lowered;
	[smem:$0x3FD2] =	sst s25  }
0xa6: {  	s4 =	sshll.u32 s26, $0x1;
	_ =	strace $0x80000055;
	[dreg:$0x1] =	wrdreg $0xFFFFFFFF  }
0xa7: {  	s28 =	simm.s32 $_size_execute0_lowered;
	s2 =	sadd.s32 s2, s4;
	[dreg:$0x0] =	wrdreg $0x0  }
0xa8: {  	s4 =	sshll.u32 s28, $0x1;
	[dreg:$0x2] =	wrdreg s2  }
0xa9: {  	[dreg:$0x3] =	wrdreg s4  }
0xaa: {  	[dreg:$0x4] =	wrdreg $0xC0  }
0xab: {  	_ =	task [dreg:s6], $0x5FFFF  }
0xac: {  	[dreg:$0x1] =	wrdreg $0xFFFFFFFF  }
0xad: {  	[dreg:$0x0] =	wrdreg $0x60  }
0xae: {  	[dreg:$0x2] =	wrdreg s24  }
0xaf: {  	[dreg:$0x3] =	wrdreg $0x9  }
0xb0: {  	_ =	task.clear_ibuf [dreg:s6], $0x4FFFF;
	_ =	strace $0x90000055  }
0xb1: {  	s29 =	simm.s32 $0x9;
	_ =	strace $0x80000057  }
0xb2: {  	_ =	swait.ge [sflag:s29], $0x1  }
0xb3: {  	[sflag:s29] =	ssyncadd.s32 $0xFFFFFFFF  }
0xb4: {  	_ =	strace $0x90000057  }
0xb5: {  	_ =	sfence  }
0xb6: {  	s30 =	sld [smem:$0x0];
	_ =	sdelay $0x2  }
0xb7: {  	s31 =	sshll.u32 s1, $0xD;
	s1 =	sshrl.u32 s1, $0x2  }
0xb8: {  	s3 =	sand.u32 $0x4000, s31;
	s1 =	sadd.s32 s1, s30  }
0xb9: {  	s0 =	sor.u32 s3, s0;
	s1 =	sshll.u32 s1, $0x11  }
0xba: {  	s0 =	sor.u32 s1, s0  }
0xbb: {  	s0 =	sadd.s32 $0x8F2B, s0  }
0xbc: {  	[sflag:s0] =	ssyncadd.remote.s32 $0x1  }
0xbd: {  	_ =	sfence.sel $0xFFFF  }
0xbe: {  	[dreg:$0x0] =	wrdreg $0xFFFFFFFF;
	(pc) =	sbr.abs _section_cstart, $3  }
0xbf: {  	[dreg:$0x1] =	wrdreg $0xFFFFFFFF  }
0xc0: {  	_ =	task.clear_ibuf [dreg:s6], $0x2FFFF;
	_ =	strace $0x9FFFFFFF  }
0xc1: {  	(tm) =	ssettm $0x7FFFFFFF  }
tec
execute0_lowered:
.L_overlay_start_1:
0x0: {  	(tag) =	ssettag $0x1  }
0x1: {  	s8 =	rddreg [dreg:$0x0]  }
0x2: {  	s0 =	rddreg [dreg:$0x1];
	_ =	strace $0x80000056;
	s1 =	stileid.u32  }
0x3: {  	s3 =	srdreg.scid;
	s4 =	simm.s32 $0x1;
	s7 =	simm.s32 $0x1  }
0x4: {  	s9 =	simm.s32 $0x1;
	s10 =	simm.s32 $0x3;
	s13 =	simm.s32 $0x0  }
0x5: {  	s12 =	simm.s32 $0x0;
	s5 =	sand.u32 $0x1, s3;
	s6 =	sshll.u32 s1, $0x1  }
0x6: {  	s2 =	sadd.s32 $0x6FA00, s8;
	s3 =	sadd.s32 $0x7A200, s8;
	s5 =	sor.u32 s6, s5  }
.Ltmp0:
0x7: {  	[sflag:s4] =	ssyncpa.u1 $0x0;
	p0 =	slt.u32 s5, $0x9;
	(pc) =	sbr.rel .LBB2_1-.Ltmp0, $4  }
0x8: {  	s6 =	simm.s32 $0x2;
	s7 =	simm.s32 @!p0 $0x0;
	p0 =	sne.s32 s5, $0x8  }
0x9: {  	[sflag:s6] =	ssyncpa.u1 $0x0;
	s5 =	smul.u32 $0xFA0, s5;
	s9 =	simm.s32 @!p0 $0x0  }
0xa: {  	s8 =	sadd.s32 $0x12800, s8;
	[sflag:s10] =	ssyncpa.u1 $0x0;
	s7 =	sadd.s32 s9, s7  }
0xb: {  	vm0 =	vmmov $0xffff;
	s10 =	simm.s32 $0x0;
	s11 =	smov.u32 s5;
	s9 =	sadd.s32 $0x1, s7  }
.LBB2_4:
0xc: {  	v2 =	vnsel vm1, $0x0, v2  }
0xd: {  	vm1 =	vgt.s32 v0, $0x0;
	v2 =	vmin.u32 v2, $0x270FF  }
0xe: {  	v0 =	vnsel vm1, $0x0, v0  }
0xf: {  	v0 =	vmin.u32 v0, $0x270FF  }
0x10: {  	[tilespmem:s18], [sflag:$0x1] =	stream.indirect_vreg.gather [hbm4b:s2+s10], $0x1, v1, vm0, $0x4038;
	[tilespmem:$0x3E80] =	vst v63  }
0x11: {  	(ifvalue) =	ssetifvalue $0x7FFFFFFF  }
0x12: {  	[tilespmem:s15], [sflag:$0x1] =	stream.indirect_vreg.gather [hbm4b:s2+s10], $0x1, v2, vm0, $0x4038;
	[tilespmem:$0x3E80] =	vst v63  }
0x13: {  	s29 =	sadd.s32 $0x10, s15;
	(ifvalue) =	ssetifvalue $0x7FFFFFFF  }
0x14: {  	[tilespmem:s29], [sflag:$0x1] =	stream.indirect_vreg.gather [hbm4b:s2+s10], $0x1, v0, vm0, $0x4038;
	[tilespmem:$0x3E80] =	vst v63  }
0x15: {  	_ =	swait.ge [sflag:s4], $0xFA0  }
0x16: {  	s30 =	sshrl.u32 s13, $0x3;
	[sflag:s4] =	ssyncset.done $0x0  }
0x17: {  	s31 =	sand.u32 $0x7, s13;
	s15 =	sadd.s32 s8, s30;
	[sflag:s4] =	ssyncadd.s32 $0xFFFFF060  }
0x18: {  	[hbm4b:s15+s31] =	stream.linear.scatter [tilespmem:s14], [sflag:$0x3], $0xFA0, $0x38;
	[tilespmem:$0x3E80] =	vst v63  }
.LBB2_5:
0x19: {  	s15 =	sadd.s32 $0x1F400, s11  }
0x1a: {  	p1 =	sgt.s32 s15, $0x270FF  }
0x1b: {  	s15 =	smov.u32 @p1 s5;
	p1 =	sne.s32 s12, s9  }
.Ltmp1:
0x1c: {  	p0 =	slt.u32 s12, $0x2;
	(pc) =	sbr.rel @!p1 .LBB2_6-.Ltmp1, $4  }
0x1d: {  	s14 =	simm.s32 @!p0 $0x3  }
0x1e: {  	_ =	swait.ge @!p0 [sflag:s14], $0xFA0  }
0x1f: {  	s16 =	sadd.s32 $0x1, s12;
	s13 =	smov.u32 s11;
	[sflag:s14] =	ssyncset.done @!p0 $0x0  }
0x20: {  	s12 =	smov.u32 s16;
	s11 =	smov.u32 s15;
	[sflag:s14] =	ssyncadd.s32 @!p0 $0xFFFFF060  }
.LBB2_1:
0x21: {  	p0 =	sge.u32 s12, s7  }
0x22: {  	s14 =	sxor.u32 @!p0 $0x1, s12  }
0x23: {  	s14 =	smul.u32 @!p0 $0x3E80, s14  }
0x24: {  	s31 =	sadd.s32 $0xFFFFFFFF, s12;
	s15 =	sshrl.u32 @!p0 s11, $0x3  }
0x25: {  	s16 =	sand.u32 @!p0 $0x7, s11;
	s15 =	sadd.s32 @!p0 s3, s15;
	s14 =	sshra.s32 @!p0 s14, $0x2  }
0x26: {  	[tilespmem:s14], [sflag:$0x2] =	stream.linear.gather @!p0 [hbm4b:s15+s16], $0xFA0, $0x38;
	[tilespmem:$0x3E80] =	vst v63  }
0x27: {  	p0 =	sge.u32 s31, s7  }
.Ltmp2:
0x28: {  	_ = 	snop;
	(pc) =	sbr.rel @p0 .LBB2_5-.Ltmp2, $1  }
0x29: {  	_ =	sdelay $0x3  }
0x2a: {  	s14 =	sand.u32 $0x1, s12  }
0x2b: {  	_ =	swait.ge [sflag:s6], $0xFA0;
	p0 =	seq.s32 s14, $0x1;
	s14 =	simm.s32 $0xFA0  }
0x2c: {  	[sflag:s6] =	ssyncset.done $0x0;
	s14 =	simm.s32 @!p0 $0x0  }
0x2d: {  	[sflag:s6] =	ssyncadd.s32 $0xFFFFF060;
	(ifvalue) =	ssetifvalue $0x7FFFFFFF;
	v0 =	vld.msk [tilespmem:s14+$0x0 ss:$0x1], $0xffff;
	_ =	sdelay $0x4  }
0x2e: {  	s15 =	sadd.s32 $0x10, s14;
	vm1 =	vgt.s32 v0, $0x0  }
0x2f: {  	v2 =	vld.msk [tilespmem:s15+$0x0 ss:$0x1], $0xffff;
	v1 =	vnsel vm1, $0x0, v0  }
0x30: {  	v1 =	vmin.u32 v1, $0x270FF;
	_ =	sdelay $0x2  }
0x31: {  	s17 =	simm.s32 $0x20;
	s14 =	sadd.s32 $0x1F40, s14;
	s16 =	sadd.s32 $0x10, s15  }
0x32: {  	s15 =	sadd.s32 $0x10, s14;
	s18 =	smov.u32 s14;
	v0 =	vld.msk [tilespmem:s16+$0x0 ss:$0x1], $0xffff;
	vm1 =	vgt.s32 v2, $0x0;
	(ifvalue) =	ssetifvalue $0x7FFFFFFF  }
.LBB2_3:
0x33: {  	[tilespmem:s18], [sflag:$0x1] =	stream.indirect_vreg.gather [hbm4b:s2+s10], $0x1, v1, vm0, $0x4038;
	[tilespmem:$0x3E80] =	vst v63  }
0x34: {  	s17 =	sadd.s32 $0x10, s17  }
0x35: {  	v2 =	vnsel vm1, $0x0, v2;
	p0 =	slt.u32 s17, $0xF90  }
.Ltmp3:
0x36: {  	s18 =	smov.u32 s15;
	v1 =	vmin.u32 v2, $0x270FF;
	(pc) =	sbr.rel @p0 .LBB2_3-.Ltmp3, $3  }
0x37: {  	_ =	sdelay $0x1  }
0x38: {  	s16 =	sadd.s32 $0x10, s16  }
0x39: {  	vm1 =	vgt.s32 v0, $0x0;
	s15 =	sadd.s32 $0x10, s15;
	v2 =	vmov v0;
	(ifvalue) =	ssetifvalue $0x7FFFFFFF;
	v0 =	vld.msk [tilespmem:s16+$0x0 ss:$0x1], $0xffff  }
.Ltmp4:
0x3a: {  	_ = 	snop;
	(pc) =	sbr.rel .LBB2_4-.Ltmp4, $1  }
0x3b: {  	_ =	sdelay $0x3  }
.LBB2_6:
0x3c: {  	_ =	sfence.sel $0x180000  }
0x3d: {  	s2 =	simm.s32 $0x2;
	[bflag:$0x0] =	sbarrier.arrive $0xFFFF  }
0x3e: {  	s30 =	simm.s32 $0x3;
	[sflag:s2] =	ssyncpa.u1 $0x1  }
0x3f: {  	s31 =	simm.s32 $0x1;
	[sflag:s30] =	ssyncpa.u1 $0x1  }
0x40: {  	[sflag:s31] =	ssyncpa.u1 $0x1  }
0x41: {  	p0 =	sne.s32 s1, $0x0;
	_ =	strace $0x90000056  }
0x42: {  	s0 =	sadd.s32 @!p0 $0x100000, s0;
	[bflag:$0x2] =	sbarrier.arrive $0xFFFF  }
0x43: {  	[sflag:s0] =	ssyncadd.tile.s32 @!p0 $0x1;
	_ =	shalt  }
.Lfunc_end2:
_tile_overlayer_lowered:
.L_overlay_start_2:
0x44: {  	(tag) =	ssettag $0x2  }
0x45: {  	s0 =	rddreg [dreg:$0x0];
	s2 =	stileid.u32  }
0x46: {  	s1 =	rddreg [dreg:$0x1];
	p0 =	sne.s32 s2, $0x0  }
0x47: {  	s3 =	rddreg [dreg:$0x2];
	[bflag:$0x3] =	sbarrier.arrive $0xFFFF;
	s2 =	simm.s32 @!p0 $0x1C01  }
0x48: {  	[timem:s3], [sflag:s2] =	dma.local @!p0 [hbm:s0], s1  }
0x49: {  	s0 =	simm.s32 @!p0 $0x1  }
0x4a: {  	_ =	swait.ge @!p0 [sflag:s0], s1  }
0x4b: {  	s1 =	ssub.s32 @!p0 $0x0, s1;
	[sflag:s0] =	ssyncset.done @!p0 $0x0  }
0x4c: {  	[sflag:s0] =	ssyncadd.s32 @!p0 s1  }
0x4d: {  	[bflag:$0x3] =	sbarrier.arrive $0xFFFF  }
0x4e: {  	_ =	shalt  }

// kernel: gather_offload_async_start
scs
__scs_entry_jumppad:
0x0: {  	(pc) =	sbr.rel $0x88, $3  }
0x1: {  	(tag) =	ssettag $0x0;
	lr =	simm.s32 $0x1  }
0x2: {  	[smem:$0x3F99] =	sst lr;
	_ =	strace $0xD0000000  }
0x3: {  	_ = 	snop  }
0x4: {  	_ = 	snop  }
0x5: {  	_ = 	snop  }
0x6: {  	_ = 	snop  }
0x7: {  	_ = 	snop  }
__scs_overlays_trampoline_lowered:
0x8: {  	[smem:$0x3FA8] =	sst s0  }
0x9: {  	[smem:$0x3FA9] =	sst s1  }
0xa: {  	[smem:$0x3FAA] =	sst s2  }
0xb: {  	[smem:$0x3FAB] =	sst s3  }
0xc: {  	[smem:$0x3FAC] =	sst s4  }
0xd: {  	[smem:$0x3FAD] =	sst s5  }
0xe: {  	[smem:$0x3FAE] =	sst s6  }
0xf: {  	[smem:$0x3FAF] =	sst s7  }
0x10: {  	[smem:$0x3FB0] =	sst s8  }
0x11: {  	[smem:$0x3FB1] =	sst s9;
	s0 =	simm.s32 @!p0 $0x0  }
0x12: {  	s1 =	sld [smem:$0x3F97];
	s0 =	simm.s32 @p0 $0x1  }
0x13: {  	[smem:$0x3FB2] =	sst s0;
	s0 =	simm.s32 @!p1 $0x0  }
0x14: {  	s2 =	sld [smem:$0x3F96];
	s0 =	simm.s32 @p1 $0x1  }
0x15: {  	[smem:$0x3FB3] =	sst s0;
	s0 =	simm.s32 @!p2 $0x0  }
0x16: {  	s3 =	sld [smem:$0x3FDB];
	s0 =	simm.s32 @p2 $0x1  }
0x17: {  	s4 =	simm.s32 $0x1BF5;
	[smem:$0x3FB5] =	sst s0  }
0x18: {  	s0 =	sld [smem:$0x3F98];
	_ =	swait.ge [sflag:s4], $0x0  }
0x19: {  	s7 =	sld [smem:$0x3F99]  }
0x1a: {  	s8 =	sadd.s32 $0xFFFFE003, lr  }
0x1b: {  	s9 =	sadd.s32 $0xFFFFFEF7, lr;
	s5 =	simm.s32 $0xFFFFFFFF;
	p2 =	slt.u32 s8, $0xFFFFF086  }
0x1c: {  	p1 =	slt.u32 s9, $0xF7A;
	s5 =	simm.s32 @!p2 $0x0  }
0x1d: {  	s5 =	simm.s32 @p1 $0x1;
	p0 =	seq.s32 s7, s2  }
0x1e: {  	s7 =	smul.u32 @!p0 $0xF7A, s2;
	p2 =	seq.s32 @!p0 s5, $0x0  }
0x1f: {  	s9 =	smul.u32 $0xF7A, s1;
	s8 =	simm.s32 @!p0 $0x1BF5;
	p2 =	por !p2, p0  }
0x20: {  	[sflag:s8] =	ssyncset.s32 @!p0 $0xFFFFF086;
	s6 =	sadd.s32 @!p0 s3, s7;
	s7 =	simm.s32 @!p0 $0x108  }
0x21: {  	s3 =	sadd.s32 s3, s9;
	s6 =	sadd.s32 @!p0 $0x88, s6;
	s7 =	simm.s32 @p2 $0x1082  }
0x22: {  	[simem:s7], [sflag:s8] =	dma.local @!p0 [hbm:s6], $0xF7A  }
0x23: {  	s9 =	sor.u32 $0xD0000000, s2;
	s6 =	simm.s32 $0x108;
	_ =	swait.ge @!p0 [sflag:s8], $0x0  }
0x24: {  	s3 =	sadd.s32 $0x88, s3;
	s6 =	simm.s32 @!p1 $0x1082;
	[sflag:s4] =	ssyncset.s32 $0xFFFFF086  }
0x25: {  	[simem:s6], [sflag:s4] =	dma.local [hbm:s3], $0xF7A  }
0x26: {  	[smem:$0x3F99] =	sst s1;
	(tag) =	ssettag s2;
	_ =	strace s9  }
0x27: {  	s1 =	sld [smem:$0x3FA9]  }
0x28: {  	s2 =	sld [smem:$0x3FAA]  }
0x29: {  	s4 =	sld [smem:$0x3FAC]  }
0x2a: {  	p0 =	seq.s32 s5, $0x0;
	s5 =	sld [smem:$0x3FAD]  }
0x2b: {  	s6 =	sld [smem:$0x3FAE]  }
0x2c: {  	s7 =	sld [smem:$0x3FAF]  }
0x2d: {  	s3 =	simm.s32 $0x108;
	s8 =	sld [smem:$0x3FB0]  }
0x2e: {  	s3 =	simm.s32 @!p0 $0x1082;
	s9 =	sld [smem:$0x3FB1]  }
0x2f: {  	lr =	sadd.s32 s0, s3;
	s0 =	sld [smem:$0x3FA8]  }
0x30: {  	s3 =	sld [smem:$0x3FAB]  }
0x31: {  	[smem:$0x3FB4] =	sst s10  }
0x32: {  	s10 =	sld [smem:$0x3FB2];
	_ =	sdelay $0x3  }
0x33: {  	p0 =	seq.s32 s10, $0x1;
	s10 =	sld [smem:$0x3FB4];
	_ =	sdelay $0x3  }
0x34: {  	[smem:$0x3FB4] =	sst s10  }
0x35: {  	s10 =	sld [smem:$0x3FB3];
	_ =	sdelay $0x3  }
0x36: {  	p1 =	seq.s32 s10, $0x1;
	s10 =	sld [smem:$0x3FB4];
	_ =	sdelay $0x3  }
0x37: {  	[smem:$0x3FB4] =	sst s10  }
0x38: {  	s10 =	sld [smem:$0x3FB5]  }
0x39: {  	_ = 	snop;
	(pc) =	sbr.ind lr, $3  }
0x3a: {  	_ = 	snop  }
0x3b: {  	_ = 	snop  }
0x3c: {  	p2 =	seq.s32 s10, $0x1;
	s10 =	sld [smem:$0x3FB4]  }
0x3d: {  	_ =	shalt  }
0x3e: {  	_ =	shalt  }
0x3f: {  	_ =	shalt  }
0x40: {  	_ =	shalt  }
0x41: {  	_ =	shalt  }
0x42: {  	_ =	shalt  }
0x43: {  	_ =	shalt  }
0x44: {  	_ =	shalt  }
0x45: {  	_ =	shalt  }
0x46: {  	_ =	shalt  }
0x47: {  	_ =	shalt  }
0x48: {  	_ =	shalt  }
0x49: {  	_ =	shalt  }
0x4a: {  	_ =	shalt  }
0x4b: {  	_ =	shalt  }
0x4c: {  	_ =	shalt  }
0x4d: {  	_ =	shalt  }
0x4e: {  	_ =	shalt  }
0x4f: {  	_ =	shalt  }
0x50: {  	_ =	shalt  }
0x51: {  	_ =	shalt  }
0x52: {  	_ =	shalt  }
0x53: {  	_ =	shalt  }
0x54: {  	_ =	shalt  }
0x55: {  	_ =	shalt  }
0x56: {  	_ =	shalt  }
0x57: {  	_ =	shalt  }
0x58: {  	_ =	shalt  }
0x59: {  	_ =	shalt  }
0x5a: {  	_ =	shalt  }
0x5b: {  	_ =	shalt  }
0x5c: {  	_ =	shalt  }
0x5d: {  	_ =	shalt  }
0x5e: {  	_ =	shalt  }
0x5f: {  	_ =	shalt  }
0x60: {  	_ =	shalt  }
0x61: {  	_ =	shalt  }
0x62: {  	_ =	shalt  }
0x63: {  	_ =	shalt  }
0x64: {  	_ =	shalt  }
0x65: {  	_ =	shalt  }
0x66: {  	_ =	shalt  }
0x67: {  	_ =	shalt  }
0x68: {  	_ =	shalt  }
0x69: {  	_ =	shalt  }
0x6a: {  	_ =	shalt  }
0x6b: {  	_ =	shalt  }
0x6c: {  	_ =	shalt  }
0x6d: {  	_ =	shalt  }
0x6e: {  	_ =	shalt  }
0x6f: {  	_ =	shalt  }
0x70: {  	_ =	shalt  }
0x71: {  	_ =	shalt  }
0x72: {  	_ =	shalt  }
0x73: {  	_ =	shalt  }
0x74: {  	_ =	shalt  }
0x75: {  	_ =	shalt  }
0x76: {  	_ =	shalt  }
0x77: {  	_ =	shalt  }
0x78: {  	_ =	shalt  }
0x79: {  	_ =	shalt  }
0x7a: {  	_ =	shalt  }
0x7b: {  	_ =	shalt  }
0x7c: {  	_ =	shalt  }
0x7d: {  	_ =	shalt  }
0x7e: {  	_ =	shalt  }
0x7f: {  	_ =	shalt  }
0x80: {  	_ =	shalt  }
0x81: {  	_ =	shalt  }
0x82: {  	_ =	shalt  }
0x83: {  	_ =	shalt  }
0x84: {  	_ =	shalt  }
0x85: {  	_ =	shalt  }
0x86: {  	_ =	shalt  }
0x87: {  	_ =	shalt  }
.Lfunc_end0:
.L_simem_size_0:
called_computation.2_lowered:
.L_overlay_start_0:
0x88: {  	s2 =	sld [smem:$0x3FD9]  }
0x89: {  	s3 =	sld [smem:$0x3FFE];
	_ =	sdelay $0x1  }
0x8a: {  	s1 =	srdreg.scid  }
0x8b: {  	s0 =	sand.u32 $0x1, s1  }
0x8c: {  	s16 =	sshll.u32 s0, $0xA;
	s2 =	sadd.s32 s3, s2  }
0x8d: {  	s2 =	sadd.s32 s2, s16  }
0x8e: {  	[smem:$0x3FC0] =	sst s2  }
0x8f: {  	_ = 	snop  }
0x90: {  	(tm) =	ssettm $0x1  }
0x91: {  	s17 =	sld [smem:$0x3FFB];
	_ =	sdelay $0x3  }
0x92: {  	_ =	strace s17  }
0x93: {  	s2 =	sld [smem:$0x3FFC];
	_ =	sdelay $0x3  }
0x94: {  	_ =	strace s2  }
0x95: {  	s2 =	sld [smem:$0x3FFD];
	_ =	sdelay $0x3  }
0x96: {  	_ =	strace s2  }
0x97: {  	_ =	strace $0x8FFFFFFF  }
0x98: {  	s18 =	sld [smem:$0x3FDB];
	_ =	sdelay $0x1  }
0x99: {  	s19 =	simm.s32 $_scs_section_size  }
0x9a: {  	s4 =	simm.s32 $_size__tile_overlayer_lowered;
	s5 =	simm.s32 $_tile_overlayer_lowered  }
0x9b: {  	s22 =	simm.s32 $0x1BFF;
	s21 =	sshll.u32 s5, $0x1;
	s2 =	sadd.s32 s19, s18  }
0x9c: {  	s6 =	simm.s32 $0x0;
	s20 =	sshll.u32 s4, $0x1;
	s4 =	sadd.s32 s21, s2  }
0x9d: {  	[timem:s6], [sflag:s22] =	dma.local [hbm:s4], s20  }
0x9e: {  	_ =	swait.ge [sflag:s22], s20  }
0x9f: {  	s3 =	ssub.s32 $0x0, s20;
	[sflag:s22] =	ssyncset.done $0x0  }
0xa0: {  	[sflag:s22] =	ssyncadd.s32 s3;
	_ =	sdelay $0x1  }
0xa1: {  	s23 =	simm.s32 $0x1B8B  }
0xa2: {  	_ =	swait.ge [sflag:s23], $0x1  }
0xa3: {  	[sflag:s23] =	ssyncset.done $0x0  }
0xa4: {  	s25 =	simm.s32 $0x1B8E;
	s24 =	sld [smem:$0x3FFE];
	[sflag:s23] =	ssyncadd.s32 $0xFFFFFFFF  }
0xa5: {  	s26 =	simm.s32 $execute0_lowered;
	[smem:$0x3FD2] =	sst s25  }
0xa6: {  	s4 =	sshll.u32 s26, $0x1;
	_ =	strace $0x80000064;
	[dreg:$0x1] =	wrdreg $0xFFFFFFFF  }
0xa7: {  	s28 =	simm.s32 $_size_execute0_lowered;
	s2 =	sadd.s32 s2, s4;
	[dreg:$0x0] =	wrdreg $0x0  }
0xa8: {  	s4 =	sshll.u32 s28, $0x1;
	[dreg:$0x2] =	wrdreg s2  }
0xa9: {  	[dreg:$0x3] =	wrdreg s4  }
0xaa: {  	[dreg:$0x4] =	wrdreg $0xC0  }
0xab: {  	_ =	task [dreg:s6], $0x5FFFF  }
0xac: {  	[dreg:$0x1] =	wrdreg $0xFFFFFFFF  }
0xad: {  	[dreg:$0x0] =	wrdreg $0x60  }
0xae: {  	[dreg:$0x2] =	wrdreg s24  }
0xaf: {  	[dreg:$0x3] =	wrdreg $0x9  }
0xb0: {  	_ =	task.clear_ibuf [dreg:s6], $0x4FFFF;
	_ =	strace $0x90000064  }
0xb1: {  	s29 =	simm.s32 $0x9;
	_ =	strace $0x80000066  }
0xb2: {  	_ =	swait.ge [sflag:s29], $0x1  }
0xb3: {  	[sflag:s29] =	ssyncadd.s32 $0xFFFFFFFF  }
0xb4: {  	_ =	strace $0x90000066  }
0xb5: {  	_ =	sfence  }
0xb6: {  	s30 =	sld [smem:$0x0];
	_ =	sdelay $0x2  }
0xb7: {  	s31 =	sshll.u32 s1, $0xD;
	s1 =	sshrl.u32 s1, $0x2  }
0xb8: {  	s3 =	sand.u32 $0x4000, s31;
	s1 =	sadd.s32 s1, s30  }
0xb9: {  	s0 =	sor.u32 s3, s0;
	s1 =	sshll.u32 s1, $0x11  }
0xba: {  	s0 =	sor.u32 s1, s0  }
0xbb: {  	s0 =	sadd.s32 $0x8F2B, s0  }
0xbc: {  	[sflag:s0] =	ssyncadd.remote.s32 $0x1  }
0xbd: {  	_ =	sfence.sel $0xFFFF  }
0xbe: {  	[dreg:$0x0] =	wrdreg $0xFFFFFFFF;
	(pc) =	sbr.abs _section_cstart, $3  }
0xbf: {  	[dreg:$0x1] =	wrdreg $0xFFFFFFFF  }
0xc0: {  	_ =	task.clear_ibuf [dreg:s6], $0x2FFFF;
	_ =	strace $0x9FFFFFFF  }
0xc1: {  	(tm) =	ssettm $0x7FFFFFFF  }
tec
execute0_lowered:
.L_overlay_start_1:
0x0: {  	(tag) =	ssettag $0x1  }
0x1: {  	s8 =	rddreg [dreg:$0x0]  }
0x2: {  	s0 =	rddreg [dreg:$0x1];
	_ =	strace $0x80000065;
	s1 =	stileid.u32  }
0x3: {  	s3 =	srdreg.scid;
	s4 =	simm.s32 $0x1;
	s7 =	simm.s32 $0x1  }
0x4: {  	s9 =	simm.s32 $0x1;
	s10 =	simm.s32 $0x3;
	s13 =	simm.s32 $0x0  }
0x5: {  	s12 =	simm.s32 $0x0;
	s5 =	sand.u32 $0x1, s3;
	s6 =	sshll.u32 s1, $0x1  }
0x6: {  	s2 =	sadd.s32 $0x17800, s8;
	s3 =	sadd.s32 $0x6FA00, s8;
	s5 =	sor.u32 s6, s5  }
.Ltmp0:
0x7: {  	[sflag:s4] =	ssyncpa.u1 $0x0;
	p0 =	slt.u32 s5, $0x9;
	(pc) =	sbr.rel .LBB2_1-.Ltmp0, $4  }
0x8: {  	s6 =	simm.s32 $0x2;
	s7 =	simm.s32 @!p0 $0x0;
	p0 =	sne.s32 s5, $0x8  }
0x9: {  	[sflag:s6] =	ssyncpa.u1 $0x0;
	s5 =	smul.u32 $0xFA0, s5;
	s9 =	simm.s32 @!p0 $0x0  }
0xa: {  	s8 =	sadd.s32 $0x2A00, s8;
	[sflag:s10] =	ssyncpa.u1 $0x0;
	s7 =	sadd.s32 s9, s7  }
0xb: {  	vm0 =	vmmov $0xffff;
	s10 =	simm.s32 $0x0;
	s11 =	smov.u32 s5;
	s9 =	sadd.s32 $0x1, s7  }
.LBB2_4:
0xc: {  	v2 =	vnsel vm1, $0x0, v2  }
0xd: {  	vm1 =	vgt.s32 v0, $0x0;
	v2 =	vmin.u32 v2, $0x270FF  }
0xe: {  	v0 =	vnsel vm1, $0x0, v0  }
0xf: {  	v0 =	vmin.u32 v0, $0x270FF  }
0x10: {  	[tilespmem:s18], [sflag:$0x1] =	stream.indirect_vreg.gather [hbm4b:s2+s10], $0x1, v1, vm0, $0x4038;
	[tilespmem:$0x3E80] =	vst v63  }
0x11: {  	(ifvalue) =	ssetifvalue $0x7FFFFFFF  }
0x12: {  	[tilespmem:s15], [sflag:$0x1] =	stream.indirect_vreg.gather [hbm4b:s2+s10], $0x1, v2, vm0, $0x4038;
	[tilespmem:$0x3E80] =	vst v63  }
0x13: {  	s29 =	sadd.s32 $0x10, s15;
	(ifvalue) =	ssetifvalue $0x7FFFFFFF  }
0x14: {  	[tilespmem:s29], [sflag:$0x1] =	stream.indirect_vreg.gather [hbm4b:s2+s10], $0x1, v0, vm0, $0x4038;
	[tilespmem:$0x3E80] =	vst v63  }
0x15: {  	_ =	swait.ge [sflag:s4], $0xFA0  }
0x16: {  	s30 =	sshrl.u32 s13, $0x3;
	[sflag:s4] =	ssyncset.done $0x0  }
0x17: {  	s31 =	sand.u32 $0x7, s13;
	s15 =	sadd.s32 s8, s30;
	[sflag:s4] =	ssyncadd.s32 $0xFFFFF060  }
0x18: {  	[hbm4b:s15+s31] =	stream.linear.scatter [tilespmem:s14], [sflag:$0x3], $0xFA0, $0x38;
	[tilespmem:$0x3E80] =	vst v63  }
.LBB2_5:
0x19: {  	s15 =	sadd.s32 $0x1F400, s11  }
0x1a: {  	p1 =	sgt.s32 s15, $0x270FF  }
0x1b: {  	s15 =	smov.u32 @p1 s5;
	p1 =	sne.s32 s12, s9  }
.Ltmp1:
0x1c: {  	p0 =	slt.u32 s12, $0x2;
	(pc) =	sbr.rel @!p1 .LBB2_6-.Ltmp1, $4  }
0x1d: {  	s14 =	simm.s32 @!p0 $0x3  }
0x1e: {  	_ =	swait.ge @!p0 [sflag:s14], $0xFA0  }
0x1f: {  	s16 =	sadd.s32 $0x1, s12;
	s13 =	smov.u32 s11;
	[sflag:s14] =	ssyncset.done @!p0 $0x0  }
0x20: {  	s12 =	smov.u32 s16;
	s11 =	smov.u32 s15;
	[sflag:s14] =	ssyncadd.s32 @!p0 $0xFFFFF060  }
.LBB2_1:
0x21: {  	p0 =	sge.u32 s12, s7  }
0x22: {  	s14 =	sxor.u32 @!p0 $0x1, s12  }
0x23: {  	s14 =	smul.u32 @!p0 $0x3E80, s14  }
0x24: {  	s31 =	sadd.s32 $0xFFFFFFFF, s12;
	s15 =	sshrl.u32 @!p0 s11, $0x3  }
0x25: {  	s16 =	sand.u32 @!p0 $0x7, s11;
	s15 =	sadd.s32 @!p0 s3, s15;
	s14 =	sshra.s32 @!p0 s14, $0x2  }
0x26: {  	[tilespmem:s14], [sflag:$0x2] =	stream.linear.gather @!p0 [hbm4b:s15+s16], $0xFA0, $0x38;
	[tilespmem:$0x3E80] =	vst v63  }
0x27: {  	p0 =	sge.u32 s31, s7  }
.Ltmp2:
0x28: {  	_ = 	snop;
	(pc) =	sbr.rel @p0 .LBB2_5-.Ltmp2, $1  }
0x29: {  	_ =	sdelay $0x3  }
0x2a: {  	s14 =	sand.u32 $0x1, s12  }
0x2b: {  	_ =	swait.ge [sflag:s6], $0xFA0;
	p0 =	seq.s32 s14, $0x1;
	s14 =	simm.s32 $0xFA0  }
0x2c: {  	[sflag:s6] =	ssyncset.done $0x0;
	s14 =	simm.s32 @!p0 $0x0  }
0x2d: {  	[sflag:s6] =	ssyncadd.s32 $0xFFFFF060;
	(ifvalue) =	ssetifvalue $0x7FFFFFFF;
	v0 =	vld.msk [tilespmem:s14+$0x0 ss:$0x1], $0xffff;
	_ =	sdelay $0x4  }
0x2e: {  	s15 =	sadd.s32 $0x10, s14;
	vm1 =	vgt.s32 v0, $0x0  }
0x2f: {  	v2 =	vld.msk [tilespmem:s15+$0x0 ss:$0x1], $0xffff;
	v1 =	vnsel vm1, $0x0, v0  }
0x30: {  	v1 =	vmin.u32 v1, $0x270FF;
	_ =	sdelay $0x2  }
0x31: {  	s17 =	simm.s32 $0x20;
	s14 =	sadd.s32 $0x1F40, s14;
	s16 =	sadd.s32 $0x10, s15  }
0x32: {  	s15 =	sadd.s32 $0x10, s14;
	s18 =	smov.u32 s14;
	v0 =	vld.msk [tilespmem:s16+$0x0 ss:$0x1], $0xffff;
	vm1 =	vgt.s32 v2, $0x0;
	(ifvalue) =	ssetifvalue $0x7FFFFFFF  }
.LBB2_3:
0x33: {  	[tilespmem:s18], [sflag:$0x1] =	stream.indirect_vreg.gather [hbm4b:s2+s10], $0x1, v1, vm0, $0x4038;
	[tilespmem:$0x3E80] =	vst v63  }
0x34: {  	s17 =	sadd.s32 $0x10, s17  }
0x35: {  	v2 =	vnsel vm1, $0x0, v2;
	p0 =	slt.u32 s17, $0xF90  }
.Ltmp3:
0x36: {  	s18 =	smov.u32 s15;
	v1 =	vmin.u32 v2, $0x270FF;
	(pc) =	sbr.rel @p0 .LBB2_3-.Ltmp3, $3  }
0x37: {  	_ =	sdelay $0x1  }
0x38: {  	s16 =	sadd.s32 $0x10, s16  }
0x39: {  	vm1 =	vgt.s32 v0, $0x0;
	s15 =	sadd.s32 $0x10, s15;
	v2 =	vmov v0;
	(ifvalue) =	ssetifvalue $0x7FFFFFFF;
	v0 =	vld.msk [tilespmem:s16+$0x0 ss:$0x1], $0xffff  }
.Ltmp4:
0x3a: {  	_ = 	snop;
	(pc) =	sbr.rel .LBB2_4-.Ltmp4, $1  }
0x3b: {  	_ =	sdelay $0x3  }
.LBB2_6:
0x3c: {  	_ =	sfence.sel $0x180000  }
0x3d: {  	s2 =	simm.s32 $0x2;
	[bflag:$0x0] =	sbarrier.arrive $0xFFFF  }
0x3e: {  	s30 =	simm.s32 $0x3;
	[sflag:s2] =	ssyncpa.u1 $0x1  }
0x3f: {  	s31 =	simm.s32 $0x1;
	[sflag:s30] =	ssyncpa.u1 $0x1  }
0x40: {  	[sflag:s31] =	ssyncpa.u1 $0x1  }
0x41: {  	p0 =	sne.s32 s1, $0x0;
	_ =	strace $0x90000065  }
0x42: {  	s0 =	sadd.s32 @!p0 $0x100000, s0;
	[bflag:$0x2] =	sbarrier.arrive $0xFFFF  }
0x43: {  	[sflag:s0] =	ssyncadd.tile.s32 @!p0 $0x1;
	_ =	shalt  }
.Lfunc_end2:
_tile_overlayer_lowered:
.L_overlay_start_2:
0x44: {  	(tag) =	ssettag $0x2  }
0x45: {  	s0 =	rddreg [dreg:$0x0];
	s2 =	stileid.u32  }
0x46: {  	s1 =	rddreg [dreg:$0x1];
	p0 =	sne.s32 s2, $0x0  }
0x47: {  	s3 =	rddreg [dreg:$0x2];
	[bflag:$0x3] =	sbarrier.arrive $0xFFFF;
	s2 =	simm.s32 @!p0 $0x1C01  }
0x48: {  	[timem:s3], [sflag:s2] =	dma.local @!p0 [hbm:s0], s1  }
0x49: {  	s0 =	simm.s32 @!p0 $0x1  }
0x4a: {  	_ =	swait.ge @!p0 [sflag:s0], s1  }
0x4b: {  	s1 =	ssub.s32 @!p0 $0x0, s1;
	[sflag:s0] =	ssyncset.done @!p0 $0x0  }
0x4c: {  	[sflag:s0] =	ssyncadd.s32 @!p0 s1  }
0x4d: {  	[bflag:$0x3] =	sbarrier.arrive $0xFFFF  }
0x4e: {  	_ =	shalt  }

// kernel: kernel.11.cloned.1.call-start
scs
__scs_entry_jumppad:
0x0: {  	(pc) =	sbr.rel $0x88, $3  }
0x1: {  	(tag) =	ssettag $0x0;
	lr =	simm.s32 $0x1  }
0x2: {  	[smem:$0x3F99] =	sst lr;
	_ =	strace $0xD0000000  }
0x3: {  	_ = 	snop  }
0x4: {  	_ = 	snop  }
0x5: {  	_ = 	snop  }
0x6: {  	_ = 	snop  }
0x7: {  	_ = 	snop  }
__scs_overlays_trampoline_lowered:
0x8: {  	[smem:$0x3FA8] =	sst s0  }
0x9: {  	[smem:$0x3FA9] =	sst s1  }
0xa: {  	[smem:$0x3FAA] =	sst s2  }
0xb: {  	[smem:$0x3FAB] =	sst s3  }
0xc: {  	[smem:$0x3FAC] =	sst s4  }
0xd: {  	[smem:$0x3FAD] =	sst s5  }
0xe: {  	[smem:$0x3FAE] =	sst s6  }
0xf: {  	[smem:$0x3FAF] =	sst s7  }
0x10: {  	[smem:$0x3FB0] =	sst s8  }
0x11: {  	[smem:$0x3FB1] =	sst s9;
	s0 =	simm.s32 @!p0 $0x0  }
0x12: {  	s1 =	sld [smem:$0x3F97];
	s0 =	simm.s32 @p0 $0x1  }
0x13: {  	[smem:$0x3FB2] =	sst s0;
	s0 =	simm.s32 @!p1 $0x0  }
0x14: {  	s2 =	sld [smem:$0x3F96];
	s0 =	simm.s32 @p1 $0x1  }
0x15: {  	[smem:$0x3FB3] =	sst s0;
	s0 =	simm.s32 @!p2 $0x0  }
0x16: {  	s3 =	sld [smem:$0x3FDB];
	s0 =	simm.s32 @p2 $0x1  }
0x17: {  	s4 =	simm.s32 $0x1BF5;
	[smem:$0x3FB5] =	sst s0  }
0x18: {  	s0 =	sld [smem:$0x3F98];
	_ =	swait.ge [sflag:s4], $0x0  }
0x19: {  	s7 =	sld [smem:$0x3F99]  }
0x1a: {  	s8 =	sadd.s32 $0xFFFFE003, lr  }
0x1b: {  	s9 =	sadd.s32 $0xFFFFFEF7, lr;
	s5 =	simm.s32 $0xFFFFFFFF;
	p2 =	slt.u32 s8, $0xFFFFF086  }
0x1c: {  	p1 =	slt.u32 s9, $0xF7A;
	s5 =	simm.s32 @!p2 $0x0  }
0x1d: {  	s5 =	simm.s32 @p1 $0x1;
	p0 =	seq.s32 s7, s2  }
0x1e: {  	s7 =	smul.u32 @!p0 $0xF7A, s2;
	p2 =	seq.s32 @!p0 s5, $0x0  }
0x1f: {  	s9 =	smul.u32 $0xF7A, s1;
	s8 =	simm.s32 @!p0 $0x1BF5;
	p2 =	por !p2, p0  }
0x20: {  	[sflag:s8] =	ssyncset.s32 @!p0 $0xFFFFF086;
	s6 =	sadd.s32 @!p0 s3, s7;
	s7 =	simm.s32 @!p0 $0x108  }
0x21: {  	s3 =	sadd.s32 s3, s9;
	s6 =	sadd.s32 @!p0 $0x88, s6;
	s7 =	simm.s32 @p2 $0x1082  }
0x22: {  	[simem:s7], [sflag:s8] =	dma.local @!p0 [hbm:s6], $0xF7A  }
0x23: {  	s9 =	sor.u32 $0xD0000000, s2;
	s6 =	simm.s32 $0x108;
	_ =	swait.ge @!p0 [sflag:s8], $0x0  }
0x24: {  	s3 =	sadd.s32 $0x88, s3;
	s6 =	simm.s32 @!p1 $0x1082;
	[sflag:s4] =	ssyncset.s32 $0xFFFFF086  }
0x25: {  	[simem:s6], [sflag:s4] =	dma.local [hbm:s3], $0xF7A  }
0x26: {  	[smem:$0x3F99] =	sst s1;
	(tag) =	ssettag s2;
	_ =	strace s9  }
0x27: {  	s1 =	sld [smem:$0x3FA9]  }
0x28: {  	s2 =	sld [smem:$0x3FAA]  }
0x29: {  	s4 =	sld [smem:$0x3FAC]  }
0x2a: {  	p0 =	seq.s32 s5, $0x0;
	s5 =	sld [smem:$0x3FAD]  }
0x2b: {  	s6 =	sld [smem:$0x3FAE]  }
0x2c: {  	s7 =	sld [smem:$0x3FAF]  }
0x2d: {  	s3 =	simm.s32 $0x108;
	s8 =	sld [smem:$0x3FB0]  }
0x2e: {  	s3 =	simm.s32 @!p0 $0x1082;
	s9 =	sld [smem:$0x3FB1]  }
0x2f: {  	lr =	sadd.s32 s0, s3;
	s0 =	sld [smem:$0x3FA8]  }
0x30: {  	s3 =	sld [smem:$0x3FAB]  }
0x31: {  	[smem:$0x3FB4] =	sst s10  }
0x32: {  	s10 =	sld [smem:$0x3FB2];
	_ =	sdelay $0x3  }
0x33: {  	p0 =	seq.s32 s10, $0x1;
	s10 =	sld [smem:$0x3FB4];
	_ =	sdelay $0x3  }
0x34: {  	[smem:$0x3FB4] =	sst s10  }
0x35: {  	s10 =	sld [smem:$0x3FB3];
	_ =	sdelay $0x3  }
0x36: {  	p1 =	seq.s32 s10, $0x1;
	s10 =	sld [smem:$0x3FB4];
	_ =	sdelay $0x3  }
0x37: {  	[smem:$0x3FB4] =	sst s10  }
0x38: {  	s10 =	sld [smem:$0x3FB5]  }
0x39: {  	_ = 	snop;
	(pc) =	sbr.ind lr, $3  }
0x3a: {  	_ = 	snop  }
0x3b: {  	_ = 	snop  }
0x3c: {  	p2 =	seq.s32 s10, $0x1;
	s10 =	sld [smem:$0x3FB4]  }
0x3d: {  	_ =	shalt  }
0x3e: {  	_ =	shalt  }
0x3f: {  	_ =	shalt  }
0x40: {  	_ =	shalt  }
0x41: {  	_ =	shalt  }
0x42: {  	_ =	shalt  }
0x43: {  	_ =	shalt  }
0x44: {  	_ =	shalt  }
0x45: {  	_ =	shalt  }
0x46: {  	_ =	shalt  }
0x47: {  	_ =	shalt  }
0x48: {  	_ =	shalt  }
0x49: {  	_ =	shalt  }
0x4a: {  	_ =	shalt  }
0x4b: {  	_ =	shalt  }
0x4c: {  	_ =	shalt  }
0x4d: {  	_ =	shalt  }
0x4e: {  	_ =	shalt  }
0x4f: {  	_ =	shalt  }
0x50: {  	_ =	shalt  }
0x51: {  	_ =	shalt  }
0x52: {  	_ =	shalt  }
0x53: {  	_ =	shalt  }
0x54: {  	_ =	shalt  }
0x55: {  	_ =	shalt  }
0x56: {  	_ =	shalt  }
0x57: {  	_ =	shalt  }
0x58: {  	_ =	shalt  }
0x59: {  	_ =	shalt  }
0x5a: {  	_ =	shalt  }
0x5b: {  	_ =	shalt  }
0x5c: {  	_ =	shalt  }
0x5d: {  	_ =	shalt  }
0x5e: {  	_ =	shalt  }
0x5f: {  	_ =	shalt  }
0x60: {  	_ =	shalt  }
0x61: {  	_ =	shalt  }
0x62: {  	_ =	shalt  }
0x63: {  	_ =	shalt  }
0x64: {  	_ =	shalt  }
0x65: {  	_ =	shalt  }
0x66: {  	_ =	shalt  }
0x67: {  	_ =	shalt  }
0x68: {  	_ =	shalt  }
0x69: {  	_ =	shalt  }
0x6a: {  	_ =	shalt  }
0x6b: {  	_ =	shalt  }
0x6c: {  	_ =	shalt  }
0x6d: {  	_ =	shalt  }
0x6e: {  	_ =	shalt  }
0x6f: {  	_ =	shalt  }
0x70: {  	_ =	shalt  }
0x71: {  	_ =	shalt  }
0x72: {  	_ =	shalt  }
0x73: {  	_ =	shalt  }
0x74: {  	_ =	shalt  }
0x75: {  	_ =	shalt  }
0x76: {  	_ =	shalt  }
0x77: {  	_ =	shalt  }
0x78: {  	_ =	shalt  }
0x79: {  	_ =	shalt  }
0x7a: {  	_ =	shalt  }
0x7b: {  	_ =	shalt  }
0x7c: {  	_ =	shalt  }
0x7d: {  	_ =	shalt  }
0x7e: {  	_ =	shalt  }
0x7f: {  	_ =	shalt  }
0x80: {  	_ =	shalt  }
0x81: {  	_ =	shalt  }
0x82: {  	_ =	shalt  }
0x83: {  	_ =	shalt  }
0x84: {  	_ =	shalt  }
0x85: {  	_ =	shalt  }
0x86: {  	_ =	shalt  }
0x87: {  	_ =	shalt  }
.Lfunc_end0:
.L_simem_size_0:
called_computation.9_lowered:
.L_overlay_start_0:
0x88: {  	s2 =	sld [smem:$0x3FD9]  }
0x89: {  	s3 =	sld [smem:$0x3FFE];
	_ =	sdelay $0x1  }
0x8a: {  	s1 =	srdreg.scid  }
0x8b: {  	s0 =	sand.u32 $0x1, s1  }
0x8c: {  	s16 =	sshll.u32 s0, $0xA;
	s2 =	sadd.s32 s3, s2  }
0x8d: {  	s2 =	sadd.s32 s2, s16  }
0x8e: {  	[smem:$0x3FC0] =	sst s2  }
0x8f: {  	_ = 	snop  }
0x90: {  	(tm) =	ssettm $0x1  }
0x91: {  	s17 =	sld [smem:$0x3FFB];
	_ =	sdelay $0x3  }
0x92: {  	_ =	strace s17  }
0x93: {  	s2 =	sld [smem:$0x3FFC];
	_ =	sdelay $0x3  }
0x94: {  	_ =	strace s2  }
0x95: {  	s2 =	sld [smem:$0x3FFD];
	_ =	sdelay $0x3  }
0x96: {  	_ =	strace s2  }
0x97: {  	_ =	strace $0x8FFFFFFF  }
0x98: {  	s18 =	sld [smem:$0x3FDB];
	_ =	sdelay $0x1  }
0x99: {  	s19 =	simm.s32 $_scs_section_size  }
0x9a: {  	s4 =	simm.s32 $_size__tile_overlayer_lowered;
	s5 =	simm.s32 $_tile_overlayer_lowered  }
0x9b: {  	s22 =	simm.s32 $0x1BFF;
	s21 =	sshll.u32 s5, $0x1;
	s2 =	sadd.s32 s19, s18  }
0x9c: {  	s6 =	simm.s32 $0x0;
	s20 =	sshll.u32 s4, $0x1;
	s4 =	sadd.s32 s21, s2  }
0x9d: {  	[timem:s6], [sflag:s22] =	dma.local [hbm:s4], s20  }
0x9e: {  	_ =	swait.ge [sflag:s22], s20  }
0x9f: {  	s3 =	ssub.s32 $0x0, s20;
	[sflag:s22] =	ssyncset.done $0x0  }
0xa0: {  	[sflag:s22] =	ssyncadd.s32 s3;
	_ =	sdelay $0x1  }
0xa1: {  	s23 =	simm.s32 $0x1B8B  }
0xa2: {  	_ =	swait.ge [sflag:s23], $0x1  }
0xa3: {  	[sflag:s23] =	ssyncset.done $0x0  }
0xa4: {  	s25 =	simm.s32 $0x1B8E;
	s24 =	sld [smem:$0x3FFE];
	[sflag:s23] =	ssyncadd.s32 $0xFFFFFFFF  }
0xa5: {  	s26 =	simm.s32 $execute0_lowered;
	[smem:$0x3FD2] =	sst s25  }
0xa6: {  	s4 =	sshll.u32 s26, $0x1;
	_ =	strace $0x8000005E;
	[dreg:$0x1] =	wrdreg $0xFFFFFFFF  }
0xa7: {  	s28 =	simm.s32 $_size_execute0_lowered;
	s2 =	sadd.s32 s2, s4;
	[dreg:$0x0] =	wrdreg $0x0  }
0xa8: {  	s4 =	sshll.u32 s28, $0x1;
	[dreg:$0x2] =	wrdreg s2  }
0xa9: {  	[dreg:$0x3] =	wrdreg s4  }
0xaa: {  	[dreg:$0x4] =	wrdreg $0xC0  }
0xab: {  	_ =	task [dreg:s6], $0x5FFFF  }
0xac: {  	[dreg:$0x1] =	wrdreg $0xFFFFFFFF  }
0xad: {  	[dreg:$0x0] =	wrdreg $0x60  }
0xae: {  	[dreg:$0x2] =	wrdreg s24  }
0xaf: {  	[dreg:$0x3] =	wrdreg $0x88000  }
0xb0: {  	[dreg:$0x4] =	wrdreg $0x9  }
0xb1: {  	_ =	task.clear_ibuf [dreg:s6], $0x5FFFF;
	_ =	strace $0x9000005E  }
0xb2: {  	s29 =	simm.s32 $0x9;
	_ =	strace $0x80000060  }
0xb3: {  	_ =	swait.ge [sflag:s29], $0x1  }
0xb4: {  	[sflag:s29] =	ssyncadd.s32 $0xFFFFFFFF  }
0xb5: {  	_ =	strace $0x90000060  }
0xb6: {  	_ =	sfence  }
0xb7: {  	s30 =	sld [smem:$0x0];
	_ =	sdelay $0x2  }
0xb8: {  	s31 =	sshll.u32 s1, $0xD;
	s1 =	sshrl.u32 s1, $0x2  }
0xb9: {  	s3 =	sand.u32 $0x4000, s31;
	s1 =	sadd.s32 s1, s30  }
0xba: {  	s0 =	sor.u32 s3, s0;
	s1 =	sshll.u32 s1, $0x11  }
0xbb: {  	s0 =	sor.u32 s1, s0  }
0xbc: {  	s0 =	sadd.s32 $0x8F2B, s0  }
0xbd: {  	[sflag:s0] =	ssyncadd.remote.s32 $0x1  }
0xbe: {  	_ =	sfence.sel $0xFFFF  }
0xbf: {  	[dreg:$0x0] =	wrdreg $0xFFFFFFFF;
	(pc) =	sbr.abs _section_cstart, $3  }
0xc0: {  	[dreg:$0x1] =	wrdreg $0xFFFFFFFF  }
0xc1: {  	_ =	task.clear_ibuf [dreg:s6], $0x2FFFF;
	_ =	strace $0x9FFFFFFF  }
0xc2: {  	(tm) =	ssettm $0x7FFFFFFF  }
0xc3: {  	_ =	shalt  }
tec
execute0_lowered:
.L_overlay_start_1:
0x0: {  	(tag) =	ssettag $0x1  }
0x1: {  	s0 =	rddreg [dreg:$0x0]  }
0x2: {  	s1 =	rddreg [dreg:$0x1];
	s2 =	srdreg.scid;
	s3 =	simm.s32 $0x0  }
0x3: {  	s12 =	stileid.u32;
	s13 =	simm.s32 $0x2;
	s14 =	simm.s32 $0x400  }
0x4: {  	s15 =	simm.s32 $0x80;
	s16 =	simm.s32 $0x800;
	s17 =	simm.s32 $0x1  }
0x5: {  	s18 =	simm.s32 $0x4800;
	s19 =	simm.s32 $0x100;
	s20 =	simm.s32 $0x480  }
0x6: {  	s21 =	simm.s32 $0x180;
	s22 =	simm.s32 $0x500;
	s28 =	simm.s32 $0x600  }
0x7: {  	s29 =	simm.s32 $0x300;
	s30 =	simm.s32 $0x680;
	s6 =	smul.u32 $0x3E8, s12  }
0x8: {  	s31 =	simm.s32 $0x380;
	s2 =	sand.u32 $0x1, s2;
	s8 =	smul.u32 $0x2780, s12  }
0x9: {  	[smem:$0x7FF] =	sst s3;
	s4 =	sadd.s32 $0x14800, s0;
	s10 =	smul.u32 $0x4F000, s12  }
0xa: {  	s5 =	sadd.s32 $0x2800, s0;
	s11 =	smul.u32 $0x7D000, s12;
	s24 =	sshll.u32 s12, $0x6  }
0xb: {  	p0 =	sgt.u32 s12, $0x9;
	s7 =	smul.u32 $0x2710, s2;
	s2 =	ssub.s32 $0x2, s2  }
0xc: {  	_ =	strace $0x8000005F;
	s8 =	sadd.s32 s8, s0;
	s23 =	sshrl.u32 s2, $0x1  }
0xd: {  	s10 =	sshrl.u32 s10, $0x2;
	s11 =	sshrl.u32 s11, $0x2;
	s9 =	sadd.s32 s6, s7  }
0xe: {  	s6 =	sadd.s32 $0xB800, s0;
	s2 =	ssub.s32 s2, s23;
	s10 =	sadd.s32 s10, s1  }
0xf: {  	s8 =	sadd.s32 $0x6FA00, s8;
	s11 =	sadd.s32 s11, s1;
	s23 =	simm.s32 $0x200  }
0x10: {  	v0 =	vmov s7;
	s7 =	simm.s32 $0x0;
	s9 =	sshll.u32 s9, $0x4;
	[dreg:$0x3] =	wrdreg s8  }
0x11: {  	s8 =	sor.u32 $0x1C02, s24;
	s25 =	smax.u32 s2, $0x1;
	s26 =	sshrl.u32 s10, $0x3  }
0x12: {  	s2 =	simm.s32 $0x780;
	s0 =	sadd.s32 s9, s0;
	[dreg:$0x5] =	wrdreg s25  }
0x13: {  	s9 =	smul.u32 $0x12, s12;
	[dreg:$0x6] =	wrdreg s26;
	s0 =	sadd.s32 $0x97200, s0  }
0x14: {  	s25 =	simm.s32 $0x580;
	[dreg:$0x4] =	wrdreg s0;
	s0 =	sshrl.u32 @!p0 s11, $0x3  }
0x15: {  	s26 =	simm.s32 $0x280;
	[dreg:$0x7] =	wrdreg s0;
	s0 =	simm.s32 $0x700  }
.LBB2_1:
0x16: {  	s10 =	rddreg [dreg:$0x3]  }
0x17: {  	s11 =	rddreg [dreg:$0x6]  }
0x18: {  	[spmem:s11], [sflag:s8] =	dma.local [hbm:s10], $0x2780  }
0x19: {  	_ =	swait.ge [sflag:s13], $0x2780  }
0x1a: {  	[sflag:s13] =	ssyncset.done $0x0  }
0x1b: {  	[sflag:s13] =	ssyncadd.s32 $0xFFFFD880  }
0x1c: {  	s10 =	simm.s32 $0x0;
	[bflag:$0x0] =	sbarrier.arrive $0xFFFF  }
.LBB2_2:
0x1d: {  	s11 =	sadd.s32 s9, s10  }
0x1e: {  	s11 =	sshll.u32 s11, $0x7  }
0x1f: {  	s24 =	simm.s32 $0x0;
	s12 =	sadd.s32 s5, s11  }
0x20: {  	[tilespmem:s24], [sflag:$0x2] =	stream.linear.gather [hbm4b:s12+s24], $0x400, $0x38;
	[tilespmem:$0x1C400] =	vst v63  }
0x21: {  	_ =	swait.ge [sflag:s13], $0x400  }
0x22: {  	[sflag:s13] =	ssyncset.done $0x0  }
0x23: {  	s11 =	sadd.s32 s6, s11;
	[sflag:s13] =	ssyncadd.s32 $0xFFFFFC00  }
0x24: {  	[tilespmem:s14], [sflag:$0x2] =	stream.linear.gather [hbm4b:s11+s24], $0x400, $0x38;
	[tilespmem:$0x1C400] =	vst v63  }
0x25: {  	_ =	swait.ge [sflag:s13], $0x400  }
0x26: {  	[sflag:s13] =	ssyncset.done $0x0  }
0x27: {  	s11 =	simm.s32 $0x0;
	[sflag:s13] =	ssyncadd.s32 $0xFFFFFC00  }
0x28: {  	v3 =	vld [tilespmem:s11+$0x0]  }
0x29: {  	v5 =	vld [tilespmem:s11+$0x10]  }
0x2a: {  	v4 =	vld [tilespmem:s11+$0x20]  }
0x2b: {  	v2 =	vld [tilespmem:s11+$0x30]  }
0x2c: {  	v1 =	vld [tilespmem:s11+$0x40]  }
0x2d: {  	v6 =	vadd.s32 v0, v3;
	v3 =	vld [tilespmem:s11+$0x50]  }
0x2e: {  	s12 =	simm.s32 $0x200;
	[tilespmem:s11+$0x0] =	vst v6;
	v6 =	vadd.s32 v0, v5;
	v5 =	vld [tilespmem:s11+$0x60]  }
.LBB2_3:
0x2f: {  	s24 =	sshra.s32 s12, $0x2;
	p1 =	sne.s32 s12, $0xE00;
	[tilespmem:s11+$0x10] =	vst v6;
	v4 =	vadd.s32 v0, v4;
	v6 =	vld [tilespmem:s11+$0x70]  }
0x30: {  	v7 =	vld [tilespmem:s24+$0x0];
	[tilespmem:s11+$0x20] =	vst v4;
	v2 =	vadd.s32 v0, v2  }
0x31: {  	v8 =	vld [tilespmem:s24+$0x10];
	[tilespmem:s11+$0x30] =	vst v2;
	v1 =	vadd.s32 v0, v1  }
.Ltmp0:
0x32: {  	v4 =	vld [tilespmem:s24+$0x20];
	[tilespmem:s11+$0x40] =	vst v1;
	v1 =	vadd.s32 v0, v3;
	(pc) =	sbr.rel @p1 .LBB2_3-.Ltmp0, $4  }
0x33: {  	v2 =	vld [tilespmem:s24+$0x30];
	[tilespmem:s11+$0x50] =	vst v1;
	v3 =	vadd.s32 v0, v5  }
0x34: {  	v1 =	vld [tilespmem:s24+$0x40];
	[tilespmem:s11+$0x60] =	vst v3;
	v5 =	vadd.s32 v0, v6  }
0x35: {  	v6 =	vadd.s32 v0, v7;
	v3 =	vld [tilespmem:s24+$0x50];
	[tilespmem:s11+$0x70] =	vst v5;
	s11 =	smov.u32 s24  }
0x36: {  	s12 =	sadd.s32 $0x200, s12;
	[tilespmem:s11+$0x0] =	vst v6;
	v6 =	vadd.s32 v0, v8;
	v5 =	vld [tilespmem:s11+$0x60]  }
0x37: {  	[tilespmem:s11+$0x10] =	vst v6;
	v4 =	vadd.s32 v0, v4;
	v63 =	vld [tilespmem:s11+$0x70]  }
0x38: {  	[tilespmem:s11+$0x20] =	vst v4;
	v2 =	vadd.s32 v0, v2  }
0x39: {  	[tilespmem:s11+$0x30] =	vst v2;
	v1 =	vadd.s32 v0, v1  }
0x3a: {  	[tilespmem:s11+$0x40] =	vst v1;
	v1 =	vadd.s32 v0, v3  }
0x3b: {  	[tilespmem:s11+$0x50] =	vst v1;
	v1 =	vadd.s32 v0, v5  }
0x3c: {  	[tilespmem:s11+$0x60] =	vst v1;
	v1 =	vadd.s32 v0, v63  }
0x3d: {  	[tilespmem:s11+$0x70] =	vst v1  }
0x3e: {  	[tilespmem:s16], [sflag:$0x1] =	stream.indirect.gather [hbm4b:s4+s15], $0x80, s3, s15, $0xb8;
	[tilespmem:$0x1C400] =	vst v63  }
0x3f: {  	_ =	swait.ge [sflag:s17], $0x4000  }
0x40: {  	[sflag:s17] =	ssyncset.done $0x0  }
0x41: {  	[sflag:s17] =	ssyncadd.s32 $0xFFFFC000  }
0x42: {  	[tilespmem:s18], [sflag:$0x1] =	stream.indirect.gather [hbm4b:s4+s15], $0x80, s15, s15, $0xb8;
	[tilespmem:$0x1C400] =	vst v63  }
0x43: {  	_ = 	snop  }
0x44: {  	[spmem:s1] =	stream.indirect.scatter.add.f32 [tilespmem:s16], [sflag:$0x2], $0x80, s14, s15, $0xb8;
	[tilespmem:$0x1C400] =	vst v63  }
0x45: {  	_ =	swait.ge [sflag:s13], $0x4000  }
0x46: {  	[sflag:s13] =	ssyncset.done $0x0  }
0x47: {  	[sflag:s13] =	ssyncadd.s32 $0xFFFFC000  }
0x48: {  	_ =	swait.ge [sflag:s17], $0x4000  }
0x49: {  	[sflag:s17] =	ssyncset.done $0x0  }
0x4a: {  	[sflag:s17] =	ssyncadd.s32 $0xFFFFC000  }
0x4b: {  	[tilespmem:s16], [sflag:$0x1] =	stream.indirect.gather [hbm4b:s4+s15], $0x80, s19, s15, $0xb8;
	[tilespmem:$0x1C400] =	vst v63  }
0x4c: {  	_ = 	snop  }
0x4d: {  	[spmem:s1] =	stream.indirect.scatter.add.f32 [tilespmem:s18], [sflag:$0x2], $0x80, s20, s15, $0xb8;
	[tilespmem:$0x1C400] =	vst v63  }
0x4e: {  	_ =	swait.ge [sflag:s13], $0x4000  }
0x4f: {  	[sflag:s13] =	ssyncset.done $0x0  }
0x50: {  	[sflag:s13] =	ssyncadd.s32 $0xFFFFC000  }
0x51: {  	_ =	swait.ge [sflag:s17], $0x4000  }
0x52: {  	[sflag:s17] =	ssyncset.done $0x0  }
0x53: {  	[sflag:s17] =	ssyncadd.s32 $0xFFFFC000  }
0x54: {  	[tilespmem:s18], [sflag:$0x1] =	stream.indirect.gather [hbm4b:s4+s15], $0x80, s21, s15, $0xb8;
	[tilespmem:$0x1C400] =	vst v63  }
0x55: {  	_ = 	snop  }
0x56: {  	[spmem:s1] =	stream.indirect.scatter.add.f32 [tilespmem:s16], [sflag:$0x2], $0x80, s22, s15, $0xb8;
	[tilespmem:$0x1C400] =	vst v63  }
0x57: {  	_ =	swait.ge [sflag:s13], $0x4000  }
0x58: {  	[sflag:s13] =	ssyncset.done $0x0  }
0x59: {  	[sflag:s13] =	ssyncadd.s32 $0xFFFFC000  }
0x5a: {  	_ =	swait.ge [sflag:s17], $0x4000  }
0x5b: {  	[sflag:s17] =	ssyncset.done $0x0  }
0x5c: {  	[sflag:s17] =	ssyncadd.s32 $0xFFFFC000  }
0x5d: {  	[tilespmem:s16], [sflag:$0x1] =	stream.indirect.gather [hbm4b:s4+s15], $0x80, s23, s15, $0xb8;
	[tilespmem:$0x1C400] =	vst v63  }
0x5e: {  	_ = 	snop  }
0x5f: {  	[spmem:s1] =	stream.indirect.scatter.add.f32 [tilespmem:s18], [sflag:$0x2], $0x80, s25, s15, $0xb8;
	[tilespmem:$0x1C400] =	vst v63  }
0x60: {  	_ =	swait.ge [sflag:s13], $0x4000  }
0x61: {  	[sflag:s13] =	ssyncset.done $0x0  }
0x62: {  	[sflag:s13] =	ssyncadd.s32 $0xFFFFC000  }
0x63: {  	_ =	swait.ge [sflag:s17], $0x4000  }
0x64: {  	[sflag:s17] =	ssyncset.done $0x0  }
0x65: {  	[sflag:s17] =	ssyncadd.s32 $0xFFFFC000  }
0x66: {  	[tilespmem:s18], [sflag:$0x1] =	stream.indirect.gather [hbm4b:s4+s15], $0x80, s26, s15, $0xb8;
	[tilespmem:$0x1C400] =	vst v63  }
0x67: {  	_ = 	snop  }
0x68: {  	[spmem:s1] =	stream.indirect.scatter.add.f32 [tilespmem:s16], [sflag:$0x2], $0x80, s28, s15, $0xb8;
	[tilespmem:$0x1C400] =	vst v63  }
0x69: {  	_ =	swait.ge [sflag:s13], $0x4000  }
0x6a: {  	[sflag:s13] =	ssyncset.done $0x0  }
0x6b: {  	[sflag:s13] =	ssyncadd.s32 $0xFFFFC000  }
0x6c: {  	_ =	swait.ge [sflag:s17], $0x4000  }
0x6d: {  	[sflag:s17] =	ssyncset.done $0x0  }
0x6e: {  	[sflag:s17] =	ssyncadd.s32 $0xFFFFC000  }
0x6f: {  	[tilespmem:s16], [sflag:$0x1] =	stream.indirect.gather [hbm4b:s4+s15], $0x80, s29, s15, $0xb8;
	[tilespmem:$0x1C400] =	vst v63  }
0x70: {  	_ = 	snop  }
0x71: {  	[spmem:s1] =	stream.indirect.scatter.add.f32 [tilespmem:s18], [sflag:$0x2], $0x80, s30, s15, $0xb8;
	[tilespmem:$0x1C400] =	vst v63  }
0x72: {  	_ =	swait.ge [sflag:s13], $0x4000  }
0x73: {  	[sflag:s13] =	ssyncset.done $0x0  }
0x74: {  	[sflag:s13] =	ssyncadd.s32 $0xFFFFC000  }
0x75: {  	_ =	swait.ge [sflag:s17], $0x4000  }
0x76: {  	[sflag:s17] =	ssyncset.done $0x0  }
0x77: {  	[sflag:s17] =	ssyncadd.s32 $0xFFFFC000  }
0x78: {  	[tilespmem:s18], [sflag:$0x1] =	stream.indirect.gather [hbm4b:s4+s15], $0x80, s31, s15, $0xb8;
	[tilespmem:$0x1C400] =	vst v63  }
0x79: {  	_ = 	snop  }
0x7a: {  	[spmem:s1] =	stream.indirect.scatter.add.f32 [tilespmem:s16], [sflag:$0x2], $0x80, s0, s15, $0xb8;
	[tilespmem:$0x1C400] =	vst v63  }
0x7b: {  	_ =	swait.ge [sflag:s13], $0x4000  }
0x7c: {  	[sflag:s13] =	ssyncset.done $0x0  }
0x7d: {  	[sflag:s13] =	ssyncadd.s32 $0xFFFFC000  }
0x7e: {  	s10 =	sadd.s32 $0x1, s10;
	_ =	swait.ge [sflag:s17], $0x4000  }
0x7f: {  	p1 =	sne.s32 s10, $0x12;
	[sflag:s17] =	ssyncset.done $0x0  }
.Ltmp1:
0x80: {  	[sflag:s17] =	ssyncadd.s32 $0xFFFFC000;
	(pc) =	sbr.rel @p1 .LBB2_2-.Ltmp1, $4  }
0x81: {  	[spmem:s1] =	stream.indirect.scatter.add.f32 [tilespmem:s18], [sflag:$0x2], $0x80, s2, s15, $0xb8;
	[tilespmem:$0x1C400] =	vst v63  }
0x82: {  	_ =	swait.ge [sflag:s13], $0x4000  }
0x83: {  	[sflag:s13] =	ssyncset.done $0x0  }
0x84: {  	[sflag:s13] =	ssyncadd.s32 $0xFFFFC000  }
0x85: {  	[bflag:$0x0] =	sbarrier.arrive $0xFFFF  }
0x86: {  	s10 =	rddreg [dreg:$0x4]  }
0x87: {  	s11 =	rddreg [dreg:$0x7]  }
0x88: {  	[hbm:s10], [sflag:s8] =	dma.local @!p0 [spmem:s11], $0x3E80  }
0x89: {  	s10 =	simm.s32 @!p0 $0x2  }
0x8a: {  	_ =	swait.ge @!p0 [sflag:s10], $0x3E80  }
0x8b: {  	s7 =	sadd.s32 $0x1, s7;
	s24 =	rddreg [dreg:$0x5]  }
0x8c: {  	p1 =	sne.s32 s7, s24  }
.Ltmp2:
0x8d: {  	_ = 	snop;
	(pc) =	sbr.rel @p1 .LBB2_1-.Ltmp2, $3  }
0x8e: {  	_ =	sdelay $0x1  }
0x8f: {  	[sflag:s10] =	ssyncset.done @!p0 $0x0  }
0x90: {  	[sflag:s10] =	ssyncadd.s32 @!p0 $0xFFFFC180  }
0x91: {  	_ =	sfence.sel $0x180000  }
0x92: {  	[bflag:$0x0] =	sbarrier.arrive $0xFFFF  }
0x93: {  	_ =	strace $0x9000005F  }
0x94: {  	s0 =	stileid.u32;
	[bflag:$0x2] =	sbarrier.arrive $0xFFFF  }
0x95: {  	p0 =	sne.s32 s0, $0x0;
	s0 =	rddreg [dreg:$0x2]  }
0x96: {  	s0 =	sadd.s32 @!p0 $0x100000, s0  }
0x97: {  	[sflag:s0] =	ssyncadd.tile.s32 @!p0 $0x1;
	_ =	shalt  }
.Lfunc_end2:
_tile_overlayer_lowered:
.L_overlay_start_2:
0x98: {  	(tag) =	ssettag $0x2  }
0x99: {  	s0 =	rddreg [dreg:$0x0];
	s2 =	stileid.u32  }
0x9a: {  	s1 =	rddreg [dreg:$0x1];
	p0 =	sne.s32 s2, $0x0  }
0x9b: {  	s3 =	rddreg [dreg:$0x2];
	[bflag:$0x3] =	sbarrier.arrive $0xFFFF;
	s2 =	simm.s32 @!p0 $0x1C02  }
0x9c: {  	[timem:s3], [sflag:s2] =	dma.local @!p0 [hbm:s0], s1  }
0x9d: {  	s0 =	simm.s32 @!p0 $0x2  }
0x9e: {  	_ =	swait.ge @!p0 [sflag:s0], s1  }
0x9f: {  	s1 =	ssub.s32 @!p0 $0x0, s1;
	[sflag:s0] =	ssyncset.done @!p0 $0x0  }
0xa0: {  	[sflag:s0] =	ssyncadd.s32 @!p0 s1  }
0xa1: {  	[bflag:$0x3] =	sbarrier.arrive $0xFFFF  }
0xa2: {  	_ =	shalt  }

// kernel: kernel.14.cloned.1.call-start
scs
__scs_entry_jumppad:
0x0: {  	(pc) =	sbr.rel $0x88, $3  }
0x1: {  	(tag) =	ssettag $0x0;
	lr =	simm.s32 $0x1  }
0x2: {  	[smem:$0x3F99] =	sst lr;
	_ =	strace $0xD0000000  }
0x3: {  	_ = 	snop  }
0x4: {  	_ = 	snop  }
0x5: {  	_ = 	snop  }
0x6: {  	_ = 	snop  }
0x7: {  	_ = 	snop  }
__scs_overlays_trampoline_lowered:
0x8: {  	[smem:$0x3FA8] =	sst s0  }
0x9: {  	[smem:$0x3FA9] =	sst s1  }
0xa: {  	[smem:$0x3FAA] =	sst s2  }
0xb: {  	[smem:$0x3FAB] =	sst s3  }
0xc: {  	[smem:$0x3FAC] =	sst s4  }
0xd: {  	[smem:$0x3FAD] =	sst s5  }
0xe: {  	[smem:$0x3FAE] =	sst s6  }
0xf: {  	[smem:$0x3FAF] =	sst s7  }
0x10: {  	[smem:$0x3FB0] =	sst s8  }
0x11: {  	[smem:$0x3FB1] =	sst s9;
	s0 =	simm.s32 @!p0 $0x0  }
0x12: {  	s1 =	sld [smem:$0x3F97];
	s0 =	simm.s32 @p0 $0x1  }
0x13: {  	[smem:$0x3FB2] =	sst s0;
	s0 =	simm.s32 @!p1 $0x0  }
0x14: {  	s2 =	sld [smem:$0x3F96];
	s0 =	simm.s32 @p1 $0x1  }
0x15: {  	[smem:$0x3FB3] =	sst s0;
	s0 =	simm.s32 @!p2 $0x0  }
0x16: {  	s3 =	sld [smem:$0x3FDB];
	s0 =	simm.s32 @p2 $0x1  }
0x17: {  	s4 =	simm.s32 $0x1BF5;
	[smem:$0x3FB5] =	sst s0  }
0x18: {  	s0 =	sld [smem:$0x3F98];
	_ =	swait.ge [sflag:s4], $0x0  }
0x19: {  	s7 =	sld [smem:$0x3F99]  }
0x1a: {  	s8 =	sadd.s32 $0xFFFFE003, lr  }
0x1b: {  	s9 =	sadd.s32 $0xFFFFFEF7, lr;
	s5 =	simm.s32 $0xFFFFFFFF;
	p2 =	slt.u32 s8, $0xFFFFF086  }
0x1c: {  	p1 =	slt.u32 s9, $0xF7A;
	s5 =	simm.s32 @!p2 $0x0  }
0x1d: {  	s5 =	simm.s32 @p1 $0x1;
	p0 =	seq.s32 s7, s2  }
0x1e: {  	s7 =	smul.u32 @!p0 $0xF7A, s2;
	p2 =	seq.s32 @!p0 s5, $0x0  }
0x1f: {  	s9 =	smul.u32 $0xF7A, s1;
	s8 =	simm.s32 @!p0 $0x1BF5;
	p2 =	por !p2, p0  }
0x20: {  	[sflag:s8] =	ssyncset.s32 @!p0 $0xFFFFF086;
	s6 =	sadd.s32 @!p0 s3, s7;
	s7 =	simm.s32 @!p0 $0x108  }
0x21: {  	s3 =	sadd.s32 s3, s9;
	s6 =	sadd.s32 @!p0 $0x88, s6;
	s7 =	simm.s32 @p2 $0x1082  }
0x22: {  	[simem:s7], [sflag:s8] =	dma.local @!p0 [hbm:s6], $0xF7A  }
0x23: {  	s9 =	sor.u32 $0xD0000000, s2;
	s6 =	simm.s32 $0x108;
	_ =	swait.ge @!p0 [sflag:s8], $0x0  }
0x24: {  	s3 =	sadd.s32 $0x88, s3;
	s6 =	simm.s32 @!p1 $0x1082;
	[sflag:s4] =	ssyncset.s32 $0xFFFFF086  }
0x25: {  	[simem:s6], [sflag:s4] =	dma.local [hbm:s3], $0xF7A  }
0x26: {  	[smem:$0x3F99] =	sst s1;
	(tag) =	ssettag s2;
	_ =	strace s9  }
0x27: {  	s1 =	sld [smem:$0x3FA9]  }
0x28: {  	s2 =	sld [smem:$0x3FAA]  }
0x29: {  	s4 =	sld [smem:$0x3FAC]  }
0x2a: {  	p0 =	seq.s32 s5, $0x0;
	s5 =	sld [smem:$0x3FAD]  }
0x2b: {  	s6 =	sld [smem:$0x3FAE]  }
0x2c: {  	s7 =	sld [smem:$0x3FAF]  }
0x2d: {  	s3 =	simm.s32 $0x108;
	s8 =	sld [smem:$0x3FB0]  }
0x2e: {  	s3 =	simm.s32 @!p0 $0x1082;
	s9 =	sld [smem:$0x3FB1]  }
0x2f: {  	lr =	sadd.s32 s0, s3;
	s0 =	sld [smem:$0x3FA8]  }
0x30: {  	s3 =	sld [smem:$0x3FAB]  }
0x31: {  	[smem:$0x3FB4] =	sst s10  }
0x32: {  	s10 =	sld [smem:$0x3FB2];
	_ =	sdelay $0x3  }
0x33: {  	p0 =	seq.s32 s10, $0x1;
	s10 =	sld [smem:$0x3FB4];
	_ =	sdelay $0x3  }
0x34: {  	[smem:$0x3FB4] =	sst s10  }
0x35: {  	s10 =	sld [smem:$0x3FB3];
	_ =	sdelay $0x3  }
0x36: {  	p1 =	seq.s32 s10, $0x1;
	s10 =	sld [smem:$0x3FB4];
	_ =	sdelay $0x3  }
0x37: {  	[smem:$0x3FB4] =	sst s10  }
0x38: {  	s10 =	sld [smem:$0x3FB5]  }
0x39: {  	_ = 	snop;
	(pc) =	sbr.ind lr, $3  }
0x3a: {  	_ = 	snop  }
0x3b: {  	_ = 	snop  }
0x3c: {  	p2 =	seq.s32 s10, $0x1;
	s10 =	sld [smem:$0x3FB4]  }
0x3d: {  	_ =	shalt  }
0x3e: {  	_ =	shalt  }
0x3f: {  	_ =	shalt  }
0x40: {  	_ =	shalt  }
0x41: {  	_ =	shalt  }
0x42: {  	_ =	shalt  }
0x43: {  	_ =	shalt  }
0x44: {  	_ =	shalt  }
0x45: {  	_ =	shalt  }
0x46: {  	_ =	shalt  }
0x47: {  	_ =	shalt  }
0x48: {  	_ =	shalt  }
0x49: {  	_ =	shalt  }
0x4a: {  	_ =	shalt  }
0x4b: {  	_ =	shalt  }
0x4c: {  	_ =	shalt  }
0x4d: {  	_ =	shalt  }
0x4e: {  	_ =	shalt  }
0x4f: {  	_ =	shalt  }
0x50: {  	_ =	shalt  }
0x51: {  	_ =	shalt  }
0x52: {  	_ =	shalt  }
0x53: {  	_ =	shalt  }
0x54: {  	_ =	shalt  }
0x55: {  	_ =	shalt  }
0x56: {  	_ =	shalt  }
0x57: {  	_ =	shalt  }
0x58: {  	_ =	shalt  }
0x59: {  	_ =	shalt  }
0x5a: {  	_ =	shalt  }
0x5b: {  	_ =	shalt  }
0x5c: {  	_ =	shalt  }
0x5d: {  	_ =	shalt  }
0x5e: {  	_ =	shalt  }
0x5f: {  	_ =	shalt  }
0x60: {  	_ =	shalt  }
0x61: {  	_ =	shalt  }
0x62: {  	_ =	shalt  }
0x63: {  	_ =	shalt  }
0x64: {  	_ =	shalt  }
0x65: {  	_ =	shalt  }
0x66: {  	_ =	shalt  }
0x67: {  	_ =	shalt  }
0x68: {  	_ =	shalt  }
0x69: {  	_ =	shalt  }
0x6a: {  	_ =	shalt  }
0x6b: {  	_ =	shalt  }
0x6c: {  	_ =	shalt  }
0x6d: {  	_ =	shalt  }
0x6e: {  	_ =	shalt  }
0x6f: {  	_ =	shalt  }
0x70: {  	_ =	shalt  }
0x71: {  	_ =	shalt  }
0x72: {  	_ =	shalt  }
0x73: {  	_ =	shalt  }
0x74: {  	_ =	shalt  }
0x75: {  	_ =	shalt  }
0x76: {  	_ =	shalt  }
0x77: {  	_ =	shalt  }
0x78: {  	_ =	shalt  }
0x79: {  	_ =	shalt  }
0x7a: {  	_ =	shalt  }
0x7b: {  	_ =	shalt  }
0x7c: {  	_ =	shalt  }
0x7d: {  	_ =	shalt  }
0x7e: {  	_ =	shalt  }
0x7f: {  	_ =	shalt  }
0x80: {  	_ =	shalt  }
0x81: {  	_ =	shalt  }
0x82: {  	_ =	shalt  }
0x83: {  	_ =	shalt  }
0x84: {  	_ =	shalt  }
0x85: {  	_ =	shalt  }
0x86: {  	_ =	shalt  }
0x87: {  	_ =	shalt  }
.Lfunc_end0:
.L_simem_size_0:
called_computation.10_lowered:
.L_overlay_start_0:
0x88: {  	s2 =	sld [smem:$0x3FD9]  }
0x89: {  	s3 =	sld [smem:$0x3FFE];
	_ =	sdelay $0x1  }
0x8a: {  	s1 =	srdreg.scid  }
0x8b: {  	s0 =	sand.u32 $0x1, s1  }
0x8c: {  	s16 =	sshll.u32 s0, $0xA;
	s2 =	sadd.s32 s3, s2  }
0x8d: {  	s2 =	sadd.s32 s2, s16  }
0x8e: {  	[smem:$0x3FC0] =	sst s2  }
0x8f: {  	_ = 	snop  }
0x90: {  	(tm) =	ssettm $0x1  }
0x91: {  	s17 =	sld [smem:$0x3FFB];
	_ =	sdelay $0x3  }
0x92: {  	_ =	strace s17  }
0x93: {  	s2 =	sld [smem:$0x3FFC];
	_ =	sdelay $0x3  }
0x94: {  	_ =	strace s2  }
0x95: {  	s2 =	sld [smem:$0x3FFD];
	_ =	sdelay $0x3  }
0x96: {  	_ =	strace s2  }
0x97: {  	_ =	strace $0x8FFFFFFF  }
0x98: {  	s18 =	sld [smem:$0x3FDB];
	_ =	sdelay $0x1  }
0x99: {  	s19 =	simm.s32 $_scs_section_size  }
0x9a: {  	s4 =	simm.s32 $_size__tile_overlayer_lowered;
	s5 =	simm.s32 $_tile_overlayer_lowered  }
0x9b: {  	s22 =	simm.s32 $0x1BFF;
	s21 =	sshll.u32 s5, $0x1;
	s2 =	sadd.s32 s19, s18  }
0x9c: {  	s6 =	simm.s32 $0x0;
	s20 =	sshll.u32 s4, $0x1;
	s4 =	sadd.s32 s21, s2  }
0x9d: {  	[timem:s6], [sflag:s22] =	dma.local [hbm:s4], s20  }
0x9e: {  	_ =	swait.ge [sflag:s22], s20  }
0x9f: {  	s3 =	ssub.s32 $0x0, s20;
	[sflag:s22] =	ssyncset.done $0x0  }
0xa0: {  	[sflag:s22] =	ssyncadd.s32 s3;
	_ =	sdelay $0x1  }
0xa1: {  	s23 =	simm.s32 $0x1B8B  }
0xa2: {  	_ =	swait.ge [sflag:s23], $0x1  }
0xa3: {  	[sflag:s23] =	ssyncset.done $0x0  }
0xa4: {  	s25 =	simm.s32 $0x1B8E;
	s24 =	sld [smem:$0x3FFE];
	[sflag:s23] =	ssyncadd.s32 $0xFFFFFFFF  }
0xa5: {  	s26 =	simm.s32 $execute0_lowered;
	[smem:$0x3FD2] =	sst s25  }
0xa6: {  	s4 =	sshll.u32 s26, $0x1;
	_ =	strace $0x80000061;
	[dreg:$0x1] =	wrdreg $0xFFFFFFFF  }
0xa7: {  	s28 =	simm.s32 $_size_execute0_lowered;
	s2 =	sadd.s32 s2, s4;
	[dreg:$0x0] =	wrdreg $0x0  }
0xa8: {  	s4 =	sshll.u32 s28, $0x1;
	[dreg:$0x2] =	wrdreg s2  }
0xa9: {  	[dreg:$0x3] =	wrdreg s4  }
0xaa: {  	[dreg:$0x4] =	wrdreg $0xC0  }
0xab: {  	_ =	task [dreg:s6], $0x5FFFF  }
0xac: {  	[dreg:$0x1] =	wrdreg $0xFFFFFFFF  }
0xad: {  	[dreg:$0x0] =	wrdreg $0x60  }
0xae: {  	[dreg:$0x2] =	wrdreg s24  }
0xaf: {  	[dreg:$0x3] =	wrdreg $0x88000  }
0xb0: {  	[dreg:$0x4] =	wrdreg $0x9  }
0xb1: {  	_ =	task.clear_ibuf [dreg:s6], $0x5FFFF;
	_ =	strace $0x90000061  }
0xb2: {  	s29 =	simm.s32 $0x9;
	_ =	strace $0x80000063  }
0xb3: {  	_ =	swait.ge [sflag:s29], $0x1  }
0xb4: {  	[sflag:s29] =	ssyncadd.s32 $0xFFFFFFFF  }
0xb5: {  	_ =	strace $0x90000063  }
0xb6: {  	_ =	sfence  }
0xb7: {  	s30 =	sld [smem:$0x0];
	_ =	sdelay $0x2  }
0xb8: {  	s31 =	sshll.u32 s1, $0xD;
	s1 =	sshrl.u32 s1, $0x2  }
0xb9: {  	s3 =	sand.u32 $0x4000, s31;
	s1 =	sadd.s32 s1, s30  }
0xba: {  	s0 =	sor.u32 s3, s0;
	s1 =	sshll.u32 s1, $0x11  }
0xbb: {  	s0 =	sor.u32 s1, s0  }
0xbc: {  	s0 =	sadd.s32 $0x8F2B, s0  }
0xbd: {  	[sflag:s0] =	ssyncadd.remote.s32 $0x1  }
0xbe: {  	_ =	sfence.sel $0xFFFF  }
0xbf: {  	[dreg:$0x0] =	wrdreg $0xFFFFFFFF;
	(pc) =	sbr.abs _section_cstart, $3  }
0xc0: {  	[dreg:$0x1] =	wrdreg $0xFFFFFFFF  }
0xc1: {  	_ =	task.clear_ibuf [dreg:s6], $0x2FFFF;
	_ =	strace $0x9FFFFFFF  }
0xc2: {  	(tm) =	ssettm $0x7FFFFFFF  }
0xc3: {  	_ =	shalt  }
tec
execute0_lowered:
.L_overlay_start_1:
0x0: {  	(tag) =	ssettag $0x1  }
0x1: {  	s0 =	rddreg [dreg:$0x0]  }
0x2: {  	s1 =	rddreg [dreg:$0x1];
	s2 =	srdreg.scid;
	s3 =	simm.s32 $0x0  }
0x3: {  	s12 =	stileid.u32;
	s13 =	simm.s32 $0x2;
	s14 =	simm.s32 $0x400  }
0x4: {  	s15 =	simm.s32 $0x80;
	s16 =	simm.s32 $0x800;
	s17 =	simm.s32 $0x1  }
0x5: {  	s18 =	simm.s32 $0x4800;
	s19 =	simm.s32 $0x100;
	s20 =	simm.s32 $0x480  }
0x6: {  	s21 =	simm.s32 $0x180;
	s22 =	simm.s32 $0x500;
	s28 =	simm.s32 $0x600  }
0x7: {  	s29 =	simm.s32 $0x300;
	s30 =	simm.s32 $0x680;
	s6 =	smul.u32 $0x3E8, s12  }
0x8: {  	s31 =	simm.s32 $0x380;
	s2 =	sand.u32 $0x1, s2;
	s8 =	smul.u32 $0x2780, s12  }
0x9: {  	[smem:$0x7FF] =	sst s3;
	s4 =	sadd.s32 $0x14800, s0;
	s10 =	smul.u32 $0x4F000, s12  }
0xa: {  	s5 =	sadd.s32 $0x2800, s0;
	s11 =	smul.u32 $0x7D000, s12;
	s24 =	sshll.u32 s12, $0x6  }
0xb: {  	p0 =	sgt.u32 s12, $0x9;
	s7 =	smul.u32 $0x2710, s2;
	s2 =	ssub.s32 $0x2, s2  }
0xc: {  	_ =	strace $0x80000062;
	s8 =	sadd.s32 s8, s0;
	s23 =	sshrl.u32 s2, $0x1  }
0xd: {  	s10 =	sshrl.u32 s10, $0x2;
	s11 =	sshrl.u32 s11, $0x2;
	s9 =	sadd.s32 s6, s7  }
0xe: {  	s6 =	sadd.s32 $0xB800, s0;
	s2 =	ssub.s32 s2, s23;
	s10 =	sadd.s32 s10, s1  }
0xf: {  	s8 =	sadd.s32 $0x6FA00, s8;
	s11 =	sadd.s32 s11, s1;
	s23 =	simm.s32 $0x200  }
0x10: {  	v0 =	vmov s7;
	s7 =	simm.s32 $0x0;
	s9 =	sshll.u32 s9, $0x4;
	[dreg:$0x3] =	wrdreg s8  }
0x11: {  	s8 =	sor.u32 $0x1C02, s24;
	s25 =	smax.u32 s2, $0x1;
	s26 =	sshrl.u32 s10, $0x3  }
0x12: {  	s2 =	simm.s32 $0x780;
	s0 =	sadd.s32 s9, s0;
	[dreg:$0x5] =	wrdreg s25  }
0x13: {  	s9 =	smul.u32 $0x12, s12;
	[dreg:$0x6] =	wrdreg s26;
	s0 =	sadd.s32 $0x97200, s0  }
0x14: {  	s25 =	simm.s32 $0x580;
	[dreg:$0x4] =	wrdreg s0;
	s0 =	sshrl.u32 @!p0 s11, $0x3  }
0x15: {  	s26 =	simm.s32 $0x280;
	[dreg:$0x7] =	wrdreg s0;
	s0 =	simm.s32 $0x700  }
.LBB2_1:
0x16: {  	s10 =	rddreg [dreg:$0x3]  }
0x17: {  	s11 =	rddreg [dreg:$0x6]  }
0x18: {  	[spmem:s11], [sflag:s8] =	dma.local [hbm:s10], $0x2780  }
0x19: {  	_ =	swait.ge [sflag:s13], $0x2780  }
0x1a: {  	[sflag:s13] =	ssyncset.done $0x0  }
0x1b: {  	[sflag:s13] =	ssyncadd.s32 $0xFFFFD880  }
0x1c: {  	s10 =	simm.s32 $0x0;
	[bflag:$0x0] =	sbarrier.arrive $0xFFFF  }
.LBB2_2:
0x1d: {  	s11 =	sadd.s32 s9, s10  }
0x1e: {  	s11 =	sshll.u32 s11, $0x7  }
0x1f: {  	s24 =	simm.s32 $0x0;
	s12 =	sadd.s32 s5, s11  }
0x20: {  	[tilespmem:s24], [sflag:$0x2] =	stream.linear.gather [hbm4b:s12+s24], $0x400, $0x38;
	[tilespmem:$0x1C400] =	vst v63  }
0x21: {  	_ =	swait.ge [sflag:s13], $0x400  }
0x22: {  	[sflag:s13] =	ssyncset.done $0x0  }
0x23: {  	s11 =	sadd.s32 s6, s11;
	[sflag:s13] =	ssyncadd.s32 $0xFFFFFC00  }
0x24: {  	[tilespmem:s14], [sflag:$0x2] =	stream.linear.gather [hbm4b:s11+s24], $0x400, $0x38;
	[tilespmem:$0x1C400] =	vst v63  }
0x25: {  	_ =	swait.ge [sflag:s13], $0x400  }
0x26: {  	[sflag:s13] =	ssyncset.done $0x0  }
0x27: {  	s11 =	simm.s32 $0x0;
	[sflag:s13] =	ssyncadd.s32 $0xFFFFFC00  }
0x28: {  	v3 =	vld [tilespmem:s11+$0x0]  }
0x29: {  	v5 =	vld [tilespmem:s11+$0x10]  }
0x2a: {  	v4 =	vld [tilespmem:s11+$0x20]  }
0x2b: {  	v2 =	vld [tilespmem:s11+$0x30]  }
0x2c: {  	v1 =	vld [tilespmem:s11+$0x40]  }
0x2d: {  	v6 =	vadd.s32 v0, v3;
	v3 =	vld [tilespmem:s11+$0x50]  }
0x2e: {  	s12 =	simm.s32 $0x200;
	[tilespmem:s11+$0x0] =	vst v6;
	v6 =	vadd.s32 v0, v5;
	v5 =	vld [tilespmem:s11+$0x60]  }
.LBB2_3:
0x2f: {  	s24 =	sshra.s32 s12, $0x2;
	p1 =	sne.s32 s12, $0xE00;
	[tilespmem:s11+$0x10] =	vst v6;
	v4 =	vadd.s32 v0, v4;
	v6 =	vld [tilespmem:s11+$0x70]  }
0x30: {  	v7 =	vld [tilespmem:s24+$0x0];
	[tilespmem:s11+$0x20] =	vst v4;
	v2 =	vadd.s32 v0, v2  }
0x31: {  	v8 =	vld [tilespmem:s24+$0x10];
	[tilespmem:s11+$0x30] =	vst v2;
	v1 =	vadd.s32 v0, v1  }
.Ltmp0:
0x32: {  	v4 =	vld [tilespmem:s24+$0x20];
	[tilespmem:s11+$0x40] =	vst v1;
	v1 =	vadd.s32 v0, v3;
	(pc) =	sbr.rel @p1 .LBB2_3-.Ltmp0, $4  }
0x33: {  	v2 =	vld [tilespmem:s24+$0x30];
	[tilespmem:s11+$0x50] =	vst v1;
	v3 =	vadd.s32 v0, v5  }
0x34: {  	v1 =	vld [tilespmem:s24+$0x40];
	[tilespmem:s11+$0x60] =	vst v3;
	v5 =	vadd.s32 v0, v6  }
0x35: {  	v6 =	vadd.s32 v0, v7;
	v3 =	vld [tilespmem:s24+$0x50];
	[tilespmem:s11+$0x70] =	vst v5;
	s11 =	smov.u32 s24  }
0x36: {  	s12 =	sadd.s32 $0x200, s12;
	[tilespmem:s11+$0x0] =	vst v6;
	v6 =	vadd.s32 v0, v8;
	v5 =	vld [tilespmem:s11+$0x60]  }
0x37: {  	[tilespmem:s11+$0x10] =	vst v6;
	v4 =	vadd.s32 v0, v4;
	v63 =	vld [tilespmem:s11+$0x70]  }
0x38: {  	[tilespmem:s11+$0x20] =	vst v4;
	v2 =	vadd.s32 v0, v2  }
0x39: {  	[tilespmem:s11+$0x30] =	vst v2;
	v1 =	vadd.s32 v0, v1  }
0x3a: {  	[tilespmem:s11+$0x40] =	vst v1;
	v1 =	vadd.s32 v0, v3  }
0x3b: {  	[tilespmem:s11+$0x50] =	vst v1;
	v1 =	vadd.s32 v0, v5  }
0x3c: {  	[tilespmem:s11+$0x60] =	vst v1;
	v1 =	vadd.s32 v0, v63  }
0x3d: {  	[tilespmem:s11+$0x70] =	vst v1  }
0x3e: {  	[tilespmem:s16], [sflag:$0x1] =	stream.indirect.gather [hbm4b:s4+s15], $0x80, s3, s15, $0xb8;
	[tilespmem:$0x1C400] =	vst v63  }
0x3f: {  	_ =	swait.ge [sflag:s17], $0x4000  }
0x40: {  	[sflag:s17] =	ssyncset.done $0x0  }
0x41: {  	[sflag:s17] =	ssyncadd.s32 $0xFFFFC000  }
0x42: {  	[tilespmem:s18], [sflag:$0x1] =	stream.indirect.gather [hbm4b:s4+s15], $0x80, s15, s15, $0xb8;
	[tilespmem:$0x1C400] =	vst v63  }
0x43: {  	_ = 	snop  }
0x44: {  	[spmem:s1] =	stream.indirect.scatter.add.f32 [tilespmem:s16], [sflag:$0x2], $0x80, s14, s15, $0xb8;
	[tilespmem:$0x1C400] =	vst v63  }
0x45: {  	_ =	swait.ge [sflag:s13], $0x4000  }
0x46: {  	[sflag:s13] =	ssyncset.done $0x0  }
0x47: {  	[sflag:s13] =	ssyncadd.s32 $0xFFFFC000  }
0x48: {  	_ =	swait.ge [sflag:s17], $0x4000  }
0x49: {  	[sflag:s17] =	ssyncset.done $0x0  }
0x4a: {  	[sflag:s17] =	ssyncadd.s32 $0xFFFFC000  }
0x4b: {  	[tilespmem:s16], [sflag:$0x1] =	stream.indirect.gather [hbm4b:s4+s15], $0x80, s19, s15, $0xb8;
	[tilespmem:$0x1C400] =	vst v63  }
0x4c: {  	_ = 	snop  }
0x4d: {  	[spmem:s1] =	stream.indirect.scatter.add.f32 [tilespmem:s18], [sflag:$0x2], $0x80, s20, s15, $0xb8;
	[tilespmem:$0x1C400] =	vst v63  }
0x4e: {  	_ =	swait.ge [sflag:s13], $0x4000  }
0x4f: {  	[sflag:s13] =	ssyncset.done $0x0  }
0x50: {  	[sflag:s13] =	ssyncadd.s32 $0xFFFFC000  }
0x51: {  	_ =	swait.ge [sflag:s17], $0x4000  }
0x52: {  	[sflag:s17] =	ssyncset.done $0x0  }
0x53: {  	[sflag:s17] =	ssyncadd.s32 $0xFFFFC000  }
0x54: {  	[tilespmem:s18], [sflag:$0x1] =	stream.indirect.gather [hbm4b:s4+s15], $0x80, s21, s15, $0xb8;
	[tilespmem:$0x1C400] =	vst v63  }
0x55: {  	_ = 	snop  }
0x56: {  	[spmem:s1] =	stream.indirect.scatter.add.f32 [tilespmem:s16], [sflag:$0x2], $0x80, s22, s15, $0xb8;
	[tilespmem:$0x1C400] =	vst v63  }
0x57: {  	_ =	swait.ge [sflag:s13], $0x4000  }
0x58: {  	[sflag:s13] =	ssyncset.done $0x0  }
0x59: {  	[sflag:s13] =	ssyncadd.s32 $0xFFFFC000  }
0x5a: {  	_ =	swait.ge [sflag:s17], $0x4000  }
0x5b: {  	[sflag:s17] =	ssyncset.done $0x0  }
0x5c: {  	[sflag:s17] =	ssyncadd.s32 $0xFFFFC000  }
0x5d: {  	[tilespmem:s16], [sflag:$0x1] =	stream.indirect.gather [hbm4b:s4+s15], $0x80, s23, s15, $0xb8;
	[tilespmem:$0x1C400] =	vst v63  }
0x5e: {  	_ = 	snop  }
0x5f: {  	[spmem:s1] =	stream.indirect.scatter.add.f32 [tilespmem:s18], [sflag:$0x2], $0x80, s25, s15, $0xb8;
	[tilespmem:$0x1C400] =	vst v63  }
0x60: {  	_ =	swait.ge [sflag:s13], $0x4000  }
0x61: {  	[sflag:s13] =	ssyncset.done $0x0  }
0x62: {  	[sflag:s13] =	ssyncadd.s32 $0xFFFFC000  }
0x63: {  	_ =	swait.ge [sflag:s17], $0x4000  }
0x64: {  	[sflag:s17] =	ssyncset.done $0x0  }
0x65: {  	[sflag:s17] =	ssyncadd.s32 $0xFFFFC000  }
0x66: {  	[tilespmem:s18], [sflag:$0x1] =	stream.indirect.gather [hbm4b:s4+s15], $0x80, s26, s15, $0xb8;
	[tilespmem:$0x1C400] =	vst v63  }
0x67: {  	_ = 	snop  }
0x68: {  	[spmem:s1] =	stream.indirect.scatter.add.f32 [tilespmem:s16], [sflag:$0x2], $0x80, s28, s15, $0xb8;
	[tilespmem:$0x1C400] =	vst v63  }
0x69: {  	_ =	swait.ge [sflag:s13], $0x4000  }
0x6a: {  	[sflag:s13] =	ssyncset.done $0x0  }
0x6b: {  	[sflag:s13] =	ssyncadd.s32 $0xFFFFC000  }
0x6c: {  	_ =	swait.ge [sflag:s17], $0x4000  }
0x6d: {  	[sflag:s17] =	ssyncset.done $0x0  }
0x6e: {  	[sflag:s17] =	ssyncadd.s32 $0xFFFFC000  }
0x6f: {  	[tilespmem:s16], [sflag:$0x1] =	stream.indirect.gather [hbm4b:s4+s15], $0x80, s29, s15, $0xb8;
	[tilespmem:$0x1C400] =	vst v63  }
0x70: {  	_ = 	snop  }
0x71: {  	[spmem:s1] =	stream.indirect.scatter.add.f32 [tilespmem:s18], [sflag:$0x2], $0x80, s30, s15, $0xb8;
	[tilespmem:$0x1C400] =	vst v63  }
0x72: {  	_ =	swait.ge [sflag:s13], $0x4000  }
0x73: {  	[sflag:s13] =	ssyncset.done $0x0  }
0x74: {  	[sflag:s13] =	ssyncadd.s32 $0xFFFFC000  }
0x75: {  	_ =	swait.ge [sflag:s17], $0x4000  }
0x76: {  	[sflag:s17] =	ssyncset.done $0x0  }
0x77: {  	[sflag:s17] =	ssyncadd.s32 $0xFFFFC000  }
0x78: {  	[tilespmem:s18], [sflag:$0x1] =	stream.indirect.gather [hbm4b:s4+s15], $0x80, s31, s15, $0xb8;
	[tilespmem:$0x1C400] =	vst v63  }
0x79: {  	_ = 	snop  }
0x7a: {  	[spmem:s1] =	stream.indirect.scatter.add.f32 [tilespmem:s16], [sflag:$0x2], $0x80, s0, s15, $0xb8;
	[tilespmem:$0x1C400] =	vst v63  }
0x7b: {  	_ =	swait.ge [sflag:s13], $0x4000  }
0x7c: {  	[sflag:s13] =	ssyncset.done $0x0  }
0x7d: {  	[sflag:s13] =	ssyncadd.s32 $0xFFFFC000  }
0x7e: {  	s10 =	sadd.s32 $0x1, s10;
	_ =	swait.ge [sflag:s17], $0x4000  }
0x7f: {  	p1 =	sne.s32 s10, $0x12;
	[sflag:s17] =	ssyncset.done $0x0  }
.Ltmp1:
0x80: {  	[sflag:s17] =	ssyncadd.s32 $0xFFFFC000;
	(pc) =	sbr.rel @p1 .LBB2_2-.Ltmp1, $4  }
0x81: {  	[spmem:s1] =	stream.indirect.scatter.add.f32 [tilespmem:s18], [sflag:$0x2], $0x80, s2, s15, $0xb8;
	[tilespmem:$0x1C400] =	vst v63  }
0x82: {  	_ =	swait.ge [sflag:s13], $0x4000  }
0x83: {  	[sflag:s13] =	ssyncset.done $0x0  }
0x84: {  	[sflag:s13] =	ssyncadd.s32 $0xFFFFC000  }
0x85: {  	[bflag:$0x0] =	sbarrier.arrive $0xFFFF  }
0x86: {  	s10 =	rddreg [dreg:$0x4]  }
0x87: {  	s11 =	rddreg [dreg:$0x7]  }
0x88: {  	[hbm:s10], [sflag:s8] =	dma.local @!p0 [spmem:s11], $0x3E80  }
0x89: {  	s10 =	simm.s32 @!p0 $0x2  }
0x8a: {  	_ =	swait.ge @!p0 [sflag:s10], $0x3E80  }
0x8b: {  	s7 =	sadd.s32 $0x1, s7;
	s24 =	rddreg [dreg:$0x5]  }
0x8c: {  	p1 =	sne.s32 s7, s24  }
.Ltmp2:
0x8d: {  	_ = 	snop;
	(pc) =	sbr.rel @p1 .LBB2_1-.Ltmp2, $3  }
0x8e: {  	_ =	sdelay $0x1  }
0x8f: {  	[sflag:s10] =	ssyncset.done @!p0 $0x0  }
0x90: {  	[sflag:s10] =	ssyncadd.s32 @!p0 $0xFFFFC180  }
0x91: {  	_ =	sfence.sel $0x180000  }
0x92: {  	[bflag:$0x0] =	sbarrier.arrive $0xFFFF  }
0x93: {  	_ =	strace $0x90000062  }
0x94: {  	s0 =	stileid.u32;
	[bflag:$0x2] =	sbarrier.arrive $0xFFFF  }
0x95: {  	p0 =	sne.s32 s0, $0x0;
	s0 =	rddreg [dreg:$0x2]  }
0x96: {  	s0 =	sadd.s32 @!p0 $0x100000, s0  }
0x97: {  	[sflag:s0] =	ssyncadd.tile.s32 @!p0 $0x1;
	_ =	shalt  }
.Lfunc_end2:
_tile_overlayer_lowered:
.L_overlay_start_2:
0x98: {  	(tag) =	ssettag $0x2  }
0x99: {  	s0 =	rddreg [dreg:$0x0];
	s2 =	stileid.u32  }
0x9a: {  	s1 =	rddreg [dreg:$0x1];
	p0 =	sne.s32 s2, $0x0  }
0x9b: {  	s3 =	rddreg [dreg:$0x2];
	[bflag:$0x3] =	sbarrier.arrive $0xFFFF;
	s2 =	simm.s32 @!p0 $0x1C02  }
0x9c: {  	[timem:s3], [sflag:s2] =	dma.local @!p0 [hbm:s0], s1  }
0x9d: {  	s0 =	simm.s32 @!p0 $0x2  }
0x9e: {  	_ =	swait.ge @!p0 [sflag:s0], s1  }
0x9f: {  	s1 =	ssub.s32 @!p0 $0x0, s1;
	[sflag:s0] =	ssyncset.done @!p0 $0x0  }
0xa0: {  	[sflag:s0] =	ssyncadd.s32 @!p0 s1  }
0xa1: {  	[bflag:$0x3] =	sbarrier.arrive $0xFFFF  }
0xa2: {  	_ =	shalt  }

// kernel: kernel.8.cloned.1.call-start
scs
__scs_entry_jumppad:
0x0: {  	(pc) =	sbr.rel $0x88, $3  }
0x1: {  	(tag) =	ssettag $0x0;
	lr =	simm.s32 $0x1  }
0x2: {  	[smem:$0x3F99] =	sst lr;
	_ =	strace $0xD0000000  }
0x3: {  	_ = 	snop  }
0x4: {  	_ = 	snop  }
0x5: {  	_ = 	snop  }
0x6: {  	_ = 	snop  }
0x7: {  	_ = 	snop  }
__scs_overlays_trampoline_lowered:
0x8: {  	[smem:$0x3FA8] =	sst s0  }
0x9: {  	[smem:$0x3FA9] =	sst s1  }
0xa: {  	[smem:$0x3FAA] =	sst s2  }
0xb: {  	[smem:$0x3FAB] =	sst s3  }
0xc: {  	[smem:$0x3FAC] =	sst s4  }
0xd: {  	[smem:$0x3FAD] =	sst s5  }
0xe: {  	[smem:$0x3FAE] =	sst s6  }
0xf: {  	[smem:$0x3FAF] =	sst s7  }
0x10: {  	[smem:$0x3FB0] =	sst s8  }
0x11: {  	[smem:$0x3FB1] =	sst s9;
	s0 =	simm.s32 @!p0 $0x0  }
0x12: {  	s1 =	sld [smem:$0x3F97];
	s0 =	simm.s32 @p0 $0x1  }
0x13: {  	[smem:$0x3FB2] =	sst s0;
	s0 =	simm.s32 @!p1 $0x0  }
0x14: {  	s2 =	sld [smem:$0x3F96];
	s0 =	simm.s32 @p1 $0x1  }
0x15: {  	[smem:$0x3FB3] =	sst s0;
	s0 =	simm.s32 @!p2 $0x0  }
0x16: {  	s3 =	sld [smem:$0x3FDB];
	s0 =	simm.s32 @p2 $0x1  }
0x17: {  	s4 =	simm.s32 $0x1BF5;
	[smem:$0x3FB5] =	sst s0  }
0x18: {  	s0 =	sld [smem:$0x3F98];
	_ =	swait.ge [sflag:s4], $0x0  }
0x19: {  	s7 =	sld [smem:$0x3F99]  }
0x1a: {  	s8 =	sadd.s32 $0xFFFFE003, lr  }
0x1b: {  	s9 =	sadd.s32 $0xFFFFFEF7, lr;
	s5 =	simm.s32 $0xFFFFFFFF;
	p2 =	slt.u32 s8, $0xFFFFF086  }
0x1c: {  	p1 =	slt.u32 s9, $0xF7A;
	s5 =	simm.s32 @!p2 $0x0  }
0x1d: {  	s5 =	simm.s32 @p1 $0x1;
	p0 =	seq.s32 s7, s2  }
0x1e: {  	s7 =	smul.u32 @!p0 $0xF7A, s2;
	p2 =	seq.s32 @!p0 s5, $0x0  }
0x1f: {  	s9 =	smul.u32 $0xF7A, s1;
	s8 =	simm.s32 @!p0 $0x1BF5;
	p2 =	por !p2, p0  }
0x20: {  	[sflag:s8] =	ssyncset.s32 @!p0 $0xFFFFF086;
	s6 =	sadd.s32 @!p0 s3, s7;
	s7 =	simm.s32 @!p0 $0x108  }
0x21: {  	s3 =	sadd.s32 s3, s9;
	s6 =	sadd.s32 @!p0 $0x88, s6;
	s7 =	simm.s32 @p2 $0x1082  }
0x22: {  	[simem:s7], [sflag:s8] =	dma.local @!p0 [hbm:s6], $0xF7A  }
0x23: {  	s9 =	sor.u32 $0xD0000000, s2;
	s6 =	simm.s32 $0x108;
	_ =	swait.ge @!p0 [sflag:s8], $0x0  }
0x24: {  	s3 =	sadd.s32 $0x88, s3;
	s6 =	simm.s32 @!p1 $0x1082;
	[sflag:s4] =	ssyncset.s32 $0xFFFFF086  }
0x25: {  	[simem:s6], [sflag:s4] =	dma.local [hbm:s3], $0xF7A  }
0x26: {  	[smem:$0x3F99] =	sst s1;
	(tag) =	ssettag s2;
	_ =	strace s9  }
0x27: {  	s1 =	sld [smem:$0x3FA9]  }
0x28: {  	s2 =	sld [smem:$0x3FAA]  }
0x29: {  	s4 =	sld [smem:$0x3FAC]  }
0x2a: {  	p0 =	seq.s32 s5, $0x0;
	s5 =	sld [smem:$0x3FAD]  }
0x2b: {  	s6 =	sld [smem:$0x3FAE]  }
0x2c: {  	s7 =	sld [smem:$0x3FAF]  }
0x2d: {  	s3 =	simm.s32 $0x108;
	s8 =	sld [smem:$0x3FB0]  }
0x2e: {  	s3 =	simm.s32 @!p0 $0x1082;
	s9 =	sld [smem:$0x3FB1]  }
0x2f: {  	lr =	sadd.s32 s0, s3;
	s0 =	sld [smem:$0x3FA8]  }
0x30: {  	s3 =	sld [smem:$0x3FAB]  }
0x31: {  	[smem:$0x3FB4] =	sst s10  }
0x32: {  	s10 =	sld [smem:$0x3FB2];
	_ =	sdelay $0x3  }
0x33: {  	p0 =	seq.s32 s10, $0x1;
	s10 =	sld [smem:$0x3FB4];
	_ =	sdelay $0x3  }
0x34: {  	[smem:$0x3FB4] =	sst s10  }
0x35: {  	s10 =	sld [smem:$0x3FB3];
	_ =	sdelay $0x3  }
0x36: {  	p1 =	seq.s32 s10, $0x1;
	s10 =	sld [smem:$0x3FB4];
	_ =	sdelay $0x3  }
0x37: {  	[smem:$0x3FB4] =	sst s10  }
0x38: {  	s10 =	sld [smem:$0x3FB5]  }
0x39: {  	_ = 	snop;
	(pc) =	sbr.ind lr, $3  }
0x3a: {  	_ = 	snop  }
0x3b: {  	_ = 	snop  }
0x3c: {  	p2 =	seq.s32 s10, $0x1;
	s10 =	sld [smem:$0x3FB4]  }
0x3d: {  	_ =	shalt  }
0x3e: {  	_ =	shalt  }
0x3f: {  	_ =	shalt  }
0x40: {  	_ =	shalt  }
0x41: {  	_ =	shalt  }
0x42: {  	_ =	shalt  }
0x43: {  	_ =	shalt  }
0x44: {  	_ =	shalt  }
0x45: {  	_ =	shalt  }
0x46: {  	_ =	shalt  }
0x47: {  	_ =	shalt  }
0x48: {  	_ =	shalt  }
0x49: {  	_ =	shalt  }
0x4a: {  	_ =	shalt  }
0x4b: {  	_ =	shalt  }
0x4c: {  	_ =	shalt  }
0x4d: {  	_ =	shalt  }
0x4e: {  	_ =	shalt  }
0x4f: {  	_ =	shalt  }
0x50: {  	_ =	shalt  }
0x51: {  	_ =	shalt  }
0x52: {  	_ =	shalt  }
0x53: {  	_ =	shalt  }
0x54: {  	_ =	shalt  }
0x55: {  	_ =	shalt  }
0x56: {  	_ =	shalt  }
0x57: {  	_ =	shalt  }
0x58: {  	_ =	shalt  }
0x59: {  	_ =	shalt  }
0x5a: {  	_ =	shalt  }
0x5b: {  	_ =	shalt  }
0x5c: {  	_ =	shalt  }
0x5d: {  	_ =	shalt  }
0x5e: {  	_ =	shalt  }
0x5f: {  	_ =	shalt  }
0x60: {  	_ =	shalt  }
0x61: {  	_ =	shalt  }
0x62: {  	_ =	shalt  }
0x63: {  	_ =	shalt  }
0x64: {  	_ =	shalt  }
0x65: {  	_ =	shalt  }
0x66: {  	_ =	shalt  }
0x67: {  	_ =	shalt  }
0x68: {  	_ =	shalt  }
0x69: {  	_ =	shalt  }
0x6a: {  	_ =	shalt  }
0x6b: {  	_ =	shalt  }
0x6c: {  	_ =	shalt  }
0x6d: {  	_ =	shalt  }
0x6e: {  	_ =	shalt  }
0x6f: {  	_ =	shalt  }
0x70: {  	_ =	shalt  }
0x71: {  	_ =	shalt  }
0x72: {  	_ =	shalt  }
0x73: {  	_ =	shalt  }
0x74: {  	_ =	shalt  }
0x75: {  	_ =	shalt  }
0x76: {  	_ =	shalt  }
0x77: {  	_ =	shalt  }
0x78: {  	_ =	shalt  }
0x79: {  	_ =	shalt  }
0x7a: {  	_ =	shalt  }
0x7b: {  	_ =	shalt  }
0x7c: {  	_ =	shalt  }
0x7d: {  	_ =	shalt  }
0x7e: {  	_ =	shalt  }
0x7f: {  	_ =	shalt  }
0x80: {  	_ =	shalt  }
0x81: {  	_ =	shalt  }
0x82: {  	_ =	shalt  }
0x83: {  	_ =	shalt  }
0x84: {  	_ =	shalt  }
0x85: {  	_ =	shalt  }
0x86: {  	_ =	shalt  }
0x87: {  	_ =	shalt  }
.Lfunc_end0:
.L_simem_size_0:
called_computation.8_lowered:
.L_overlay_start_0:
0x88: {  	s2 =	sld [smem:$0x3FD9]  }
0x89: {  	s3 =	sld [smem:$0x3FFE];
	_ =	sdelay $0x1  }
0x8a: {  	s1 =	srdreg.scid  }
0x8b: {  	s0 =	sand.u32 $0x1, s1  }
0x8c: {  	s16 =	sshll.u32 s0, $0xA;
	s2 =	sadd.s32 s3, s2  }
0x8d: {  	s2 =	sadd.s32 s2, s16  }
0x8e: {  	[smem:$0x3FC0] =	sst s2  }
0x8f: {  	_ = 	snop  }
0x90: {  	(tm) =	ssettm $0x1  }
0x91: {  	s17 =	sld [smem:$0x3FFB];
	_ =	sdelay $0x3  }
0x92: {  	_ =	strace s17  }
0x93: {  	s2 =	sld [smem:$0x3FFC];
	_ =	sdelay $0x3  }
0x94: {  	_ =	strace s2  }
0x95: {  	s2 =	sld [smem:$0x3FFD];
	_ =	sdelay $0x3  }
0x96: {  	_ =	strace s2  }
0x97: {  	_ =	strace $0x8FFFFFFF  }
0x98: {  	s18 =	sld [smem:$0x3FDB];
	_ =	sdelay $0x1  }
0x99: {  	s19 =	simm.s32 $_scs_section_size  }
0x9a: {  	s4 =	simm.s32 $_size__tile_overlayer_lowered;
	s5 =	simm.s32 $_tile_overlayer_lowered  }
0x9b: {  	s22 =	simm.s32 $0x1BFF;
	s21 =	sshll.u32 s5, $0x1;
	s2 =	sadd.s32 s19, s18  }
0x9c: {  	s6 =	simm.s32 $0x0;
	s20 =	sshll.u32 s4, $0x1;
	s4 =	sadd.s32 s21, s2  }
0x9d: {  	[timem:s6], [sflag:s22] =	dma.local [hbm:s4], s20  }
0x9e: {  	_ =	swait.ge [sflag:s22], s20  }
0x9f: {  	s3 =	ssub.s32 $0x0, s20;
	[sflag:s22] =	ssyncset.done $0x0  }
0xa0: {  	[sflag:s22] =	ssyncadd.s32 s3;
	_ =	sdelay $0x1  }
0xa1: {  	s23 =	simm.s32 $0x1B8B  }
0xa2: {  	_ =	swait.ge [sflag:s23], $0x1  }
0xa3: {  	[sflag:s23] =	ssyncset.done $0x0  }
0xa4: {  	s25 =	simm.s32 $0x1B8E;
	s24 =	sld [smem:$0x3FFE];
	[sflag:s23] =	ssyncadd.s32 $0xFFFFFFFF  }
0xa5: {  	s26 =	simm.s32 $execute0_lowered;
	[smem:$0x3FD2] =	sst s25  }
0xa6: {  	s4 =	sshll.u32 s26, $0x1;
	_ =	strace $0x8000005B;
	[dreg:$0x1] =	wrdreg $0xFFFFFFFF  }
0xa7: {  	s28 =	simm.s32 $_size_execute0_lowered;
	s2 =	sadd.s32 s2, s4;
	[dreg:$0x0] =	wrdreg $0x0  }
0xa8: {  	s4 =	sshll.u32 s28, $0x1;
	[dreg:$0x2] =	wrdreg s2  }
0xa9: {  	[dreg:$0x3] =	wrdreg s4  }
0xaa: {  	[dreg:$0x4] =	wrdreg $0xC0  }
0xab: {  	_ =	task [dreg:s6], $0x5FFFF  }
0xac: {  	[dreg:$0x1] =	wrdreg $0xFFFFFFFF  }
0xad: {  	[dreg:$0x0] =	wrdreg $0x60  }
0xae: {  	[dreg:$0x2] =	wrdreg s24  }
0xaf: {  	[dreg:$0x3] =	wrdreg $0x88000  }
0xb0: {  	[dreg:$0x4] =	wrdreg $0x9  }
0xb1: {  	_ =	task.clear_ibuf [dreg:s6], $0x5FFFF;
	_ =	strace $0x9000005B  }
0xb2: {  	s29 =	simm.s32 $0x9;
	_ =	strace $0x8000005D  }
0xb3: {  	_ =	swait.ge [sflag:s29], $0x1  }
0xb4: {  	[sflag:s29] =	ssyncadd.s32 $0xFFFFFFFF  }
0xb5: {  	_ =	strace $0x9000005D  }
0xb6: {  	_ =	sfence  }
0xb7: {  	s30 =	sld [smem:$0x0];
	_ =	sdelay $0x2  }
0xb8: {  	s31 =	sshll.u32 s1, $0xD;
	s1 =	sshrl.u32 s1, $0x2  }
0xb9: {  	s3 =	sand.u32 $0x4000, s31;
	s1 =	sadd.s32 s1, s30  }
0xba: {  	s0 =	sor.u32 s3, s0;
	s1 =	sshll.u32 s1, $0x11  }
0xbb: {  	s0 =	sor.u32 s1, s0  }
0xbc: {  	s0 =	sadd.s32 $0x8F2B, s0  }
0xbd: {  	[sflag:s0] =	ssyncadd.remote.s32 $0x1  }
0xbe: {  	_ =	sfence.sel $0xFFFF  }
0xbf: {  	[dreg:$0x0] =	wrdreg $0xFFFFFFFF;
	(pc) =	sbr.abs _section_cstart, $3  }
0xc0: {  	[dreg:$0x1] =	wrdreg $0xFFFFFFFF  }
0xc1: {  	_ =	task.clear_ibuf [dreg:s6], $0x2FFFF;
	_ =	strace $0x9FFFFFFF  }
0xc2: {  	(tm) =	ssettm $0x7FFFFFFF  }
0xc3: {  	_ =	shalt  }
tec
execute0_lowered:
.L_overlay_start_1:
0x0: {  	(tag) =	ssettag $0x1  }
0x1: {  	s0 =	rddreg [dreg:$0x0]  }
0x2: {  	s1 =	rddreg [dreg:$0x1];
	s2 =	srdreg.scid;
	s3 =	simm.s32 $0x0  }
0x3: {  	s12 =	stileid.u32;
	s13 =	simm.s32 $0x2;
	s14 =	simm.s32 $0x400  }
0x4: {  	s15 =	simm.s32 $0x80;
	s16 =	simm.s32 $0x800;
	s17 =	simm.s32 $0x1  }
0x5: {  	s18 =	simm.s32 $0x4800;
	s19 =	simm.s32 $0x100;
	s20 =	simm.s32 $0x480  }
0x6: {  	s21 =	simm.s32 $0x180;
	s22 =	simm.s32 $0x500;
	s28 =	simm.s32 $0x600  }
0x7: {  	s29 =	simm.s32 $0x300;
	s30 =	simm.s32 $0x680;
	s6 =	smul.u32 $0x3E8, s12  }
0x8: {  	s31 =	simm.s32 $0x380;
	s2 =	sand.u32 $0x1, s2;
	s8 =	smul.u32 $0x2780, s12  }
0x9: {  	[smem:$0x7FF] =	sst s3;
	s4 =	sadd.s32 $0x21800, s0;
	s10 =	smul.u32 $0x4F000, s12  }
0xa: {  	s5 =	sadd.s32 $0x2800, s0;
	s11 =	smul.u32 $0x7D000, s12;
	s24 =	sshll.u32 s12, $0x6  }
0xb: {  	p0 =	sgt.u32 s12, $0x9;
	s7 =	smul.u32 $0x2710, s2;
	s2 =	ssub.s32 $0x2, s2  }
0xc: {  	_ =	strace $0x8000005C;
	s8 =	sadd.s32 s8, s0;
	s23 =	sshrl.u32 s2, $0x1  }
0xd: {  	s10 =	sshrl.u32 s10, $0x2;
	s11 =	sshrl.u32 s11, $0x2;
	s9 =	sadd.s32 s6, s7  }
0xe: {  	s6 =	sadd.s32 $0xB800, s0;
	s2 =	ssub.s32 s2, s23;
	s10 =	sadd.s32 s10, s1  }
0xf: {  	s8 =	sadd.s32 $0x6FA00, s8;
	s11 =	sadd.s32 s11, s1;
	s23 =	simm.s32 $0x200  }
0x10: {  	v0 =	vmov s7;
	s7 =	simm.s32 $0x0;
	s9 =	sshll.u32 s9, $0x4;
	[dreg:$0x3] =	wrdreg s8  }
0x11: {  	s8 =	sor.u32 $0x1C02, s24;
	s25 =	smax.u32 s2, $0x1;
	s26 =	sshrl.u32 s10, $0x3  }
0x12: {  	s2 =	simm.s32 $0x780;
	s0 =	sadd.s32 s9, s0;
	[dreg:$0x5] =	wrdreg s25  }
0x13: {  	s9 =	smul.u32 $0x12, s12;
	[dreg:$0x6] =	wrdreg s26;
	s0 =	sadd.s32 $0x97200, s0  }
0x14: {  	s25 =	simm.s32 $0x580;
	[dreg:$0x4] =	wrdreg s0;
	s0 =	sshrl.u32 @!p0 s11, $0x3  }
0x15: {  	s26 =	simm.s32 $0x280;
	[dreg:$0x7] =	wrdreg s0;
	s0 =	simm.s32 $0x700  }
.LBB2_1:
0x16: {  	s10 =	rddreg [dreg:$0x3]  }
0x17: {  	s11 =	rddreg [dreg:$0x6]  }
0x18: {  	[spmem:s11], [sflag:s8] =	dma.local [hbm:s10], $0x2780  }
0x19: {  	_ =	swait.ge [sflag:s13], $0x2780  }
0x1a: {  	[sflag:s13] =	ssyncset.done $0x0  }
0x1b: {  	[sflag:s13] =	ssyncadd.s32 $0xFFFFD880  }
0x1c: {  	s10 =	simm.s32 $0x0;
	[bflag:$0x0] =	sbarrier.arrive $0xFFFF  }
.LBB2_2:
0x1d: {  	s11 =	sadd.s32 s9, s10  }
0x1e: {  	s11 =	sshll.u32 s11, $0x7  }
0x1f: {  	s24 =	simm.s32 $0x0;
	s12 =	sadd.s32 s5, s11  }
0x20: {  	[tilespmem:s24], [sflag:$0x2] =	stream.linear.gather [hbm4b:s12+s24], $0x400, $0x38;
	[tilespmem:$0x1C400] =	vst v63  }
0x21: {  	_ =	swait.ge [sflag:s13], $0x400  }
0x22: {  	[sflag:s13] =	ssyncset.done $0x0  }
0x23: {  	s11 =	sadd.s32 s6, s11;
	[sflag:s13] =	ssyncadd.s32 $0xFFFFFC00  }
0x24: {  	[tilespmem:s14], [sflag:$0x2] =	stream.linear.gather [hbm4b:s11+s24], $0x400, $0x38;
	[tilespmem:$0x1C400] =	vst v63  }
0x25: {  	_ =	swait.ge [sflag:s13], $0x400  }
0x26: {  	[sflag:s13] =	ssyncset.done $0x0  }
0x27: {  	s11 =	simm.s32 $0x0;
	[sflag:s13] =	ssyncadd.s32 $0xFFFFFC00  }
0x28: {  	v3 =	vld [tilespmem:s11+$0x0]  }
0x29: {  	v5 =	vld [tilespmem:s11+$0x10]  }
0x2a: {  	v4 =	vld [tilespmem:s11+$0x20]  }
0x2b: {  	v2 =	vld [tilespmem:s11+$0x30]  }
0x2c: {  	v1 =	vld [tilespmem:s11+$0x40]  }
0x2d: {  	v6 =	vadd.s32 v0, v3;
	v3 =	vld [tilespmem:s11+$0x50]  }
0x2e: {  	s12 =	simm.s32 $0x200;
	[tilespmem:s11+$0x0] =	vst v6;
	v6 =	vadd.s32 v0, v5;
	v5 =	vld [tilespmem:s11+$0x60]  }
.LBB2_3:
0x2f: {  	s24 =	sshra.s32 s12, $0x2;
	p1 =	sne.s32 s12, $0xE00;
	[tilespmem:s11+$0x10] =	vst v6;
	v4 =	vadd.s32 v0, v4;
	v6 =	vld [tilespmem:s11+$0x70]  }
0x30: {  	v7 =	vld [tilespmem:s24+$0x0];
	[tilespmem:s11+$0x20] =	vst v4;
	v2 =	vadd.s32 v0, v2  }
0x31: {  	v8 =	vld [tilespmem:s24+$0x10];
	[tilespmem:s11+$0x30] =	vst v2;
	v1 =	vadd.s32 v0, v1  }
.Ltmp0:
0x32: {  	v4 =	vld [tilespmem:s24+$0x20];
	[tilespmem:s11+$0x40] =	vst v1;
	v1 =	vadd.s32 v0, v3;
	(pc) =	sbr.rel @p1 .LBB2_3-.Ltmp0, $4  }
0x33: {  	v2 =	vld [tilespmem:s24+$0x30];
	[tilespmem:s11+$0x50] =	vst v1;
	v3 =	vadd.s32 v0, v5  }
0x34: {  	v1 =	vld [tilespmem:s24+$0x40];
	[tilespmem:s11+$0x60] =	vst v3;
	v5 =	vadd.s32 v0, v6  }
0x35: {  	v6 =	vadd.s32 v0, v7;
	v3 =	vld [tilespmem:s24+$0x50];
	[tilespmem:s11+$0x70] =	vst v5;
	s11 =	smov.u32 s24  }
0x36: {  	s12 =	sadd.s32 $0x200, s12;
	[tilespmem:s11+$0x0] =	vst v6;
	v6 =	vadd.s32 v0, v8;
	v5 =	vld [tilespmem:s11+$0x60]  }
0x37: {  	[tilespmem:s11+$0x10] =	vst v6;
	v4 =	vadd.s32 v0, v4;
	v63 =	vld [tilespmem:s11+$0x70]  }
0x38: {  	[tilespmem:s11+$0x20] =	vst v4;
	v2 =	vadd.s32 v0, v2  }
0x39: {  	[tilespmem:s11+$0x30] =	vst v2;
	v1 =	vadd.s32 v0, v1  }
0x3a: {  	[tilespmem:s11+$0x40] =	vst v1;
	v1 =	vadd.s32 v0, v3  }
0x3b: {  	[tilespmem:s11+$0x50] =	vst v1;
	v1 =	vadd.s32 v0, v5  }
0x3c: {  	[tilespmem:s11+$0x60] =	vst v1;
	v1 =	vadd.s32 v0, v63  }
0x3d: {  	[tilespmem:s11+$0x70] =	vst v1  }
0x3e: {  	[tilespmem:s16], [sflag:$0x1] =	stream.indirect.gather [hbm4b:s4+s15], $0x80, s3, s15, $0xb8;
	[tilespmem:$0x1C400] =	vst v63  }
0x3f: {  	_ =	swait.ge [sflag:s17], $0x4000  }
0x40: {  	[sflag:s17] =	ssyncset.done $0x0  }
0x41: {  	[sflag:s17] =	ssyncadd.s32 $0xFFFFC000  }
0x42: {  	[tilespmem:s18], [sflag:$0x1] =	stream.indirect.gather [hbm4b:s4+s15], $0x80, s15, s15, $0xb8;
	[tilespmem:$0x1C400] =	vst v63  }
0x43: {  	_ = 	snop  }
0x44: {  	[spmem:s1] =	stream.indirect.scatter.add.f32 [tilespmem:s16], [sflag:$0x2], $0x80, s14, s15, $0xb8;
	[tilespmem:$0x1C400] =	vst v63  }
0x45: {  	_ =	swait.ge [sflag:s13], $0x4000  }
0x46: {  	[sflag:s13] =	ssyncset.done $0x0  }
0x47: {  	[sflag:s13] =	ssyncadd.s32 $0xFFFFC000  }
0x48: {  	_ =	swait.ge [sflag:s17], $0x4000  }
0x49: {  	[sflag:s17] =	ssyncset.done $0x0  }
0x4a: {  	[sflag:s17] =	ssyncadd.s32 $0xFFFFC000  }
0x4b: {  	[tilespmem:s16], [sflag:$0x1] =	stream.indirect.gather [hbm4b:s4+s15], $0x80, s19, s15, $0xb8;
	[tilespmem:$0x1C400] =	vst v63  }
0x4c: {  	_ = 	snop  }
0x4d: {  	[spmem:s1] =	stream.indirect.scatter.add.f32 [tilespmem:s18], [sflag:$0x2], $0x80, s20, s15, $0xb8;
	[tilespmem:$0x1C400] =	vst v63  }
0x4e: {  	_ =	swait.ge [sflag:s13], $0x4000  }
0x4f: {  	[sflag:s13] =	ssyncset.done $0x0  }
0x50: {  	[sflag:s13] =	ssyncadd.s32 $0xFFFFC000  }
0x51: {  	_ =	swait.ge [sflag:s17], $0x4000  }
0x52: {  	[sflag:s17] =	ssyncset.done $0x0  }
0x53: {  	[sflag:s17] =	ssyncadd.s32 $0xFFFFC000  }
0x54: {  	[tilespmem:s18], [sflag:$0x1] =	stream.indirect.gather [hbm4b:s4+s15], $0x80, s21, s15, $0xb8;
	[tilespmem:$0x1C400] =	vst v63  }
0x55: {  	_ = 	snop  }
0x56: {  	[spmem:s1] =	stream.indirect.scatter.add.f32 [tilespmem:s16], [sflag:$0x2], $0x80, s22, s15, $0xb8;
	[tilespmem:$0x1C400] =	vst v63  }
0x57: {  	_ =	swait.ge [sflag:s13], $0x4000  }
0x58: {  	[sflag:s13] =	ssyncset.done $0x0  }
0x59: {  	[sflag:s13] =	ssyncadd.s32 $0xFFFFC000  }
0x5a: {  	_ =	swait.ge [sflag:s17], $0x4000  }
0x5b: {  	[sflag:s17] =	ssyncset.done $0x0  }
0x5c: {  	[sflag:s17] =	ssyncadd.s32 $0xFFFFC000  }
0x5d: {  	[tilespmem:s16], [sflag:$0x1] =	stream.indirect.gather [hbm4b:s4+s15], $0x80, s23, s15, $0xb8;
	[tilespmem:$0x1C400] =	vst v63  }
0x5e: {  	_ = 	snop  }
0x5f: {  	[spmem:s1] =	stream.indirect.scatter.add.f32 [tilespmem:s18], [sflag:$0x2], $0x80, s25, s15, $0xb8;
	[tilespmem:$0x1C400] =	vst v63  }
0x60: {  	_ =	swait.ge [sflag:s13], $0x4000  }
0x61: {  	[sflag:s13] =	ssyncset.done $0x0  }
0x62: {  	[sflag:s13] =	ssyncadd.s32 $0xFFFFC000  }
0x63: {  	_ =	swait.ge [sflag:s17], $0x4000  }
0x64: {  	[sflag:s17] =	ssyncset.done $0x0  }
0x65: {  	[sflag:s17] =	ssyncadd.s32 $0xFFFFC000  }
0x66: {  	[tilespmem:s18], [sflag:$0x1] =	stream.indirect.gather [hbm4b:s4+s15], $0x80, s26, s15, $0xb8;
	[tilespmem:$0x1C400] =	vst v63  }
0x67: {  	_ = 	snop  }
0x68: {  	[spmem:s1] =	stream.indirect.scatter.add.f32 [tilespmem:s16], [sflag:$0x2], $0x80, s28, s15, $0xb8;
	[tilespmem:$0x1C400] =	vst v63  }
0x69: {  	_ =	swait.ge [sflag:s13], $0x4000  }
0x6a: {  	[sflag:s13] =	ssyncset.done $0x0  }
0x6b: {  	[sflag:s13] =	ssyncadd.s32 $0xFFFFC000  }
0x6c: {  	_ =	swait.ge [sflag:s17], $0x4000  }
0x6d: {  	[sflag:s17] =	ssyncset.done $0x0  }
0x6e: {  	[sflag:s17] =	ssyncadd.s32 $0xFFFFC000  }
0x6f: {  	[tilespmem:s16], [sflag:$0x1] =	stream.indirect.gather [hbm4b:s4+s15], $0x80, s29, s15, $0xb8;
	[tilespmem:$0x1C400] =	vst v63  }
0x70: {  	_ = 	snop  }
0x71: {  	[spmem:s1] =	stream.indirect.scatter.add.f32 [tilespmem:s18], [sflag:$0x2], $0x80, s30, s15, $0xb8;
	[tilespmem:$0x1C400] =	vst v63  }
0x72: {  	_ =	swait.ge [sflag:s13], $0x4000  }
0x73: {  	[sflag:s13] =	ssyncset.done $0x0  }
0x74: {  	[sflag:s13] =	ssyncadd.s32 $0xFFFFC000  }
0x75: {  	_ =	swait.ge [sflag:s17], $0x4000  }
0x76: {  	[sflag:s17] =	ssyncset.done $0x0  }
0x77: {  	[sflag:s17] =	ssyncadd.s32 $0xFFFFC000  }
0x78: {  	[tilespmem:s18], [sflag:$0x1] =	stream.indirect.gather [hbm4b:s4+s15], $0x80, s31, s15, $0xb8;
	[tilespmem:$0x1C400] =	vst v63  }
0x79: {  	_ = 	snop  }
0x7a: {  	[spmem:s1] =	stream.indirect.scatter.add.f32 [tilespmem:s16], [sflag:$0x2], $0x80, s0, s15, $0xb8;
	[tilespmem:$0x1C400] =	vst v63  }
0x7b: {  	_ =	swait.ge [sflag:s13], $0x4000  }
0x7c: {  	[sflag:s13] =	ssyncset.done $0x0  }
0x7d: {  	[sflag:s13] =	ssyncadd.s32 $0xFFFFC000  }
0x7e: {  	s10 =	sadd.s32 $0x1, s10;
	_ =	swait.ge [sflag:s17], $0x4000  }
0x7f: {  	p1 =	sne.s32 s10, $0x12;
	[sflag:s17] =	ssyncset.done $0x0  }
.Ltmp1:
0x80: {  	[sflag:s17] =	ssyncadd.s32 $0xFFFFC000;
	(pc) =	sbr.rel @p1 .LBB2_2-.Ltmp1, $4  }
0x81: {  	[spmem:s1] =	stream.indirect.scatter.add.f32 [tilespmem:s18], [sflag:$0x2], $0x80, s2, s15, $0xb8;
	[tilespmem:$0x1C400] =	vst v63  }
0x82: {  	_ =	swait.ge [sflag:s13], $0x4000  }
0x83: {  	[sflag:s13] =	ssyncset.done $0x0  }
0x84: {  	[sflag:s13] =	ssyncadd.s32 $0xFFFFC000  }
0x85: {  	[bflag:$0x0] =	sbarrier.arrive $0xFFFF  }
0x86: {  	s10 =	rddreg [dreg:$0x4]  }
0x87: {  	s11 =	rddreg [dreg:$0x7]  }
0x88: {  	[hbm:s10], [sflag:s8] =	dma.local @!p0 [spmem:s11], $0x3E80  }
0x89: {  	s10 =	simm.s32 @!p0 $0x2  }
0x8a: {  	_ =	swait.ge @!p0 [sflag:s10], $0x3E80  }
0x8b: {  	s7 =	sadd.s32 $0x1, s7;
	s24 =	rddreg [dreg:$0x5]  }
0x8c: {  	p1 =	sne.s32 s7, s24  }
.Ltmp2:
0x8d: {  	_ = 	snop;
	(pc) =	sbr.rel @p1 .LBB2_1-.Ltmp2, $3  }
0x8e: {  	_ =	sdelay $0x1  }
0x8f: {  	[sflag:s10] =	ssyncset.done @!p0 $0x0  }
0x90: {  	[sflag:s10] =	ssyncadd.s32 @!p0 $0xFFFFC180  }
0x91: {  	_ =	sfence.sel $0x180000  }
0x92: {  	[bflag:$0x0] =	sbarrier.arrive $0xFFFF  }
0x93: {  	_ =	strace $0x9000005C  }
0x94: {  	s0 =	stileid.u32;
	[bflag:$0x2] =	sbarrier.arrive $0xFFFF  }
0x95: {  	p0 =	sne.s32 s0, $0x0;
	s0 =	rddreg [dreg:$0x2]  }
0x96: {  	s0 =	sadd.s32 @!p0 $0x100000, s0  }
0x97: {  	[sflag:s0] =	ssyncadd.tile.s32 @!p0 $0x1;
	_ =	shalt  }
.Lfunc_end2:
_tile_overlayer_lowered:
.L_overlay_start_2:
0x98: {  	(tag) =	ssettag $0x2  }
0x99: {  	s0 =	rddreg [dreg:$0x0];
	s2 =	stileid.u32  }
0x9a: {  	s1 =	rddreg [dreg:$0x1];
	p0 =	sne.s32 s2, $0x0  }
0x9b: {  	s3 =	rddreg [dreg:$0x2];
	[bflag:$0x3] =	sbarrier.arrive $0xFFFF;
	s2 =	simm.s32 @!p0 $0x1C02  }
0x9c: {  	[timem:s3], [sflag:s2] =	dma.local @!p0 [hbm:s0], s1  }
0x9d: {  	s0 =	simm.s32 @!p0 $0x2  }
0x9e: {  	_ =	swait.ge @!p0 [sflag:s0], s1  }
0x9f: {  	s1 =	ssub.s32 @!p0 $0x0, s1;
	[sflag:s0] =	ssyncset.done @!p0 $0x0  }
0xa0: {  	[sflag:s0] =	ssyncadd.s32 @!p0 s1  }
0xa1: {  	[bflag:$0x3] =	sbarrier.arrive $0xFFFF  }
0xa2: {  	_ =	shalt  }

// kernel: scatter_offload_async_start.1
scs
__scs_entry_jumppad:
0x0: {  	(pc) =	sbr.rel $0x88, $3  }
0x1: {  	(tag) =	ssettag $0x0;
	lr =	simm.s32 $0x1  }
0x2: {  	[smem:$0x3F99] =	sst lr;
	_ =	strace $0xD0000000  }
0x3: {  	_ = 	snop  }
0x4: {  	_ = 	snop  }
0x5: {  	_ = 	snop  }
0x6: {  	_ = 	snop  }
0x7: {  	_ = 	snop  }
__scs_overlays_trampoline_lowered:
0x8: {  	[smem:$0x3FA8] =	sst s0  }
0x9: {  	[smem:$0x3FA9] =	sst s1  }
0xa: {  	[smem:$0x3FAA] =	sst s2  }
0xb: {  	[smem:$0x3FAB] =	sst s3  }
0xc: {  	[smem:$0x3FAC] =	sst s4  }
0xd: {  	[smem:$0x3FAD] =	sst s5  }
0xe: {  	[smem:$0x3FAE] =	sst s6  }
0xf: {  	[smem:$0x3FAF] =	sst s7  }
0x10: {  	[smem:$0x3FB0] =	sst s8  }
0x11: {  	[smem:$0x3FB1] =	sst s9;
	s0 =	simm.s32 @!p0 $0x0  }
0x12: {  	s1 =	sld [smem:$0x3F97];
	s0 =	simm.s32 @p0 $0x1  }
0x13: {  	[smem:$0x3FB2] =	sst s0;
	s0 =	simm.s32 @!p1 $0x0  }
0x14: {  	s2 =	sld [smem:$0x3F96];
	s0 =	simm.s32 @p1 $0x1  }
0x15: {  	[smem:$0x3FB3] =	sst s0;
	s0 =	simm.s32 @!p2 $0x0  }
0x16: {  	s3 =	sld [smem:$0x3FDB];
	s0 =	simm.s32 @p2 $0x1  }
0x17: {  	s4 =	simm.s32 $0x1BF5;
	[smem:$0x3FB5] =	sst s0  }
0x18: {  	s0 =	sld [smem:$0x3F98];
	_ =	swait.ge [sflag:s4], $0x0  }
0x19: {  	s7 =	sld [smem:$0x3F99]  }
0x1a: {  	s8 =	sadd.s32 $0xFFFFE003, lr  }
0x1b: {  	s9 =	sadd.s32 $0xFFFFFEF7, lr;
	s5 =	simm.s32 $0xFFFFFFFF;
	p2 =	slt.u32 s8, $0xFFFFF086  }
0x1c: {  	p1 =	slt.u32 s9, $0xF7A;
	s5 =	simm.s32 @!p2 $0x0  }
0x1d: {  	s5 =	simm.s32 @p1 $0x1;
	p0 =	seq.s32 s7, s2  }
0x1e: {  	s7 =	smul.u32 @!p0 $0xF7A, s2;
	p2 =	seq.s32 @!p0 s5, $0x0  }
0x1f: {  	s9 =	smul.u32 $0xF7A, s1;
	s8 =	simm.s32 @!p0 $0x1BF5;
	p2 =	por !p2, p0  }
0x20: {  	[sflag:s8] =	ssyncset.s32 @!p0 $0xFFFFF086;
	s6 =	sadd.s32 @!p0 s3, s7;
	s7 =	simm.s32 @!p0 $0x108  }
0x21: {  	s3 =	sadd.s32 s3, s9;
	s6 =	sadd.s32 @!p0 $0x88, s6;
	s7 =	simm.s32 @p2 $0x1082  }
0x22: {  	[simem:s7], [sflag:s8] =	dma.local @!p0 [hbm:s6], $0xF7A  }
0x23: {  	s9 =	sor.u32 $0xD0000000, s2;
	s6 =	simm.s32 $0x108;
	_ =	swait.ge @!p0 [sflag:s8], $0x0  }
0x24: {  	s3 =	sadd.s32 $0x88, s3;
	s6 =	simm.s32 @!p1 $0x1082;
	[sflag:s4] =	ssyncset.s32 $0xFFFFF086  }
0x25: {  	[simem:s6], [sflag:s4] =	dma.local [hbm:s3], $0xF7A  }
0x26: {  	[smem:$0x3F99] =	sst s1;
	(tag) =	ssettag s2;
	_ =	strace s9  }
0x27: {  	s1 =	sld [smem:$0x3FA9]  }
0x28: {  	s2 =	sld [smem:$0x3FAA]  }
0x29: {  	s4 =	sld [smem:$0x3FAC]  }
0x2a: {  	p0 =	seq.s32 s5, $0x0;
	s5 =	sld [smem:$0x3FAD]  }
0x2b: {  	s6 =	sld [smem:$0x3FAE]  }
0x2c: {  	s7 =	sld [smem:$0x3FAF]  }
0x2d: {  	s3 =	simm.s32 $0x108;
	s8 =	sld [smem:$0x3FB0]  }
0x2e: {  	s3 =	simm.s32 @!p0 $0x1082;
	s9 =	sld [smem:$0x3FB1]  }
0x2f: {  	lr =	sadd.s32 s0, s3;
	s0 =	sld [smem:$0x3FA8]  }
0x30: {  	s3 =	sld [smem:$0x3FAB]  }
0x31: {  	[smem:$0x3FB4] =	sst s10  }
0x32: {  	s10 =	sld [smem:$0x3FB2];
	_ =	sdelay $0x3  }
0x33: {  	p0 =	seq.s32 s10, $0x1;
	s10 =	sld [smem:$0x3FB4];
	_ =	sdelay $0x3  }
0x34: {  	[smem:$0x3FB4] =	sst s10  }
0x35: {  	s10 =	sld [smem:$0x3FB3];
	_ =	sdelay $0x3  }
0x36: {  	p1 =	seq.s32 s10, $0x1;
	s10 =	sld [smem:$0x3FB4];
	_ =	sdelay $0x3  }
0x37: {  	[smem:$0x3FB4] =	sst s10  }
0x38: {  	s10 =	sld [smem:$0x3FB5]  }
0x39: {  	_ = 	snop;
	(pc) =	sbr.ind lr, $3  }
0x3a: {  	_ = 	snop  }
0x3b: {  	_ = 	snop  }
0x3c: {  	p2 =	seq.s32 s10, $0x1;
	s10 =	sld [smem:$0x3FB4]  }
0x3d: {  	_ =	shalt  }
0x3e: {  	_ =	shalt  }
0x3f: {  	_ =	shalt  }
0x40: {  	_ =	shalt  }
0x41: {  	_ =	shalt  }
0x42: {  	_ =	shalt  }
0x43: {  	_ =	shalt  }
0x44: {  	_ =	shalt  }
0x45: {  	_ =	shalt  }
0x46: {  	_ =	shalt  }
0x47: {  	_ =	shalt  }
0x48: {  	_ =	shalt  }
0x49: {  	_ =	shalt  }
0x4a: {  	_ =	shalt  }
0x4b: {  	_ =	shalt  }
0x4c: {  	_ =	shalt  }
0x4d: {  	_ =	shalt  }
0x4e: {  	_ =	shalt  }
0x4f: {  	_ =	shalt  }
0x50: {  	_ =	shalt  }
0x51: {  	_ =	shalt  }
0x52: {  	_ =	shalt  }
0x53: {  	_ =	shalt  }
0x54: {  	_ =	shalt  }
0x55: {  	_ =	shalt  }
0x56: {  	_ =	shalt  }
0x57: {  	_ =	shalt  }
0x58: {  	_ =	shalt  }
0x59: {  	_ =	shalt  }
0x5a: {  	_ =	shalt  }
0x5b: {  	_ =	shalt  }
0x5c: {  	_ =	shalt  }
0x5d: {  	_ =	shalt  }
0x5e: {  	_ =	shalt  }
0x5f: {  	_ =	shalt  }
0x60: {  	_ =	shalt  }
0x61: {  	_ =	shalt  }
0x62: {  	_ =	shalt  }
0x63: {  	_ =	shalt  }
0x64: {  	_ =	shalt  }
0x65: {  	_ =	shalt  }
0x66: {  	_ =	shalt  }
0x67: {  	_ =	shalt  }
0x68: {  	_ =	shalt  }
0x69: {  	_ =	shalt  }
0x6a: {  	_ =	shalt  }
0x6b: {  	_ =	shalt  }
0x6c: {  	_ =	shalt  }
0x6d: {  	_ =	shalt  }
0x6e: {  	_ =	shalt  }
0x6f: {  	_ =	shalt  }
0x70: {  	_ =	shalt  }
0x71: {  	_ =	shalt  }
0x72: {  	_ =	shalt  }
0x73: {  	_ =	shalt  }
0x74: {  	_ =	shalt  }
0x75: {  	_ =	shalt  }
0x76: {  	_ =	shalt  }
0x77: {  	_ =	shalt  }
0x78: {  	_ =	shalt  }
0x79: {  	_ =	shalt  }
0x7a: {  	_ =	shalt  }
0x7b: {  	_ =	shalt  }
0x7c: {  	_ =	shalt  }
0x7d: {  	_ =	shalt  }
0x7e: {  	_ =	shalt  }
0x7f: {  	_ =	shalt  }
0x80: {  	_ =	shalt  }
0x81: {  	_ =	shalt  }
0x82: {  	_ =	shalt  }
0x83: {  	_ =	shalt  }
0x84: {  	_ =	shalt  }
0x85: {  	_ =	shalt  }
0x86: {  	_ =	shalt  }
0x87: {  	_ =	shalt  }
.Lfunc_end0:
.L_simem_size_0:
called_computation.1_lowered:
.L_overlay_start_0:
0x88: {  	s0 =	sld [smem:$0x3FD9]  }
0x89: {  	s1 =	sld [smem:$0x3FFE];
	_ =	sdelay $0x3  }
0x8a: {  	s0 =	sadd.s32 s1, s0  }
0x8b: {  	[smem:$0x3FC0] =	sst s0  }
0x8c: {  	_ = 	snop  }
0x8d: {  	s0 =	sld [smem:$0x3FD0];
	(tm) =	ssettm $0x1  }
0x8e: {  	s16 =	sld [smem:$0x3FFB];
	_ =	sdelay $0x3  }
0x8f: {  	_ =	strace s16  }
0x90: {  	s1 =	sld [smem:$0x3FFC];
	_ =	sdelay $0x3  }
0x91: {  	_ =	strace s1  }
0x92: {  	s1 =	sld [smem:$0x3FFD];
	_ =	sdelay $0x3  }
0x93: {  	_ =	strace s1  }
0x94: {  	_ =	strace $0x8FFFFFFF  }
0x95: {  	s17 =	sld [smem:$0x3FDB];
	_ =	sdelay $0x1  }
0x96: {  	s2 =	simm.s32 $_scs_section_size  }
0x97: {  	s3 =	simm.s32 $_size__tile_overlayer_lowered;
	s4 =	simm.s32 $_tile_overlayer_lowered  }
0x98: {  	s20 =	simm.s32 $0x1BFF;
	s19 =	sshll.u32 s4, $0x1;
	s1 =	sadd.s32 s2, s17  }
0x99: {  	s5 =	simm.s32 $0x0;
	s18 =	sshll.u32 s3, $0x1;
	s3 =	sadd.s32 s19, s1  }
0x9a: {  	[timem:s5], [sflag:s20] =	dma.local [hbm:s3], s18  }
0x9b: {  	_ =	swait.ge [sflag:s20], s18  }
0x9c: {  	s2 =	ssub.s32 $0x0, s18;
	[sflag:s20] =	ssyncset.done $0x0  }
0x9d: {  	[sflag:s20] =	ssyncadd.s32 s2;
	_ =	sdelay $0x1  }
0x9e: {  	s21 =	simm.s32 $0x1B8B  }
0x9f: {  	_ =	swait.ge [sflag:s21], $0x1  }
0xa0: {  	[sflag:s21] =	ssyncset.done $0x0  }
0xa1: {  	s23 =	simm.s32 $0x1B8E;
	s22 =	sld [smem:$0x3FFE];
	[sflag:s21] =	ssyncadd.s32 $0xFFFFFFFF  }
0xa2: {  	s24 =	simm.s32 $execute0_lowered;
	[smem:$0x3FD2] =	sst s23  }
0xa3: {  	s3 =	sshll.u32 s24, $0x1;
	_ =	strace $0x8000004C;
	[dreg:$0x1] =	wrdreg $0xFFFFFFFF  }
0xa4: {  	s25 =	simm.s32 $_size_execute0_lowered;
	s1 =	sadd.s32 s1, s3;
	[dreg:$0x0] =	wrdreg $0x0  }
0xa5: {  	s3 =	sshll.u32 s25, $0x1;
	[dreg:$0x2] =	wrdreg s1  }
0xa6: {  	[dreg:$0x3] =	wrdreg s3  }
0xa7: {  	[dreg:$0x4] =	wrdreg $0xC0  }
0xa8: {  	_ =	task [dreg:s5], $0x5FFFF  }
0xa9: {  	[dreg:$0x1] =	wrdreg $0xFFFFFFFF  }
0xaa: {  	[dreg:$0x0] =	wrdreg $0x60  }
0xab: {  	[dreg:$0x2] =	wrdreg s0  }
0xac: {  	[dreg:$0x3] =	wrdreg s22  }
0xad: {  	[dreg:$0x4] =	wrdreg $0x9  }
0xae: {  	_ =	task.clear_ibuf [dreg:s5], $0x5FFFF;
	_ =	strace $0x9000004C  }
0xaf: {  	s26 =	simm.s32 $0x9;
	_ =	strace $0x8000004E  }
0xb0: {  	_ =	swait.ge [sflag:s26], $0x1  }
0xb1: {  	[sflag:s26] =	ssyncadd.s32 $0xFFFFFFFF  }
0xb2: {  	_ =	strace $0x9000004E  }
0xb3: {  	_ =	sfence  }
0xb4: {  	s28 =	sld [smem:$0x0];
	_ =	sdelay $0x1  }
0xb5: {  	s29 =	srdreg.scid  }
0xb6: {  	s30 =	sshll.u32 s29, $0xD;
	s31 =	sshrl.u32 s29, $0x2  }
0xb7: {  	s2 =	sand.u32 $0x4000, s30;
	s1 =	sand.u32 $0x1, s29;
	s0 =	sadd.s32 s31, s28  }
0xb8: {  	s1 =	sor.u32 s2, s1;
	s0 =	sshll.u32 s0, $0x11  }
0xb9: {  	s0 =	sor.u32 s0, s1  }
0xba: {  	s0 =	sadd.s32 $0x8F2B, s0  }
0xbb: {  	[sflag:s0] =	ssyncadd.remote.s32 $0x1  }
0xbc: {  	_ =	sfence.sel $0xFFFF  }
0xbd: {  	[dreg:$0x0] =	wrdreg $0xFFFFFFFF;
	(pc) =	sbr.abs _section_cstart, $3  }
0xbe: {  	[dreg:$0x1] =	wrdreg $0xFFFFFFFF  }
0xbf: {  	_ =	task.clear_ibuf [dreg:s5], $0x2FFFF;
	_ =	strace $0x9FFFFFFF  }
0xc0: {  	(tm) =	ssettm $0x7FFFFFFF  }
0xc1: {  	_ =	shalt  }
tec
execute0_lowered:
.L_overlay_start_1:
0x0: {  	(tag) =	ssettag $0x1  }
0x1: {  	s1 =	rddreg [dreg:$0x0]  }
0x2: {  	s7 =	rddreg [dreg:$0x1]  }
0x3: {  	s0 =	rddreg [dreg:$0x2]  }
0x4: {  	s3 =	stileid.u32;
	_ =	strace $0x8000004D;
	s4 =	simm.s32 $0x3E  }
0x5: {  	p0 =	sne.s32 s3, $0x0;
	[sflag:s4] =	ssyncpa.u1 $0x0  }
0x6: {  	s30 =	smin.u32 s3, $0x4;
	s2 =	simm.s32 @!p0 $0x1C3E;
	s5 =	simm.s32 @!p0 $0x0  }
0x7: {  	[spmem:s5], [sflag:s2] =	dma.local @!p0 [hbm:s1], $0x200  }
0x8: {  	s2 =	sadd.s32 s3, s30  }
0x9: {  	p1 =	slt.u32 s3, $0x4;
	s3 =	simm.s32 $0x3E80;
	s2 =	smul.u32 $0x1F40, s2  }
0xa: {  	s3 =	simm.s32 @!p1 $0x1F40  }
0xb: {  	s3 =	sadd.s32 s3, s2  }
0xc: {  	s3 =	smin.u32 s3, $0x27100  }
0xd: {  	s8 =	ssub.s32 s3, s2  }
0xe: {  	p1 =	sgt.s32 s8, $0x0  }
0xf: {  	s8 =	simm.s32 @!p1 $0x0  }
0x10: {  	s5 =	simm.s32 @!p0 $0x3E;
	s31 =	smulhi.u32 $0x10624DD3, s8  }
0x11: {  	_ =	swait.ge @!p0 [sflag:s5], $0x200  }
0x12: {  	s6 =	simm.s32 $0x2;
	[sflag:s5] =	ssyncset.done @!p0 $0x0;
	s9 =	sshrl.u32 s31, $0x9  }
0x13: {  	s11 =	simm.s32 $0x0;
	[sflag:s5] =	ssyncadd.s32 @!p0 $0xFFFFFE00;
	s10 =	smul.u32 $0x1F40, s9  }
.Ltmp0:
0x14: {  	s5 =	sadd.s32 $0x17800, s7;
	[bflag:$0x0] =	sbarrier.arrive $0xFFFF;
	(pc) =	sbr.rel .LBB2_1-.Ltmp0, $4  }
0x15: {  	s7 =	sadd.s32 $0x70200, s7;
	[sflag:s4] =	ssyncpa.u1 $0x1;
	s4 =	simm.s32 $0x1  }
0x16: {  	[sflag:s4] =	ssyncpa.u1 $0x0;
	p1 =	sne.s32 s8, s10;
	s8 =	simm.s32 $0x1  }
0x17: {  	(ifvalue) =	ssetifvalue $0x1000;
	[sflag:s6] =	ssyncpa.u1 $0x0;
	s8 =	simm.s32 @!p1 $0x0  }
0x18: {  	vm0 =	vmmov $0xffff;
	s10 =	smov.u32 s2;
	s8 =	sadd.s32 s8, s9;
	s9 =	simm.s32 $0x0  }
.LBB2_5:
0x19: {  	p2 =	sne.s32 s11, s8  }
.Ltmp1:
0x1a: {  	_ = 	snop;
	(pc) =	sbr.rel @!p2 .LBB2_6-.Ltmp1, $4  }
0x1b: {  	_ = 	snop  }
0x1c: {  	s12 =	sadd.s32 $0x1F40, s10  }
0x1d: {  	s10 =	smov.u32 s2;
	s13 =	sadd.s32 $0x1, s11;
	p1 =	slt.s32 s12, s3  }
0x1e: {  	s11 =	smov.u32 s13;
	s10 =	smov.u32 @p1 s12  }
.LBB2_1:
0x1f: {  	p1 =	sge.u32 s11, s8  }
0x20: {  	s12 =	sxor.u32 @!p1 $0xFFFFFFFF, s11  }
0x21: {  	s12 =	sand.u32 @!p1 $0x1, s12  }
0x22: {  	s12 =	smul.u32 @!p1 $0x1F40, s12  }
0x23: {  	s13 =	sshrl.u32 @!p1 s10, $0x3  }
0x24: {  	s16 =	sand.u32 @!p1 $0x7, s10;
	s14 =	sadd.s32 @!p1 s5, s13;
	s15 =	sadd.s32 @!p1 $0x100, s12  }
0x25: {  	[tilespmem:s15], [sflag:$0x2] =	stream.linear.gather @!p1 [hbm4b:s14+s16], $0x1F40, $0x38;
	[tilespmem:$0x7E00] =	vst v63  }
0x26: {  	s13 =	sadd.s32 @!p1 s7, s13;
	s12 =	sadd.s32 @!p1 $0x3F80, s12  }
0x27: {  	[tilespmem:s12], [sflag:$0x2] =	stream.linear.gather @!p1 [hbm4b:s13+s16], $0x1F40, $0x38;
	[tilespmem:$0x7E00] =	vst v63  }
0x28: {  	p1 =	seq.s32 s11, $0x0  }
.Ltmp2:
0x29: {  	_ = 	snop;
	(pc) =	sbr.rel @p1 .LBB2_5-.Ltmp2, $1  }
0x2a: {  	_ =	sdelay $0x3  }
0x2b: {  	s12 =	sand.u32 $0x1, s11  }
0x2c: {  	_ =	swait.ge [sflag:s6], $0x3E80;
	p1 =	seq.s32 s12, $0x1;
	s12 =	simm.s32 $0x1F40  }
0x2d: {  	[sflag:s6] =	ssyncset.done $0x0;
	s12 =	simm.s32 @!p1 $0x0  }
0x2e: {  	[sflag:s6] =	ssyncadd.s32 $0xFFFFC180;
	s14 =	sadd.s32 $0x100, s12  }
0x2f: {  	v0 =	vld.msk [tilespmem:s14+$0x0 ss:$0x1], $0xffff;
	_ =	sdelay $0x4  }
0x30: {  	v0 =	vmin.u32 v0, $0x1000;
	_ =	sdelay $0x3  }
0x31: {  	s13 =	simm.s32 $0x0;
	s12 =	sadd.s32 $0x3F80, s12;
	s14 =	sadd.s32 $0x10, s14  }
0x32: {  	[spmem:s9] =	stream.indirect_vreg.scatter.add.s32 [tilespmem:s12], [sflag:$0x1], $0x1, v0, vm0, $0x4038;
	[tilespmem:$0x7E00] =	vst v63  }
.LBB2_3:
0x33: {  	v0 =	vld.msk [tilespmem:s14+$0x0 ss:$0x1], $0xffff;
	s13 =	sadd.s32 $0x10, s13  }
0x34: {  	p1 =	slt.u32 s13, $0x1F30;
	_ =	sdelay $0x4  }
0x35: {  	v0 =	vmin.u32 v0, $0x1000  }
.Ltmp3:
0x36: {  	(pc) =	sbr.rel @p1 .LBB2_3-.Ltmp3, $3  }
0x37: {  	_ =	sdelay $0x1  }
0x38: {  	s14 =	sadd.s32 $0x10, s14;
	s12 =	sadd.s32 $0x10, s12  }
0x39: {  	[spmem:s9] =	stream.indirect_vreg.scatter.add.s32 [tilespmem:s12], [sflag:$0x1], $0x1, v0, vm0, $0x4038;
	[tilespmem:$0x7E00] =	vst v63  }
.Ltmp4:
0x3a: {  	(pc) =	sbr.rel .LBB2_5-.Ltmp4, $4  }
0x3b: {  	_ = 	snop  }
0x3c: {  	_ =	swait.ge [sflag:s4], $0x1F40  }
0x3d: {  	[sflag:s4] =	ssyncset.done $0x0  }
0x3e: {  	[sflag:s4] =	ssyncadd.s32 $0xFFFFE0C0  }
.LBB2_6:
0x3f: {  	_ =	sfence.sel $0x180000  }
0x40: {  	s2 =	simm.s32 $0x2;
	[bflag:$0x0] =	sbarrier.arrive $0xFFFF  }
0x41: {  	s30 =	simm.s32 $0x1;
	[sflag:s2] =	ssyncpa.u1 $0x1  }
0x42: {  	[sflag:s30] =	ssyncpa.u1 $0x1  }
0x43: {  	_ =	sfence.stream.spmem  }
0x44: {  	s31 =	simm.s32 $0x3D;
	[bflag:$0x0] =	sbarrier.arrive $0xFFFF  }
0x45: {  	s2 =	simm.s32 @p0 $0x3D;
	[sflag:s31] =	ssyncpa.u1 $0x0  }
0x46: {  	[sflag:s2] =	ssyncpa.u1 @p0 $0x1  }
0x47: {  	[bflag:$0x0] =	sbarrier.arrive @p0 $0xFFFF  }
0x48: {  	_ =	strace @p0 $0x9000004D  }
0x49: {  	s3 =	simm.s32 @!p0 $0x1C3D;
	s2 =	simm.s32 @!p0 $0x0;
	[bflag:$0x2] =	sbarrier.arrive @p0 $0xFFFF  }
0x4a: {  	[hbm:s1], [sflag:s3] =	dma.local @!p0 [spmem:s2], $0x200  }
0x4b: {  	s1 =	simm.s32 @!p0 $0x3D  }
0x4c: {  	_ =	swait.ge @!p0 [sflag:s1], $0x200  }
0x4d: {  	[sflag:s1] =	ssyncset.done @!p0 $0x0  }
0x4e: {  	[sflag:s1] =	ssyncadd.s32 @!p0 $0xFFFFFE00  }
0x4f: {  	[sflag:s1] =	ssyncpa.u1 @!p0 $0x1  }
0x50: {  	[bflag:$0x0] =	sbarrier.arrive @!p0 $0xFFFF  }
0x51: {  	_ =	strace @!p0 $0x9000004D  }
0x52: {  	s0 =	sadd.s32 @!p0 $0x100000, s0;
	[bflag:$0x2] =	sbarrier.arrive @!p0 $0xFFFF  }
0x53: {  	[sflag:s0] =	ssyncadd.tile.s32 @!p0 $0x1;
	_ =	shalt  }
.Lfunc_end2:
_tile_overlayer_lowered:
.L_overlay_start_2:
0x54: {  	(tag) =	ssettag $0x2  }
0x55: {  	s0 =	rddreg [dreg:$0x0];
	s2 =	stileid.u32  }
0x56: {  	s1 =	rddreg [dreg:$0x1];
	p0 =	sne.s32 s2, $0x0  }
0x57: {  	s3 =	rddreg [dreg:$0x2];
	[bflag:$0x3] =	sbarrier.arrive $0xFFFF;
	s2 =	simm.s32 @!p0 $0x1C01  }
0x58: {  	[timem:s3], [sflag:s2] =	dma.local @!p0 [hbm:s0], s1  }
0x59: {  	s0 =	simm.s32 @!p0 $0x1  }
0x5a: {  	_ =	swait.ge @!p0 [sflag:s0], s1  }
0x5b: {  	s1 =	ssub.s32 @!p0 $0x0, s1;
	[sflag:s0] =	ssyncset.done @!p0 $0x0  }
0x5c: {  	[sflag:s0] =	ssyncadd.s32 @!p0 s1  }
0x5d: {  	[bflag:$0x3] =	sbarrier.arrive $0xFFFF  }
0x5e: {  	_ =	shalt  }

// kernel: scatter_offload_async_start
scs
__scs_entry_jumppad:
0x0: {  	(pc) =	sbr.rel $0x88, $3  }
0x1: {  	(tag) =	ssettag $0x0;
	lr =	simm.s32 $0x1  }
0x2: {  	[smem:$0x3F99] =	sst lr;
	_ =	strace $0xD0000000  }
0x3: {  	_ = 	snop  }
0x4: {  	_ = 	snop  }
0x5: {  	_ = 	snop  }
0x6: {  	_ = 	snop  }
0x7: {  	_ = 	snop  }
__scs_overlays_trampoline_lowered:
0x8: {  	[smem:$0x3FA8] =	sst s0  }
0x9: {  	[smem:$0x3FA9] =	sst s1  }
0xa: {  	[smem:$0x3FAA] =	sst s2  }
0xb: {  	[smem:$0x3FAB] =	sst s3  }
0xc: {  	[smem:$0x3FAC] =	sst s4  }
0xd: {  	[smem:$0x3FAD] =	sst s5  }
0xe: {  	[smem:$0x3FAE] =	sst s6  }
0xf: {  	[smem:$0x3FAF] =	sst s7  }
0x10: {  	[smem:$0x3FB0] =	sst s8  }
0x11: {  	[smem:$0x3FB1] =	sst s9;
	s0 =	simm.s32 @!p0 $0x0  }
0x12: {  	s1 =	sld [smem:$0x3F97];
	s0 =	simm.s32 @p0 $0x1  }
0x13: {  	[smem:$0x3FB2] =	sst s0;
	s0 =	simm.s32 @!p1 $0x0  }
0x14: {  	s2 =	sld [smem:$0x3F96];
	s0 =	simm.s32 @p1 $0x1  }
0x15: {  	[smem:$0x3FB3] =	sst s0;
	s0 =	simm.s32 @!p2 $0x0  }
0x16: {  	s3 =	sld [smem:$0x3FDB];
	s0 =	simm.s32 @p2 $0x1  }
0x17: {  	s4 =	simm.s32 $0x1BF5;
	[smem:$0x3FB5] =	sst s0  }
0x18: {  	s0 =	sld [smem:$0x3F98];
	_ =	swait.ge [sflag:s4], $0x0  }
0x19: {  	s7 =	sld [smem:$0x3F99]  }
0x1a: {  	s8 =	sadd.s32 $0xFFFFE003, lr  }
0x1b: {  	s9 =	sadd.s32 $0xFFFFFEF7, lr;
	s5 =	simm.s32 $0xFFFFFFFF;
	p2 =	slt.u32 s8, $0xFFFFF086  }
0x1c: {  	p1 =	slt.u32 s9, $0xF7A;
	s5 =	simm.s32 @!p2 $0x0  }
0x1d: {  	s5 =	simm.s32 @p1 $0x1;
	p0 =	seq.s32 s7, s2  }
0x1e: {  	s7 =	smul.u32 @!p0 $0xF7A, s2;
	p2 =	seq.s32 @!p0 s5, $0x0  }
0x1f: {  	s9 =	smul.u32 $0xF7A, s1;
	s8 =	simm.s32 @!p0 $0x1BF5;
	p2 =	por !p2, p0  }
0x20: {  	[sflag:s8] =	ssyncset.s32 @!p0 $0xFFFFF086;
	s6 =	sadd.s32 @!p0 s3, s7;
	s7 =	simm.s32 @!p0 $0x108  }
0x21: {  	s3 =	sadd.s32 s3, s9;
	s6 =	sadd.s32 @!p0 $0x88, s6;
	s7 =	simm.s32 @p2 $0x1082  }
0x22: {  	[simem:s7], [sflag:s8] =	dma.local @!p0 [hbm:s6], $0xF7A  }
0x23: {  	s9 =	sor.u32 $0xD0000000, s2;
	s6 =	simm.s32 $0x108;
	_ =	swait.ge @!p0 [sflag:s8], $0x0  }
0x24: {  	s3 =	sadd.s32 $0x88, s3;
	s6 =	simm.s32 @!p1 $0x1082;
	[sflag:s4] =	ssyncset.s32 $0xFFFFF086  }
0x25: {  	[simem:s6], [sflag:s4] =	dma.local [hbm:s3], $0xF7A  }
0x26: {  	[smem:$0x3F99] =	sst s1;
	(tag) =	ssettag s2;
	_ =	strace s9  }
0x27: {  	s1 =	sld [smem:$0x3FA9]  }
0x28: {  	s2 =	sld [smem:$0x3FAA]  }
0x29: {  	s4 =	sld [smem:$0x3FAC]  }
0x2a: {  	p0 =	seq.s32 s5, $0x0;
	s5 =	sld [smem:$0x3FAD]  }
0x2b: {  	s6 =	sld [smem:$0x3FAE]  }
0x2c: {  	s7 =	sld [smem:$0x3FAF]  }
0x2d: {  	s3 =	simm.s32 $0x108;
	s8 =	sld [smem:$0x3FB0]  }
0x2e: {  	s3 =	simm.s32 @!p0 $0x1082;
	s9 =	sld [smem:$0x3FB1]  }
0x2f: {  	lr =	sadd.s32 s0, s3;
	s0 =	sld [smem:$0x3FA8]  }
0x30: {  	s3 =	sld [smem:$0x3FAB]  }
0x31: {  	[smem:$0x3FB4] =	sst s10  }
0x32: {  	s10 =	sld [smem:$0x3FB2];
	_ =	sdelay $0x3  }
0x33: {  	p0 =	seq.s32 s10, $0x1;
	s10 =	sld [smem:$0x3FB4];
	_ =	sdelay $0x3  }
0x34: {  	[smem:$0x3FB4] =	sst s10  }
0x35: {  	s10 =	sld [smem:$0x3FB3];
	_ =	sdelay $0x3  }
0x36: {  	p1 =	seq.s32 s10, $0x1;
	s10 =	sld [smem:$0x3FB4];
	_ =	sdelay $0x3  }
0x37: {  	[smem:$0x3FB4] =	sst s10  }
0x38: {  	s10 =	sld [smem:$0x3FB5]  }
0x39: {  	_ = 	snop;
	(pc) =	sbr.ind lr, $3  }
0x3a: {  	_ = 	snop  }
0x3b: {  	_ = 	snop  }
0x3c: {  	p2 =	seq.s32 s10, $0x1;
	s10 =	sld [smem:$0x3FB4]  }
0x3d: {  	_ =	shalt  }
0x3e: {  	_ =	shalt  }
0x3f: {  	_ =	shalt  }
0x40: {  	_ =	shalt  }
0x41: {  	_ =	shalt  }
0x42: {  	_ =	shalt  }
0x43: {  	_ =	shalt  }
0x44: {  	_ =	shalt  }
0x45: {  	_ =	shalt  }
0x46: {  	_ =	shalt  }
0x47: {  	_ =	shalt  }
0x48: {  	_ =	shalt  }
0x49: {  	_ =	shalt  }
0x4a: {  	_ =	shalt  }
0x4b: {  	_ =	shalt  }
0x4c: {  	_ =	shalt  }
0x4d: {  	_ =	shalt  }
0x4e: {  	_ =	shalt  }
0x4f: {  	_ =	shalt  }
0x50: {  	_ =	shalt  }
0x51: {  	_ =	shalt  }
0x52: {  	_ =	shalt  }
0x53: {  	_ =	shalt  }
0x54: {  	_ =	shalt  }
0x55: {  	_ =	shalt  }
0x56: {  	_ =	shalt  }
0x57: {  	_ =	shalt  }
0x58: {  	_ =	shalt  }
0x59: {  	_ =	shalt  }
0x5a: {  	_ =	shalt  }
0x5b: {  	_ =	shalt  }
0x5c: {  	_ =	shalt  }
0x5d: {  	_ =	shalt  }
0x5e: {  	_ =	shalt  }
0x5f: {  	_ =	shalt  }
0x60: {  	_ =	shalt  }
0x61: {  	_ =	shalt  }
0x62: {  	_ =	shalt  }
0x63: {  	_ =	shalt  }
0x64: {  	_ =	shalt  }
0x65: {  	_ =	shalt  }
0x66: {  	_ =	shalt  }
0x67: {  	_ =	shalt  }
0x68: {  	_ =	shalt  }
0x69: {  	_ =	shalt  }
0x6a: {  	_ =	shalt  }
0x6b: {  	_ =	shalt  }
0x6c: {  	_ =	shalt  }
0x6d: {  	_ =	shalt  }
0x6e: {  	_ =	shalt  }
0x6f: {  	_ =	shalt  }
0x70: {  	_ =	shalt  }
0x71: {  	_ =	shalt  }
0x72: {  	_ =	shalt  }
0x73: {  	_ =	shalt  }
0x74: {  	_ =	shalt  }
0x75: {  	_ =	shalt  }
0x76: {  	_ =	shalt  }
0x77: {  	_ =	shalt  }
0x78: {  	_ =	shalt  }
0x79: {  	_ =	shalt  }
0x7a: {  	_ =	shalt  }
0x7b: {  	_ =	shalt  }
0x7c: {  	_ =	shalt  }
0x7d: {  	_ =	shalt  }
0x7e: {  	_ =	shalt  }
0x7f: {  	_ =	shalt  }
0x80: {  	_ =	shalt  }
0x81: {  	_ =	shalt  }
0x82: {  	_ =	shalt  }
0x83: {  	_ =	shalt  }
0x84: {  	_ =	shalt  }
0x85: {  	_ =	shalt  }
0x86: {  	_ =	shalt  }
0x87: {  	_ =	shalt  }
.Lfunc_end0:
.L_simem_size_0:
called_computation_lowered:
.L_overlay_start_0:
0x88: {  	s0 =	sld [smem:$0x3FD9]  }
0x89: {  	s1 =	sld [smem:$0x3FFE];
	_ =	sdelay $0x3  }
0x8a: {  	s0 =	sadd.s32 s1, s0  }
0x8b: {  	[smem:$0x3FC0] =	sst s0  }
0x8c: {  	_ = 	snop  }
0x8d: {  	(tm) =	ssettm $0x1  }
0x8e: {  	s15 =	sld [smem:$0x3FFB];
	_ =	sdelay $0x3  }
0x8f: {  	_ =	strace s15  }
0x90: {  	s0 =	sld [smem:$0x3FFC];
	_ =	sdelay $0x3  }
0x91: {  	_ =	strace s0  }
0x92: {  	s0 =	sld [smem:$0x3FFD];
	_ =	sdelay $0x3  }
0x93: {  	_ =	strace s0  }
0x94: {  	_ =	strace $0x8FFFFFFF  }
0x95: {  	s16 =	sld [smem:$0x3FDB];
	_ =	sdelay $0x1  }
0x96: {  	s17 =	simm.s32 $_scs_section_size  }
0x97: {  	s2 =	simm.s32 $_size__tile_overlayer_lowered;
	s3 =	simm.s32 $_tile_overlayer_lowered  }
0x98: {  	s20 =	simm.s32 $0x1BFF;
	s19 =	sshll.u32 s3, $0x1;
	s0 =	sadd.s32 s17, s16  }
0x99: {  	s4 =	simm.s32 $0x0;
	s18 =	sshll.u32 s2, $0x1;
	s2 =	sadd.s32 s19, s0  }
0x9a: {  	[timem:s4], [sflag:s20] =	dma.local [hbm:s2], s18  }
0x9b: {  	_ =	swait.ge [sflag:s20], s18  }
0x9c: {  	s1 =	ssub.s32 $0x0, s18;
	[sflag:s20] =	ssyncset.done $0x0  }
0x9d: {  	[sflag:s20] =	ssyncadd.s32 s1;
	_ =	sdelay $0x1  }
0x9e: {  	s21 =	simm.s32 $0x1B8B  }
0x9f: {  	_ =	swait.ge [sflag:s21], $0x1  }
0xa0: {  	[sflag:s21] =	ssyncset.done $0x0  }
0xa1: {  	s23 =	simm.s32 $0x1B8E;
	s22 =	sld [smem:$0x3FFE];
	[sflag:s21] =	ssyncadd.s32 $0xFFFFFFFF  }
0xa2: {  	s24 =	simm.s32 $execute0_lowered;
	[smem:$0x3FD2] =	sst s23  }
0xa3: {  	s2 =	sshll.u32 s24, $0x1;
	_ =	strace $0x80000046;
	[dreg:$0x1] =	wrdreg $0xFFFFFFFF  }
0xa4: {  	s25 =	simm.s32 $_size_execute0_lowered;
	s0 =	sadd.s32 s0, s2;
	[dreg:$0x0] =	wrdreg $0x0  }
0xa5: {  	s2 =	sshll.u32 s25, $0x1;
	[dreg:$0x2] =	wrdreg s0  }
0xa6: {  	[dreg:$0x3] =	wrdreg s2  }
0xa7: {  	[dreg:$0x4] =	wrdreg $0xC0  }
0xa8: {  	_ =	task [dreg:s4], $0x5FFFF  }
0xa9: {  	[dreg:$0x1] =	wrdreg $0xFFFFFFFF  }
0xaa: {  	[dreg:$0x0] =	wrdreg $0x60  }
0xab: {  	[dreg:$0x2] =	wrdreg s22  }
0xac: {  	[dreg:$0x3] =	wrdreg $0x9  }
0xad: {  	_ =	task.clear_ibuf [dreg:s4], $0x4FFFF;
	_ =	strace $0x90000046  }
0xae: {  	s26 =	simm.s32 $0x9;
	_ =	strace $0x80000048  }
0xaf: {  	_ =	swait.ge [sflag:s26], $0x1  }
0xb0: {  	[sflag:s26] =	ssyncadd.s32 $0xFFFFFFFF  }
0xb1: {  	_ =	strace $0x90000048  }
0xb2: {  	_ =	sfence  }
0xb3: {  	s28 =	sld [smem:$0x0];
	_ =	sdelay $0x1  }
0xb4: {  	s29 =	srdreg.scid  }
0xb5: {  	s30 =	sshll.u32 s29, $0xD;
	s31 =	sshrl.u32 s29, $0x2  }
0xb6: {  	s1 =	sand.u32 $0x1, s29;
	s2 =	sand.u32 $0x4000, s30;
	s0 =	sadd.s32 s31, s28  }
0xb7: {  	s1 =	sor.u32 s2, s1;
	s0 =	sshll.u32 s0, $0x11  }
0xb8: {  	s0 =	sor.u32 s0, s1  }
0xb9: {  	s0 =	sadd.s32 $0x8F2B, s0  }
0xba: {  	[sflag:s0] =	ssyncadd.remote.s32 $0x1  }
0xbb: {  	_ =	sfence.sel $0xFFFF  }
0xbc: {  	[dreg:$0x0] =	wrdreg $0xFFFFFFFF;
	(pc) =	sbr.abs _section_cstart, $3  }
0xbd: {  	[dreg:$0x1] =	wrdreg $0xFFFFFFFF  }
0xbe: {  	_ =	task.clear_ibuf [dreg:s4], $0x2FFFF;
	_ =	strace $0x9FFFFFFF  }
0xbf: {  	(tm) =	ssettm $0x7FFFFFFF  }
tec
execute0_lowered:
.L_overlay_start_1:
0x0: {  	(tag) =	ssettag $0x1  }
0x1: {  	s7 =	rddreg [dreg:$0x0]  }
0x2: {  	s0 =	rddreg [dreg:$0x1]  }
0x3: {  	_ =	strace $0x80000047;
	s3 =	stileid.u32;
	s4 =	simm.s32 $0x3E  }
0x4: {  	s1 =	sadd.s32 $0x6FC00, s7;
	p0 =	sne.s32 s3, $0x0;
	[sflag:s4] =	ssyncpa.u1 $0x0  }
0x5: {  	s30 =	smin.u32 s3, $0x4;
	s2 =	simm.s32 @!p0 $0x1C3E;
	s5 =	simm.s32 @!p0 $0x0  }
0x6: {  	[spmem:s5], [sflag:s2] =	dma.local @!p0 [hbm:s1], $0x500  }
0x7: {  	s2 =	sadd.s32 s3, s30  }
0x8: {  	p1 =	slt.u32 s3, $0x4;
	s3 =	simm.s32 $0x3E80;
	s2 =	smul.u32 $0x1F40, s2  }
0x9: {  	s3 =	simm.s32 @!p1 $0x1F40  }
0xa: {  	s3 =	sadd.s32 s3, s2  }
0xb: {  	s3 =	smin.u32 s3, $0x27100  }
0xc: {  	s8 =	ssub.s32 s3, s2  }
0xd: {  	p1 =	sgt.s32 s8, $0x0  }
0xe: {  	s8 =	simm.s32 @!p1 $0x0  }
0xf: {  	s5 =	simm.s32 @!p0 $0x3E;
	s31 =	smulhi.u32 $0x10624DD3, s8  }
0x10: {  	_ =	swait.ge @!p0 [sflag:s5], $0x500  }
0x11: {  	s6 =	simm.s32 $0x2;
	[sflag:s5] =	ssyncset.done @!p0 $0x0;
	s9 =	sshrl.u32 s31, $0x9  }
0x12: {  	s11 =	simm.s32 $0x0;
	[sflag:s5] =	ssyncadd.s32 @!p0 $0xFFFFFB00;
	s10 =	smul.u32 $0x1F40, s9  }
.Ltmp0:
0x13: {  	s5 =	sadd.s32 $0xD800, s7;
	[bflag:$0x0] =	sbarrier.arrive $0xFFFF;
	(pc) =	sbr.rel .LBB2_1-.Ltmp0, $4  }
0x14: {  	s7 =	sadd.s32 $0x70200, s7;
	[sflag:s4] =	ssyncpa.u1 $0x1;
	s4 =	simm.s32 $0x1  }
0x15: {  	[sflag:s4] =	ssyncpa.u1 $0x0;
	p1 =	sne.s32 s8, s10;
	s8 =	simm.s32 $0x1  }
0x16: {  	(ifvalue) =	ssetifvalue $0x2800;
	[sflag:s6] =	ssyncpa.u1 $0x0;
	s8 =	simm.s32 @!p1 $0x0  }
0x17: {  	vm0 =	vmmov $0xffff;
	s10 =	smov.u32 s2;
	s8 =	sadd.s32 s8, s9;
	s9 =	simm.s32 $0x0  }
.LBB2_5:
0x18: {  	p2 =	sne.s32 s11, s8  }
.Ltmp1:
0x19: {  	_ = 	snop;
	(pc) =	sbr.rel @!p2 .LBB2_6-.Ltmp1, $4  }
0x1a: {  	_ = 	snop  }
0x1b: {  	s12 =	sadd.s32 $0x1F40, s10  }
0x1c: {  	s10 =	smov.u32 s2;
	s13 =	sadd.s32 $0x1, s11;
	p1 =	slt.s32 s12, s3  }
0x1d: {  	s11 =	smov.u32 s13;
	s10 =	smov.u32 @p1 s12  }
.LBB2_1:
0x1e: {  	p1 =	sge.u32 s11, s8  }
0x1f: {  	s12 =	sxor.u32 @!p1 $0xFFFFFFFF, s11  }
0x20: {  	s12 =	sand.u32 @!p1 $0x1, s12  }
0x21: {  	s12 =	smul.u32 @!p1 $0x1F40, s12  }
0x22: {  	s13 =	sshrl.u32 @!p1 s10, $0x3  }
0x23: {  	s16 =	sand.u32 @!p1 $0x7, s10;
	s14 =	sadd.s32 @!p1 s5, s13;
	s15 =	sadd.s32 @!p1 $0x280, s12  }
0x24: {  	[tilespmem:s15], [sflag:$0x2] =	stream.linear.gather @!p1 [hbm4b:s14+s16], $0x1F40, $0x38;
	[tilespmem:$0x7F80] =	vst v63  }
0x25: {  	s13 =	sadd.s32 @!p1 s7, s13;
	s12 =	sadd.s32 @!p1 $0x4100, s12  }
0x26: {  	[tilespmem:s12], [sflag:$0x2] =	stream.linear.gather @!p1 [hbm4b:s13+s16], $0x1F40, $0x38;
	[tilespmem:$0x7F80] =	vst v63  }
0x27: {  	p1 =	seq.s32 s11, $0x0  }
.Ltmp2:
0x28: {  	_ = 	snop;
	(pc) =	sbr.rel @p1 .LBB2_5-.Ltmp2, $1  }
0x29: {  	_ =	sdelay $0x3  }
0x2a: {  	s12 =	sand.u32 $0x1, s11  }
0x2b: {  	_ =	swait.ge [sflag:s6], $0x3E80;
	p1 =	seq.s32 s12, $0x1;
	s12 =	simm.s32 $0x1F40  }
0x2c: {  	[sflag:s6] =	ssyncset.done $0x0;
	s12 =	simm.s32 @!p1 $0x0  }
0x2d: {  	[sflag:s6] =	ssyncadd.s32 $0xFFFFC180;
	s14 =	sadd.s32 $0x280, s12  }
0x2e: {  	v0 =	vld.msk [tilespmem:s14+$0x0 ss:$0x1], $0xffff;
	_ =	sdelay $0x4  }
0x2f: {  	v0 =	vmin.u32 v0, $0x2800;
	_ =	sdelay $0x3  }
0x30: {  	s13 =	simm.s32 $0x0;
	s12 =	sadd.s32 $0x4100, s12;
	s14 =	sadd.s32 $0x10, s14  }
0x31: {  	[spmem:s9] =	stream.indirect_vreg.scatter.add.s32 [tilespmem:s12], [sflag:$0x1], $0x1, v0, vm0, $0x4038;
	[tilespmem:$0x7F80] =	vst v63  }
.LBB2_3:
0x32: {  	v0 =	vld.msk [tilespmem:s14+$0x0 ss:$0x1], $0xffff;
	s13 =	sadd.s32 $0x10, s13  }
0x33: {  	p1 =	slt.u32 s13, $0x1F30;
	_ =	sdelay $0x4  }
0x34: {  	v0 =	vmin.u32 v0, $0x2800  }
.Ltmp3:
0x35: {  	(pc) =	sbr.rel @p1 .LBB2_3-.Ltmp3, $3  }
0x36: {  	_ =	sdelay $0x1  }
0x37: {  	s14 =	sadd.s32 $0x10, s14;
	s12 =	sadd.s32 $0x10, s12  }
0x38: {  	[spmem:s9] =	stream.indirect_vreg.scatter.add.s32 [tilespmem:s12], [sflag:$0x1], $0x1, v0, vm0, $0x4038;
	[tilespmem:$0x7F80] =	vst v63  }
.Ltmp4:
0x39: {  	(pc) =	sbr.rel .LBB2_5-.Ltmp4, $4  }
0x3a: {  	_ = 	snop  }
0x3b: {  	_ =	swait.ge [sflag:s4], $0x1F40  }
0x3c: {  	[sflag:s4] =	ssyncset.done $0x0  }
0x3d: {  	[sflag:s4] =	ssyncadd.s32 $0xFFFFE0C0  }
.LBB2_6:
0x3e: {  	_ =	sfence.sel $0x180000  }
0x3f: {  	s2 =	simm.s32 $0x2;
	[bflag:$0x0] =	sbarrier.arrive $0xFFFF  }
0x40: {  	s30 =	simm.s32 $0x1;
	[sflag:s2] =	ssyncpa.u1 $0x1  }
0x41: {  	[sflag:s30] =	ssyncpa.u1 $0x1  }
0x42: {  	_ =	sfence.stream.spmem  }
0x43: {  	s31 =	simm.s32 $0x3D;
	[bflag:$0x0] =	sbarrier.arrive $0xFFFF  }
0x44: {  	s2 =	simm.s32 @p0 $0x3D;
	[sflag:s31] =	ssyncpa.u1 $0x0  }
0x45: {  	[sflag:s2] =	ssyncpa.u1 @p0 $0x1  }
0x46: {  	[bflag:$0x0] =	sbarrier.arrive @p0 $0xFFFF  }
0x47: {  	_ =	strace @p0 $0x90000047  }
0x48: {  	s3 =	simm.s32 @!p0 $0x1C3D;
	s2 =	simm.s32 @!p0 $0x0;
	[bflag:$0x2] =	sbarrier.arrive @p0 $0xFFFF  }
0x49: {  	[hbm:s1], [sflag:s3] =	dma.local @!p0 [spmem:s2], $0x500  }
0x4a: {  	s1 =	simm.s32 @!p0 $0x3D  }
0x4b: {  	_ =	swait.ge @!p0 [sflag:s1], $0x500  }
0x4c: {  	[sflag:s1] =	ssyncset.done @!p0 $0x0  }
0x4d: {  	[sflag:s1] =	ssyncadd.s32 @!p0 $0xFFFFFB00  }
0x4e: {  	[sflag:s1] =	ssyncpa.u1 @!p0 $0x1  }
0x4f: {  	[bflag:$0x0] =	sbarrier.arrive @!p0 $0xFFFF  }
0x50: {  	_ =	strace @!p0 $0x90000047  }
0x51: {  	s0 =	sadd.s32 @!p0 $0x100000, s0;
	[bflag:$0x2] =	sbarrier.arrive @!p0 $0xFFFF  }
0x52: {  	[sflag:s0] =	ssyncadd.tile.s32 @!p0 $0x1;
	_ =	shalt  }
.Lfunc_end2:
_tile_overlayer_lowered:
.L_overlay_start_2:
0x53: {  	(tag) =	ssettag $0x2  }
0x54: {  	s0 =	rddreg [dreg:$0x0];
	s2 =	stileid.u32  }
0x55: {  	s1 =	rddreg [dreg:$0x1];
	p0 =	sne.s32 s2, $0x0  }
0x56: {  	s3 =	rddreg [dreg:$0x2];
	[bflag:$0x3] =	sbarrier.arrive $0xFFFF;
	s2 =	simm.s32 @!p0 $0x1C01  }
0x57: {  	[timem:s3], [sflag:s2] =	dma.local @!p0 [hbm:s0], s1  }
0x58: {  	s0 =	simm.s32 @!p0 $0x1  }
0x59: {  	_ =	swait.ge @!p0 [sflag:s0], s1  }
0x5a: {  	s1 =	ssub.s32 @!p0 $0x0, s1;
	[sflag:s0] =	ssyncset.done @!p0 $0x0  }
0x5b: {  	[sflag:s0] =	ssyncadd.s32 @!p0 s1  }
0x5c: {  	[bflag:$0x3] =	sbarrier.arrive $0xFFFF  }
0x5d: {  	_ =	shalt  }

</sc_bundles>
